<compile_context>
chip_gen: v7x
topology: tpu7x:2x2x1
jax: 0.10.2.dev20260603
libtpu: 0.0.44.dev20260713+nightly
codegen_flags: <defaults>
</compile_context>

<pallas_src>
import functools

import jax
import jax.numpy as jnp
from jax import lax
from jax.experimental import pallas as pl
from jax.experimental.pallas import tpu as pltpu
from jax.experimental.pallas import tpu_sc as plsc

N_NODES_ = 10000
N_EDGES_ = 320000
NC = 2
NS = 16
NW = NC * NS
BLK = 80
NBLK = 125
EPW = NBLK * BLK
NBUF = 5
NGRP = NBLK // NBUF
DEG_CHUNK = 624

_MESH = plsc.VectorSubcoreMesh(
    core_axis_name="c", subcore_axis_name="s", num_cores=NC, num_subcores=NS)


@functools.partial(
    pl.kernel,
    out_type=jax.ShapeDtypeStruct((NC * N_NODES_,), jnp.float32),
    mesh=_MESH,
    scratch_types=[
        pltpu.VMEM((NBLK, BLK), jnp.int32),
        pltpu.VMEM((BLK,), jnp.float32),
        pltpu.VMEM((DEG_CHUNK + 16,), jnp.float32),
        pltpu.VMEM_SHARED((N_NODES_,), jnp.float32),
        pltpu.SemaphoreType.DMA,
    ],
    compiler_params=pltpu.CompilerParams(use_tc_tiling_on_sc=False),
)
def _deg_kernel(ei_hbm, out_hbm, dst_v, ones_v, zero_v, acc, sem):
    cid = lax.axis_index("c")
    sid = lax.axis_index("s")
    wid = sid * NC + cid

    one16 = jnp.full((16,), 1.0, jnp.float32)
    zero16 = jnp.zeros((16,), jnp.float32)
    for i in range(BLK // 16):
        ones_v[pl.ds(i * 16, 16)] = one16
    for i in range((DEG_CHUNK + 16) // 16):
        zero_v[pl.ds(i * 16, 16)] = zero16

    pltpu.sync_copy(ei_hbm.at[1, pl.ds(wid * NBLK, NBLK)], dst_v)

    pltpu.sync_copy(zero_v.at[pl.ds(0, DEG_CHUNK)],
                    acc.at[pl.ds(sid * DEG_CHUNK, DEG_CHUNK)])

    @pl.when(sid == NS - 1)
    def _():
        pltpu.sync_copy(zero_v.at[pl.ds(DEG_CHUNK, 16)],
                        acc.at[pl.ds(NS * DEG_CHUNK, 16)])

    plsc.subcore_barrier()

    def body(i, carry):
        pltpu.async_copy(ones_v, acc.at[dst_v.at[i]], sem, add=True)
        return carry

    lax.fori_loop(0, NBLK, body, 0)

    def drain(i, carry):
        pltpu.make_async_copy(out_hbm.at[pl.ds(0, BLK)], ones_v, sem).wait()
        return carry

    lax.fori_loop(0, NBLK, drain, 0)
    plsc.subcore_barrier()

    obase = cid * N_NODES_
    pltpu.sync_copy(acc.at[pl.ds(sid * DEG_CHUNK, DEG_CHUNK)],
                    zero_v.at[pl.ds(0, DEG_CHUNK)])
    pltpu.sync_copy(zero_v.at[pl.ds(0, DEG_CHUNK)],
                    out_hbm.at[pl.ds(obase + sid * DEG_CHUNK, DEG_CHUNK)])

    @pl.when(sid == NS - 1)
    def _():
        pltpu.sync_copy(acc.at[pl.ds(NS * DEG_CHUNK, 16)],
                        zero_v.at[pl.ds(DEG_CHUNK, 16)])
        pltpu.sync_copy(zero_v.at[pl.ds(DEG_CHUNK, 16)],
                        out_hbm.at[pl.ds(obase + NS * DEG_CHUNK, 16)])


def _make_scatter(F):
    @functools.partial(
        pl.kernel,
        out_type=jax.ShapeDtypeStruct((N_NODES_, 128), jnp.float32),
        mesh=_MESH,
        scratch_types=[
            pltpu.VMEM((NBLK, BLK), jnp.int32),
            pltpu.VMEM((NBLK, BLK), jnp.int32),
            pltpu.VMEM((NBUF, BLK, F), jnp.float32),
            pltpu.VMEM((DEG_CHUNK + 16, F), jnp.float32),
            pltpu.VMEM_SHARED((N_NODES_, F), jnp.float32),
            pltpu.SemaphoreType.DMA((NBUF,)),
            pltpu.SemaphoreType.DMA((NBUF,)),
        ],
        compiler_params=pltpu.CompilerParams(use_tc_tiling_on_sc=False),
    )
    def _scatter_kernel(y_hbm, ei_hbm, out_hbm,
                        src_v, dst_v, rows_v, stage_v, acc, gsem, ssem):
        cid = lax.axis_index("c")
        sid = lax.axis_index("s")
        wid = sid * NC + cid

        pltpu.sync_copy(ei_hbm.at[0, pl.ds(wid * NBLK, NBLK)], src_v)
        pltpu.sync_copy(ei_hbm.at[1, pl.ds(wid * NBLK, NBLK)], dst_v)

        for b in range(NBUF):
            pltpu.async_copy(y_hbm.at[src_v.at[b]], rows_v.at[b], gsem.at[b])

        r0 = sid * DEG_CHUNK
        pltpu.sync_copy(y_hbm.at[pl.ds(r0, DEG_CHUNK)],
                        stage_v.at[pl.ds(0, DEG_CHUNK)])
        pltpu.sync_copy(stage_v.at[pl.ds(0, DEG_CHUNK)],
                        acc.at[pl.ds(r0, DEG_CHUNK)])

        @pl.when(sid == NS - 1)
        def _():
            pltpu.sync_copy(y_hbm.at[pl.ds(NS * DEG_CHUNK, 16)],
                            stage_v.at[pl.ds(DEG_CHUNK, 16)])
            pltpu.sync_copy(stage_v.at[pl.ds(DEG_CHUNK, 16)],
                            acc.at[pl.ds(NS * DEG_CHUNK, 16)])

        plsc.subcore_barrier()

        def outer(g, carry):
            for b in range(NBUF):
                pltpu.make_async_copy(y_hbm.at[pl.ds(0, BLK)],
                                      rows_v.at[b], gsem.at[b]).wait()
                pltpu.async_copy(rows_v.at[b], acc.at[dst_v.at[g * NBUF + b]],
                                 ssem.at[b], add=True)
            for b in range(NBUF):
                pltpu.make_async_copy(y_hbm.at[pl.ds(0, BLK)],
                                      rows_v.at[b], ssem.at[b]).wait()

                @pl.when(g + 1 < NGRP)
                def _():
                    pltpu.async_copy(y_hbm.at[src_v.at[(g + 1) * NBUF + b]],
                                     rows_v.at[b], gsem.at[b])

            return carry

        lax.fori_loop(0, NGRP, outer, 0)
        plsc.subcore_barrier()

        col0 = cid * F
        pltpu.sync_copy(acc.at[pl.ds(r0, DEG_CHUNK)],
                        stage_v.at[pl.ds(0, DEG_CHUNK)])
        pltpu.sync_copy(stage_v.at[pl.ds(0, DEG_CHUNK)],
                        out_hbm.at[pl.ds(r0, DEG_CHUNK), pl.ds(col0, F)])

        @pl.when(sid == NS - 1)
        def _():
            pltpu.sync_copy(acc.at[pl.ds(NS * DEG_CHUNK, 16)],
                            stage_v.at[pl.ds(DEG_CHUNK, 16)])
            pltpu.sync_copy(stage_v.at[pl.ds(DEG_CHUNK, 16)],
                            out_hbm.at[pl.ds(NS * DEG_CHUNK, 16),
                                       pl.ds(col0, F)])

    return _scatter_kernel


_scatter_by_f = {F: _make_scatter(F) for F in (64, 32, 16)}


G_TC = 2
RB = N_NODES_ // G_TC


def _k1_body(x_ref, w_ref, degp_ref, y_ref, dis_ref):
    deg = degp_ref[:, 0:1] + degp_ref[:, 1:2] + 1.0
    dis = lax.rsqrt(deg)
    h = jnp.dot(x_ref[...], w_ref[...],
                preferred_element_type=jnp.float32,
                precision=lax.Precision.DEFAULT)
    y_ref[...] = h * dis
    dis_ref[...] = dis


def _k1(x, w1, degpT):
    fo = w1.shape[1]
    return pl.pallas_call(
        _k1_body,
        grid=(G_TC,),
        in_specs=[
            pl.BlockSpec((RB, x.shape[1]), lambda i: (i, 0)),
            pl.BlockSpec(w1.shape, lambda i: (0, 0)),
            pl.BlockSpec((RB, 2), lambda i: (i, 0)),
        ],
        out_specs=[
            pl.BlockSpec((RB, fo), lambda i: (i, 0)),
            pl.BlockSpec((RB, 1), lambda i: (i, 0)),
        ],
        out_shape=[
            jax.ShapeDtypeStruct((N_NODES_, fo), jnp.float32),
            jax.ShapeDtypeStruct((N_NODES_, 1), jnp.float32),
        ],
    )(x, w1, degpT)


def _mid_body(fi, p_ref, y_ref, dis_ref, b_ref, w_ref, out_ref):
    dis = dis_ref[...]
    z = p_ref[:, :fi] + p_ref[:, fi:2 * fi] - y_ref[...]
    h = jnp.maximum(z * dis + b_ref[...], 0.0)
    out_ref[...] = jnp.dot(h, w_ref[...],
                           preferred_element_type=jnp.float32,
                           precision=lax.Precision.DEFAULT) * dis


def _k_mid(p, y, dis, b, w):
    fi, fo = w.shape
    return pl.pallas_call(
        functools.partial(_mid_body, fi),
        grid=(G_TC,),
        in_specs=[
            pl.BlockSpec((RB, 128), lambda i: (i, 0)),
            pl.BlockSpec((RB, fi), lambda i: (i, 0)),
            pl.BlockSpec((RB, 1), lambda i: (i, 0)),
            pl.BlockSpec((1, fi), lambda i: (0, 0)),
            pl.BlockSpec((fi, fo), lambda i: (0, 0)),
        ],
        out_specs=pl.BlockSpec((RB, fo), lambda i: (i, 0)),
        out_shape=jax.ShapeDtypeStruct((N_NODES_, fo), jnp.float32),
    )(p, y, dis, b, w)


def _final_body(fi, p_ref, y_ref, dis_ref, b_ref, wfc_ref, bfc_ref, out_ref):
    dis = dis_ref[...]
    z = p_ref[:, :fi] + p_ref[:, fi:2 * fi] - y_ref[...]
    h = jnp.maximum(z * dis + b_ref[...], 0.0)
    out_ref[...] = jnp.dot(h, wfc_ref[...],
                           preferred_element_type=jnp.float32,
                           precision=lax.Precision.DEFAULT) + bfc_ref[...]


def _k_final(p, y, dis, b, wfc, bfc):
    fi = wfc.shape[0]
    return pl.pallas_call(
        functools.partial(_final_body, fi),
        grid=(G_TC,),
        in_specs=[
            pl.BlockSpec((RB, 128), lambda i: (i, 0)),
            pl.BlockSpec((RB, fi), lambda i: (i, 0)),
            pl.BlockSpec((RB, 1), lambda i: (i, 0)),
            pl.BlockSpec((1, fi), lambda i: (0, 0)),
            pl.BlockSpec((fi, 1), lambda i: (0, 0)),
            pl.BlockSpec((1, 1), lambda i: (0, 0)),
        ],
        out_specs=pl.BlockSpec((RB, 1), lambda i: (i, 0)),
        out_shape=jax.ShapeDtypeStruct((N_NODES_, 1), jnp.float32),
    )(p, y, dis, b, wfc, bfc)


def kernel(x, edge_index, W1, b1, W2, b2, W3, b3, Wfc, bfc):
    ei = edge_index.reshape(2, NW * NBLK, BLK)

    degp = _deg_kernel(ei).reshape(NC, N_NODES_)
    degpT = degp.T

    y1, dis = _k1(x, W1, degpT)
    p1 = _scatter_by_f[64](y1, ei)
    y2 = _k_mid(p1, y1, dis, b1.reshape(1, -1), W2)
    p2 = _scatter_by_f[32](y2, ei)
    y3 = _k_mid(p2, y2, dis, b2.reshape(1, -1), W3)
    p3 = _scatter_by_f[16](y3, ei)
    out = _k_final(p3, y3, dis, b3.reshape(1, -1), Wfc,
                   bfc.reshape(1, 1))
    return out

# --- scband reference (transcript-rebuilt; emitter-appended) ---
"""Pipeline reference for scband-gcnmodel-21517786153277 (READ-ONLY COPY).

The authoritative reference and input builder live on the scoring server;
editing this copy changes nothing except your own understanding.
"""

import jax, jax.numpy as jnp
import numpy as np

N_NODES = 10000
N_EDGES = 320000


def _glorot(key, shape):
    fan_in, fan_out = shape[0], shape[1]
    lim = jnp.sqrt(6.0 / (fan_in + fan_out))
    return jax.random.uniform(key, shape, jnp.float32, -lim, lim)


def setup_inputs(seed: int = 0) -> dict:
    key = jax.random.key(seed)
    ks = jax.random.split(key, 8)
    x = jax.random.normal(ks[0], (N_NODES, 128), dtype=jnp.float32)
    edge_index = jax.random.randint(ks[1], (2, N_EDGES), 0, N_NODES, dtype=jnp.int64 if jax.config.jax_enable_x64 else jnp.int32).astype(jnp.int32)
    W1 = _glorot(ks[2], (128, 64)); b1 = jnp.zeros((64,), jnp.float32)
    W2 = _glorot(ks[3], (64, 32)); b2 = jnp.zeros((32,), jnp.float32)
    W3 = _glorot(ks[4], (32, 16)); b3 = jnp.zeros((16,), jnp.float32)
    Wfc = _glorot(ks[5], (16, 1)); bfc = jnp.zeros((1,), jnp.float32)
    return {"x": x, "edge_index": edge_index, "W1": W1, "b1": b1, "W2": W2, "b2": b2, "W3": W3, "b3": b3, "Wfc": Wfc, "bfc": bfc}


def _gcn_conv(x, src, dst, W, b):
    # PyG GCNConv: add self-loops, symmetric normalization D^-1/2 A D^-1/2, then scatter-add
    N = x.shape[0]
    deg = jnp.zeros((N,), jnp.float32).at[dst].add(1.0)
    deg_inv_sqrt = jnp.where(deg > 0, jax.lax.rsqrt(deg), 0.0)
    norm = deg_inv_sqrt[src] * deg_inv_sqrt[dst]
    h = x @ W
    msg = h[src] * norm[:, None]
    out = jax.ops.segment_sum(msg, dst, num_segments=N)
    return out + b


def reference(x, edge_index, W1, b1, W2, b2, W3, b3, Wfc, bfc):
    N = x.shape[0]
    loop = jnp.arange(N, dtype=edge_index.dtype)
    src = jnp.concatenate([edge_index[0], loop])
    dst = jnp.concatenate([edge_index[1], loop])
    h = _gcn_conv(x, src, dst, W1, b1)
    h = jax.nn.relu(h)
    # dropout p=0.2 is identity in eval mode (training=False)
    h = _gcn_conv(h, src, dst, W2, b2)
    h = jax.nn.relu(h)
    h = _gcn_conv(h, src, dst, W3, b3)
    h = jax.nn.relu(h)
    out = h @ Wfc + bfc
    return out

if __name__ == "__main__":
    import jax
    _d = setup_inputs()
    print(jax.jit(kernel)(*tuple(_d.values())))

</pallas_src>

<mosaic_0001>
#map = affine_map<(d0, d1) -> (0, 0)>
#map1 = affine_map<(d0, d1) -> (0, 0, 0)>
module attributes {stable_mosaic.version = 14 : i64} {
  func.func @_scatter_kernel(%arg0: i32, %arg1: i32, %arg2: memref<10000x64xf32, #tpu.memory_space<hbm>>, %arg3: memref<2x4000x80xi32, #tpu.memory_space<hbm>>, %arg4: memref<10000x128xf32, #tpu.memory_space<hbm>>, %arg5: memref<125x80xi32, #tpu.memory_space<vmem>>, %arg6: memref<125x80xi32, #tpu.memory_space<vmem>>, %arg7: memref<5x80x64xf32, #tpu.memory_space<vmem>>, %arg8: memref<640x64xf32, #tpu.memory_space<vmem>>, %arg9: memref<10000x64xf32, #tpu.memory_space<vmem_shared>>, %arg10: memref<5x!tpu.dma_semaphore, #tpu.memory_space<semaphore_mem>>, %arg11: memref<5x!tpu.dma_semaphore, #tpu.memory_space<semaphore_mem>>) attributes {dimension_semantics = [#tpu.dimension_semantics<core_parallel>, #tpu.dimension_semantics<subcore_parallel>], iteration_bounds = array<i64: 2, 16>, scalar_prefetch = 0 : i64, scratch_operands = 7 : i64, tpu.core_type = #tpu.core_type<sc_vector_subcore>, window_params = [{transform_indices = #map}, {transform_indices = #map1}, {transform_indices = #map}]} {
    %mul3A = arith.constant 2 : i32
    %mul3A_0 = arith.muli %arg1, %mul3A : i32
    %add3A = arith.addi %mul3A_0, %arg0 : i32
    %mul3A_1 = arith.constant 125 : i32
    %mul3A_2 = arith.muli %add3A, %mul3A_1 : i32
    %run_scoped3A = arith.constant 0 : i32
    "tpu.region"() ({
      %run_scoped3A_97 = tpu.sem_alloc : memref<!tpu.dma_semaphore, #tpu.memory_space<semaphore_mem>>
      %dma_start3A_98 = arith.constant 0 : i32
      %dma_start3A_99 = tpu.memref_slice %arg3[%run_scoped3A, %mul3A_2, %dma_start3A_98] : memref<2x4000x80xi32, #tpu.memory_space<hbm>> -> memref<1x125x80xi32, #tpu.memory_space<hbm>>
      %dma_start3A_100 = tpu.memref_squeeze %dma_start3A_99 : memref<1x125x80xi32, #tpu.memory_space<hbm>> -> memref<125x80xi32, #tpu.memory_space<hbm>>
      %dma_start3A_101 = arith.constant 0 : i32
      %dma_start3A_102 = tpu.memref_slice %arg3[%run_scoped3A, %mul3A_2, %dma_start3A_101] : memref<2x4000x80xi32, #tpu.memory_space<hbm>> -> memref<1x125x80xi32, #tpu.memory_space<hbm>>
      %dma_start3A_103 = tpu.memref_squeeze %dma_start3A_102 : memref<1x125x80xi32, #tpu.memory_space<hbm>> -> memref<125x80xi32, #tpu.memory_space<hbm>>
      tpu.enqueue_dma source(%dma_start3A_103 : memref<125x80xi32, #tpu.memory_space<hbm>>) target(%arg5 : memref<125x80xi32, #tpu.memory_space<vmem>>) target_semaphore(%run_scoped3A_97 : memref<!tpu.dma_semaphore, #tpu.memory_space<semaphore_mem>>)
      %dma_wait3A = arith.constant 0 : i32
      %dma_wait3A_104 = tpu.memref_slice %arg3[%run_scoped3A, %mul3A_2, %dma_wait3A] : memref<2x4000x80xi32, #tpu.memory_space<hbm>> -> memref<1x125x80xi32, #tpu.memory_space<hbm>>
      %dma_wait3A_105 = tpu.memref_squeeze %dma_wait3A_104 : memref<1x125x80xi32, #tpu.memory_space<hbm>> -> memref<125x80xi32, #tpu.memory_space<hbm>>
      %dma_wait3A_106 = arith.constant 0 : i32
      %dma_wait3A_107 = tpu.memref_slice %arg3[%run_scoped3A, %mul3A_2, %dma_wait3A_106] : memref<2x4000x80xi32, #tpu.memory_space<hbm>> -> memref<1x125x80xi32, #tpu.memory_space<hbm>>
      %dma_wait3A_108 = tpu.memref_squeeze %dma_wait3A_107 : memref<1x125x80xi32, #tpu.memory_space<hbm>> -> memref<125x80xi32, #tpu.memory_space<hbm>>
      tpu.wait_dma2 semaphore(%run_scoped3A_97 : memref<!tpu.dma_semaphore, #tpu.memory_space<semaphore_mem>>) src(%dma_wait3A_108 : memref<125x80xi32, #tpu.memory_space<hbm>>) dst(%arg5 : memref<125x80xi32, #tpu.memory_space<vmem>>)
      tpu.yield
    }) : () -> ()
    %mul3A_3 = arith.constant 125 : i32
    %mul3A_4 = arith.muli %add3A, %mul3A_3 : i32
    %run_scoped3A_5 = arith.constant 1 : i32
    "tpu.region"() ({
      %run_scoped3A_97 = tpu.sem_alloc : memref<!tpu.dma_semaphore, #tpu.memory_space<semaphore_mem>>
      %dma_start3A_98 = arith.constant 0 : i32
      %dma_start3A_99 = tpu.memref_slice %arg3[%run_scoped3A_5, %mul3A_4, %dma_start3A_98] : memref<2x4000x80xi32, #tpu.memory_space<hbm>> -> memref<1x125x80xi32, #tpu.memory_space<hbm>>
      %dma_start3A_100 = tpu.memref_squeeze %dma_start3A_99 : memref<1x125x80xi32, #tpu.memory_space<hbm>> -> memref<125x80xi32, #tpu.memory_space<hbm>>
      %dma_start3A_101 = arith.constant 0 : i32
      %dma_start3A_102 = tpu.memref_slice %arg3[%run_scoped3A_5, %mul3A_4, %dma_start3A_101] : memref<2x4000x80xi32, #tpu.memory_space<hbm>> -> memref<1x125x80xi32, #tpu.memory_space<hbm>>
      %dma_start3A_103 = tpu.memref_squeeze %dma_start3A_102 : memref<1x125x80xi32, #tpu.memory_space<hbm>> -> memref<125x80xi32, #tpu.memory_space<hbm>>
      tpu.enqueue_dma source(%dma_start3A_103 : memref<125x80xi32, #tpu.memory_space<hbm>>) target(%arg6 : memref<125x80xi32, #tpu.memory_space<vmem>>) target_semaphore(%run_scoped3A_97 : memref<!tpu.dma_semaphore, #tpu.memory_space<semaphore_mem>>)
      %dma_wait3A = arith.constant 0 : i32
      %dma_wait3A_104 = tpu.memref_slice %arg3[%run_scoped3A_5, %mul3A_4, %dma_wait3A] : memref<2x4000x80xi32, #tpu.memory_space<hbm>> -> memref<1x125x80xi32, #tpu.memory_space<hbm>>
      %dma_wait3A_105 = tpu.memref_squeeze %dma_wait3A_104 : memref<1x125x80xi32, #tpu.memory_space<hbm>> -> memref<125x80xi32, #tpu.memory_space<hbm>>
      %dma_wait3A_106 = arith.constant 0 : i32
      %dma_wait3A_107 = tpu.memref_slice %arg3[%run_scoped3A_5, %mul3A_4, %dma_wait3A_106] : memref<2x4000x80xi32, #tpu.memory_space<hbm>> -> memref<1x125x80xi32, #tpu.memory_space<hbm>>
      %dma_wait3A_108 = tpu.memref_squeeze %dma_wait3A_107 : memref<1x125x80xi32, #tpu.memory_space<hbm>> -> memref<125x80xi32, #tpu.memory_space<hbm>>
      tpu.wait_dma2 semaphore(%run_scoped3A_97 : memref<!tpu.dma_semaphore, #tpu.memory_space<semaphore_mem>>) src(%dma_wait3A_108 : memref<125x80xi32, #tpu.memory_space<hbm>>) dst(%arg6 : memref<125x80xi32, #tpu.memory_space<vmem>>)
      tpu.yield
    }) : () -> ()
    %dma_start3A = arith.constant 0 : i32
    %dma_start3A_6 = arith.constant 0 : i32
    %dma_start3A_7 = arith.constant 0 : i32
    %dma_start3A_8 = arith.constant 0 : i32
    %dma_start3A_9 = arith.constant 0 : i32
    %dma_start3A_10 = tpu.memref_slice %arg7[%dma_start3A_6, %dma_start3A_8, %dma_start3A_9] : memref<5x80x64xf32, #tpu.memory_space<vmem>> -> memref<1x80x64xf32, #tpu.memory_space<vmem>>
    %dma_start3A_11 = tpu.memref_squeeze %dma_start3A_10 : memref<1x80x64xf32, #tpu.memory_space<vmem>> -> memref<80x64xf32, #tpu.memory_space<vmem>>
    %dma_start3A_12 = arith.constant 0 : i32
    %dma_start3A_13 = tpu.memref_slice %arg5[%dma_start3A, %dma_start3A_12] : memref<125x80xi32, #tpu.memory_space<vmem>> -> memref<1x80xi32, #tpu.memory_space<vmem>>
    %dma_start3A_14 = tpu.memref_squeeze %dma_start3A_13 : memref<1x80xi32, #tpu.memory_space<vmem>> -> memref<80xi32, #tpu.memory_space<vmem>>
    %dma_start3A_15 = arith.constant 0 : i32
    %dma_start3A_16 = arith.constant 0 : i32
    %dma_start3A_17 = tpu.memref_slice %arg2[%dma_start3A_15, %dma_start3A_16] : memref<10000x64xf32, #tpu.memory_space<hbm>> -> memref<10000x64xf32, #tpu.memory_space<hbm>>
    %dma_start3A_18 = tpu.memref_slice %arg10[%dma_start3A_7] : memref<5x!tpu.dma_semaphore, #tpu.memory_space<semaphore_mem>> -> memref<1x!tpu.dma_semaphore, #tpu.memory_space<semaphore_mem>>
    %dma_start3A_19 = tpu.memref_squeeze %dma_start3A_18 : memref<1x!tpu.dma_semaphore, #tpu.memory_space<semaphore_mem>> -> memref<!tpu.dma_semaphore, #tpu.memory_space<semaphore_mem>>
    tpu.enqueue_indirect_dma source(%dma_start3A_17 : memref<10000x64xf32, #tpu.memory_space<hbm>>) target(%dma_start3A_11 : memref<80x64xf32, #tpu.memory_space<vmem>>) offsets(%dma_start3A_14 : memref<80xi32, #tpu.memory_space<vmem>>) semaphore(%dma_start3A_19 : memref<!tpu.dma_semaphore, #tpu.memory_space<semaphore_mem>>)
    %dma_start3A_20 = arith.constant 1 : i32
    %dma_start3A_21 = arith.constant 1 : i32
    %dma_start3A_22 = arith.constant 1 : i32
    %dma_start3A_23 = arith.constant 0 : i32
    %dma_start3A_24 = arith.constant 0 : i32
    %dma_start3A_25 = tpu.memref_slice %arg7[%dma_start3A_21, %dma_start3A_23, %dma_start3A_24] : memref<5x80x64xf32, #tpu.memory_space<vmem>> -> memref<1x80x64xf32, #tpu.memory_space<vmem>>
    %dma_start3A_26 = tpu.memref_squeeze %dma_start3A_25 : memref<1x80x64xf32, #tpu.memory_space<vmem>> -> memref<80x64xf32, #tpu.memory_space<vmem>>
    %dma_start3A_27 = arith.constant 0 : i32
    %dma_start3A_28 = tpu.memref_slice %arg5[%dma_start3A_20, %dma_start3A_27] : memref<125x80xi32, #tpu.memory_space<vmem>> -> memref<1x80xi32, #tpu.memory_space<vmem>>
    %dma_start3A_29 = tpu.memref_squeeze %dma_start3A_28 : memref<1x80xi32, #tpu.memory_space<vmem>> -> memref<80xi32, #tpu.memory_space<vmem>>
    %dma_start3A_30 = arith.constant 0 : i32
    %dma_start3A_31 = arith.constant 0 : i32
    %dma_start3A_32 = tpu.memref_slice %arg2[%dma_start3A_30, %dma_start3A_31] : memref<10000x64xf32, #tpu.memory_space<hbm>> -> memref<10000x64xf32, #tpu.memory_space<hbm>>
    %dma_start3A_33 = tpu.memref_slice %arg10[%dma_start3A_22] : memref<5x!tpu.dma_semaphore, #tpu.memory_space<semaphore_mem>> -> memref<1x!tpu.dma_semaphore, #tpu.memory_space<semaphore_mem>>
    %dma_start3A_34 = tpu.memref_squeeze %dma_start3A_33 : memref<1x!tpu.dma_semaphore, #tpu.memory_space<semaphore_mem>> -> memref<!tpu.dma_semaphore, #tpu.memory_space<semaphore_mem>>
    tpu.enqueue_indirect_dma source(%dma_start3A_32 : memref<10000x64xf32, #tpu.memory_space<hbm>>) target(%dma_start3A_26 : memref<80x64xf32, #tpu.memory_space<vmem>>) offsets(%dma_start3A_29 : memref<80xi32, #tpu.memory_space<vmem>>) semaphore(%dma_start3A_34 : memref<!tpu.dma_semaphore, #tpu.memory_space<semaphore_mem>>)
    %dma_start3A_35 = arith.constant 2 : i32
    %dma_start3A_36 = arith.constant 2 : i32
    %dma_start3A_37 = arith.constant 2 : i32
    %dma_start3A_38 = arith.constant 0 : i32
    %dma_start3A_39 = arith.constant 0 : i32
    %dma_start3A_40 = tpu.memref_slice %arg7[%dma_start3A_36, %dma_start3A_38, %dma_start3A_39] : memref<5x80x64xf32, #tpu.memory_space<vmem>> -> memref<1x80x64xf32, #tpu.memory_space<vmem>>
    %dma_start3A_41 = tpu.memref_squeeze %dma_start3A_40 : memref<1x80x64xf32, #tpu.memory_space<vmem>> -> memref<80x64xf32, #tpu.memory_space<vmem>>
    %dma_start3A_42 = arith.constant 0 : i32
    %dma_start3A_43 = tpu.memref_slice %arg5[%dma_start3A_35, %dma_start3A_42] : memref<125x80xi32, #tpu.memory_space<vmem>> -> memref<1x80xi32, #tpu.memory_space<vmem>>
    %dma_start3A_44 = tpu.memref_squeeze %dma_start3A_43 : memref<1x80xi32, #tpu.memory_space<vmem>> -> memref<80xi32, #tpu.memory_space<vmem>>
    %dma_start3A_45 = arith.constant 0 : i32
    %dma_start3A_46 = arith.constant 0 : i32
    %dma_start3A_47 = tpu.memref_slice %arg2[%dma_start3A_45, %dma_start3A_46] : memref<10000x64xf32, #tpu.memory_space<hbm>> -> memref<10000x64xf32, #tpu.memory_space<hbm>>
    %dma_start3A_48 = tpu.memref_slice %arg10[%dma_start3A_37] : memref<5x!tpu.dma_semaphore, #tpu.memory_space<semaphore_mem>> -> memref<1x!tpu.dma_semaphore, #tpu.memory_space<semaphore_mem>>
    %dma_start3A_49 = tpu.memref_squeeze %dma_start3A_48 : memref<1x!tpu.dma_semaphore, #tpu.memory_space<semaphore_mem>> -> memref<!tpu.dma_semaphore, #tpu.memory_space<semaphore_mem>>
    tpu.enqueue_indirect_dma source(%dma_start3A_47 : memref<10000x64xf32, #tpu.memory_space<hbm>>) target(%dma_start3A_41 : memref<80x64xf32, #tpu.memory_space<vmem>>) offsets(%dma_start3A_44 : memref<80xi32, #tpu.memory_space<vmem>>) semaphore(%dma_start3A_49 : memref<!tpu.dma_semaphore, #tpu.memory_space<semaphore_mem>>)
    %dma_start3A_50 = arith.constant 3 : i32
    %dma_start3A_51 = arith.constant 3 : i32
    %dma_start3A_52 = arith.constant 3 : i32
    %dma_start3A_53 = arith.constant 0 : i32
    %dma_start3A_54 = arith.constant 0 : i32
    %dma_start3A_55 = tpu.memref_slice %arg7[%dma_start3A_51, %dma_start3A_53, %dma_start3A_54] : memref<5x80x64xf32, #tpu.memory_space<vmem>> -> memref<1x80x64xf32, #tpu.memory_space<vmem>>
    %dma_start3A_56 = tpu.memref_squeeze %dma_start3A_55 : memref<1x80x64xf32, #tpu.memory_space<vmem>> -> memref<80x64xf32, #tpu.memory_space<vmem>>
    %dma_start3A_57 = arith.constant 0 : i32
    %dma_start3A_58 = tpu.memref_slice %arg5[%dma_start3A_50, %dma_start3A_57] : memref<125x80xi32, #tpu.memory_space<vmem>> -> memref<1x80xi32, #tpu.memory_space<vmem>>
    %dma_start3A_59 = tpu.memref_squeeze %dma_start3A_58 : memref<1x80xi32, #tpu.memory_space<vmem>> -> memref<80xi32, #tpu.memory_space<vmem>>
    %dma_start3A_60 = arith.constant 0 : i32
    %dma_start3A_61 = arith.constant 0 : i32
    %dma_start3A_62 = tpu.memref_slice %arg2[%dma_start3A_60, %dma_start3A_61] : memref<10000x64xf32, #tpu.memory_space<hbm>> -> memref<10000x64xf32, #tpu.memory_space<hbm>>
    %dma_start3A_63 = tpu.memref_slice %arg10[%dma_start3A_52] : memref<5x!tpu.dma_semaphore, #tpu.memory_space<semaphore_mem>> -> memref<1x!tpu.dma_semaphore, #tpu.memory_space<semaphore_mem>>
    %dma_start3A_64 = tpu.memref_squeeze %dma_start3A_63 : memref<1x!tpu.dma_semaphore, #tpu.memory_space<semaphore_mem>> -> memref<!tpu.dma_semaphore, #tpu.memory_space<semaphore_mem>>
    tpu.enqueue_indirect_dma source(%dma_start3A_62 : memref<10000x64xf32, #tpu.memory_space<hbm>>) target(%dma_start3A_56 : memref<80x64xf32, #tpu.memory_space<vmem>>) offsets(%dma_start3A_59 : memref<80xi32, #tpu.memory_space<vmem>>) semaphore(%dma_start3A_64 : memref<!tpu.dma_semaphore, #tpu.memory_space<semaphore_mem>>)
    %dma_start3A_65 = arith.constant 4 : i32
    %dma_start3A_66 = arith.constant 4 : i32
    %dma_start3A_67 = arith.constant 4 : i32
    %dma_start3A_68 = arith.constant 0 : i32
    %dma_start3A_69 = arith.constant 0 : i32
    %dma_start3A_70 = tpu.memref_slice %arg7[%dma_start3A_66, %dma_start3A_68, %dma_start3A_69] : memref<5x80x64xf32, #tpu.memory_space<vmem>> -> memref<1x80x64xf32, #tpu.memory_space<vmem>>
    %dma_start3A_71 = tpu.memref_squeeze %dma_start3A_70 : memref<1x80x64xf32, #tpu.memory_space<vmem>> -> memref<80x64xf32, #tpu.memory_space<vmem>>
    %dma_start3A_72 = arith.constant 0 : i32
    %dma_start3A_73 = tpu.memref_slice %arg5[%dma_start3A_65, %dma_start3A_72] : memref<125x80xi32, #tpu.memory_space<vmem>> -> memref<1x80xi32, #tpu.memory_space<vmem>>
    %dma_start3A_74 = tpu.memref_squeeze %dma_start3A_73 : memref<1x80xi32, #tpu.memory_space<vmem>> -> memref<80xi32, #tpu.memory_space<vmem>>
    %dma_start3A_75 = arith.constant 0 : i32
    %dma_start3A_76 = arith.constant 0 : i32
    %dma_start3A_77 = tpu.memref_slice %arg2[%dma_start3A_75, %dma_start3A_76] : memref<10000x64xf32, #tpu.memory_space<hbm>> -> memref<10000x64xf32, #tpu.memory_space<hbm>>
    %dma_start3A_78 = tpu.memref_slice %arg10[%dma_start3A_67] : memref<5x!tpu.dma_semaphore, #tpu.memory_space<semaphore_mem>> -> memref<1x!tpu.dma_semaphore, #tpu.memory_space<semaphore_mem>>
    %dma_start3A_79 = tpu.memref_squeeze %dma_start3A_78 : memref<1x!tpu.dma_semaphore, #tpu.memory_space<semaphore_mem>> -> memref<!tpu.dma_semaphore, #tpu.memory_space<semaphore_mem>>
    tpu.enqueue_indirect_dma source(%dma_start3A_77 : memref<10000x64xf32, #tpu.memory_space<hbm>>) target(%dma_start3A_71 : memref<80x64xf32, #tpu.memory_space<vmem>>) offsets(%dma_start3A_74 : memref<80xi32, #tpu.memory_space<vmem>>) semaphore(%dma_start3A_79 : memref<!tpu.dma_semaphore, #tpu.memory_space<semaphore_mem>>)
    %mul3A_80 = arith.constant 624 : i32
    %mul3A_81 = arith.muli %arg1, %mul3A_80 : i32
    "tpu.region"() ({
      %run_scoped3A_97 = tpu.sem_alloc : memref<!tpu.dma_semaphore, #tpu.memory_space<semaphore_mem>>
      %dma_start3A_98 = arith.constant 0 : i32
      %dma_start3A_99 = arith.constant 0 : i32
      %dma_start3A_100 = tpu.memref_slice %arg8[%dma_start3A_98, %dma_start3A_99] : memref<640x64xf32, #tpu.memory_space<vmem>> -> memref<624x64xf32, #tpu.memory_space<vmem>>
      %dma_start3A_101 = arith.constant 0 : i32
      %dma_start3A_102 = tpu.memref_slice %arg2[%mul3A_81, %dma_start3A_101] : memref<10000x64xf32, #tpu.memory_space<hbm>> -> memref<624x64xf32, #tpu.memory_space<hbm>>
      %dma_start3A_103 = arith.constant 0 : i32
      %dma_start3A_104 = arith.constant 0 : i32
      %dma_start3A_105 = tpu.memref_slice %arg8[%dma_start3A_103, %dma_start3A_104] : memref<640x64xf32, #tpu.memory_space<vmem>> -> memref<624x64xf32, #tpu.memory_space<vmem>>
      %dma_start3A_106 = arith.constant 0 : i32
      %dma_start3A_107 = tpu.memref_slice %arg2[%mul3A_81, %dma_start3A_106] : memref<10000x64xf32, #tpu.memory_space<hbm>> -> memref<624x64xf32, #tpu.memory_space<hbm>>
      tpu.enqueue_dma source(%dma_start3A_107 : memref<624x64xf32, #tpu.memory_space<hbm>>) target(%dma_start3A_105 : memref<624x64xf32, #tpu.memory_space<vmem>>) target_semaphore(%run_scoped3A_97 : memref<!tpu.dma_semaphore, #tpu.memory_space<semaphore_mem>>)
      %dma_wait3A = arith.constant 0 : i32
      %dma_wait3A_108 = arith.constant 0 : i32
      %dma_wait3A_109 = tpu.memref_slice %arg8[%dma_wait3A, %dma_wait3A_108] : memref<640x64xf32, #tpu.memory_space<vmem>> -> memref<624x64xf32, #tpu.memory_space<vmem>>
      %dma_wait3A_110 = arith.constant 0 : i32
      %dma_wait3A_111 = tpu.memref_slice %arg2[%mul3A_81, %dma_wait3A_110] : memref<10000x64xf32, #tpu.memory_space<hbm>> -> memref<624x64xf32, #tpu.memory_space<hbm>>
      %dma_wait3A_112 = arith.constant 0 : i32
      %dma_wait3A_113 = arith.constant 0 : i32
      %dma_wait3A_114 = tpu.memref_slice %arg8[%dma_wait3A_112, %dma_wait3A_113] : memref<640x64xf32, #tpu.memory_space<vmem>> -> memref<624x64xf32, #tpu.memory_space<vmem>>
      %dma_wait3A_115 = arith.constant 0 : i32
      %dma_wait3A_116 = tpu.memref_slice %arg2[%mul3A_81, %dma_wait3A_115] : memref<10000x64xf32, #tpu.memory_space<hbm>> -> memref<624x64xf32, #tpu.memory_space<hbm>>
      tpu.wait_dma2 semaphore(%run_scoped3A_97 : memref<!tpu.dma_semaphore, #tpu.memory_space<semaphore_mem>>) src(%dma_wait3A_116 : memref<624x64xf32, #tpu.memory_space<hbm>>) dst(%dma_wait3A_114 : memref<624x64xf32, #tpu.memory_space<vmem>>)
      tpu.yield
    }) : () -> ()
    "tpu.region"() ({
      %run_scoped3A_97 = tpu.sem_alloc : memref<!tpu.dma_semaphore, #tpu.memory_space<semaphore_mem>>
      %dma_start3A_98 = arith.constant 0 : i32
      %dma_start3A_99 = arith.constant 0 : i32
      %dma_start3A_100 = tpu.memref_slice %arg8[%dma_start3A_98, %dma_start3A_99] : memref<640x64xf32, #tpu.memory_space<vmem>> -> memref<624x64xf32, #tpu.memory_space<vmem>>
      %dma_start3A_101 = arith.constant 0 : i32
      %dma_start3A_102 = tpu.memref_slice %arg9[%mul3A_81, %dma_start3A_101] : memref<10000x64xf32, #tpu.memory_space<vmem_shared>> -> memref<624x64xf32, #tpu.memory_space<vmem_shared>>
      %dma_start3A_103 = arith.constant 0 : i32
      %dma_start3A_104 = tpu.memref_slice %arg9[%mul3A_81, %dma_start3A_103] : memref<10000x64xf32, #tpu.memory_space<vmem_shared>> -> memref<624x64xf32, #tpu.memory_space<vmem_shared>>
      %dma_start3A_105 = arith.constant 0 : i32
      %dma_start3A_106 = arith.constant 0 : i32
      %dma_start3A_107 = tpu.memref_slice %arg8[%dma_start3A_105, %dma_start3A_106] : memref<640x64xf32, #tpu.memory_space<vmem>> -> memref<624x64xf32, #tpu.memory_space<vmem>>
      tpu.enqueue_dma source(%dma_start3A_107 : memref<624x64xf32, #tpu.memory_space<vmem>>) target(%dma_start3A_104 : memref<624x64xf32, #tpu.memory_space<vmem_shared>>) target_semaphore(%run_scoped3A_97 : memref<!tpu.dma_semaphore, #tpu.memory_space<semaphore_mem>>)
      %dma_wait3A = arith.constant 0 : i32
      %dma_wait3A_108 = arith.constant 0 : i32
      %dma_wait3A_109 = tpu.memref_slice %arg8[%dma_wait3A, %dma_wait3A_108] : memref<640x64xf32, #tpu.memory_space<vmem>> -> memref<624x64xf32, #tpu.memory_space<vmem>>
      %dma_wait3A_110 = arith.constant 0 : i32
      %dma_wait3A_111 = tpu.memref_slice %arg9[%mul3A_81, %dma_wait3A_110] : memref<10000x64xf32, #tpu.memory_space<vmem_shared>> -> memref<624x64xf32, #tpu.memory_space<vmem_shared>>
      %dma_wait3A_112 = arith.constant 0 : i32
      %dma_wait3A_113 = tpu.memref_slice %arg9[%mul3A_81, %dma_wait3A_112] : memref<10000x64xf32, #tpu.memory_space<vmem_shared>> -> memref<624x64xf32, #tpu.memory_space<vmem_shared>>
      %dma_wait3A_114 = arith.constant 0 : i32
      %dma_wait3A_115 = arith.constant 0 : i32
      %dma_wait3A_116 = tpu.memref_slice %arg8[%dma_wait3A_114, %dma_wait3A_115] : memref<640x64xf32, #tpu.memory_space<vmem>> -> memref<624x64xf32, #tpu.memory_space<vmem>>
      tpu.wait_dma2 semaphore(%run_scoped3A_97 : memref<!tpu.dma_semaphore, #tpu.memory_space<semaphore_mem>>) src(%dma_wait3A_116 : memref<624x64xf32, #tpu.memory_space<vmem>>) dst(%dma_wait3A_113 : memref<624x64xf32, #tpu.memory_space<vmem_shared>>)
      tpu.yield
    }) : () -> ()
    %eq3A = arith.constant 15 : i32
    %eq3A_82 = arith.cmpi eq, %arg1, %eq3A : i32
    %convert_element_type3A = arith.extui %eq3A_82 : i1 to i32
    %cond3A = arith.constant 0 : i32
    %cond3A_83 = arith.cmpi ne, %convert_element_type3A, %cond3A : i32
    scf.if %cond3A_83 {
      "tpu.region"() ({
        %run_scoped3A_97 = tpu.sem_alloc : memref<!tpu.dma_semaphore, #tpu.memory_space<semaphore_mem>>
        %dma_start3A_98 = arith.constant 624 : i32
        %dma_start3A_99 = arith.constant 0 : i32
        %dma_start3A_100 = tpu.memref_slice %arg8[%dma_start3A_98, %dma_start3A_99] : memref<640x64xf32, #tpu.memory_space<vmem>> -> memref<16x64xf32, #tpu.memory_space<vmem>>
        %dma_start3A_101 = arith.constant 9984 : i32
        %dma_start3A_102 = arith.constant 0 : i32
        %dma_start3A_103 = tpu.memref_slice %arg2[%dma_start3A_101, %dma_start3A_102] : memref<10000x64xf32, #tpu.memory_space<hbm>> -> memref<16x64xf32, #tpu.memory_space<hbm>>
        %dma_start3A_104 = arith.constant 624 : i32
        %dma_start3A_105 = arith.constant 0 : i32
        %dma_start3A_106 = tpu.memref_slice %arg8[%dma_start3A_104, %dma_start3A_105] : memref<640x64xf32, #tpu.memory_space<vmem>> -> memref<16x64xf32, #tpu.memory_space<vmem>>
        %dma_start3A_107 = arith.constant 9984 : i32
        %dma_start3A_108 = arith.constant 0 : i32
        %dma_start3A_109 = tpu.memref_slice %arg2[%dma_start3A_107, %dma_start3A_108] : memref<10000x64xf32, #tpu.memory_space<hbm>> -> memref<16x64xf32, #tpu.memory_space<hbm>>
        tpu.enqueue_dma source(%dma_start3A_109 : memref<16x64xf32, #tpu.memory_space<hbm>>) target(%dma_start3A_106 : memref<16x64xf32, #tpu.memory_space<vmem>>) target_semaphore(%run_scoped3A_97 : memref<!tpu.dma_semaphore, #tpu.memory_space<semaphore_mem>>)
        %dma_wait3A = arith.constant 624 : i32
        %dma_wait3A_110 = arith.constant 0 : i32
        %dma_wait3A_111 = tpu.memref_slice %arg8[%dma_wait3A, %dma_wait3A_110] : memref<640x64xf32, #tpu.memory_space<vmem>> -> memref<16x64xf32, #tpu.memory_space<vmem>>
        %dma_wait3A_112 = arith.constant 9984 : i32
        %dma_wait3A_113 = arith.constant 0 : i32
        %dma_wait3A_114 = tpu.memref_slice %arg2[%dma_wait3A_112, %dma_wait3A_113] : memref<10000x64xf32, #tpu.memory_space<hbm>> -> memref<16x64xf32, #tpu.memory_space<hbm>>
        %dma_wait3A_115 = arith.constant 624 : i32
        %dma_wait3A_116 = arith.constant 0 : i32
        %dma_wait3A_117 = tpu.memref_slice %arg8[%dma_wait3A_115, %dma_wait3A_116] : memref<640x64xf32, #tpu.memory_space<vmem>> -> memref<16x64xf32, #tpu.memory_space<vmem>>
        %dma_wait3A_118 = arith.constant 9984 : i32
        %dma_wait3A_119 = arith.constant 0 : i32
        %dma_wait3A_120 = tpu.memref_slice %arg2[%dma_wait3A_118, %dma_wait3A_119] : memref<10000x64xf32, #tpu.memory_space<hbm>> -> memref<16x64xf32, #tpu.memory_space<hbm>>
        tpu.wait_dma2 semaphore(%run_scoped3A_97 : memref<!tpu.dma_semaphore, #tpu.memory_space<semaphore_mem>>) src(%dma_wait3A_120 : memref<16x64xf32, #tpu.memory_space<hbm>>) dst(%dma_wait3A_117 : memref<16x64xf32, #tpu.memory_space<vmem>>)
        tpu.yield
      }) : () -> ()
      "tpu.region"() ({
        %run_scoped3A_97 = tpu.sem_alloc : memref<!tpu.dma_semaphore, #tpu.memory_space<semaphore_mem>>
        %dma_start3A_98 = arith.constant 624 : i32
        %dma_start3A_99 = arith.constant 0 : i32
        %dma_start3A_100 = tpu.memref_slice %arg8[%dma_start3A_98, %dma_start3A_99] : memref<640x64xf32, #tpu.memory_space<vmem>> -> memref<16x64xf32, #tpu.memory_space<vmem>>
        %dma_start3A_101 = arith.constant 9984 : i32
        %dma_start3A_102 = arith.constant 0 : i32
        %dma_start3A_103 = tpu.memref_slice %arg9[%dma_start3A_101, %dma_start3A_102] : memref<10000x64xf32, #tpu.memory_space<vmem_shared>> -> memref<16x64xf32, #tpu.memory_space<vmem_shared>>
        %dma_start3A_104 = arith.constant 9984 : i32
        %dma_start3A_105 = arith.constant 0 : i32
        %dma_start3A_106 = tpu.memref_slice %arg9[%dma_start3A_104, %dma_start3A_105] : memref<10000x64xf32, #tpu.memory_space<vmem_shared>> -> memref<16x64xf32, #tpu.memory_space<vmem_shared>>
        %dma_start3A_107 = arith.constant 624 : i32
        %dma_start3A_108 = arith.constant 0 : i32
        %dma_start3A_109 = tpu.memref_slice %arg8[%dma_start3A_107, %dma_start3A_108] : memref<640x64xf32, #tpu.memory_space<vmem>> -> memref<16x64xf32, #tpu.memory_space<vmem>>
        tpu.enqueue_dma source(%dma_start3A_109 : memref<16x64xf32, #tpu.memory_space<vmem>>) target(%dma_start3A_106 : memref<16x64xf32, #tpu.memory_space<vmem_shared>>) target_semaphore(%run_scoped3A_97 : memref<!tpu.dma_semaphore, #tpu.memory_space<semaphore_mem>>)
        %dma_wait3A = arith.constant 624 : i32
        %dma_wait3A_110 = arith.constant 0 : i32
        %dma_wait3A_111 = tpu.memref_slice %arg8[%dma_wait3A, %dma_wait3A_110] : memref<640x64xf32, #tpu.memory_space<vmem>> -> memref<16x64xf32, #tpu.memory_space<vmem>>
        %dma_wait3A_112 = arith.constant 9984 : i32
        %dma_wait3A_113 = arith.constant 0 : i32
        %dma_wait3A_114 = tpu.memref_slice %arg9[%dma_wait3A_112, %dma_wait3A_113] : memref<10000x64xf32, #tpu.memory_space<vmem_shared>> -> memref<16x64xf32, #tpu.memory_space<vmem_shared>>
        %dma_wait3A_115 = arith.constant 9984 : i32
        %dma_wait3A_116 = arith.constant 0 : i32
        %dma_wait3A_117 = tpu.memref_slice %arg9[%dma_wait3A_115, %dma_wait3A_116] : memref<10000x64xf32, #tpu.memory_space<vmem_shared>> -> memref<16x64xf32, #tpu.memory_space<vmem_shared>>
        %dma_wait3A_118 = arith.constant 624 : i32
        %dma_wait3A_119 = arith.constant 0 : i32
        %dma_wait3A_120 = tpu.memref_slice %arg8[%dma_wait3A_118, %dma_wait3A_119] : memref<640x64xf32, #tpu.memory_space<vmem>> -> memref<16x64xf32, #tpu.memory_space<vmem>>
        tpu.wait_dma2 semaphore(%run_scoped3A_97 : memref<!tpu.dma_semaphore, #tpu.memory_space<semaphore_mem>>) src(%dma_wait3A_120 : memref<16x64xf32, #tpu.memory_space<vmem>>) dst(%dma_wait3A_117 : memref<16x64xf32, #tpu.memory_space<vmem_shared>>)
        tpu.yield
      }) : () -> ()
    } else {
    }
    %barrier3A = arith.constant 0 : index
    tpu.barrier barrier_id(%barrier3A)
    %scan3A = arith.constant 0 : i32
    %scan3A_84 = arith.constant 0 : i32
    %scan3A_85 = arith.constant 25 : i32
    %scan3A_86 = arith.addi %scan3A_84, %scan3A_85 : i32
    %scan3A_87 = arith.constant 1 : i32
    scf.for %scan3A_97 = %scan3A_84 to %scan3A_86 step %scan3A_87  : i32 {
      %dma_wait3A = arith.constant 0 : i32
      %dma_wait3A_98 = arith.constant 0 : i32
      %dma_wait3A_99 = arith.constant 0 : i32
      %dma_wait3A_100 = arith.constant 0 : i32
      %dma_wait3A_101 = tpu.memref_slice %arg7[%dma_wait3A, %dma_wait3A_99, %dma_wait3A_100] : memref<5x80x64xf32, #tpu.memory_space<vmem>> -> memref<1x80x64xf32, #tpu.memory_space<vmem>>
      %dma_wait3A_102 = tpu.memref_squeeze %dma_wait3A_101 : memref<1x80x64xf32, #tpu.memory_space<vmem>> -> memref<80x64xf32, #tpu.memory_space<vmem>>
      %dma_wait3A_103 = arith.constant 0 : i32
      %dma_wait3A_104 = arith.constant 0 : i32
      %dma_wait3A_105 = tpu.memref_slice %arg2[%dma_wait3A_103, %dma_wait3A_104] : memref<10000x64xf32, #tpu.memory_space<hbm>> -> memref<80x64xf32, #tpu.memory_space<hbm>>
      %dma_wait3A_106 = tpu.memref_slice %arg10[%dma_wait3A_98] : memref<5x!tpu.dma_semaphore, #tpu.memory_space<semaphore_mem>> -> memref<1x!tpu.dma_semaphore, #tpu.memory_space<semaphore_mem>>
      %dma_wait3A_107 = tpu.memref_squeeze %dma_wait3A_106 : memref<1x!tpu.dma_semaphore, #tpu.memory_space<semaphore_mem>> -> memref<!tpu.dma_semaphore, #tpu.memory_space<semaphore_mem>>
      %dma_wait3A_108 = arith.constant 0 : i32
      %dma_wait3A_109 = arith.constant 0 : i32
      %dma_wait3A_110 = tpu.memref_slice %arg7[%dma_wait3A, %dma_wait3A_108, %dma_wait3A_109] : memref<5x80x64xf32, #tpu.memory_space<vmem>> -> memref<1x80x64xf32, #tpu.memory_space<vmem>>
      %dma_wait3A_111 = tpu.memref_squeeze %dma_wait3A_110 : memref<1x80x64xf32, #tpu.memory_space<vmem>> -> memref<80x64xf32, #tpu.memory_space<vmem>>
      %dma_wait3A_112 = arith.constant 0 : i32
      %dma_wait3A_113 = arith.constant 0 : i32
      %dma_wait3A_114 = tpu.memref_slice %arg2[%dma_wait3A_112, %dma_wait3A_113] : memref<10000x64xf32, #tpu.memory_space<hbm>> -> memref<80x64xf32, #tpu.memory_space<hbm>>
      tpu.wait_dma2 semaphore(%dma_wait3A_107 : memref<!tpu.dma_semaphore, #tpu.memory_space<semaphore_mem>>) src(%dma_wait3A_114 : memref<80x64xf32, #tpu.memory_space<hbm>>) dst(%dma_wait3A_111 : memref<80x64xf32, #tpu.memory_space<vmem>>)
      %mul3A_115 = arith.constant 5 : i32
      %mul3A_116 = arith.muli %scan3A_97, %mul3A_115 : i32
      %add3A_117 = arith.constant 0 : i32
      %add3A_118 = arith.addi %mul3A_116, %add3A_117 : i32
      %dma_start3A_119 = arith.constant 0 : i32
      %dma_start3A_120 = arith.constant 0 : i32
      %dma_start3A_121 = arith.constant 0 : i32
      %dma_start3A_122 = arith.constant 0 : i32
      %dma_start3A_123 = tpu.memref_slice %arg7[%dma_start3A_119, %dma_start3A_121, %dma_start3A_122] : memref<5x80x64xf32, #tpu.memory_space<vmem>> -> memref<1x80x64xf32, #tpu.memory_space<vmem>>
      %dma_start3A_124 = tpu.memref_squeeze %dma_start3A_123 : memref<1x80x64xf32, #tpu.memory_space<vmem>> -> memref<80x64xf32, #tpu.memory_space<vmem>>
      %dma_start3A_125 = arith.constant 0 : i32
      %dma_start3A_126 = tpu.memref_slice %arg6[%add3A_118, %dma_start3A_125] : memref<125x80xi32, #tpu.memory_space<vmem>> -> memref<1x80xi32, #tpu.memory_space<vmem>>
      %dma_start3A_127 = tpu.memref_squeeze %dma_start3A_126 : memref<1x80xi32, #tpu.memory_space<vmem>> -> memref<80xi32, #tpu.memory_space<vmem>>
      %dma_start3A_128 = arith.constant 0 : i32
      %dma_start3A_129 = arith.constant 0 : i32
      %dma_start3A_130 = tpu.memref_slice %arg9[%dma_start3A_128, %dma_start3A_129] : memref<10000x64xf32, #tpu.memory_space<vmem_shared>> -> memref<10000x64xf32, #tpu.memory_space<vmem_shared>>
      %dma_start3A_131 = tpu.memref_slice %arg11[%dma_start3A_120] : memref<5x!tpu.dma_semaphore, #tpu.memory_space<semaphore_mem>> -> memref<1x!tpu.dma_semaphore, #tpu.memory_space<semaphore_mem>>
      %dma_start3A_132 = tpu.memref_squeeze %dma_start3A_131 : memref<1x!tpu.dma_semaphore, #tpu.memory_space<semaphore_mem>> -> memref<!tpu.dma_semaphore, #tpu.memory_space<semaphore_mem>>
      tpu.enqueue_indirect_dma source(%dma_start3A_124 : memref<80x64xf32, #tpu.memory_space<vmem>>) target(%dma_start3A_130 : memref<10000x64xf32, #tpu.memory_space<vmem_shared>>) offsets(%dma_start3A_127 : memref<80xi32, #tpu.memory_space<vmem>>) semaphore(%dma_start3A_132 : memref<!tpu.dma_semaphore, #tpu.memory_space<semaphore_mem>>) {add = true}
      %dma_wait3A_133 = arith.constant 1 : i32
      %dma_wait3A_134 = arith.constant 1 : i32
      %dma_wait3A_135 = arith.constant 0 : i32
      %dma_wait3A_136 = arith.constant 0 : i32
      %dma_wait3A_137 = tpu.memref_slice %arg7[%dma_wait3A_133, %dma_wait3A_135, %dma_wait3A_136] : memref<5x80x64xf32, #tpu.memory_space<vmem>> -> memref<1x80x64xf32, #tpu.memory_space<vmem>>
      %dma_wait3A_138 = tpu.memref_squeeze %dma_wait3A_137 : memref<1x80x64xf32, #tpu.memory_space<vmem>> -> memref<80x64xf32, #tpu.memory_space<vmem>>
      %dma_wait3A_139 = arith.constant 0 : i32
      %dma_wait3A_140 = arith.constant 0 : i32
      %dma_wait3A_141 = tpu.memref_slice %arg2[%dma_wait3A_139, %dma_wait3A_140] : memref<10000x64xf32, #tpu.memory_space<hbm>> -> memref<80x64xf32, #tpu.memory_space<hbm>>
      %dma_wait3A_142 = tpu.memref_slice %arg10[%dma_wait3A_134] : memref<5x!tpu.dma_semaphore, #tpu.memory_space<semaphore_mem>> -> memref<1x!tpu.dma_semaphore, #tpu.memory_space<semaphore_mem>>
      %dma_wait3A_143 = tpu.memref_squeeze %dma_wait3A_142 : memref<1x!tpu.dma_semaphore, #tpu.memory_space<semaphore_mem>> -> memref<!tpu.dma_semaphore, #tpu.memory_space<semaphore_mem>>
      %dma_wait3A_144 = arith.constant 0 : i32
      %dma_wait3A_145 = arith.constant 0 : i32
      %dma_wait3A_146 = tpu.memref_slice %arg7[%dma_wait3A_133, %dma_wait3A_144, %dma_wait3A_145] : memref<5x80x64xf32, #tpu.memory_space<vmem>> -> memref<1x80x64xf32, #tpu.memory_space<vmem>>
      %dma_wait3A_147 = tpu.memref_squeeze %dma_wait3A_146 : memref<1x80x64xf32, #tpu.memory_space<vmem>> -> memref<80x64xf32, #tpu.memory_space<vmem>>
      %dma_wait3A_148 = arith.constant 0 : i32
      %dma_wait3A_149 = arith.constant 0 : i32
      %dma_wait3A_150 = tpu.memref_slice %arg2[%dma_wait3A_148, %dma_wait3A_149] : memref<10000x64xf32, #tpu.memory_space<hbm>> -> memref<80x64xf32, #tpu.memory_space<hbm>>
      tpu.wait_dma2 semaphore(%dma_wait3A_143 : memref<!tpu.dma_semaphore, #tpu.memory_space<semaphore_mem>>) src(%dma_wait3A_150 : memref<80x64xf32, #tpu.memory_space<hbm>>) dst(%dma_wait3A_147 : memref<80x64xf32, #tpu.memory_space<vmem>>)
      %mul3A_151 = arith.constant 5 : i32
      %mul3A_152 = arith.muli %scan3A_97, %mul3A_151 : i32
      %add3A_153 = arith.constant 1 : i32
      %add3A_154 = arith.addi %mul3A_152, %add3A_153 : i32
      %dma_start3A_155 = arith.constant 1 : i32
      %dma_start3A_156 = arith.constant 1 : i32
      %dma_start3A_157 = arith.constant 0 : i32
      %dma_start3A_158 = arith.constant 0 : i32
      %dma_start3A_159 = tpu.memref_slice %arg7[%dma_start3A_155, %dma_start3A_157, %dma_start3A_158] : memref<5x80x64xf32, #tpu.memory_space<vmem>> -> memref<1x80x64xf32, #tpu.memory_space<vmem>>
      %dma_start3A_160 = tpu.memref_squeeze %dma_start3A_159 : memref<1x80x64xf32, #tpu.memory_space<vmem>> -> memref<80x64xf32, #tpu.memory_space<vmem>>
      %dma_start3A_161 = arith.constant 0 : i32
      %dma_start3A_162 = tpu.memref_slice %arg6[%add3A_154, %dma_start3A_161] : memref<125x80xi32, #tpu.memory_space<vmem>> -> memref<1x80xi32, #tpu.memory_space<vmem>>
      %dma_start3A_163 = tpu.memref_squeeze %dma_start3A_162 : memref<1x80xi32, #tpu.memory_space<vmem>> -> memref<80xi32, #tpu.memory_space<vmem>>
      %dma_start3A_164 = arith.constant 0 : i32
      %dma_start3A_165 = arith.constant 0 : i32
      %dma_start3A_166 = tpu.memref_slice %arg9[%dma_start3A_164, %dma_start3A_165] : memref<10000x64xf32, #tpu.memory_space<vmem_shared>> -> memref<10000x64xf32, #tpu.memory_space<vmem_shared>>
      %dma_start3A_167 = tpu.memref_slice %arg11[%dma_start3A_156] : memref<5x!tpu.dma_semaphore, #tpu.memory_space<semaphore_mem>> -> memref<1x!tpu.dma_semaphore, #tpu.memory_space<semaphore_mem>>
      %dma_start3A_168 = tpu.memref_squeeze %dma_start3A_167 : memref<1x!tpu.dma_semaphore, #tpu.memory_space<semaphore_mem>> -> memref<!tpu.dma_semaphore, #tpu.memory_space<semaphore_mem>>
      tpu.enqueue_indirect_dma source(%dma_start3A_160 : memref<80x64xf32, #tpu.memory_space<vmem>>) target(%dma_start3A_166 : memref<10000x64xf32, #tpu.memory_space<vmem_shared>>) offsets(%dma_start3A_163 : memref<80xi32, #tpu.memory_space<vmem>>) semaphore(%dma_start3A_168 : memref<!tpu.dma_semaphore, #tpu.memory_space<semaphore_mem>>) {add = true}
      %dma_wait3A_169 = arith.constant 2 : i32
      %dma_wait3A_170 = arith.constant 2 : i32
      %dma_wait3A_171 = arith.constant 0 : i32
      %dma_wait3A_172 = arith.constant 0 : i32
      %dma_wait3A_173 = tpu.memref_slice %arg7[%dma_wait3A_169, %dma_wait3A_171, %dma_wait3A_172] : memref<5x80x64xf32, #tpu.memory_space<vmem>> -> memref<1x80x64xf32, #tpu.memory_space<vmem>>
      %dma_wait3A_174 = tpu.memref_squeeze %dma_wait3A_173 : memref<1x80x64xf32, #tpu.memory_space<vmem>> -> memref<80x64xf32, #tpu.memory_space<vmem>>
      %dma_wait3A_175 = arith.constant 0 : i32
      %dma_wait3A_176 = arith.constant 0 : i32
      %dma_wait3A_177 = tpu.memref_slice %arg2[%dma_wait3A_175, %dma_wait3A_176] : memref<10000x64xf32, #tpu.memory_space<hbm>> -> memref<80x64xf32, #tpu.memory_space<hbm>>
      %dma_wait3A_178 = tpu.memref_slice %arg10[%dma_wait3A_170] : memref<5x!tpu.dma_semaphore, #tpu.memory_space<semaphore_mem>> -> memref<1x!tpu.dma_semaphore, #tpu.memory_space<semaphore_mem>>
      %dma_wait3A_179 = tpu.memref_squeeze %dma_wait3A_178 : memref<1x!tpu.dma_semaphore, #tpu.memory_space<semaphore_mem>> -> memref<!tpu.dma_semaphore, #tpu.memory_space<semaphore_mem>>
      %dma_wait3A_180 = arith.constant 0 : i32
      %dma_wait3A_181 = arith.constant 0 : i32
      %dma_wait3A_182 = tpu.memref_slice %arg7[%dma_wait3A_169, %dma_wait3A_180, %dma_wait3A_181] : memref<5x80x64xf32, #tpu.memory_space<vmem>> -> memref<1x80x64xf32, #tpu.memory_space<vmem>>
      %dma_wait3A_183 = tpu.memref_squeeze %dma_wait3A_182 : memref<1x80x64xf32, #tpu.memory_space<vmem>> -> memref<80x64xf32, #tpu.memory_space<vmem>>
      %dma_wait3A_184 = arith.constant 0 : i32
      %dma_wait3A_185 = arith.constant 0 : i32
      %dma_wait3A_186 = tpu.memref_slice %arg2[%dma_wait3A_184, %dma_wait3A_185] : memref<10000x64xf32, #tpu.memory_space<hbm>> -> memref<80x64xf32, #tpu.memory_space<hbm>>
      tpu.wait_dma2 semaphore(%dma_wait3A_179 : memref<!tpu.dma_semaphore, #tpu.memory_space<semaphore_mem>>) src(%dma_wait3A_186 : memref<80x64xf32, #tpu.memory_space<hbm>>) dst(%dma_wait3A_183 : memref<80x64xf32, #tpu.memory_space<vmem>>)
      %mul3A_187 = arith.constant 5 : i32
      %mul3A_188 = arith.muli %scan3A_97, %mul3A_187 : i32
      %add3A_189 = arith.constant 2 : i32
      %add3A_190 = arith.addi %mul3A_188, %add3A_189 : i32
      %dma_start3A_191 = arith.constant 2 : i32
      %dma_start3A_192 = arith.constant 2 : i32
      %dma_start3A_193 = arith.constant 0 : i32
      %dma_start3A_194 = arith.constant 0 : i32
      %dma_start3A_195 = tpu.memref_slice %arg7[%dma_start3A_191, %dma_start3A_193, %dma_start3A_194] : memref<5x80x64xf32, #tpu.memory_space<vmem>> -> memref<1x80x64xf32, #tpu.memory_space<vmem>>
      %dma_start3A_196 = tpu.memref_squeeze %dma_start3A_195 : memref<1x80x64xf32, #tpu.memory_space<vmem>> -> memref<80x64xf32, #tpu.memory_space<vmem>>
      %dma_start3A_197 = arith.constant 0 : i32
      %dma_start3A_198 = tpu.memref_slice %arg6[%add3A_190, %dma_start3A_197] : memref<125x80xi32, #tpu.memory_space<vmem>> -> memref<1x80xi32, #tpu.memory_space<vmem>>
      %dma_start3A_199 = tpu.memref_squeeze %dma_start3A_198 : memref<1x80xi32, #tpu.memory_space<vmem>> -> memref<80xi32, #tpu.memory_space<vmem>>
      %dma_start3A_200 = arith.constant 0 : i32
      %dma_start3A_201 = arith.constant 0 : i32
      %dma_start3A_202 = tpu.memref_slice %arg9[%dma_start3A_200, %dma_start3A_201] : memref<10000x64xf32, #tpu.memory_space<vmem_shared>> -> memref<10000x64xf32, #tpu.memory_space<vmem_shared>>
      %dma_start3A_203 = tpu.memref_slice %arg11[%dma_start3A_192] : memref<5x!tpu.dma_semaphore, #tpu.memory_space<semaphore_mem>> -> memref<1x!tpu.dma_semaphore, #tpu.memory_space<semaphore_mem>>
      %dma_start3A_204 = tpu.memref_squeeze %dma_start3A_203 : memref<1x!tpu.dma_semaphore, #tpu.memory_space<semaphore_mem>> -> memref<!tpu.dma_semaphore, #tpu.memory_space<semaphore_mem>>
      tpu.enqueue_indirect_dma source(%dma_start3A_196 : memref<80x64xf32, #tpu.memory_space<vmem>>) target(%dma_start3A_202 : memref<10000x64xf32, #tpu.memory_space<vmem_shared>>) offsets(%dma_start3A_199 : memref<80xi32, #tpu.memory_space<vmem>>) semaphore(%dma_start3A_204 : memref<!tpu.dma_semaphore, #tpu.memory_space<semaphore_mem>>) {add = true}
      %dma_wait3A_205 = arith.constant 3 : i32
      %dma_wait3A_206 = arith.constant 3 : i32
      %dma_wait3A_207 = arith.constant 0 : i32
      %dma_wait3A_208 = arith.constant 0 : i32
      %dma_wait3A_209 = tpu.memref_slice %arg7[%dma_wait3A_205, %dma_wait3A_207, %dma_wait3A_208] : memref<5x80x64xf32, #tpu.memory_space<vmem>> -> memref<1x80x64xf32, #tpu.memory_space<vmem>>
      %dma_wait3A_210 = tpu.memref_squeeze %dma_wait3A_209 : memref<1x80x64xf32, #tpu.memory_space<vmem>> -> memref<80x64xf32, #tpu.memory_space<vmem>>
      %dma_wait3A_211 = arith.constant 0 : i32
      %dma_wait3A_212 = arith.constant 0 : i32
      %dma_wait3A_213 = tpu.memref_slice %arg2[%dma_wait3A_211, %dma_wait3A_212] : memref<10000x64xf32, #tpu.memory_space<hbm>> -> memref<80x64xf32, #tpu.memory_space<hbm>>
      %dma_wait3A_214 = tpu.memref_slice %arg10[%dma_wait3A_206] : memref<5x!tpu.dma_semaphore, #tpu.memory_space<semaphore_mem>> -> memref<1x!tpu.dma_semaphore, #tpu.memory_space<semaphore_mem>>
      %dma_wait3A_215 = tpu.memref_squeeze %dma_wait3A_214 : memref<1x!tpu.dma_semaphore, #tpu.memory_space<semaphore_mem>> -> memref<!tpu.dma_semaphore, #tpu.memory_space<semaphore_mem>>
      %dma_wait3A_216 = arith.constant 0 : i32
      %dma_wait3A_217 = arith.constant 0 : i32
      %dma_wait3A_218 = tpu.memref_slice %arg7[%dma_wait3A_205, %dma_wait3A_216, %dma_wait3A_217] : memref<5x80x64xf32, #tpu.memory_space<vmem>> -> memref<1x80x64xf32, #tpu.memory_space<vmem>>
      %dma_wait3A_219 = tpu.memref_squeeze %dma_wait3A_218 : memref<1x80x64xf32, #tpu.memory_space<vmem>> -> memref<80x64xf32, #tpu.memory_space<vmem>>
      %dma_wait3A_220 = arith.constant 0 : i32
      %dma_wait3A_221 = arith.constant 0 : i32
      %dma_wait3A_222 = tpu.memref_slice %arg2[%dma_wait3A_220, %dma_wait3A_221] : memref<10000x64xf32, #tpu.memory_space<hbm>> -> memref<80x64xf32, #tpu.memory_space<hbm>>
      tpu.wait_dma2 semaphore(%dma_wait3A_215 : memref<!tpu.dma_semaphore, #tpu.memory_space<semaphore_mem>>) src(%dma_wait3A_222 : memref<80x64xf32, #tpu.memory_space<hbm>>) dst(%dma_wait3A_219 : memref<80x64xf32, #tpu.memory_space<vmem>>)
      %mul3A_223 = arith.constant 5 : i32
      %mul3A_224 = arith.muli %scan3A_97, %mul3A_223 : i32
      %add3A_225 = arith.constant 3 : i32
      %add3A_226 = arith.addi %mul3A_224, %add3A_225 : i32
      %dma_start3A_227 = arith.constant 3 : i32
      %dma_start3A_228 = arith.constant 3 : i32
      %dma_start3A_229 = arith.constant 0 : i32
      %dma_start3A_230 = arith.constant 0 : i32
      %dma_start3A_231 = tpu.memref_slice %arg7[%dma_start3A_227, %dma_start3A_229, %dma_start3A_230] : memref<5x80x64xf32, #tpu.memory_space<vmem>> -> memref<1x80x64xf32, #tpu.memory_space<vmem>>
      %dma_start3A_232 = tpu.memref_squeeze %dma_start3A_231 : memref<1x80x64xf32, #tpu.memory_space<vmem>> -> memref<80x64xf32, #tpu.memory_space<vmem>>
      %dma_start3A_233 = arith.constant 0 : i32
      %dma_start3A_234 = tpu.memref_slice %arg6[%add3A_226, %dma_start3A_233] : memref<125x80xi32, #tpu.memory_space<vmem>> -> memref<1x80xi32, #tpu.memory_space<vmem>>
      %dma_start3A_235 = tpu.memref_squeeze %dma_start3A_234 : memref<1x80xi32, #tpu.memory_space<vmem>> -> memref<80xi32, #tpu.memory_space<vmem>>
      %dma_start3A_236 = arith.constant 0 : i32
      %dma_start3A_237 = arith.constant 0 : i32
      %dma_start3A_238 = tpu.memref_slice %arg9[%dma_start3A_236, %dma_start3A_237] : memref<10000x64xf32, #tpu.memory_space<vmem_shared>> -> memref<10000x64xf32, #tpu.memory_space<vmem_shared>>
      %dma_start3A_239 = tpu.memref_slice %arg11[%dma_start3A_228] : memref<5x!tpu.dma_semaphore, #tpu.memory_space<semaphore_mem>> -> memref<1x!tpu.dma_semaphore, #tpu.memory_space<semaphore_mem>>
      %dma_start3A_240 = tpu.memref_squeeze %dma_start3A_239 : memref<1x!tpu.dma_semaphore, #tpu.memory_space<semaphore_mem>> -> memref<!tpu.dma_semaphore, #tpu.memory_space<semaphore_mem>>
      tpu.enqueue_indirect_dma source(%dma_start3A_232 : memref<80x64xf32, #tpu.memory_space<vmem>>) target(%dma_start3A_238 : memref<10000x64xf32, #tpu.memory_space<vmem_shared>>) offsets(%dma_start3A_235 : memref<80xi32, #tpu.memory_space<vmem>>) semaphore(%dma_start3A_240 : memref<!tpu.dma_semaphore, #tpu.memory_space<semaphore_mem>>) {add = true}
      %dma_wait3A_241 = arith.constant 4 : i32
      %dma_wait3A_242 = arith.constant 4 : i32
      %dma_wait3A_243 = arith.constant 0 : i32
      %dma_wait3A_244 = arith.constant 0 : i32
      %dma_wait3A_245 = tpu.memref_slice %arg7[%dma_wait3A_241, %dma_wait3A_243, %dma_wait3A_244] : memref<5x80x64xf32, #tpu.memory_space<vmem>> -> memref<1x80x64xf32, #tpu.memory_space<vmem>>
      %dma_wait3A_246 = tpu.memref_squeeze %dma_wait3A_245 : memref<1x80x64xf32, #tpu.memory_space<vmem>> -> memref<80x64xf32, #tpu.memory_space<vmem>>
      %dma_wait3A_247 = arith.constant 0 : i32
      %dma_wait3A_248 = arith.constant 0 : i32
      %dma_wait3A_249 = tpu.memref_slice %arg2[%dma_wait3A_247, %dma_wait3A_248] : memref<10000x64xf32, #tpu.memory_space<hbm>> -> memref<80x64xf32, #tpu.memory_space<hbm>>
      %dma_wait3A_250 = tpu.memref_slice %arg10[%dma_wait3A_242] : memref<5x!tpu.dma_semaphore, #tpu.memory_space<semaphore_mem>> -> memref<1x!tpu.dma_semaphore, #tpu.memory_space<semaphore_mem>>
      %dma_wait3A_251 = tpu.memref_squeeze %dma_wait3A_250 : memref<1x!tpu.dma_semaphore, #tpu.memory_space<semaphore_mem>> -> memref<!tpu.dma_semaphore, #tpu.memory_space<semaphore_mem>>
      %dma_wait3A_252 = arith.constant 0 : i32
      %dma_wait3A_253 = arith.constant 0 : i32
      %dma_wait3A_254 = tpu.memref_slice %arg7[%dma_wait3A_241, %dma_wait3A_252, %dma_wait3A_253] : memref<5x80x64xf32, #tpu.memory_space<vmem>> -> memref<1x80x64xf32, #tpu.memory_space<vmem>>
      %dma_wait3A_255 = tpu.memref_squeeze %dma_wait3A_254 : memref<1x80x64xf32, #tpu.memory_space<vmem>> -> memref<80x64xf32, #tpu.memory_space<vmem>>
      %dma_wait3A_256 = arith.constant 0 : i32
      %dma_wait3A_257 = arith.constant 0 : i32
      %dma_wait3A_258 = tpu.memref_slice %arg2[%dma_wait3A_256, %dma_wait3A_257] : memref<10000x64xf32, #tpu.memory_space<hbm>> -> memref<80x64xf32, #tpu.memory_space<hbm>>
      tpu.wait_dma2 semaphore(%dma_wait3A_251 : memref<!tpu.dma_semaphore, #tpu.memory_space<semaphore_mem>>) src(%dma_wait3A_258 : memref<80x64xf32, #tpu.memory_space<hbm>>) dst(%dma_wait3A_255 : memref<80x64xf32, #tpu.memory_space<vmem>>)
      %mul3A_259 = arith.constant 5 : i32
      %mul3A_260 = arith.muli %scan3A_97, %mul3A_259 : i32
      %add3A_261 = arith.constant 4 : i32
      %add3A_262 = arith.addi %mul3A_260, %add3A_261 : i32
      %dma_start3A_263 = arith.constant 4 : i32
      %dma_start3A_264 = arith.constant 4 : i32
      %dma_start3A_265 = arith.constant 0 : i32
      %dma_start3A_266 = arith.constant 0 : i32
      %dma_start3A_267 = tpu.memref_slice %arg7[%dma_start3A_263, %dma_start3A_265, %dma_start3A_266] : memref<5x80x64xf32, #tpu.memory_space<vmem>> -> memref<1x80x64xf32, #tpu.memory_space<vmem>>
      %dma_start3A_268 = tpu.memref_squeeze %dma_start3A_267 : memref<1x80x64xf32, #tpu.memory_space<vmem>> -> memref<80x64xf32, #tpu.memory_space<vmem>>
      %dma_start3A_269 = arith.constant 0 : i32
      %dma_start3A_270 = tpu.memref_slice %arg6[%add3A_262, %dma_start3A_269] : memref<125x80xi32, #tpu.memory_space<vmem>> -> memref<1x80xi32, #tpu.memory_space<vmem>>
      %dma_start3A_271 = tpu.memref_squeeze %dma_start3A_270 : memref<1x80xi32, #tpu.memory_space<vmem>> -> memref<80xi32, #tpu.memory_space<vmem>>
      %dma_start3A_272 = arith.constant 0 : i32
      %dma_start3A_273 = arith.constant 0 : i32
      %dma_start3A_274 = tpu.memref_slice %arg9[%dma_start3A_272, %dma_start3A_273] : memref<10000x64xf32, #tpu.memory_space<vmem_shared>> -> memref<10000x64xf32, #tpu.memory_space<vmem_shared>>
      %dma_start3A_275 = tpu.memref_slice %arg11[%dma_start3A_264] : memref<5x!tpu.dma_semaphore, #tpu.memory_space<semaphore_mem>> -> memref<1x!tpu.dma_semaphore, #tpu.memory_space<semaphore_mem>>
      %dma_start3A_276 = tpu.memref_squeeze %dma_start3A_275 : memref<1x!tpu.dma_semaphore, #tpu.memory_space<semaphore_mem>> -> memref<!tpu.dma_semaphore, #tpu.memory_space<semaphore_mem>>
      tpu.enqueue_indirect_dma source(%dma_start3A_268 : memref<80x64xf32, #tpu.memory_space<vmem>>) target(%dma_start3A_274 : memref<10000x64xf32, #tpu.memory_space<vmem_shared>>) offsets(%dma_start3A_271 : memref<80xi32, #tpu.memory_space<vmem>>) semaphore(%dma_start3A_276 : memref<!tpu.dma_semaphore, #tpu.memory_space<semaphore_mem>>) {add = true}
      %dma_wait3A_277 = arith.constant 0 : i32
      %dma_wait3A_278 = arith.constant 0 : i32
      %dma_wait3A_279 = arith.constant 0 : i32
      %dma_wait3A_280 = arith.constant 0 : i32
      %dma_wait3A_281 = tpu.memref_slice %arg7[%dma_wait3A_277, %dma_wait3A_279, %dma_wait3A_280] : memref<5x80x64xf32, #tpu.memory_space<vmem>> -> memref<1x80x64xf32, #tpu.memory_space<vmem>>
      %dma_wait3A_282 = tpu.memref_squeeze %dma_wait3A_281 : memref<1x80x64xf32, #tpu.memory_space<vmem>> -> memref<80x64xf32, #tpu.memory_space<vmem>>
      %dma_wait3A_283 = arith.constant 0 : i32
      %dma_wait3A_284 = arith.constant 0 : i32
      %dma_wait3A_285 = tpu.memref_slice %arg2[%dma_wait3A_283, %dma_wait3A_284] : memref<10000x64xf32, #tpu.memory_space<hbm>> -> memref<80x64xf32, #tpu.memory_space<hbm>>
      %dma_wait3A_286 = tpu.memref_slice %arg11[%dma_wait3A_278] : memref<5x!tpu.dma_semaphore, #tpu.memory_space<semaphore_mem>> -> memref<1x!tpu.dma_semaphore, #tpu.memory_space<semaphore_mem>>
      %dma_wait3A_287 = tpu.memref_squeeze %dma_wait3A_286 : memref<1x!tpu.dma_semaphore, #tpu.memory_space<semaphore_mem>> -> memref<!tpu.dma_semaphore, #tpu.memory_space<semaphore_mem>>
      %dma_wait3A_288 = arith.constant 0 : i32
      %dma_wait3A_289 = arith.constant 0 : i32
      %dma_wait3A_290 = tpu.memref_slice %arg7[%dma_wait3A_277, %dma_wait3A_288, %dma_wait3A_289] : memref<5x80x64xf32, #tpu.memory_space<vmem>> -> memref<1x80x64xf32, #tpu.memory_space<vmem>>
      %dma_wait3A_291 = tpu.memref_squeeze %dma_wait3A_290 : memref<1x80x64xf32, #tpu.memory_space<vmem>> -> memref<80x64xf32, #tpu.memory_space<vmem>>
      %dma_wait3A_292 = arith.constant 0 : i32
      %dma_wait3A_293 = arith.constant 0 : i32
      %dma_wait3A_294 = tpu.memref_slice %arg2[%dma_wait3A_292, %dma_wait3A_293] : memref<10000x64xf32, #tpu.memory_space<hbm>> -> memref<80x64xf32, #tpu.memory_space<hbm>>
      tpu.wait_dma2 semaphore(%dma_wait3A_287 : memref<!tpu.dma_semaphore, #tpu.memory_space<semaphore_mem>>) src(%dma_wait3A_294 : memref<80x64xf32, #tpu.memory_space<hbm>>) dst(%dma_wait3A_291 : memref<80x64xf32, #tpu.memory_space<vmem>>)
      %add3A_295 = arith.constant 1 : i32
      %add3A_296 = arith.addi %scan3A_97, %add3A_295 : i32
      %lt3A = arith.constant 25 : i32
      %lt3A_297 = arith.cmpi slt, %add3A_296, %lt3A : i32
      %convert_element_type3A_298 = arith.extui %lt3A_297 : i1 to i32
      %cond3A_299 = arith.constant 0 : i32
      %cond3A_300 = arith.cmpi ne, %convert_element_type3A_298, %cond3A_299 : i32
      scf.if %cond3A_300 {
        %add3A_401 = arith.constant 1 : i32
        %add3A_402 = arith.addi %scan3A_97, %add3A_401 : i32
        %mul3A_403 = arith.constant 5 : i32
        %mul3A_404 = arith.muli %add3A_402, %mul3A_403 : i32
        %add3A_405 = arith.constant 0 : i32
        %add3A_406 = arith.addi %mul3A_404, %add3A_405 : i32
        %dma_start3A_407 = arith.constant 0 : i32
        %dma_start3A_408 = arith.constant 0 : i32
        %dma_start3A_409 = arith.constant 0 : i32
        %dma_start3A_410 = arith.constant 0 : i32
        %dma_start3A_411 = tpu.memref_slice %arg7[%dma_start3A_407, %dma_start3A_409, %dma_start3A_410] : memref<5x80x64xf32, #tpu.memory_space<vmem>> -> memref<1x80x64xf32, #tpu.memory_space<vmem>>
        %dma_start3A_412 = tpu.memref_squeeze %dma_start3A_411 : memref<1x80x64xf32, #tpu.memory_space<vmem>> -> memref<80x64xf32, #tpu.memory_space<vmem>>
        %dma_start3A_413 = arith.constant 0 : i32
        %dma_start3A_414 = tpu.memref_slice %arg5[%add3A_406, %dma_start3A_413] : memref<125x80xi32, #tpu.memory_space<vmem>> -> memref<1x80xi32, #tpu.memory_space<vmem>>
        %dma_start3A_415 = tpu.memref_squeeze %dma_start3A_414 : memref<1x80xi32, #tpu.memory_space<vmem>> -> memref<80xi32, #tpu.memory_space<vmem>>
        %dma_start3A_416 = arith.constant 0 : i32
        %dma_start3A_417 = arith.constant 0 : i32
        %dma_start3A_418 = tpu.memref_slice %arg2[%dma_start3A_416, %dma_start3A_417] : memref<10000x64xf32, #tpu.memory_space<hbm>> -> memref<10000x64xf32, #tpu.memory_space<hbm>>
        %dma_start3A_419 = tpu.memref_slice %arg10[%dma_start3A_408] : memref<5x!tpu.dma_semaphore, #tpu.memory_space<semaphore_mem>> -> memref<1x!tpu.dma_semaphore, #tpu.memory_space<semaphore_mem>>
        %dma_start3A_420 = tpu.memref_squeeze %dma_start3A_419 : memref<1x!tpu.dma_semaphore, #tpu.memory_space<semaphore_mem>> -> memref<!tpu.dma_semaphore, #tpu.memory_space<semaphore_mem>>
        tpu.enqueue_indirect_dma source(%dma_start3A_418 : memref<10000x64xf32, #tpu.memory_space<hbm>>) target(%dma_start3A_412 : memref<80x64xf32, #tpu.memory_space<vmem>>) offsets(%dma_start3A_415 : memref<80xi32, #tpu.memory_space<vmem>>) semaphore(%dma_start3A_420 : memref<!tpu.dma_semaphore, #tpu.memory_space<semaphore_mem>>)
      } else {
      }
      %dma_wait3A_301 = arith.constant 1 : i32
      %dma_wait3A_302 = arith.constant 1 : i32
      %dma_wait3A_303 = arith.constant 0 : i32
      %dma_wait3A_304 = arith.constant 0 : i32
      %dma_wait3A_305 = tpu.memref_slice %arg7[%dma_wait3A_301, %dma_wait3A_303, %dma_wait3A_304] : memref<5x80x64xf32, #tpu.memory_space<vmem>> -> memref<1x80x64xf32, #tpu.memory_space<vmem>>
      %dma_wait3A_306 = tpu.memref_squeeze %dma_wait3A_305 : memref<1x80x64xf32, #tpu.memory_space<vmem>> -> memref<80x64xf32, #tpu.memory_space<vmem>>
      %dma_wait3A_307 = arith.constant 0 : i32
      %dma_wait3A_308 = arith.constant 0 : i32
      %dma_wait3A_309 = tpu.memref_slice %arg2[%dma_wait3A_307, %dma_wait3A_308] : memref<10000x64xf32, #tpu.memory_space<hbm>> -> memref<80x64xf32, #tpu.memory_space<hbm>>
      %dma_wait3A_310 = tpu.memref_slice %arg11[%dma_wait3A_302] : memref<5x!tpu.dma_semaphore, #tpu.memory_space<semaphore_mem>> -> memref<1x!tpu.dma_semaphore, #tpu.memory_space<semaphore_mem>>
      %dma_wait3A_311 = tpu.memref_squeeze %dma_wait3A_310 : memref<1x!tpu.dma_semaphore, #tpu.memory_space<semaphore_mem>> -> memref<!tpu.dma_semaphore, #tpu.memory_space<semaphore_mem>>
      %dma_wait3A_312 = arith.constant 0 : i32
      %dma_wait3A_313 = arith.constant 0 : i32
      %dma_wait3A_314 = tpu.memref_slice %arg7[%dma_wait3A_301, %dma_wait3A_312, %dma_wait3A_313] : memref<5x80x64xf32, #tpu.memory_space<vmem>> -> memref<1x80x64xf32, #tpu.memory_space<vmem>>
      %dma_wait3A_315 = tpu.memref_squeeze %dma_wait3A_314 : memref<1x80x64xf32, #tpu.memory_space<vmem>> -> memref<80x64xf32, #tpu.memory_space<vmem>>
      %dma_wait3A_316 = arith.constant 0 : i32
      %dma_wait3A_317 = arith.constant 0 : i32
      %dma_wait3A_318 = tpu.memref_slice %arg2[%dma_wait3A_316, %dma_wait3A_317] : memref<10000x64xf32, #tpu.memory_space<hbm>> -> memref<80x64xf32, #tpu.memory_space<hbm>>
      tpu.wait_dma2 semaphore(%dma_wait3A_311 : memref<!tpu.dma_semaphore, #tpu.memory_space<semaphore_mem>>) src(%dma_wait3A_318 : memref<80x64xf32, #tpu.memory_space<hbm>>) dst(%dma_wait3A_315 : memref<80x64xf32, #tpu.memory_space<vmem>>)
      %add3A_319 = arith.constant 1 : i32
      %add3A_320 = arith.addi %scan3A_97, %add3A_319 : i32
      %lt3A_321 = arith.constant 25 : i32
      %lt3A_322 = arith.cmpi slt, %add3A_320, %lt3A_321 : i32
      %convert_element_type3A_323 = arith.extui %lt3A_322 : i1 to i32
      %cond3A_324 = arith.constant 0 : i32
      %cond3A_325 = arith.cmpi ne, %convert_element_type3A_323, %cond3A_324 : i32
      scf.if %cond3A_325 {
        %add3A_401 = arith.constant 1 : i32
        %add3A_402 = arith.addi %scan3A_97, %add3A_401 : i32
        %mul3A_403 = arith.constant 5 : i32
        %mul3A_404 = arith.muli %add3A_402, %mul3A_403 : i32
        %add3A_405 = arith.constant 1 : i32
        %add3A_406 = arith.addi %mul3A_404, %add3A_405 : i32
        %dma_start3A_407 = arith.constant 1 : i32
        %dma_start3A_408 = arith.constant 1 : i32
        %dma_start3A_409 = arith.constant 0 : i32
        %dma_start3A_410 = arith.constant 0 : i32
        %dma_start3A_411 = tpu.memref_slice %arg7[%dma_start3A_407, %dma_start3A_409, %dma_start3A_410] : memref<5x80x64xf32, #tpu.memory_space<vmem>> -> memref<1x80x64xf32, #tpu.memory_space<vmem>>
        %dma_start3A_412 = tpu.memref_squeeze %dma_start3A_411 : memref<1x80x64xf32, #tpu.memory_space<vmem>> -> memref<80x64xf32, #tpu.memory_space<vmem>>
        %dma_start3A_413 = arith.constant 0 : i32
        %dma_start3A_414 = tpu.memref_slice %arg5[%add3A_406, %dma_start3A_413] : memref<125x80xi32, #tpu.memory_space<vmem>> -> memref<1x80xi32, #tpu.memory_space<vmem>>
        %dma_start3A_415 = tpu.memref_squeeze %dma_start3A_414 : memref<1x80xi32, #tpu.memory_space<vmem>> -> memref<80xi32, #tpu.memory_space<vmem>>
        %dma_start3A_416 = arith.constant 0 : i32
        %dma_start3A_417 = arith.constant 0 : i32
        %dma_start3A_418 = tpu.memref_slice %arg2[%dma_start3A_416, %dma_start3A_417] : memref<10000x64xf32, #tpu.memory_space<hbm>> -> memref<10000x64xf32, #tpu.memory_space<hbm>>
        %dma_start3A_419 = tpu.memref_slice %arg10[%dma_start3A_408] : memref<5x!tpu.dma_semaphore, #tpu.memory_space<semaphore_mem>> -> memref<1x!tpu.dma_semaphore, #tpu.memory_space<semaphore_mem>>
        %dma_start3A_420 = tpu.memref_squeeze %dma_start3A_419 : memref<1x!tpu.dma_semaphore, #tpu.memory_space<semaphore_mem>> -> memref<!tpu.dma_semaphore, #tpu.memory_space<semaphore_mem>>
        tpu.enqueue_indirect_dma source(%dma_start3A_418 : memref<10000x64xf32, #tpu.memory_space<hbm>>) target(%dma_start3A_412 : memref<80x64xf32, #tpu.memory_space<vmem>>) offsets(%dma_start3A_415 : memref<80xi32, #tpu.memory_space<vmem>>) semaphore(%dma_start3A_420 : memref<!tpu.dma_semaphore, #tpu.memory_space<semaphore_mem>>)
      } else {
      }
      %dma_wait3A_326 = arith.constant 2 : i32
      %dma_wait3A_327 = arith.constant 2 : i32
      %dma_wait3A_328 = arith.constant 0 : i32
      %dma_wait3A_329 = arith.constant 0 : i32
      %dma_wait3A_330 = tpu.memref_slice %arg7[%dma_wait3A_326, %dma_wait3A_328, %dma_wait3A_329] : memref<5x80x64xf32, #tpu.memory_space<vmem>> -> memref<1x80x64xf32, #tpu.memory_space<vmem>>
      %dma_wait3A_331 = tpu.memref_squeeze %dma_wait3A_330 : memref<1x80x64xf32, #tpu.memory_space<vmem>> -> memref<80x64xf32, #tpu.memory_space<vmem>>
      %dma_wait3A_332 = arith.constant 0 : i32
      %dma_wait3A_333 = arith.constant 0 : i32
      %dma_wait3A_334 = tpu.memref_slice %arg2[%dma_wait3A_332, %dma_wait3A_333] : memref<10000x64xf32, #tpu.memory_space<hbm>> -> memref<80x64xf32, #tpu.memory_space<hbm>>
      %dma_wait3A_335 = tpu.memref_slice %arg11[%dma_wait3A_327] : memref<5x!tpu.dma_semaphore, #tpu.memory_space<semaphore_mem>> -> memref<1x!tpu.dma_semaphore, #tpu.memory_space<semaphore_mem>>
      %dma_wait3A_336 = tpu.memref_squeeze %dma_wait3A_335 : memref<1x!tpu.dma_semaphore, #tpu.memory_space<semaphore_mem>> -> memref<!tpu.dma_semaphore, #tpu.memory_space<semaphore_mem>>
      %dma_wait3A_337 = arith.constant 0 : i32
      %dma_wait3A_338 = arith.constant 0 : i32
      %dma_wait3A_339 = tpu.memref_slice %arg7[%dma_wait3A_326, %dma_wait3A_337, %dma_wait3A_338] : memref<5x80x64xf32, #tpu.memory_space<vmem>> -> memref<1x80x64xf32, #tpu.memory_space<vmem>>
      %dma_wait3A_340 = tpu.memref_squeeze %dma_wait3A_339 : memref<1x80x64xf32, #tpu.memory_space<vmem>> -> memref<80x64xf32, #tpu.memory_space<vmem>>
      %dma_wait3A_341 = arith.constant 0 : i32
      %dma_wait3A_342 = arith.constant 0 : i32
      %dma_wait3A_343 = tpu.memref_slice %arg2[%dma_wait3A_341, %dma_wait3A_342] : memref<10000x64xf32, #tpu.memory_space<hbm>> -> memref<80x64xf32, #tpu.memory_space<hbm>>
      tpu.wait_dma2 semaphore(%dma_wait3A_336 : memref<!tpu.dma_semaphore, #tpu.memory_space<semaphore_mem>>) src(%dma_wait3A_343 : memref<80x64xf32, #tpu.memory_space<hbm>>) dst(%dma_wait3A_340 : memref<80x64xf32, #tpu.memory_space<vmem>>)
      %add3A_344 = arith.constant 1 : i32
      %add3A_345 = arith.addi %scan3A_97, %add3A_344 : i32
      %lt3A_346 = arith.constant 25 : i32
      %lt3A_347 = arith.cmpi slt, %add3A_345, %lt3A_346 : i32
      %convert_element_type3A_348 = arith.extui %lt3A_347 : i1 to i32
      %cond3A_349 = arith.constant 0 : i32
      %cond3A_350 = arith.cmpi ne, %convert_element_type3A_348, %cond3A_349 : i32
      scf.if %cond3A_350 {
        %add3A_401 = arith.constant 1 : i32
        %add3A_402 = arith.addi %scan3A_97, %add3A_401 : i32
        %mul3A_403 = arith.constant 5 : i32
        %mul3A_404 = arith.muli %add3A_402, %mul3A_403 : i32
        %add3A_405 = arith.constant 2 : i32
        %add3A_406 = arith.addi %mul3A_404, %add3A_405 : i32
        %dma_start3A_407 = arith.constant 2 : i32
        %dma_start3A_408 = arith.constant 2 : i32
        %dma_start3A_409 = arith.constant 0 : i32
        %dma_start3A_410 = arith.constant 0 : i32
        %dma_start3A_411 = tpu.memref_slice %arg7[%dma_start3A_407, %dma_start3A_409, %dma_start3A_410] : memref<5x80x64xf32, #tpu.memory_space<vmem>> -> memref<1x80x64xf32, #tpu.memory_space<vmem>>
        %dma_start3A_412 = tpu.memref_squeeze %dma_start3A_411 : memref<1x80x64xf32, #tpu.memory_space<vmem>> -> memref<80x64xf32, #tpu.memory_space<vmem>>
        %dma_start3A_413 = arith.constant 0 : i32
        %dma_start3A_414 = tpu.memref_slice %arg5[%add3A_406, %dma_start3A_413] : memref<125x80xi32, #tpu.memory_space<vmem>> -> memref<1x80xi32, #tpu.memory_space<vmem>>
        %dma_start3A_415 = tpu.memref_squeeze %dma_start3A_414 : memref<1x80xi32, #tpu.memory_space<vmem>> -> memref<80xi32, #tpu.memory_space<vmem>>
        %dma_start3A_416 = arith.constant 0 : i32
        %dma_start3A_417 = arith.constant 0 : i32
        %dma_start3A_418 = tpu.memref_slice %arg2[%dma_start3A_416, %dma_start3A_417] : memref<10000x64xf32, #tpu.memory_space<hbm>> -> memref<10000x64xf32, #tpu.memory_space<hbm>>
        %dma_start3A_419 = tpu.memref_slice %arg10[%dma_start3A_408] : memref<5x!tpu.dma_semaphore, #tpu.memory_space<semaphore_mem>> -> memref<1x!tpu.dma_semaphore, #tpu.memory_space<semaphore_mem>>
        %dma_start3A_420 = tpu.memref_squeeze %dma_start3A_419 : memref<1x!tpu.dma_semaphore, #tpu.memory_space<semaphore_mem>> -> memref<!tpu.dma_semaphore, #tpu.memory_space<semaphore_mem>>
        tpu.enqueue_indirect_dma source(%dma_start3A_418 : memref<10000x64xf32, #tpu.memory_space<hbm>>) target(%dma_start3A_412 : memref<80x64xf32, #tpu.memory_space<vmem>>) offsets(%dma_start3A_415 : memref<80xi32, #tpu.memory_space<vmem>>) semaphore(%dma_start3A_420 : memref<!tpu.dma_semaphore, #tpu.memory_space<semaphore_mem>>)
      } else {
      }
      %dma_wait3A_351 = arith.constant 3 : i32
      %dma_wait3A_352 = arith.constant 3 : i32
      %dma_wait3A_353 = arith.constant 0 : i32
      %dma_wait3A_354 = arith.constant 0 : i32
      %dma_wait3A_355 = tpu.memref_slice %arg7[%dma_wait3A_351, %dma_wait3A_353, %dma_wait3A_354] : memref<5x80x64xf32, #tpu.memory_space<vmem>> -> memref<1x80x64xf32, #tpu.memory_space<vmem>>
      %dma_wait3A_356 = tpu.memref_squeeze %dma_wait3A_355 : memref<1x80x64xf32, #tpu.memory_space<vmem>> -> memref<80x64xf32, #tpu.memory_space<vmem>>
      %dma_wait3A_357 = arith.constant 0 : i32
      %dma_wait3A_358 = arith.constant 0 : i32
      %dma_wait3A_359 = tpu.memref_slice %arg2[%dma_wait3A_357, %dma_wait3A_358] : memref<10000x64xf32, #tpu.memory_space<hbm>> -> memref<80x64xf32, #tpu.memory_space<hbm>>
      %dma_wait3A_360 = tpu.memref_slice %arg11[%dma_wait3A_352] : memref<5x!tpu.dma_semaphore, #tpu.memory_space<semaphore_mem>> -> memref<1x!tpu.dma_semaphore, #tpu.memory_space<semaphore_mem>>
      %dma_wait3A_361 = tpu.memref_squeeze %dma_wait3A_360 : memref<1x!tpu.dma_semaphore, #tpu.memory_space<semaphore_mem>> -> memref<!tpu.dma_semaphore, #tpu.memory_space<semaphore_mem>>
      %dma_wait3A_362 = arith.constant 0 : i32
      %dma_wait3A_363 = arith.constant 0 : i32
      %dma_wait3A_364 = tpu.memref_slice %arg7[%dma_wait3A_351, %dma_wait3A_362, %dma_wait3A_363] : memref<5x80x64xf32, #tpu.memory_space<vmem>> -> memref<1x80x64xf32, #tpu.memory_space<vmem>>
      %dma_wait3A_365 = tpu.memref_squeeze %dma_wait3A_364 : memref<1x80x64xf32, #tpu.memory_space<vmem>> -> memref<80x64xf32, #tpu.memory_space<vmem>>
      %dma_wait3A_366 = arith.constant 0 : i32
      %dma_wait3A_367 = arith.constant 0 : i32
      %dma_wait3A_368 = tpu.memref_slice %arg2[%dma_wait3A_366, %dma_wait3A_367] : memref<10000x64xf32, #tpu.memory_space<hbm>> -> memref<80x64xf32, #tpu.memory_space<hbm>>
      tpu.wait_dma2 semaphore(%dma_wait3A_361 : memref<!tpu.dma_semaphore, #tpu.memory_space<semaphore_mem>>) src(%dma_wait3A_368 : memref<80x64xf32, #tpu.memory_space<hbm>>) dst(%dma_wait3A_365 : memref<80x64xf32, #tpu.memory_space<vmem>>)
      %add3A_369 = arith.constant 1 : i32
      %add3A_370 = arith.addi %scan3A_97, %add3A_369 : i32
      %lt3A_371 = arith.constant 25 : i32
      %lt3A_372 = arith.cmpi slt, %add3A_370, %lt3A_371 : i32
      %convert_element_type3A_373 = arith.extui %lt3A_372 : i1 to i32
      %cond3A_374 = arith.constant 0 : i32
      %cond3A_375 = arith.cmpi ne, %convert_element_type3A_373, %cond3A_374 : i32
      scf.if %cond3A_375 {
        %add3A_401 = arith.constant 1 : i32
        %add3A_402 = arith.addi %scan3A_97, %add3A_401 : i32
        %mul3A_403 = arith.constant 5 : i32
        %mul3A_404 = arith.muli %add3A_402, %mul3A_403 : i32
        %add3A_405 = arith.constant 3 : i32
        %add3A_406 = arith.addi %mul3A_404, %add3A_405 : i32
        %dma_start3A_407 = arith.constant 3 : i32
        %dma_start3A_408 = arith.constant 3 : i32
        %dma_start3A_409 = arith.constant 0 : i32
        %dma_start3A_410 = arith.constant 0 : i32
        %dma_start3A_411 = tpu.memref_slice %arg7[%dma_start3A_407, %dma_start3A_409, %dma_start3A_410] : memref<5x80x64xf32, #tpu.memory_space<vmem>> -> memref<1x80x64xf32, #tpu.memory_space<vmem>>
        %dma_start3A_412 = tpu.memref_squeeze %dma_start3A_411 : memref<1x80x64xf32, #tpu.memory_space<vmem>> -> memref<80x64xf32, #tpu.memory_space<vmem>>
        %dma_start3A_413 = arith.constant 0 : i32
        %dma_start3A_414 = tpu.memref_slice %arg5[%add3A_406, %dma_start3A_413] : memref<125x80xi32, #tpu.memory_space<vmem>> -> memref<1x80xi32, #tpu.memory_space<vmem>>
        %dma_start3A_415 = tpu.memref_squeeze %dma_start3A_414 : memref<1x80xi32, #tpu.memory_space<vmem>> -> memref<80xi32, #tpu.memory_space<vmem>>
        %dma_start3A_416 = arith.constant 0 : i32
        %dma_start3A_417 = arith.constant 0 : i32
        %dma_start3A_418 = tpu.memref_slice %arg2[%dma_start3A_416, %dma_start3A_417] : memref<10000x64xf32, #tpu.memory_space<hbm>> -> memref<10000x64xf32, #tpu.memory_space<hbm>>
        %dma_start3A_419 = tpu.memref_slice %arg10[%dma_start3A_408] : memref<5x!tpu.dma_semaphore, #tpu.memory_space<semaphore_mem>> -> memref<1x!tpu.dma_semaphore, #tpu.memory_space<semaphore_mem>>
        %dma_start3A_420 = tpu.memref_squeeze %dma_start3A_419 : memref<1x!tpu.dma_semaphore, #tpu.memory_space<semaphore_mem>> -> memref<!tpu.dma_semaphore, #tpu.memory_space<semaphore_mem>>
        tpu.enqueue_indirect_dma source(%dma_start3A_418 : memref<10000x64xf32, #tpu.memory_space<hbm>>) target(%dma_start3A_412 : memref<80x64xf32, #tpu.memory_space<vmem>>) offsets(%dma_start3A_415 : memref<80xi32, #tpu.memory_space<vmem>>) semaphore(%dma_start3A_420 : memref<!tpu.dma_semaphore, #tpu.memory_space<semaphore_mem>>)
      } else {
      }
      %dma_wait3A_376 = arith.constant 4 : i32
      %dma_wait3A_377 = arith.constant 4 : i32
      %dma_wait3A_378 = arith.constant 0 : i32
      %dma_wait3A_379 = arith.constant 0 : i32
      %dma_wait3A_380 = tpu.memref_slice %arg7[%dma_wait3A_376, %dma_wait3A_378, %dma_wait3A_379] : memref<5x80x64xf32, #tpu.memory_space<vmem>> -> memref<1x80x64xf32, #tpu.memory_space<vmem>>
      %dma_wait3A_381 = tpu.memref_squeeze %dma_wait3A_380 : memref<1x80x64xf32, #tpu.memory_space<vmem>> -> memref<80x64xf32, #tpu.memory_space<vmem>>
      %dma_wait3A_382 = arith.constant 0 : i32
      %dma_wait3A_383 = arith.constant 0 : i32
      %dma_wait3A_384 = tpu.memref_slice %arg2[%dma_wait3A_382, %dma_wait3A_383] : memref<10000x64xf32, #tpu.memory_space<hbm>> -> memref<80x64xf32, #tpu.memory_space<hbm>>
      %dma_wait3A_385 = tpu.memref_slice %arg11[%dma_wait3A_377] : memref<5x!tpu.dma_semaphore, #tpu.memory_space<semaphore_mem>> -> memref<1x!tpu.dma_semaphore, #tpu.memory_space<semaphore_mem>>
      %dma_wait3A_386 = tpu.memref_squeeze %dma_wait3A_385 : memref<1x!tpu.dma_semaphore, #tpu.memory_space<semaphore_mem>> -> memref<!tpu.dma_semaphore, #tpu.memory_space<semaphore_mem>>
      %dma_wait3A_387 = arith.constant 0 : i32
      %dma_wait3A_388 = arith.constant 0 : i32
      %dma_wait3A_389 = tpu.memref_slice %arg7[%dma_wait3A_376, %dma_wait3A_387, %dma_wait3A_388] : memref<5x80x64xf32, #tpu.memory_space<vmem>> -> memref<1x80x64xf32, #tpu.memory_space<vmem>>
      %dma_wait3A_390 = tpu.memref_squeeze %dma_wait3A_389 : memref<1x80x64xf32, #tpu.memory_space<vmem>> -> memref<80x64xf32, #tpu.memory_space<vmem>>
      %dma_wait3A_391 = arith.constant 0 : i32
      %dma_wait3A_392 = arith.constant 0 : i32
      %dma_wait3A_393 = tpu.memref_slice %arg2[%dma_wait3A_391, %dma_wait3A_392] : memref<10000x64xf32, #tpu.memory_space<hbm>> -> memref<80x64xf32, #tpu.memory_space<hbm>>
      tpu.wait_dma2 semaphore(%dma_wait3A_386 : memref<!tpu.dma_semaphore, #tpu.memory_space<semaphore_mem>>) src(%dma_wait3A_393 : memref<80x64xf32, #tpu.memory_space<hbm>>) dst(%dma_wait3A_390 : memref<80x64xf32, #tpu.memory_space<vmem>>)
      %add3A_394 = arith.constant 1 : i32
      %add3A_395 = arith.addi %scan3A_97, %add3A_394 : i32
      %lt3A_396 = arith.constant 25 : i32
      %lt3A_397 = arith.cmpi slt, %add3A_395, %lt3A_396 : i32
      %convert_element_type3A_398 = arith.extui %lt3A_397 : i1 to i32
      %cond3A_399 = arith.constant 0 : i32
      %cond3A_400 = arith.cmpi ne, %convert_element_type3A_398, %cond3A_399 : i32
      scf.if %cond3A_400 {
        %add3A_401 = arith.constant 1 : i32
        %add3A_402 = arith.addi %scan3A_97, %add3A_401 : i32
        %mul3A_403 = arith.constant 5 : i32
        %mul3A_404 = arith.muli %add3A_402, %mul3A_403 : i32
        %add3A_405 = arith.constant 4 : i32
        %add3A_406 = arith.addi %mul3A_404, %add3A_405 : i32
        %dma_start3A_407 = arith.constant 4 : i32
        %dma_start3A_408 = arith.constant 4 : i32
        %dma_start3A_409 = arith.constant 0 : i32
        %dma_start3A_410 = arith.constant 0 : i32
        %dma_start3A_411 = tpu.memref_slice %arg7[%dma_start3A_407, %dma_start3A_409, %dma_start3A_410] : memref<5x80x64xf32, #tpu.memory_space<vmem>> -> memref<1x80x64xf32, #tpu.memory_space<vmem>>
        %dma_start3A_412 = tpu.memref_squeeze %dma_start3A_411 : memref<1x80x64xf32, #tpu.memory_space<vmem>> -> memref<80x64xf32, #tpu.memory_space<vmem>>
        %dma_start3A_413 = arith.constant 0 : i32
        %dma_start3A_414 = tpu.memref_slice %arg5[%add3A_406, %dma_start3A_413] : memref<125x80xi32, #tpu.memory_space<vmem>> -> memref<1x80xi32, #tpu.memory_space<vmem>>
        %dma_start3A_415 = tpu.memref_squeeze %dma_start3A_414 : memref<1x80xi32, #tpu.memory_space<vmem>> -> memref<80xi32, #tpu.memory_space<vmem>>
        %dma_start3A_416 = arith.constant 0 : i32
        %dma_start3A_417 = arith.constant 0 : i32
        %dma_start3A_418 = tpu.memref_slice %arg2[%dma_start3A_416, %dma_start3A_417] : memref<10000x64xf32, #tpu.memory_space<hbm>> -> memref<10000x64xf32, #tpu.memory_space<hbm>>
        %dma_start3A_419 = tpu.memref_slice %arg10[%dma_start3A_408] : memref<5x!tpu.dma_semaphore, #tpu.memory_space<semaphore_mem>> -> memref<1x!tpu.dma_semaphore, #tpu.memory_space<semaphore_mem>>
        %dma_start3A_420 = tpu.memref_squeeze %dma_start3A_419 : memref<1x!tpu.dma_semaphore, #tpu.memory_space<semaphore_mem>> -> memref<!tpu.dma_semaphore, #tpu.memory_space<semaphore_mem>>
        tpu.enqueue_indirect_dma source(%dma_start3A_418 : memref<10000x64xf32, #tpu.memory_space<hbm>>) target(%dma_start3A_412 : memref<80x64xf32, #tpu.memory_space<vmem>>) offsets(%dma_start3A_415 : memref<80xi32, #tpu.memory_space<vmem>>) semaphore(%dma_start3A_420 : memref<!tpu.dma_semaphore, #tpu.memory_space<semaphore_mem>>)
      } else {
      }
    }
    %scan3A_88 = arith.constant 25 : i32
    %barrier3A_89 = arith.constant 0 : index
    tpu.barrier barrier_id(%barrier3A_89)
    %mul3A_90 = arith.constant 64 : i32
    %mul3A_91 = arith.muli %arg0, %mul3A_90 : i32
    "tpu.region"() ({
      %run_scoped3A_97 = tpu.sem_alloc : memref<!tpu.dma_semaphore, #tpu.memory_space<semaphore_mem>>
      %dma_start3A_98 = arith.constant 0 : i32
      %dma_start3A_99 = arith.constant 0 : i32
      %dma_start3A_100 = tpu.memref_slice %arg8[%dma_start3A_98, %dma_start3A_99] : memref<640x64xf32, #tpu.memory_space<vmem>> -> memref<624x64xf32, #tpu.memory_space<vmem>>
      %dma_start3A_101 = arith.constant 0 : i32
      %dma_start3A_102 = tpu.memref_slice %arg9[%mul3A_81, %dma_start3A_101] : memref<10000x64xf32, #tpu.memory_space<vmem_shared>> -> memref<624x64xf32, #tpu.memory_space<vmem_shared>>
      %dma_start3A_103 = arith.constant 0 : i32
      %dma_start3A_104 = arith.constant 0 : i32
      %dma_start3A_105 = tpu.memref_slice %arg8[%dma_start3A_103, %dma_start3A_104] : memref<640x64xf32, #tpu.memory_space<vmem>> -> memref<624x64xf32, #tpu.memory_space<vmem>>
      %dma_start3A_106 = arith.constant 0 : i32
      %dma_start3A_107 = tpu.memref_slice %arg9[%mul3A_81, %dma_start3A_106] : memref<10000x64xf32, #tpu.memory_space<vmem_shared>> -> memref<624x64xf32, #tpu.memory_space<vmem_shared>>
      tpu.enqueue_dma source(%dma_start3A_107 : memref<624x64xf32, #tpu.memory_space<vmem_shared>>) target(%dma_start3A_105 : memref<624x64xf32, #tpu.memory_space<vmem>>) target_semaphore(%run_scoped3A_97 : memref<!tpu.dma_semaphore, #tpu.memory_space<semaphore_mem>>)
      %dma_wait3A = arith.constant 0 : i32
      %dma_wait3A_108 = arith.constant 0 : i32
      %dma_wait3A_109 = tpu.memref_slice %arg8[%dma_wait3A, %dma_wait3A_108] : memref<640x64xf32, #tpu.memory_space<vmem>> -> memref<624x64xf32, #tpu.memory_space<vmem>>
      %dma_wait3A_110 = arith.constant 0 : i32
      %dma_wait3A_111 = tpu.memref_slice %arg9[%mul3A_81, %dma_wait3A_110] : memref<10000x64xf32, #tpu.memory_space<vmem_shared>> -> memref<624x64xf32, #tpu.memory_space<vmem_shared>>
      %dma_wait3A_112 = arith.constant 0 : i32
      %dma_wait3A_113 = arith.constant 0 : i32
      %dma_wait3A_114 = tpu.memref_slice %arg8[%dma_wait3A_112, %dma_wait3A_113] : memref<640x64xf32, #tpu.memory_space<vmem>> -> memref<624x64xf32, #tpu.memory_space<vmem>>
      %dma_wait3A_115 = arith.constant 0 : i32
      %dma_wait3A_116 = tpu.memref_slice %arg9[%mul3A_81, %dma_wait3A_115] : memref<10000x64xf32, #tpu.memory_space<vmem_shared>> -> memref<624x64xf32, #tpu.memory_space<vmem_shared>>
      tpu.wait_dma2 semaphore(%run_scoped3A_97 : memref<!tpu.dma_semaphore, #tpu.memory_space<semaphore_mem>>) src(%dma_wait3A_116 : memref<624x64xf32, #tpu.memory_space<vmem_shared>>) dst(%dma_wait3A_114 : memref<624x64xf32, #tpu.memory_space<vmem>>)
      tpu.yield
    }) : () -> ()
    "tpu.region"() ({
      %run_scoped3A_97 = tpu.sem_alloc : memref<!tpu.dma_semaphore, #tpu.memory_space<semaphore_mem>>
      %dma_start3A_98 = arith.constant 0 : i32
      %dma_start3A_99 = arith.constant 0 : i32
      %dma_start3A_100 = tpu.memref_slice %arg8[%dma_start3A_98, %dma_start3A_99] : memref<640x64xf32, #tpu.memory_space<vmem>> -> memref<624x64xf32, #tpu.memory_space<vmem>>
      %dma_start3A_101 = tpu.memref_slice %arg4[%mul3A_81, %mul3A_91] : memref<10000x128xf32, #tpu.memory_space<hbm>> -> memref<624x64xf32, #tpu.memory_space<hbm>>
      %dma_start3A_102 = tpu.memref_slice %arg4[%mul3A_81, %mul3A_91] : memref<10000x128xf32, #tpu.memory_space<hbm>> -> memref<624x64xf32, #tpu.memory_space<hbm>>
      %dma_start3A_103 = arith.constant 0 : i32
      %dma_start3A_104 = arith.constant 0 : i32
      %dma_start3A_105 = tpu.memref_slice %arg8[%dma_start3A_103, %dma_start3A_104] : memref<640x64xf32, #tpu.memory_space<vmem>> -> memref<624x64xf32, #tpu.memory_space<vmem>>
      tpu.enqueue_dma source(%dma_start3A_105 : memref<624x64xf32, #tpu.memory_space<vmem>>) target(%dma_start3A_102 : memref<624x64xf32, #tpu.memory_space<hbm>>) target_semaphore(%run_scoped3A_97 : memref<!tpu.dma_semaphore, #tpu.memory_space<semaphore_mem>>)
      %dma_wait3A = arith.constant 0 : i32
      %dma_wait3A_106 = arith.constant 0 : i32
      %dma_wait3A_107 = tpu.memref_slice %arg8[%dma_wait3A, %dma_wait3A_106] : memref<640x64xf32, #tpu.memory_space<vmem>> -> memref<624x64xf32, #tpu.memory_space<vmem>>
      %dma_wait3A_108 = tpu.memref_slice %arg4[%mul3A_81, %mul3A_91] : memref<10000x128xf32, #tpu.memory_space<hbm>> -> memref<624x64xf32, #tpu.memory_space<hbm>>
      %dma_wait3A_109 = tpu.memref_slice %arg4[%mul3A_81, %mul3A_91] : memref<10000x128xf32, #tpu.memory_space<hbm>> -> memref<624x64xf32, #tpu.memory_space<hbm>>
      %dma_wait3A_110 = arith.constant 0 : i32
      %dma_wait3A_111 = arith.constant 0 : i32
      %dma_wait3A_112 = tpu.memref_slice %arg8[%dma_wait3A_110, %dma_wait3A_111] : memref<640x64xf32, #tpu.memory_space<vmem>> -> memref<624x64xf32, #tpu.memory_space<vmem>>
      tpu.wait_dma2 semaphore(%run_scoped3A_97 : memref<!tpu.dma_semaphore, #tpu.memory_space<semaphore_mem>>) src(%dma_wait3A_112 : memref<624x64xf32, #tpu.memory_space<vmem>>) dst(%dma_wait3A_109 : memref<624x64xf32, #tpu.memory_space<hbm>>)
      tpu.yield
    }) : () -> ()
    %eq3A_92 = arith.constant 15 : i32
    %eq3A_93 = arith.cmpi eq, %arg1, %eq3A_92 : i32
    %convert_element_type3A_94 = arith.extui %eq3A_93 : i1 to i32
    %cond3A_95 = arith.constant 0 : i32
    %cond3A_96 = arith.cmpi ne, %convert_element_type3A_94, %cond3A_95 : i32
    scf.if %cond3A_96 {
      "tpu.region"() ({
        %run_scoped3A_97 = tpu.sem_alloc : memref<!tpu.dma_semaphore, #tpu.memory_space<semaphore_mem>>
        %dma_start3A_98 = arith.constant 624 : i32
        %dma_start3A_99 = arith.constant 0 : i32
        %dma_start3A_100 = tpu.memref_slice %arg8[%dma_start3A_98, %dma_start3A_99] : memref<640x64xf32, #tpu.memory_space<vmem>> -> memref<16x64xf32, #tpu.memory_space<vmem>>
        %dma_start3A_101 = arith.constant 9984 : i32
        %dma_start3A_102 = arith.constant 0 : i32
        %dma_start3A_103 = tpu.memref_slice %arg9[%dma_start3A_101, %dma_start3A_102] : memref<10000x64xf32, #tpu.memory_space<vmem_shared>> -> memref<16x64xf32, #tpu.memory_space<vmem_shared>>
        %dma_start3A_104 = arith.constant 624 : i32
        %dma_start3A_105 = arith.constant 0 : i32
        %dma_start3A_106 = tpu.memref_slice %arg8[%dma_start3A_104, %dma_start3A_105] : memref<640x64xf32, #tpu.memory_space<vmem>> -> memref<16x64xf32, #tpu.memory_space<vmem>>
        %dma_start3A_107 = arith.constant 9984 : i32
        %dma_start3A_108 = arith.constant 0 : i32
        %dma_start3A_109 = tpu.memref_slice %arg9[%dma_start3A_107, %dma_start3A_108] : memref<10000x64xf32, #tpu.memory_space<vmem_shared>> -> memref<16x64xf32, #tpu.memory_space<vmem_shared>>
        tpu.enqueue_dma source(%dma_start3A_109 : memref<16x64xf32, #tpu.memory_space<vmem_shared>>) target(%dma_start3A_106 : memref<16x64xf32, #tpu.memory_space<vmem>>) target_semaphore(%run_scoped3A_97 : memref<!tpu.dma_semaphore, #tpu.memory_space<semaphore_mem>>)
        %dma_wait3A = arith.constant 624 : i32
        %dma_wait3A_110 = arith.constant 0 : i32
        %dma_wait3A_111 = tpu.memref_slice %arg8[%dma_wait3A, %dma_wait3A_110] : memref<640x64xf32, #tpu.memory_space<vmem>> -> memref<16x64xf32, #tpu.memory_space<vmem>>
        %dma_wait3A_112 = arith.constant 9984 : i32
        %dma_wait3A_113 = arith.constant 0 : i32
        %dma_wait3A_114 = tpu.memref_slice %arg9[%dma_wait3A_112, %dma_wait3A_113] : memref<10000x64xf32, #tpu.memory_space<vmem_shared>> -> memref<16x64xf32, #tpu.memory_space<vmem_shared>>
        %dma_wait3A_115 = arith.constant 624 : i32
        %dma_wait3A_116 = arith.constant 0 : i32
        %dma_wait3A_117 = tpu.memref_slice %arg8[%dma_wait3A_115, %dma_wait3A_116] : memref<640x64xf32, #tpu.memory_space<vmem>> -> memref<16x64xf32, #tpu.memory_space<vmem>>
        %dma_wait3A_118 = arith.constant 9984 : i32
        %dma_wait3A_119 = arith.constant 0 : i32
        %dma_wait3A_120 = tpu.memref_slice %arg9[%dma_wait3A_118, %dma_wait3A_119] : memref<10000x64xf32, #tpu.memory_space<vmem_shared>> -> memref<16x64xf32, #tpu.memory_space<vmem_shared>>
        tpu.wait_dma2 semaphore(%run_scoped3A_97 : memref<!tpu.dma_semaphore, #tpu.memory_space<semaphore_mem>>) src(%dma_wait3A_120 : memref<16x64xf32, #tpu.memory_space<vmem_shared>>) dst(%dma_wait3A_117 : memref<16x64xf32, #tpu.memory_space<vmem>>)
        tpu.yield
      }) : () -> ()
      "tpu.region"() ({
        %run_scoped3A_97 = tpu.sem_alloc : memref<!tpu.dma_semaphore, #tpu.memory_space<semaphore_mem>>
        %dma_start3A_98 = arith.constant 624 : i32
        %dma_start3A_99 = arith.constant 0 : i32
        %dma_start3A_100 = tpu.memref_slice %arg8[%dma_start3A_98, %dma_start3A_99] : memref<640x64xf32, #tpu.memory_space<vmem>> -> memref<16x64xf32, #tpu.memory_space<vmem>>
        %dma_start3A_101 = arith.constant 9984 : i32
        %dma_start3A_102 = tpu.memref_slice %arg4[%dma_start3A_101, %mul3A_91] : memref<10000x128xf32, #tpu.memory_space<hbm>> -> memref<16x64xf32, #tpu.memory_space<hbm>>
        %dma_start3A_103 = arith.constant 9984 : i32
        %dma_start3A_104 = tpu.memref_slice %arg4[%dma_start3A_103, %mul3A_91] : memref<10000x128xf32, #tpu.memory_space<hbm>> -> memref<16x64xf32, #tpu.memory_space<hbm>>
        %dma_start3A_105 = arith.constant 624 : i32
        %dma_start3A_106 = arith.constant 0 : i32
        %dma_start3A_107 = tpu.memref_slice %arg8[%dma_start3A_105, %dma_start3A_106] : memref<640x64xf32, #tpu.memory_space<vmem>> -> memref<16x64xf32, #tpu.memory_space<vmem>>
        tpu.enqueue_dma source(%dma_start3A_107 : memref<16x64xf32, #tpu.memory_space<vmem>>) target(%dma_start3A_104 : memref<16x64xf32, #tpu.memory_space<hbm>>) target_semaphore(%run_scoped3A_97 : memref<!tpu.dma_semaphore, #tpu.memory_space<semaphore_mem>>)
        %dma_wait3A = arith.constant 624 : i32
        %dma_wait3A_108 = arith.constant 0 : i32
        %dma_wait3A_109 = tpu.memref_slice %arg8[%dma_wait3A, %dma_wait3A_108] : memref<640x64xf32, #tpu.memory_space<vmem>> -> memref<16x64xf32, #tpu.memory_space<vmem>>
        %dma_wait3A_110 = arith.constant 9984 : i32
        %dma_wait3A_111 = tpu.memref_slice %arg4[%dma_wait3A_110, %mul3A_91] : memref<10000x128xf32, #tpu.memory_space<hbm>> -> memref<16x64xf32, #tpu.memory_space<hbm>>
        %dma_wait3A_112 = arith.constant 9984 : i32
        %dma_wait3A_113 = tpu.memref_slice %arg4[%dma_wait3A_112, %mul3A_91] : memref<10000x128xf32, #tpu.memory_space<hbm>> -> memref<16x64xf32, #tpu.memory_space<hbm>>
        %dma_wait3A_114 = arith.constant 624 : i32
        %dma_wait3A_115 = arith.constant 0 : i32
        %dma_wait3A_116 = tpu.memref_slice %arg8[%dma_wait3A_114, %dma_wait3A_115] : memref<640x64xf32, #tpu.memory_space<vmem>> -> memref<16x64xf32, #tpu.memory_space<vmem>>
        tpu.wait_dma2 semaphore(%run_scoped3A_97 : memref<!tpu.dma_semaphore, #tpu.memory_space<semaphore_mem>>) src(%dma_wait3A_116 : memref<16x64xf32, #tpu.memory_space<vmem>>) dst(%dma_wait3A_113 : memref<16x64xf32, #tpu.memory_space<hbm>>)
        tpu.yield
      }) : () -> ()
    } else {
    }
    return
  }
}

#map = affine_map<(d0, d1) -> (0, 0)>
#map1 = affine_map<(d0, d1) -> (0, 0, 0)>
module attributes {stable_mosaic.version = 14 : i64} {
  func.func @_scatter_kernel(%arg0: i32, %arg1: i32, %arg2: memref<10000x32xf32, #tpu.memory_space<hbm>>, %arg3: memref<2x4000x80xi32, #tpu.memory_space<hbm>>, %arg4: memref<10000x128xf32, #tpu.memory_space<hbm>>, %arg5: memref<125x80xi32, #tpu.memory_space<vmem>>, %arg6: memref<125x80xi32, #tpu.memory_space<vmem>>, %arg7: memref<5x80x32xf32, #tpu.memory_space<vmem>>, %arg8: memref<640x32xf32, #tpu.memory_space<vmem>>, %arg9: memref<10000x32xf32, #tpu.memory_space<vmem_shared>>, %arg10: memref<5x!tpu.dma_semaphore, #tpu.memory_space<semaphore_mem>>, %arg11: memref<5x!tpu.dma_semaphore, #tpu.memory_space<semaphore_mem>>) attributes {dimension_semantics = [#tpu.dimension_semantics<core_parallel>, #tpu.dimension_semantics<subcore_parallel>], iteration_bounds = array<i64: 2, 16>, scalar_prefetch = 0 : i64, scratch_operands = 7 : i64, tpu.core_type = #tpu.core_type<sc_vector_subcore>, window_params = [{transform_indices = #map}, {transform_indices = #map1}, {transform_indices = #map}]} {
    %mul3A = arith.constant 2 : i32
    %mul3A_0 = arith.muli %arg1, %mul3A : i32
    %add3A = arith.addi %mul3A_0, %arg0 : i32
    %mul3A_1 = arith.constant 125 : i32
    %mul3A_2 = arith.muli %add3A, %mul3A_1 : i32
    %run_scoped3A = arith.constant 0 : i32
    "tpu.region"() ({
      %run_scoped3A_97 = tpu.sem_alloc : memref<!tpu.dma_semaphore, #tpu.memory_space<semaphore_mem>>
      %dma_start3A_98 = arith.constant 0 : i32
      %dma_start3A_99 = tpu.memref_slice %arg3[%run_scoped3A, %mul3A_2, %dma_start3A_98] : memref<2x4000x80xi32, #tpu.memory_space<hbm>> -> memref<1x125x80xi32, #tpu.memory_space<hbm>>
      %dma_start3A_100 = tpu.memref_squeeze %dma_start3A_99 : memref<1x125x80xi32, #tpu.memory_space<hbm>> -> memref<125x80xi32, #tpu.memory_space<hbm>>
      %dma_start3A_101 = arith.constant 0 : i32
      %dma_start3A_102 = tpu.memref_slice %arg3[%run_scoped3A, %mul3A_2, %dma_start3A_101] : memref<2x4000x80xi32, #tpu.memory_space<hbm>> -> memref<1x125x80xi32, #tpu.memory_space<hbm>>
      %dma_start3A_103 = tpu.memref_squeeze %dma_start3A_102 : memref<1x125x80xi32, #tpu.memory_space<hbm>> -> memref<125x80xi32, #tpu.memory_space<hbm>>
      tpu.enqueue_dma source(%dma_start3A_103 : memref<125x80xi32, #tpu.memory_space<hbm>>) target(%arg5 : memref<125x80xi32, #tpu.memory_space<vmem>>) target_semaphore(%run_scoped3A_97 : memref<!tpu.dma_semaphore, #tpu.memory_space<semaphore_mem>>)
      %dma_wait3A = arith.constant 0 : i32
      %dma_wait3A_104 = tpu.memref_slice %arg3[%run_scoped3A, %mul3A_2, %dma_wait3A] : memref<2x4000x80xi32, #tpu.memory_space<hbm>> -> memref<1x125x80xi32, #tpu.memory_space<hbm>>
      %dma_wait3A_105 = tpu.memref_squeeze %dma_wait3A_104 : memref<1x125x80xi32, #tpu.memory_space<hbm>> -> memref<125x80xi32, #tpu.memory_space<hbm>>
      %dma_wait3A_106 = arith.constant 0 : i32
      %dma_wait3A_107 = tpu.memref_slice %arg3[%run_scoped3A, %mul3A_2, %dma_wait3A_106] : memref<2x4000x80xi32, #tpu.memory_space<hbm>> -> memref<1x125x80xi32, #tpu.memory_space<hbm>>
      %dma_wait3A_108 = tpu.memref_squeeze %dma_wait3A_107 : memref<1x125x80xi32, #tpu.memory_space<hbm>> -> memref<125x80xi32, #tpu.memory_space<hbm>>
      tpu.wait_dma2 semaphore(%run_scoped3A_97 : memref<!tpu.dma_semaphore, #tpu.memory_space<semaphore_mem>>) src(%dma_wait3A_108 : memref<125x80xi32, #tpu.memory_space<hbm>>) dst(%arg5 : memref<125x80xi32, #tpu.memory_space<vmem>>)
      tpu.yield
    }) : () -> ()
    %mul3A_3 = arith.constant 125 : i32
    %mul3A_4 = arith.muli %add3A, %mul3A_3 : i32
    %run_scoped3A_5 = arith.constant 1 : i32
    "tpu.region"() ({
      %run_scoped3A_97 = tpu.sem_alloc : memref<!tpu.dma_semaphore, #tpu.memory_space<semaphore_mem>>
      %dma_start3A_98 = arith.constant 0 : i32
      %dma_start3A_99 = tpu.memref_slice %arg3[%run_scoped3A_5, %mul3A_4, %dma_start3A_98] : memref<2x4000x80xi32, #tpu.memory_space<hbm>> -> memref<1x125x80xi32, #tpu.memory_space<hbm>>
      %dma_start3A_100 = tpu.memref_squeeze %dma_start3A_99 : memref<1x125x80xi32, #tpu.memory_space<hbm>> -> memref<125x80xi32, #tpu.memory_space<hbm>>
      %dma_start3A_101 = arith.constant 0 : i32
      %dma_start3A_102 = tpu.memref_slice %arg3[%run_scoped3A_5, %mul3A_4, %dma_start3A_101] : memref<2x4000x80xi32, #tpu.memory_space<hbm>> -> memref<1x125x80xi32, #tpu.memory_space<hbm>>
      %dma_start3A_103 = tpu.memref_squeeze %dma_start3A_102 : memref<1x125x80xi32, #tpu.memory_space<hbm>> -> memref<125x80xi32, #tpu.memory_space<hbm>>
      tpu.enqueue_dma source(%dma_start3A_103 : memref<125x80xi32, #tpu.memory_space<hbm>>) target(%arg6 : memref<125x80xi32, #tpu.memory_space<vmem>>) target_semaphore(%run_scoped3A_97 : memref<!tpu.dma_semaphore, #tpu.memory_space<semaphore_mem>>)
      %dma_wait3A = arith.constant 0 : i32
      %dma_wait3A_104 = tpu.memref_slice %arg3[%run_scoped3A_5, %mul3A_4, %dma_wait3A] : memref<2x4000x80xi32, #tpu.memory_space<hbm>> -> memref<1x125x80xi32, #tpu.memory_space<hbm>>
      %dma_wait3A_105 = tpu.memref_squeeze %dma_wait3A_104 : memref<1x125x80xi32, #tpu.memory_space<hbm>> -> memref<125x80xi32, #tpu.memory_space<hbm>>
      %dma_wait3A_106 = arith.constant 0 : i32
      %dma_wait3A_107 = tpu.memref_slice %arg3[%run_scoped3A_5, %mul3A_4, %dma_wait3A_106] : memref<2x4000x80xi32, #tpu.memory_space<hbm>> -> memref<1x125x80xi32, #tpu.memory_space<hbm>>
      %dma_wait3A_108 = tpu.memref_squeeze %dma_wait3A_107 : memref<1x125x80xi32, #tpu.memory_space<hbm>> -> memref<125x80xi32, #tpu.memory_space<hbm>>
      tpu.wait_dma2 semaphore(%run_scoped3A_97 : memref<!tpu.dma_semaphore, #tpu.memory_space<semaphore_mem>>) src(%dma_wait3A_108 : memref<125x80xi32, #tpu.memory_space<hbm>>) dst(%arg6 : memref<125x80xi32, #tpu.memory_space<vmem>>)
      tpu.yield
    }) : () -> ()
    %dma_start3A = arith.constant 0 : i32
    %dma_start3A_6 = arith.constant 0 : i32
    %dma_start3A_7 = arith.constant 0 : i32
    %dma_start3A_8 = arith.constant 0 : i32
    %dma_start3A_9 = arith.constant 0 : i32
    %dma_start3A_10 = tpu.memref_slice %arg7[%dma_start3A_6, %dma_start3A_8, %dma_start3A_9] : memref<5x80x32xf32, #tpu.memory_space<vmem>> -> memref<1x80x32xf32, #tpu.memory_space<vmem>>
    %dma_start3A_11 = tpu.memref_squeeze %dma_start3A_10 : memref<1x80x32xf32, #tpu.memory_space<vmem>> -> memref<80x32xf32, #tpu.memory_space<vmem>>
    %dma_start3A_12 = arith.constant 0 : i32
    %dma_start3A_13 = tpu.memref_slice %arg5[%dma_start3A, %dma_start3A_12] : memref<125x80xi32, #tpu.memory_space<vmem>> -> memref<1x80xi32, #tpu.memory_space<vmem>>
    %dma_start3A_14 = tpu.memref_squeeze %dma_start3A_13 : memref<1x80xi32, #tpu.memory_space<vmem>> -> memref<80xi32, #tpu.memory_space<vmem>>
    %dma_start3A_15 = arith.constant 0 : i32
    %dma_start3A_16 = arith.constant 0 : i32
    %dma_start3A_17 = tpu.memref_slice %arg2[%dma_start3A_15, %dma_start3A_16] : memref<10000x32xf32, #tpu.memory_space<hbm>> -> memref<10000x32xf32, #tpu.memory_space<hbm>>
    %dma_start3A_18 = tpu.memref_slice %arg10[%dma_start3A_7] : memref<5x!tpu.dma_semaphore, #tpu.memory_space<semaphore_mem>> -> memref<1x!tpu.dma_semaphore, #tpu.memory_space<semaphore_mem>>
    %dma_start3A_19 = tpu.memref_squeeze %dma_start3A_18 : memref<1x!tpu.dma_semaphore, #tpu.memory_space<semaphore_mem>> -> memref<!tpu.dma_semaphore, #tpu.memory_space<semaphore_mem>>
    tpu.enqueue_indirect_dma source(%dma_start3A_17 : memref<10000x32xf32, #tpu.memory_space<hbm>>) target(%dma_start3A_11 : memref<80x32xf32, #tpu.memory_space<vmem>>) offsets(%dma_start3A_14 : memref<80xi32, #tpu.memory_space<vmem>>) semaphore(%dma_start3A_19 : memref<!tpu.dma_semaphore, #tpu.memory_space<semaphore_mem>>)
    %dma_start3A_20 = arith.constant 1 : i32
    %dma_start3A_21 = arith.constant 1 : i32
    %dma_start3A_22 = arith.constant 1 : i32
    %dma_start3A_23 = arith.constant 0 : i32
    %dma_start3A_24 = arith.constant 0 : i32
    %dma_start3A_25 = tpu.memref_slice %arg7[%dma_start3A_21, %dma_start3A_23, %dma_start3A_24] : memref<5x80x32xf32, #tpu.memory_space<vmem>> -> memref<1x80x32xf32, #tpu.memory_space<vmem>>
    %dma_start3A_26 = tpu.memref_squeeze %dma_start3A_25 : memref<1x80x32xf32, #tpu.memory_space<vmem>> -> memref<80x32xf32, #tpu.memory_space<vmem>>
    %dma_start3A_27 = arith.constant 0 : i32
    %dma_start3A_28 = tpu.memref_slice %arg5[%dma_start3A_20, %dma_start3A_27] : memref<125x80xi32, #tpu.memory_space<vmem>> -> memref<1x80xi32, #tpu.memory_space<vmem>>
    %dma_start3A_29 = tpu.memref_squeeze %dma_start3A_28 : memref<1x80xi32, #tpu.memory_space<vmem>> -> memref<80xi32, #tpu.memory_space<vmem>>
    %dma_start3A_30 = arith.constant 0 : i32
    %dma_start3A_31 = arith.constant 0 : i32
    %dma_start3A_32 = tpu.memref_slice %arg2[%dma_start3A_30, %dma_start3A_31] : memref<10000x32xf32, #tpu.memory_space<hbm>> -> memref<10000x32xf32, #tpu.memory_space<hbm>>
    %dma_start3A_33 = tpu.memref_slice %arg10[%dma_start3A_22] : memref<5x!tpu.dma_semaphore, #tpu.memory_space<semaphore_mem>> -> memref<1x!tpu.dma_semaphore, #tpu.memory_space<semaphore_mem>>
    %dma_start3A_34 = tpu.memref_squeeze %dma_start3A_33 : memref<1x!tpu.dma_semaphore, #tpu.memory_space<semaphore_mem>> -> memref<!tpu.dma_semaphore, #tpu.memory_space<semaphore_mem>>
    tpu.enqueue_indirect_dma source(%dma_start3A_32 : memref<10000x32xf32, #tpu.memory_space<hbm>>) target(%dma_start3A_26 : memref<80x32xf32, #tpu.memory_space<vmem>>) offsets(%dma_start3A_29 : memref<80xi32, #tpu.memory_space<vmem>>) semaphore(%dma_start3A_34 : memref<!tpu.dma_semaphore, #tpu.memory_space<semaphore_mem>>)
    %dma_start3A_35 = arith.constant 2 : i32
    %dma_start3A_36 = arith.constant 2 : i32
    %dma_start3A_37 = arith.constant 2 : i32
    %dma_start3A_38 = arith.constant 0 : i32
    %dma_start3A_39 = arith.constant 0 : i32
    %dma_start3A_40 = tpu.memref_slice %arg7[%dma_start3A_36, %dma_start3A_38, %dma_start3A_39] : memref<5x80x32xf32, #tpu.memory_space<vmem>> -> memref<1x80x32xf32, #tpu.memory_space<vmem>>
    %dma_start3A_41 = tpu.memref_squeeze %dma_start3A_40 : memref<1x80x32xf32, #tpu.memory_space<vmem>> -> memref<80x32xf32, #tpu.memory_space<vmem>>
    %dma_start3A_42 = arith.constant 0 : i32
    %dma_start3A_43 = tpu.memref_slice %arg5[%dma_start3A_35, %dma_start3A_42] : memref<125x80xi32, #tpu.memory_space<vmem>> -> memref<1x80xi32, #tpu.memory_space<vmem>>
    %dma_start3A_44 = tpu.memref_squeeze %dma_start3A_43 : memref<1x80xi32, #tpu.memory_space<vmem>> -> memref<80xi32, #tpu.memory_space<vmem>>
    %dma_start3A_45 = arith.constant 0 : i32
    %dma_start3A_46 = arith.constant 0 : i32
    %dma_start3A_47 = tpu.memref_slice %arg2[%dma_start3A_45, %dma_start3A_46] : memref<10000x32xf32, #tpu.memory_space<hbm>> -> memref<10000x32xf32, #tpu.memory_space<hbm>>
    %dma_start3A_48 = tpu.memref_slice %arg10[%dma_start3A_37] : memref<5x!tpu.dma_semaphore, #tpu.memory_space<semaphore_mem>> -> memref<1x!tpu.dma_semaphore, #tpu.memory_space<semaphore_mem>>
    %dma_start3A_49 = tpu.memref_squeeze %dma_start3A_48 : memref<1x!tpu.dma_semaphore, #tpu.memory_space<semaphore_mem>> -> memref<!tpu.dma_semaphore, #tpu.memory_space<semaphore_mem>>
    tpu.enqueue_indirect_dma source(%dma_start3A_47 : memref<10000x32xf32, #tpu.memory_space<hbm>>) target(%dma_start3A_41 : memref<80x32xf32, #tpu.memory_space<vmem>>) offsets(%dma_start3A_44 : memref<80xi32, #tpu.memory_space<vmem>>) semaphore(%dma_start3A_49 : memref<!tpu.dma_semaphore, #tpu.memory_space<semaphore_mem>>)
    %dma_start3A_50 = arith.constant 3 : i32
    %dma_start3A_51 = arith.constant 3 : i32
    %dma_start3A_52 = arith.constant 3 : i32
    %dma_start3A_53 = arith.constant 0 : i32
    %dma_start3A_54 = arith.constant 0 : i32
    %dma_start3A_55 = tpu.memref_slice %arg7[%dma_start3A_51, %dma_start3A_53, %dma_start3A_54] : memref<5x80x32xf32, #tpu.memory_space<vmem>> -> memref<1x80x32xf32, #tpu.memory_space<vmem>>
    %dma_start3A_56 = tpu.memref_squeeze %dma_start3A_55 : memref<1x80x32xf32, #tpu.memory_space<vmem>> -> memref<80x32xf32, #tpu.memory_space<vmem>>
    %dma_start3A_57 = arith.constant 0 : i32
    %dma_start3A_58 = tpu.memref_slice %arg5[%dma_start3A_50, %dma_start3A_57] : memref<125x80xi32, #tpu.memory_space<vmem>> -> memref<1x80xi32, #tpu.memory_space<vmem>>
    %dma_start3A_59 = tpu.memref_squeeze %dma_start3A_58 : memref<1x80xi32, #tpu.memory_space<vmem>> -> memref<80xi32, #tpu.memory_space<vmem>>
    %dma_start3A_60 = arith.constant 0 : i32
    %dma_start3A_61 = arith.constant 0 : i32
    %dma_start3A_62 = tpu.memref_slice %arg2[%dma_start3A_60, %dma_start3A_61] : memref<10000x32xf32, #tpu.memory_space<hbm>> -> memref<10000x32xf32, #tpu.memory_space<hbm>>
    %dma_start3A_63 = tpu.memref_slice %arg10[%dma_start3A_52] : memref<5x!tpu.dma_semaphore, #tpu.memory_space<semaphore_mem>> -> memref<1x!tpu.dma_semaphore, #tpu.memory_space<semaphore_mem>>
    %dma_start3A_64 = tpu.memref_squeeze %dma_start3A_63 : memref<1x!tpu.dma_semaphore, #tpu.memory_space<semaphore_mem>> -> memref<!tpu.dma_semaphore, #tpu.memory_space<semaphore_mem>>
    tpu.enqueue_indirect_dma source(%dma_start3A_62 : memref<10000x32xf32, #tpu.memory_space<hbm>>) target(%dma_start3A_56 : memref<80x32xf32, #tpu.memory_space<vmem>>) offsets(%dma_start3A_59 : memref<80xi32, #tpu.memory_space<vmem>>) semaphore(%dma_start3A_64 : memref<!tpu.dma_semaphore, #tpu.memory_space<semaphore_mem>>)
    %dma_start3A_65 = arith.constant 4 : i32
    %dma_start3A_66 = arith.constant 4 : i32
    %dma_start3A_67 = arith.constant 4 : i32
    %dma_start3A_68 = arith.constant 0 : i32
    %dma_start3A_69 = arith.constant 0 : i32
    %dma_start3A_70 = tpu.memref_slice %arg7[%dma_start3A_66, %dma_start3A_68, %dma_start3A_69] : memref<5x80x32xf32, #tpu.memory_space<vmem>> -> memref<1x80x32xf32, #tpu.memory_space<vmem>>
    %dma_start3A_71 = tpu.memref_squeeze %dma_start3A_70 : memref<1x80x32xf32, #tpu.memory_space<vmem>> -> memref<80x32xf32, #tpu.memory_space<vmem>>
    %dma_start3A_72 = arith.constant 0 : i32
    %dma_start3A_73 = tpu.memref_slice %arg5[%dma_start3A_65, %dma_start3A_72] : memref<125x80xi32, #tpu.memory_space<vmem>> -> memref<1x80xi32, #tpu.memory_space<vmem>>
    %dma_start3A_74 = tpu.memref_squeeze %dma_start3A_73 : memref<1x80xi32, #tpu.memory_space<vmem>> -> memref<80xi32, #tpu.memory_space<vmem>>
    %dma_start3A_75 = arith.constant 0 : i32
    %dma_start3A_76 = arith.constant 0 : i32
    %dma_start3A_77 = tpu.memref_slice %arg2[%dma_start3A_75, %dma_start3A_76] : memref<10000x32xf32, #tpu.memory_space<hbm>> -> memref<10000x32xf32, #tpu.memory_space<hbm>>
    %dma_start3A_78 = tpu.memref_slice %arg10[%dma_start3A_67] : memref<5x!tpu.dma_semaphore, #tpu.memory_space<semaphore_mem>> -> memref<1x!tpu.dma_semaphore, #tpu.memory_space<semaphore_mem>>
    %dma_start3A_79 = tpu.memref_squeeze %dma_start3A_78 : memref<1x!tpu.dma_semaphore, #tpu.memory_space<semaphore_mem>> -> memref<!tpu.dma_semaphore, #tpu.memory_space<semaphore_mem>>
    tpu.enqueue_indirect_dma source(%dma_start3A_77 : memref<10000x32xf32, #tpu.memory_space<hbm>>) target(%dma_start3A_71 : memref<80x32xf32, #tpu.memory_space<vmem>>) offsets(%dma_start3A_74 : memref<80xi32, #tpu.memory_space<vmem>>) semaphore(%dma_start3A_79 : memref<!tpu.dma_semaphore, #tpu.memory_space<semaphore_mem>>)
    %mul3A_80 = arith.constant 624 : i32
    %mul3A_81 = arith.muli %arg1, %mul3A_80 : i32
    "tpu.region"() ({
      %run_scoped3A_97 = tpu.sem_alloc : memref<!tpu.dma_semaphore, #tpu.memory_space<semaphore_mem>>
      %dma_start3A_98 = arith.constant 0 : i32
      %dma_start3A_99 = arith.constant 0 : i32
      %dma_start3A_100 = tpu.memref_slice %arg8[%dma_start3A_98, %dma_start3A_99] : memref<640x32xf32, #tpu.memory_space<vmem>> -> memref<624x32xf32, #tpu.memory_space<vmem>>
      %dma_start3A_101 = arith.constant 0 : i32
      %dma_start3A_102 = tpu.memref_slice %arg2[%mul3A_81, %dma_start3A_101] : memref<10000x32xf32, #tpu.memory_space<hbm>> -> memref<624x32xf32, #tpu.memory_space<hbm>>
      %dma_start3A_103 = arith.constant 0 : i32
      %dma_start3A_104 = arith.constant 0 : i32
      %dma_start3A_105 = tpu.memref_slice %arg8[%dma_start3A_103, %dma_start3A_104] : memref<640x32xf32, #tpu.memory_space<vmem>> -> memref<624x32xf32, #tpu.memory_space<vmem>>
      %dma_start3A_106 = arith.constant 0 : i32
      %dma_start3A_107 = tpu.memref_slice %arg2[%mul3A_81, %dma_start3A_106] : memref<10000x32xf32, #tpu.memory_space<hbm>> -> memref<624x32xf32, #tpu.memory_space<hbm>>
      tpu.enqueue_dma source(%dma_start3A_107 : memref<624x32xf32, #tpu.memory_space<hbm>>) target(%dma_start3A_105 : memref<624x32xf32, #tpu.memory_space<vmem>>) target_semaphore(%run_scoped3A_97 : memref<!tpu.dma_semaphore, #tpu.memory_space<semaphore_mem>>)
      %dma_wait3A = arith.constant 0 : i32
      %dma_wait3A_108 = arith.constant 0 : i32
      %dma_wait3A_109 = tpu.memref_slice %arg8[%dma_wait3A, %dma_wait3A_108] : memref<640x32xf32, #tpu.memory_space<vmem>> -> memref<624x32xf32, #tpu.memory_space<vmem>>
      %dma_wait3A_110 = arith.constant 0 : i32
      %dma_wait3A_111 = tpu.memref_slice %arg2[%mul3A_81, %dma_wait3A_110] : memref<10000x32xf32, #tpu.memory_space<hbm>> -> memref<624x32xf32, #tpu.memory_space<hbm>>
      %dma_wait3A_112 = arith.constant 0 : i32
      %dma_wait3A_113 = arith.constant 0 : i32
      %dma_wait3A_114 = tpu.memref_slice %arg8[%dma_wait3A_112, %dma_wait3A_113] : memref<640x32xf32, #tpu.memory_space<vmem>> -> memref<624x32xf32, #tpu.memory_space<vmem>>
      %dma_wait3A_115 = arith.constant 0 : i32
      %dma_wait3A_116 = tpu.memref_slice %arg2[%mul3A_81, %dma_wait3A_115] : memref<10000x32xf32, #tpu.memory_space<hbm>> -> memref<624x32xf32, #tpu.memory_space<hbm>>
      tpu.wait_dma2 semaphore(%run_scoped3A_97 : memref<!tpu.dma_semaphore, #tpu.memory_space<semaphore_mem>>) src(%dma_wait3A_116 : memref<624x32xf32, #tpu.memory_space<hbm>>) dst(%dma_wait3A_114 : memref<624x32xf32, #tpu.memory_space<vmem>>)
      tpu.yield
    }) : () -> ()
    "tpu.region"() ({
      %run_scoped3A_97 = tpu.sem_alloc : memref<!tpu.dma_semaphore, #tpu.memory_space<semaphore_mem>>
      %dma_start3A_98 = arith.constant 0 : i32
      %dma_start3A_99 = arith.constant 0 : i32
      %dma_start3A_100 = tpu.memref_slice %arg8[%dma_start3A_98, %dma_start3A_99] : memref<640x32xf32, #tpu.memory_space<vmem>> -> memref<624x32xf32, #tpu.memory_space<vmem>>
      %dma_start3A_101 = arith.constant 0 : i32
      %dma_start3A_102 = tpu.memref_slice %arg9[%mul3A_81, %dma_start3A_101] : memref<10000x32xf32, #tpu.memory_space<vmem_shared>> -> memref<624x32xf32, #tpu.memory_space<vmem_shared>>
      %dma_start3A_103 = arith.constant 0 : i32
      %dma_start3A_104 = tpu.memref_slice %arg9[%mul3A_81, %dma_start3A_103] : memref<10000x32xf32, #tpu.memory_space<vmem_shared>> -> memref<624x32xf32, #tpu.memory_space<vmem_shared>>
      %dma_start3A_105 = arith.constant 0 : i32
      %dma_start3A_106 = arith.constant 0 : i32
      %dma_start3A_107 = tpu.memref_slice %arg8[%dma_start3A_105, %dma_start3A_106] : memref<640x32xf32, #tpu.memory_space<vmem>> -> memref<624x32xf32, #tpu.memory_space<vmem>>
      tpu.enqueue_dma source(%dma_start3A_107 : memref<624x32xf32, #tpu.memory_space<vmem>>) target(%dma_start3A_104 : memref<624x32xf32, #tpu.memory_space<vmem_shared>>) target_semaphore(%run_scoped3A_97 : memref<!tpu.dma_semaphore, #tpu.memory_space<semaphore_mem>>)
      %dma_wait3A = arith.constant 0 : i32
      %dma_wait3A_108 = arith.constant 0 : i32
      %dma_wait3A_109 = tpu.memref_slice %arg8[%dma_wait3A, %dma_wait3A_108] : memref<640x32xf32, #tpu.memory_space<vmem>> -> memref<624x32xf32, #tpu.memory_space<vmem>>
      %dma_wait3A_110 = arith.constant 0 : i32
      %dma_wait3A_111 = tpu.memref_slice %arg9[%mul3A_81, %dma_wait3A_110] : memref<10000x32xf32, #tpu.memory_space<vmem_shared>> -> memref<624x32xf32, #tpu.memory_space<vmem_shared>>
      %dma_wait3A_112 = arith.constant 0 : i32
      %dma_wait3A_113 = tpu.memref_slice %arg9[%mul3A_81, %dma_wait3A_112] : memref<10000x32xf32, #tpu.memory_space<vmem_shared>> -> memref<624x32xf32, #tpu.memory_space<vmem_shared>>
      %dma_wait3A_114 = arith.constant 0 : i32
      %dma_wait3A_115 = arith.constant 0 : i32
      %dma_wait3A_116 = tpu.memref_slice %arg8[%dma_wait3A_114, %dma_wait3A_115] : memref<640x32xf32, #tpu.memory_space<vmem>> -> memref<624x32xf32, #tpu.memory_space<vmem>>
      tpu.wait_dma2 semaphore(%run_scoped3A_97 : memref<!tpu.dma_semaphore, #tpu.memory_space<semaphore_mem>>) src(%dma_wait3A_116 : memref<624x32xf32, #tpu.memory_space<vmem>>) dst(%dma_wait3A_113 : memref<624x32xf32, #tpu.memory_space<vmem_shared>>)
      tpu.yield
    }) : () -> ()
    %eq3A = arith.constant 15 : i32
    %eq3A_82 = arith.cmpi eq, %arg1, %eq3A : i32
    %convert_element_type3A = arith.extui %eq3A_82 : i1 to i32
    %cond3A = arith.constant 0 : i32
    %cond3A_83 = arith.cmpi ne, %convert_element_type3A, %cond3A : i32
    scf.if %cond3A_83 {
      "tpu.region"() ({
        %run_scoped3A_97 = tpu.sem_alloc : memref<!tpu.dma_semaphore, #tpu.memory_space<semaphore_mem>>
        %dma_start3A_98 = arith.constant 624 : i32
        %dma_start3A_99 = arith.constant 0 : i32
        %dma_start3A_100 = tpu.memref_slice %arg8[%dma_start3A_98, %dma_start3A_99] : memref<640x32xf32, #tpu.memory_space<vmem>> -> memref<16x32xf32, #tpu.memory_space<vmem>>
        %dma_start3A_101 = arith.constant 9984 : i32
        %dma_start3A_102 = arith.constant 0 : i32
        %dma_start3A_103 = tpu.memref_slice %arg2[%dma_start3A_101, %dma_start3A_102] : memref<10000x32xf32, #tpu.memory_space<hbm>> -> memref<16x32xf32, #tpu.memory_space<hbm>>
        %dma_start3A_104 = arith.constant 624 : i32
        %dma_start3A_105 = arith.constant 0 : i32
        %dma_start3A_106 = tpu.memref_slice %arg8[%dma_start3A_104, %dma_start3A_105] : memref<640x32xf32, #tpu.memory_space<vmem>> -> memref<16x32xf32, #tpu.memory_space<vmem>>
        %dma_start3A_107 = arith.constant 9984 : i32
        %dma_start3A_108 = arith.constant 0 : i32
        %dma_start3A_109 = tpu.memref_slice %arg2[%dma_start3A_107, %dma_start3A_108] : memref<10000x32xf32, #tpu.memory_space<hbm>> -> memref<16x32xf32, #tpu.memory_space<hbm>>
        tpu.enqueue_dma source(%dma_start3A_109 : memref<16x32xf32, #tpu.memory_space<hbm>>) target(%dma_start3A_106 : memref<16x32xf32, #tpu.memory_space<vmem>>) target_semaphore(%run_scoped3A_97 : memref<!tpu.dma_semaphore, #tpu.memory_space<semaphore_mem>>)
        %dma_wait3A = arith.constant 624 : i32
        %dma_wait3A_110 = arith.constant 0 : i32
        %dma_wait3A_111 = tpu.memref_slice %arg8[%dma_wait3A, %dma_wait3A_110] : memref<640x32xf32, #tpu.memory_space<vmem>> -> memref<16x32xf32, #tpu.memory_space<vmem>>
        %dma_wait3A_112 = arith.constant 9984 : i32
        %dma_wait3A_113 = arith.constant 0 : i32
        %dma_wait3A_114 = tpu.memref_slice %arg2[%dma_wait3A_112, %dma_wait3A_113] : memref<10000x32xf32, #tpu.memory_space<hbm>> -> memref<16x32xf32, #tpu.memory_space<hbm>>
        %dma_wait3A_115 = arith.constant 624 : i32
        %dma_wait3A_116 = arith.constant 0 : i32
        %dma_wait3A_117 = tpu.memref_slice %arg8[%dma_wait3A_115, %dma_wait3A_116] : memref<640x32xf32, #tpu.memory_space<vmem>> -> memref<16x32xf32, #tpu.memory_space<vmem>>
        %dma_wait3A_118 = arith.constant 9984 : i32
        %dma_wait3A_119 = arith.constant 0 : i32
        %dma_wait3A_120 = tpu.memref_slice %arg2[%dma_wait3A_118, %dma_wait3A_119] : memref<10000x32xf32, #tpu.memory_space<hbm>> -> memref<16x32xf32, #tpu.memory_space<hbm>>
        tpu.wait_dma2 semaphore(%run_scoped3A_97 : memref<!tpu.dma_semaphore, #tpu.memory_space<semaphore_mem>>) src(%dma_wait3A_120 : memref<16x32xf32, #tpu.memory_space<hbm>>) dst(%dma_wait3A_117 : memref<16x32xf32, #tpu.memory_space<vmem>>)
        tpu.yield
      }) : () -> ()
      "tpu.region"() ({
        %run_scoped3A_97 = tpu.sem_alloc : memref<!tpu.dma_semaphore, #tpu.memory_space<semaphore_mem>>
        %dma_start3A_98 = arith.constant 624 : i32
        %dma_start3A_99 = arith.constant 0 : i32
        %dma_start3A_100 = tpu.memref_slice %arg8[%dma_start3A_98, %dma_start3A_99] : memref<640x32xf32, #tpu.memory_space<vmem>> -> memref<16x32xf32, #tpu.memory_space<vmem>>
        %dma_start3A_101 = arith.constant 9984 : i32
        %dma_start3A_102 = arith.constant 0 : i32
        %dma_start3A_103 = tpu.memref_slice %arg9[%dma_start3A_101, %dma_start3A_102] : memref<10000x32xf32, #tpu.memory_space<vmem_shared>> -> memref<16x32xf32, #tpu.memory_space<vmem_shared>>
        %dma_start3A_104 = arith.constant 9984 : i32
        %dma_start3A_105 = arith.constant 0 : i32
        %dma_start3A_106 = tpu.memref_slice %arg9[%dma_start3A_104, %dma_start3A_105] : memref<10000x32xf32, #tpu.memory_space<vmem_shared>> -> memref<16x32xf32, #tpu.memory_space<vmem_shared>>
        %dma_start3A_107 = arith.constant 624 : i32
        %dma_start3A_108 = arith.constant 0 : i32
        %dma_start3A_109 = tpu.memref_slice %arg8[%dma_start3A_107, %dma_start3A_108] : memref<640x32xf32, #tpu.memory_space<vmem>> -> memref<16x32xf32, #tpu.memory_space<vmem>>
        tpu.enqueue_dma source(%dma_start3A_109 : memref<16x32xf32, #tpu.memory_space<vmem>>) target(%dma_start3A_106 : memref<16x32xf32, #tpu.memory_space<vmem_shared>>) target_semaphore(%run_scoped3A_97 : memref<!tpu.dma_semaphore, #tpu.memory_space<semaphore_mem>>)
        %dma_wait3A = arith.constant 624 : i32
        %dma_wait3A_110 = arith.constant 0 : i32
        %dma_wait3A_111 = tpu.memref_slice %arg8[%dma_wait3A, %dma_wait3A_110] : memref<640x32xf32, #tpu.memory_space<vmem>> -> memref<16x32xf32, #tpu.memory_space<vmem>>
        %dma_wait3A_112 = arith.constant 9984 : i32
        %dma_wait3A_113 = arith.constant 0 : i32
        %dma_wait3A_114 = tpu.memref_slice %arg9[%dma_wait3A_112, %dma_wait3A_113] : memref<10000x32xf32, #tpu.memory_space<vmem_shared>> -> memref<16x32xf32, #tpu.memory_space<vmem_shared>>
        %dma_wait3A_115 = arith.constant 9984 : i32
        %dma_wait3A_116 = arith.constant 0 : i32
        %dma_wait3A_117 = tpu.memref_slice %arg9[%dma_wait3A_115, %dma_wait3A_116] : memref<10000x32xf32, #tpu.memory_space<vmem_shared>> -> memref<16x32xf32, #tpu.memory_space<vmem_shared>>
        %dma_wait3A_118 = arith.constant 624 : i32
        %dma_wait3A_119 = arith.constant 0 : i32
        %dma_wait3A_120 = tpu.memref_slice %arg8[%dma_wait3A_118, %dma_wait3A_119] : memref<640x32xf32, #tpu.memory_space<vmem>> -> memref<16x32xf32, #tpu.memory_space<vmem>>
        tpu.wait_dma2 semaphore(%run_scoped3A_97 : memref<!tpu.dma_semaphore, #tpu.memory_space<semaphore_mem>>) src(%dma_wait3A_120 : memref<16x32xf32, #tpu.memory_space<vmem>>) dst(%dma_wait3A_117 : memref<16x32xf32, #tpu.memory_space<vmem_shared>>)
        tpu.yield
      }) : () -> ()
    } else {
    }
    %barrier3A = arith.constant 0 : index
    tpu.barrier barrier_id(%barrier3A)
    %scan3A = arith.constant 0 : i32
    %scan3A_84 = arith.constant 0 : i32
    %scan3A_85 = arith.constant 25 : i32
    %scan3A_86 = arith.addi %scan3A_84, %scan3A_85 : i32
    %scan3A_87 = arith.constant 1 : i32
    scf.for %scan3A_97 = %scan3A_84 to %scan3A_86 step %scan3A_87  : i32 {
      %dma_wait3A = arith.constant 0 : i32
      %dma_wait3A_98 = arith.constant 0 : i32
      %dma_wait3A_99 = arith.constant 0 : i32
      %dma_wait3A_100 = arith.constant 0 : i32
      %dma_wait3A_101 = tpu.memref_slice %arg7[%dma_wait3A, %dma_wait3A_99, %dma_wait3A_100] : memref<5x80x32xf32, #tpu.memory_space<vmem>> -> memref<1x80x32xf32, #tpu.memory_space<vmem>>
      %dma_wait3A_102 = tpu.memref_squeeze %dma_wait3A_101 : memref<1x80x32xf32, #tpu.memory_space<vmem>> -> memref<80x32xf32, #tpu.memory_space<vmem>>
      %dma_wait3A_103 = arith.constant 0 : i32
      %dma_wait3A_104 = arith.constant 0 : i32
      %dma_wait3A_105 = tpu.memref_slice %arg2[%dma_wait3A_103, %dma_wait3A_104] : memref<10000x32xf32, #tpu.memory_space<hbm>> -> memref<80x32xf32, #tpu.memory_space<hbm>>
      %dma_wait3A_106 = tpu.memref_slice %arg10[%dma_wait3A_98] : memref<5x!tpu.dma_semaphore, #tpu.memory_space<semaphore_mem>> -> memref<1x!tpu.dma_semaphore, #tpu.memory_space<semaphore_mem>>
      %dma_wait3A_107 = tpu.memref_squeeze %dma_wait3A_106 : memref<1x!tpu.dma_semaphore, #tpu.memory_space<semaphore_mem>> -> memref<!tpu.dma_semaphore, #tpu.memory_space<semaphore_mem>>
      %dma_wait3A_108 = arith.constant 0 : i32
      %dma_wait3A_109 = arith.constant 0 : i32
      %dma_wait3A_110 = tpu.memref_slice %arg7[%dma_wait3A, %dma_wait3A_108, %dma_wait3A_109] : memref<5x80x32xf32, #tpu.memory_space<vmem>> -> memref<1x80x32xf32, #tpu.memory_space<vmem>>
      %dma_wait3A_111 = tpu.memref_squeeze %dma_wait3A_110 : memref<1x80x32xf32, #tpu.memory_space<vmem>> -> memref<80x32xf32, #tpu.memory_space<vmem>>
      %dma_wait3A_112 = arith.constant 0 : i32
      %dma_wait3A_113 = arith.constant 0 : i32
      %dma_wait3A_114 = tpu.memref_slice %arg2[%dma_wait3A_112, %dma_wait3A_113] : memref<10000x32xf32, #tpu.memory_space<hbm>> -> memref<80x32xf32, #tpu.memory_space<hbm>>
      tpu.wait_dma2 semaphore(%dma_wait3A_107 : memref<!tpu.dma_semaphore, #tpu.memory_space<semaphore_mem>>) src(%dma_wait3A_114 : memref<80x32xf32, #tpu.memory_space<hbm>>) dst(%dma_wait3A_111 : memref<80x32xf32, #tpu.memory_space<vmem>>)
      %mul3A_115 = arith.constant 5 : i32
      %mul3A_116 = arith.muli %scan3A_97, %mul3A_115 : i32
      %add3A_117 = arith.constant 0 : i32
      %add3A_118 = arith.addi %mul3A_116, %add3A_117 : i32
      %dma_start3A_119 = arith.constant 0 : i32
      %dma_start3A_120 = arith.constant 0 : i32
      %dma_start3A_121 = arith.constant 0 : i32
      %dma_start3A_122 = arith.constant 0 : i32
      %dma_start3A_123 = tpu.memref_slice %arg7[%dma_start3A_119, %dma_start3A_121, %dma_start3A_122] : memref<5x80x32xf32, #tpu.memory_space<vmem>> -> memref<1x80x32xf32, #tpu.memory_space<vmem>>
      %dma_start3A_124 = tpu.memref_squeeze %dma_start3A_123 : memref<1x80x32xf32, #tpu.memory_space<vmem>> -> memref<80x32xf32, #tpu.memory_space<vmem>>
      %dma_start3A_125 = arith.constant 0 : i32
      %dma_start3A_126 = tpu.memref_slice %arg6[%add3A_118, %dma_start3A_125] : memref<125x80xi32, #tpu.memory_space<vmem>> -> memref<1x80xi32, #tpu.memory_space<vmem>>
      %dma_start3A_127 = tpu.memref_squeeze %dma_start3A_126 : memref<1x80xi32, #tpu.memory_space<vmem>> -> memref<80xi32, #tpu.memory_space<vmem>>
      %dma_start3A_128 = arith.constant 0 : i32
      %dma_start3A_129 = arith.constant 0 : i32
      %dma_start3A_130 = tpu.memref_slice %arg9[%dma_start3A_128, %dma_start3A_129] : memref<10000x32xf32, #tpu.memory_space<vmem_shared>> -> memref<10000x32xf32, #tpu.memory_space<vmem_shared>>
      %dma_start3A_131 = tpu.memref_slice %arg11[%dma_start3A_120] : memref<5x!tpu.dma_semaphore, #tpu.memory_space<semaphore_mem>> -> memref<1x!tpu.dma_semaphore, #tpu.memory_space<semaphore_mem>>
      %dma_start3A_132 = tpu.memref_squeeze %dma_start3A_131 : memref<1x!tpu.dma_semaphore, #tpu.memory_space<semaphore_mem>> -> memref<!tpu.dma_semaphore, #tpu.memory_space<semaphore_mem>>
      tpu.enqueue_indirect_dma source(%dma_start3A_124 : memref<80x32xf32, #tpu.memory_space<vmem>>) target(%dma_start3A_130 : memref<10000x32xf32, #tpu.memory_space<vmem_shared>>) offsets(%dma_start3A_127 : memref<80xi32, #tpu.memory_space<vmem>>) semaphore(%dma_start3A_132 : memref<!tpu.dma_semaphore, #tpu.memory_space<semaphore_mem>>) {add = true}
      %dma_wait3A_133 = arith.constant 1 : i32
      %dma_wait3A_134 = arith.constant 1 : i32
      %dma_wait3A_135 = arith.constant 0 : i32
      %dma_wait3A_136 = arith.constant 0 : i32
      %dma_wait3A_137 = tpu.memref_slice %arg7[%dma_wait3A_133, %dma_wait3A_135, %dma_wait3A_136] : memref<5x80x32xf32, #tpu.memory_space<vmem>> -> memref<1x80x32xf32, #tpu.memory_space<vmem>>
      %dma_wait3A_138 = tpu.memref_squeeze %dma_wait3A_137 : memref<1x80x32xf32, #tpu.memory_space<vmem>> -> memref<80x32xf32, #tpu.memory_space<vmem>>
      %dma_wait3A_139 = arith.constant 0 : i32
      %dma_wait3A_140 = arith.constant 0 : i32
      %dma_wait3A_141 = tpu.memref_slice %arg2[%dma_wait3A_139, %dma_wait3A_140] : memref<10000x32xf32, #tpu.memory_space<hbm>> -> memref<80x32xf32, #tpu.memory_space<hbm>>
      %dma_wait3A_142 = tpu.memref_slice %arg10[%dma_wait3A_134] : memref<5x!tpu.dma_semaphore, #tpu.memory_space<semaphore_mem>> -> memref<1x!tpu.dma_semaphore, #tpu.memory_space<semaphore_mem>>
      %dma_wait3A_143 = tpu.memref_squeeze %dma_wait3A_142 : memref<1x!tpu.dma_semaphore, #tpu.memory_space<semaphore_mem>> -> memref<!tpu.dma_semaphore, #tpu.memory_space<semaphore_mem>>
      %dma_wait3A_144 = arith.constant 0 : i32
      %dma_wait3A_145 = arith.constant 0 : i32
      %dma_wait3A_146 = tpu.memref_slice %arg7[%dma_wait3A_133, %dma_wait3A_144, %dma_wait3A_145] : memref<5x80x32xf32, #tpu.memory_space<vmem>> -> memref<1x80x32xf32, #tpu.memory_space<vmem>>
      %dma_wait3A_147 = tpu.memref_squeeze %dma_wait3A_146 : memref<1x80x32xf32, #tpu.memory_space<vmem>> -> memref<80x32xf32, #tpu.memory_space<vmem>>
      %dma_wait3A_148 = arith.constant 0 : i32
      %dma_wait3A_149 = arith.constant 0 : i32
      %dma_wait3A_150 = tpu.memref_slice %arg2[%dma_wait3A_148, %dma_wait3A_149] : memref<10000x32xf32, #tpu.memory_space<hbm>> -> memref<80x32xf32, #tpu.memory_space<hbm>>
      tpu.wait_dma2 semaphore(%dma_wait3A_143 : memref<!tpu.dma_semaphore, #tpu.memory_space<semaphore_mem>>) src(%dma_wait3A_150 : memref<80x32xf32, #tpu.memory_space<hbm>>) dst(%dma_wait3A_147 : memref<80x32xf32, #tpu.memory_space<vmem>>)
      %mul3A_151 = arith.constant 5 : i32
      %mul3A_152 = arith.muli %scan3A_97, %mul3A_151 : i32
      %add3A_153 = arith.constant 1 : i32
      %add3A_154 = arith.addi %mul3A_152, %add3A_153 : i32
      %dma_start3A_155 = arith.constant 1 : i32
      %dma_start3A_156 = arith.constant 1 : i32
      %dma_start3A_157 = arith.constant 0 : i32
      %dma_start3A_158 = arith.constant 0 : i32
      %dma_start3A_159 = tpu.memref_slice %arg7[%dma_start3A_155, %dma_start3A_157, %dma_start3A_158] : memref<5x80x32xf32, #tpu.memory_space<vmem>> -> memref<1x80x32xf32, #tpu.memory_space<vmem>>
      %dma_start3A_160 = tpu.memref_squeeze %dma_start3A_159 : memref<1x80x32xf32, #tpu.memory_space<vmem>> -> memref<80x32xf32, #tpu.memory_space<vmem>>
      %dma_start3A_161 = arith.constant 0 : i32
      %dma_start3A_162 = tpu.memref_slice %arg6[%add3A_154, %dma_start3A_161] : memref<125x80xi32, #tpu.memory_space<vmem>> -> memref<1x80xi32, #tpu.memory_space<vmem>>
      %dma_start3A_163 = tpu.memref_squeeze %dma_start3A_162 : memref<1x80xi32, #tpu.memory_space<vmem>> -> memref<80xi32, #tpu.memory_space<vmem>>
      %dma_start3A_164 = arith.constant 0 : i32
      %dma_start3A_165 = arith.constant 0 : i32
      %dma_start3A_166 = tpu.memref_slice %arg9[%dma_start3A_164, %dma_start3A_165] : memref<10000x32xf32, #tpu.memory_space<vmem_shared>> -> memref<10000x32xf32, #tpu.memory_space<vmem_shared>>
      %dma_start3A_167 = tpu.memref_slice %arg11[%dma_start3A_156] : memref<5x!tpu.dma_semaphore, #tpu.memory_space<semaphore_mem>> -> memref<1x!tpu.dma_semaphore, #tpu.memory_space<semaphore_mem>>
      %dma_start3A_168 = tpu.memref_squeeze %dma_start3A_167 : memref<1x!tpu.dma_semaphore, #tpu.memory_space<semaphore_mem>> -> memref<!tpu.dma_semaphore, #tpu.memory_space<semaphore_mem>>
      tpu.enqueue_indirect_dma source(%dma_start3A_160 : memref<80x32xf32, #tpu.memory_space<vmem>>) target(%dma_start3A_166 : memref<10000x32xf32, #tpu.memory_space<vmem_shared>>) offsets(%dma_start3A_163 : memref<80xi32, #tpu.memory_space<vmem>>) semaphore(%dma_start3A_168 : memref<!tpu.dma_semaphore, #tpu.memory_space<semaphore_mem>>) {add = true}
      %dma_wait3A_169 = arith.constant 2 : i32
      %dma_wait3A_170 = arith.constant 2 : i32
      %dma_wait3A_171 = arith.constant 0 : i32
      %dma_wait3A_172 = arith.constant 0 : i32
      %dma_wait3A_173 = tpu.memref_slice %arg7[%dma_wait3A_169, %dma_wait3A_171, %dma_wait3A_172] : memref<5x80x32xf32, #tpu.memory_space<vmem>> -> memref<1x80x32xf32, #tpu.memory_space<vmem>>
      %dma_wait3A_174 = tpu.memref_squeeze %dma_wait3A_173 : memref<1x80x32xf32, #tpu.memory_space<vmem>> -> memref<80x32xf32, #tpu.memory_space<vmem>>
      %dma_wait3A_175 = arith.constant 0 : i32
      %dma_wait3A_176 = arith.constant 0 : i32
      %dma_wait3A_177 = tpu.memref_slice %arg2[%dma_wait3A_175, %dma_wait3A_176] : memref<10000x32xf32, #tpu.memory_space<hbm>> -> memref<80x32xf32, #tpu.memory_space<hbm>>
      %dma_wait3A_178 = tpu.memref_slice %arg10[%dma_wait3A_170] : memref<5x!tpu.dma_semaphore, #tpu.memory_space<semaphore_mem>> -> memref<1x!tpu.dma_semaphore, #tpu.memory_space<semaphore_mem>>
      %dma_wait3A_179 = tpu.memref_squeeze %dma_wait3A_178 : memref<1x!tpu.dma_semaphore, #tpu.memory_space<semaphore_mem>> -> memref<!tpu.dma_semaphore, #tpu.memory_space<semaphore_mem>>
      %dma_wait3A_180 = arith.constant 0 : i32
      %dma_wait3A_181 = arith.constant 0 : i32
      %dma_wait3A_182 = tpu.memref_slice %arg7[%dma_wait3A_169, %dma_wait3A_180, %dma_wait3A_181] : memref<5x80x32xf32, #tpu.memory_space<vmem>> -> memref<1x80x32xf32, #tpu.memory_space<vmem>>
      %dma_wait3A_183 = tpu.memref_squeeze %dma_wait3A_182 : memref<1x80x32xf32, #tpu.memory_space<vmem>> -> memref<80x32xf32, #tpu.memory_space<vmem>>
      %dma_wait3A_184 = arith.constant 0 : i32
      %dma_wait3A_185 = arith.constant 0 : i32
      %dma_wait3A_186 = tpu.memref_slice %arg2[%dma_wait3A_184, %dma_wait3A_185] : memref<10000x32xf32, #tpu.memory_space<hbm>> -> memref<80x32xf32, #tpu.memory_space<hbm>>
      tpu.wait_dma2 semaphore(%dma_wait3A_179 : memref<!tpu.dma_semaphore, #tpu.memory_space<semaphore_mem>>) src(%dma_wait3A_186 : memref<80x32xf32, #tpu.memory_space<hbm>>) dst(%dma_wait3A_183 : memref<80x32xf32, #tpu.memory_space<vmem>>)
      %mul3A_187 = arith.constant 5 : i32
      %mul3A_188 = arith.muli %scan3A_97, %mul3A_187 : i32
      %add3A_189 = arith.constant 2 : i32
      %add3A_190 = arith.addi %mul3A_188, %add3A_189 : i32
      %dma_start3A_191 = arith.constant 2 : i32
      %dma_start3A_192 = arith.constant 2 : i32
      %dma_start3A_193 = arith.constant 0 : i32
      %dma_start3A_194 = arith.constant 0 : i32
      %dma_start3A_195 = tpu.memref_slice %arg7[%dma_start3A_191, %dma_start3A_193, %dma_start3A_194] : memref<5x80x32xf32, #tpu.memory_space<vmem>> -> memref<1x80x32xf32, #tpu.memory_space<vmem>>
      %dma_start3A_196 = tpu.memref_squeeze %dma_start3A_195 : memref<1x80x32xf32, #tpu.memory_space<vmem>> -> memref<80x32xf32, #tpu.memory_space<vmem>>
      %dma_start3A_197 = arith.constant 0 : i32
      %dma_start3A_198 = tpu.memref_slice %arg6[%add3A_190, %dma_start3A_197] : memref<125x80xi32, #tpu.memory_space<vmem>> -> memref<1x80xi32, #tpu.memory_space<vmem>>
      %dma_start3A_199 = tpu.memref_squeeze %dma_start3A_198 : memref<1x80xi32, #tpu.memory_space<vmem>> -> memref<80xi32, #tpu.memory_space<vmem>>
      %dma_start3A_200 = arith.constant 0 : i32
      %dma_start3A_201 = arith.constant 0 : i32
      %dma_start3A_202 = tpu.memref_slice %arg9[%dma_start3A_200, %dma_start3A_201] : memref<10000x32xf32, #tpu.memory_space<vmem_shared>> -> memref<10000x32xf32, #tpu.memory_space<vmem_shared>>
      %dma_start3A_203 = tpu.memref_slice %arg11[%dma_start3A_192] : memref<5x!tpu.dma_semaphore, #tpu.memory_space<semaphore_mem>> -> memref<1x!tpu.dma_semaphore, #tpu.memory_space<semaphore_mem>>
      %dma_start3A_204 = tpu.memref_squeeze %dma_start3A_203 : memref<1x!tpu.dma_semaphore, #tpu.memory_space<semaphore_mem>> -> memref<!tpu.dma_semaphore, #tpu.memory_space<semaphore_mem>>
      tpu.enqueue_indirect_dma source(%dma_start3A_196 : memref<80x32xf32, #tpu.memory_space<vmem>>) target(%dma_start3A_202 : memref<10000x32xf32, #tpu.memory_space<vmem_shared>>) offsets(%dma_start3A_199 : memref<80xi32, #tpu.memory_space<vmem>>) semaphore(%dma_start3A_204 : memref<!tpu.dma_semaphore, #tpu.memory_space<semaphore_mem>>) {add = true}
      %dma_wait3A_205 = arith.constant 3 : i32
      %dma_wait3A_206 = arith.constant 3 : i32
      %dma_wait3A_207 = arith.constant 0 : i32
      %dma_wait3A_208 = arith.constant 0 : i32
      %dma_wait3A_209 = tpu.memref_slice %arg7[%dma_wait3A_205, %dma_wait3A_207, %dma_wait3A_208] : memref<5x80x32xf32, #tpu.memory_space<vmem>> -> memref<1x80x32xf32, #tpu.memory_space<vmem>>
      %dma_wait3A_210 = tpu.memref_squeeze %dma_wait3A_209 : memref<1x80x32xf32, #tpu.memory_space<vmem>> -> memref<80x32xf32, #tpu.memory_space<vmem>>
      %dma_wait3A_211 = arith.constant 0 : i32
      %dma_wait3A_212 = arith.constant 0 : i32
      %dma_wait3A_213 = tpu.memref_slice %arg2[%dma_wait3A_211, %dma_wait3A_212] : memref<10000x32xf32, #tpu.memory_space<hbm>> -> memref<80x32xf32, #tpu.memory_space<hbm>>
      %dma_wait3A_214 = tpu.memref_slice %arg10[%dma_wait3A_206] : memref<5x!tpu.dma_semaphore, #tpu.memory_space<semaphore_mem>> -> memref<1x!tpu.dma_semaphore, #tpu.memory_space<semaphore_mem>>
      %dma_wait3A_215 = tpu.memref_squeeze %dma_wait3A_214 : memref<1x!tpu.dma_semaphore, #tpu.memory_space<semaphore_mem>> -> memref<!tpu.dma_semaphore, #tpu.memory_space<semaphore_mem>>
      %dma_wait3A_216 = arith.constant 0 : i32
      %dma_wait3A_217 = arith.constant 0 : i32
      %dma_wait3A_218 = tpu.memref_slice %arg7[%dma_wait3A_205, %dma_wait3A_216, %dma_wait3A_217] : memref<5x80x32xf32, #tpu.memory_space<vmem>> -> memref<1x80x32xf32, #tpu.memory_space<vmem>>
      %dma_wait3A_219 = tpu.memref_squeeze %dma_wait3A_218 : memref<1x80x32xf32, #tpu.memory_space<vmem>> -> memref<80x32xf32, #tpu.memory_space<vmem>>
      %dma_wait3A_220 = arith.constant 0 : i32
      %dma_wait3A_221 = arith.constant 0 : i32
      %dma_wait3A_222 = tpu.memref_slice %arg2[%dma_wait3A_220, %dma_wait3A_221] : memref<10000x32xf32, #tpu.memory_space<hbm>> -> memref<80x32xf32, #tpu.memory_space<hbm>>
      tpu.wait_dma2 semaphore(%dma_wait3A_215 : memref<!tpu.dma_semaphore, #tpu.memory_space<semaphore_mem>>) src(%dma_wait3A_222 : memref<80x32xf32, #tpu.memory_space<hbm>>) dst(%dma_wait3A_219 : memref<80x32xf32, #tpu.memory_space<vmem>>)
      %mul3A_223 = arith.constant 5 : i32
      %mul3A_224 = arith.muli %scan3A_97, %mul3A_223 : i32
      %add3A_225 = arith.constant 3 : i32
      %add3A_226 = arith.addi %mul3A_224, %add3A_225 : i32
      %dma_start3A_227 = arith.constant 3 : i32
      %dma_start3A_228 = arith.constant 3 : i32
      %dma_start3A_229 = arith.constant 0 : i32
      %dma_start3A_230 = arith.constant 0 : i32
      %dma_start3A_231 = tpu.memref_slice %arg7[%dma_start3A_227, %dma_start3A_229, %dma_start3A_230] : memref<5x80x32xf32, #tpu.memory_space<vmem>> -> memref<1x80x32xf32, #tpu.memory_space<vmem>>
      %dma_start3A_232 = tpu.memref_squeeze %dma_start3A_231 : memref<1x80x32xf32, #tpu.memory_space<vmem>> -> memref<80x32xf32, #tpu.memory_space<vmem>>
      %dma_start3A_233 = arith.constant 0 : i32
      %dma_start3A_234 = tpu.memref_slice %arg6[%add3A_226, %dma_start3A_233] : memref<125x80xi32, #tpu.memory_space<vmem>> -> memref<1x80xi32, #tpu.memory_space<vmem>>
      %dma_start3A_235 = tpu.memref_squeeze %dma_start3A_234 : memref<1x80xi32, #tpu.memory_space<vmem>> -> memref<80xi32, #tpu.memory_space<vmem>>
      %dma_start3A_236 = arith.constant 0 : i32
      %dma_start3A_237 = arith.constant 0 : i32
      %dma_start3A_238 = tpu.memref_slice %arg9[%dma_start3A_236, %dma_start3A_237] : memref<10000x32xf32, #tpu.memory_space<vmem_shared>> -> memref<10000x32xf32, #tpu.memory_space<vmem_shared>>
      %dma_start3A_239 = tpu.memref_slice %arg11[%dma_start3A_228] : memref<5x!tpu.dma_semaphore, #tpu.memory_space<semaphore_mem>> -> memref<1x!tpu.dma_semaphore, #tpu.memory_space<semaphore_mem>>
      %dma_start3A_240 = tpu.memref_squeeze %dma_start3A_239 : memref<1x!tpu.dma_semaphore, #tpu.memory_space<semaphore_mem>> -> memref<!tpu.dma_semaphore, #tpu.memory_space<semaphore_mem>>
      tpu.enqueue_indirect_dma source(%dma_start3A_232 : memref<80x32xf32, #tpu.memory_space<vmem>>) target(%dma_start3A_238 : memref<10000x32xf32, #tpu.memory_space<vmem_shared>>) offsets(%dma_start3A_235 : memref<80xi32, #tpu.memory_space<vmem>>) semaphore(%dma_start3A_240 : memref<!tpu.dma_semaphore, #tpu.memory_space<semaphore_mem>>) {add = true}
      %dma_wait3A_241 = arith.constant 4 : i32
      %dma_wait3A_242 = arith.constant 4 : i32
      %dma_wait3A_243 = arith.constant 0 : i32
      %dma_wait3A_244 = arith.constant 0 : i32
      %dma_wait3A_245 = tpu.memref_slice %arg7[%dma_wait3A_241, %dma_wait3A_243, %dma_wait3A_244] : memref<5x80x32xf32, #tpu.memory_space<vmem>> -> memref<1x80x32xf32, #tpu.memory_space<vmem>>
      %dma_wait3A_246 = tpu.memref_squeeze %dma_wait3A_245 : memref<1x80x32xf32, #tpu.memory_space<vmem>> -> memref<80x32xf32, #tpu.memory_space<vmem>>
      %dma_wait3A_247 = arith.constant 0 : i32
      %dma_wait3A_248 = arith.constant 0 : i32
      %dma_wait3A_249 = tpu.memref_slice %arg2[%dma_wait3A_247, %dma_wait3A_248] : memref<10000x32xf32, #tpu.memory_space<hbm>> -> memref<80x32xf32, #tpu.memory_space<hbm>>
      %dma_wait3A_250 = tpu.memref_slice %arg10[%dma_wait3A_242] : memref<5x!tpu.dma_semaphore, #tpu.memory_space<semaphore_mem>> -> memref<1x!tpu.dma_semaphore, #tpu.memory_space<semaphore_mem>>
      %dma_wait3A_251 = tpu.memref_squeeze %dma_wait3A_250 : memref<1x!tpu.dma_semaphore, #tpu.memory_space<semaphore_mem>> -> memref<!tpu.dma_semaphore, #tpu.memory_space<semaphore_mem>>
      %dma_wait3A_252 = arith.constant 0 : i32
      %dma_wait3A_253 = arith.constant 0 : i32
      %dma_wait3A_254 = tpu.memref_slice %arg7[%dma_wait3A_241, %dma_wait3A_252, %dma_wait3A_253] : memref<5x80x32xf32, #tpu.memory_space<vmem>> -> memref<1x80x32xf32, #tpu.memory_space<vmem>>
      %dma_wait3A_255 = tpu.memref_squeeze %dma_wait3A_254 : memref<1x80x32xf32, #tpu.memory_space<vmem>> -> memref<80x32xf32, #tpu.memory_space<vmem>>
      %dma_wait3A_256 = arith.constant 0 : i32
      %dma_wait3A_257 = arith.constant 0 : i32
      %dma_wait3A_258 = tpu.memref_slice %arg2[%dma_wait3A_256, %dma_wait3A_257] : memref<10000x32xf32, #tpu.memory_space<hbm>> -> memref<80x32xf32, #tpu.memory_space<hbm>>
      tpu.wait_dma2 semaphore(%dma_wait3A_251 : memref<!tpu.dma_semaphore, #tpu.memory_space<semaphore_mem>>) src(%dma_wait3A_258 : memref<80x32xf32, #tpu.memory_space<hbm>>) dst(%dma_wait3A_255 : memref<80x32xf32, #tpu.memory_space<vmem>>)
      %mul3A_259 = arith.constant 5 : i32
      %mul3A_260 = arith.muli %scan3A_97, %mul3A_259 : i32
      %add3A_261 = arith.constant 4 : i32
      %add3A_262 = arith.addi %mul3A_260, %add3A_261 : i32
      %dma_start3A_263 = arith.constant 4 : i32
      %dma_start3A_264 = arith.constant 4 : i32
      %dma_start3A_265 = arith.constant 0 : i32
      %dma_start3A_266 = arith.constant 0 : i32
      %dma_start3A_267 = tpu.memref_slice %arg7[%dma_start3A_263, %dma_start3A_265, %dma_start3A_266] : memref<5x80x32xf32, #tpu.memory_space<vmem>> -> memref<1x80x32xf32, #tpu.memory_space<vmem>>
      %dma_start3A_268 = tpu.memref_squeeze %dma_start3A_267 : memref<1x80x32xf32, #tpu.memory_space<vmem>> -> memref<80x32xf32, #tpu.memory_space<vmem>>
      %dma_start3A_269 = arith.constant 0 : i32
      %dma_start3A_270 = tpu.memref_slice %arg6[%add3A_262, %dma_start3A_269] : memref<125x80xi32, #tpu.memory_space<vmem>> -> memref<1x80xi32, #tpu.memory_space<vmem>>
      %dma_start3A_271 = tpu.memref_squeeze %dma_start3A_270 : memref<1x80xi32, #tpu.memory_space<vmem>> -> memref<80xi32, #tpu.memory_space<vmem>>
      %dma_start3A_272 = arith.constant 0 : i32
      %dma_start3A_273 = arith.constant 0 : i32
      %dma_start3A_274 = tpu.memref_slice %arg9[%dma_start3A_272, %dma_start3A_273] : memref<10000x32xf32, #tpu.memory_space<vmem_shared>> -> memref<10000x32xf32, #tpu.memory_space<vmem_shared>>
      %dma_start3A_275 = tpu.memref_slice %arg11[%dma_start3A_264] : memref<5x!tpu.dma_semaphore, #tpu.memory_space<semaphore_mem>> -> memref<1x!tpu.dma_semaphore, #tpu.memory_space<semaphore_mem>>
      %dma_start3A_276 = tpu.memref_squeeze %dma_start3A_275 : memref<1x!tpu.dma_semaphore, #tpu.memory_space<semaphore_mem>> -> memref<!tpu.dma_semaphore, #tpu.memory_space<semaphore_mem>>
      tpu.enqueue_indirect_dma source(%dma_start3A_268 : memref<80x32xf32, #tpu.memory_space<vmem>>) target(%dma_start3A_274 : memref<10000x32xf32, #tpu.memory_space<vmem_shared>>) offsets(%dma_start3A_271 : memref<80xi32, #tpu.memory_space<vmem>>) semaphore(%dma_start3A_276 : memref<!tpu.dma_semaphore, #tpu.memory_space<semaphore_mem>>) {add = true}
      %dma_wait3A_277 = arith.constant 0 : i32
      %dma_wait3A_278 = arith.constant 0 : i32
      %dma_wait3A_279 = arith.constant 0 : i32
      %dma_wait3A_280 = arith.constant 0 : i32
      %dma_wait3A_281 = tpu.memref_slice %arg7[%dma_wait3A_277, %dma_wait3A_279, %dma_wait3A_280] : memref<5x80x32xf32, #tpu.memory_space<vmem>> -> memref<1x80x32xf32, #tpu.memory_space<vmem>>
      %dma_wait3A_282 = tpu.memref_squeeze %dma_wait3A_281 : memref<1x80x32xf32, #tpu.memory_space<vmem>> -> memref<80x32xf32, #tpu.memory_space<vmem>>
      %dma_wait3A_283 = arith.constant 0 : i32
      %dma_wait3A_284 = arith.constant 0 : i32
      %dma_wait3A_285 = tpu.memref_slice %arg2[%dma_wait3A_283, %dma_wait3A_284] : memref<10000x32xf32, #tpu.memory_space<hbm>> -> memref<80x32xf32, #tpu.memory_space<hbm>>
      %dma_wait3A_286 = tpu.memref_slice %arg11[%dma_wait3A_278] : memref<5x!tpu.dma_semaphore, #tpu.memory_space<semaphore_mem>> -> memref<1x!tpu.dma_semaphore, #tpu.memory_space<semaphore_mem>>
      %dma_wait3A_287 = tpu.memref_squeeze %dma_wait3A_286 : memref<1x!tpu.dma_semaphore, #tpu.memory_space<semaphore_mem>> -> memref<!tpu.dma_semaphore, #tpu.memory_space<semaphore_mem>>
      %dma_wait3A_288 = arith.constant 0 : i32
      %dma_wait3A_289 = arith.constant 0 : i32
      %dma_wait3A_290 = tpu.memref_slice %arg7[%dma_wait3A_277, %dma_wait3A_288, %dma_wait3A_289] : memref<5x80x32xf32, #tpu.memory_space<vmem>> -> memref<1x80x32xf32, #tpu.memory_space<vmem>>
      %dma_wait3A_291 = tpu.memref_squeeze %dma_wait3A_290 : memref<1x80x32xf32, #tpu.memory_space<vmem>> -> memref<80x32xf32, #tpu.memory_space<vmem>>
      %dma_wait3A_292 = arith.constant 0 : i32
      %dma_wait3A_293 = arith.constant 0 : i32
      %dma_wait3A_294 = tpu.memref_slice %arg2[%dma_wait3A_292, %dma_wait3A_293] : memref<10000x32xf32, #tpu.memory_space<hbm>> -> memref<80x32xf32, #tpu.memory_space<hbm>>
      tpu.wait_dma2 semaphore(%dma_wait3A_287 : memref<!tpu.dma_semaphore, #tpu.memory_space<semaphore_mem>>) src(%dma_wait3A_294 : memref<80x32xf32, #tpu.memory_space<hbm>>) dst(%dma_wait3A_291 : memref<80x32xf32, #tpu.memory_space<vmem>>)
      %add3A_295 = arith.constant 1 : i32
      %add3A_296 = arith.addi %scan3A_97, %add3A_295 : i32
      %lt3A = arith.constant 25 : i32
      %lt3A_297 = arith.cmpi slt, %add3A_296, %lt3A : i32
      %convert_element_type3A_298 = arith.extui %lt3A_297 : i1 to i32
      %cond3A_299 = arith.constant 0 : i32
      %cond3A_300 = arith.cmpi ne, %convert_element_type3A_298, %cond3A_299 : i32
      scf.if %cond3A_300 {
        %add3A_401 = arith.constant 1 : i32
        %add3A_402 = arith.addi %scan3A_97, %add3A_401 : i32
        %mul3A_403 = arith.constant 5 : i32
        %mul3A_404 = arith.muli %add3A_402, %mul3A_403 : i32
        %add3A_405 = arith.constant 0 : i32
        %add3A_406 = arith.addi %mul3A_404, %add3A_405 : i32
        %dma_start3A_407 = arith.constant 0 : i32
        %dma_start3A_408 = arith.constant 0 : i32
        %dma_start3A_409 = arith.constant 0 : i32
        %dma_start3A_410 = arith.constant 0 : i32
        %dma_start3A_411 = tpu.memref_slice %arg7[%dma_start3A_407, %dma_start3A_409, %dma_start3A_410] : memref<5x80x32xf32, #tpu.memory_space<vmem>> -> memref<1x80x32xf32, #tpu.memory_space<vmem>>
        %dma_start3A_412 = tpu.memref_squeeze %dma_start3A_411 : memref<1x80x32xf32, #tpu.memory_space<vmem>> -> memref<80x32xf32, #tpu.memory_space<vmem>>
        %dma_start3A_413 = arith.constant 0 : i32
        %dma_start3A_414 = tpu.memref_slice %arg5[%add3A_406, %dma_start3A_413] : memref<125x80xi32, #tpu.memory_space<vmem>> -> memref<1x80xi32, #tpu.memory_space<vmem>>
        %dma_start3A_415 = tpu.memref_squeeze %dma_start3A_414 : memref<1x80xi32, #tpu.memory_space<vmem>> -> memref<80xi32, #tpu.memory_space<vmem>>
        %dma_start3A_416 = arith.constant 0 : i32
        %dma_start3A_417 = arith.constant 0 : i32
        %dma_start3A_418 = tpu.memref_slice %arg2[%dma_start3A_416, %dma_start3A_417] : memref<10000x32xf32, #tpu.memory_space<hbm>> -> memref<10000x32xf32, #tpu.memory_space<hbm>>
        %dma_start3A_419 = tpu.memref_slice %arg10[%dma_start3A_408] : memref<5x!tpu.dma_semaphore, #tpu.memory_space<semaphore_mem>> -> memref<1x!tpu.dma_semaphore, #tpu.memory_space<semaphore_mem>>
        %dma_start3A_420 = tpu.memref_squeeze %dma_start3A_419 : memref<1x!tpu.dma_semaphore, #tpu.memory_space<semaphore_mem>> -> memref<!tpu.dma_semaphore, #tpu.memory_space<semaphore_mem>>
        tpu.enqueue_indirect_dma source(%dma_start3A_418 : memref<10000x32xf32, #tpu.memory_space<hbm>>) target(%dma_start3A_412 : memref<80x32xf32, #tpu.memory_space<vmem>>) offsets(%dma_start3A_415 : memref<80xi32, #tpu.memory_space<vmem>>) semaphore(%dma_start3A_420 : memref<!tpu.dma_semaphore, #tpu.memory_space<semaphore_mem>>)
      } else {
      }
      %dma_wait3A_301 = arith.constant 1 : i32
      %dma_wait3A_302 = arith.constant 1 : i32
      %dma_wait3A_303 = arith.constant 0 : i32
      %dma_wait3A_304 = arith.constant 0 : i32
      %dma_wait3A_305 = tpu.memref_slice %arg7[%dma_wait3A_301, %dma_wait3A_303, %dma_wait3A_304] : memref<5x80x32xf32, #tpu.memory_space<vmem>> -> memref<1x80x32xf32, #tpu.memory_space<vmem>>
      %dma_wait3A_306 = tpu.memref_squeeze %dma_wait3A_305 : memref<1x80x32xf32, #tpu.memory_space<vmem>> -> memref<80x32xf32, #tpu.memory_space<vmem>>
      %dma_wait3A_307 = arith.constant 0 : i32
      %dma_wait3A_308 = arith.constant 0 : i32
      %dma_wait3A_309 = tpu.memref_slice %arg2[%dma_wait3A_307, %dma_wait3A_308] : memref<10000x32xf32, #tpu.memory_space<hbm>> -> memref<80x32xf32, #tpu.memory_space<hbm>>
      %dma_wait3A_310 = tpu.memref_slice %arg11[%dma_wait3A_302] : memref<5x!tpu.dma_semaphore, #tpu.memory_space<semaphore_mem>> -> memref<1x!tpu.dma_semaphore, #tpu.memory_space<semaphore_mem>>
      %dma_wait3A_311 = tpu.memref_squeeze %dma_wait3A_310 : memref<1x!tpu.dma_semaphore, #tpu.memory_space<semaphore_mem>> -> memref<!tpu.dma_semaphore, #tpu.memory_space<semaphore_mem>>
      %dma_wait3A_312 = arith.constant 0 : i32
      %dma_wait3A_313 = arith.constant 0 : i32
      %dma_wait3A_314 = tpu.memref_slice %arg7[%dma_wait3A_301, %dma_wait3A_312, %dma_wait3A_313] : memref<5x80x32xf32, #tpu.memory_space<vmem>> -> memref<1x80x32xf32, #tpu.memory_space<vmem>>
      %dma_wait3A_315 = tpu.memref_squeeze %dma_wait3A_314 : memref<1x80x32xf32, #tpu.memory_space<vmem>> -> memref<80x32xf32, #tpu.memory_space<vmem>>
      %dma_wait3A_316 = arith.constant 0 : i32
      %dma_wait3A_317 = arith.constant 0 : i32
      %dma_wait3A_318 = tpu.memref_slice %arg2[%dma_wait3A_316, %dma_wait3A_317] : memref<10000x32xf32, #tpu.memory_space<hbm>> -> memref<80x32xf32, #tpu.memory_space<hbm>>
      tpu.wait_dma2 semaphore(%dma_wait3A_311 : memref<!tpu.dma_semaphore, #tpu.memory_space<semaphore_mem>>) src(%dma_wait3A_318 : memref<80x32xf32, #tpu.memory_space<hbm>>) dst(%dma_wait3A_315 : memref<80x32xf32, #tpu.memory_space<vmem>>)
      %add3A_319 = arith.constant 1 : i32
      %add3A_320 = arith.addi %scan3A_97, %add3A_319 : i32
      %lt3A_321 = arith.constant 25 : i32
      %lt3A_322 = arith.cmpi slt, %add3A_320, %lt3A_321 : i32
      %convert_element_type3A_323 = arith.extui %lt3A_322 : i1 to i32
      %cond3A_324 = arith.constant 0 : i32
      %cond3A_325 = arith.cmpi ne, %convert_element_type3A_323, %cond3A_324 : i32
      scf.if %cond3A_325 {
        %add3A_401 = arith.constant 1 : i32
        %add3A_402 = arith.addi %scan3A_97, %add3A_401 : i32
        %mul3A_403 = arith.constant 5 : i32
        %mul3A_404 = arith.muli %add3A_402, %mul3A_403 : i32
        %add3A_405 = arith.constant 1 : i32
        %add3A_406 = arith.addi %mul3A_404, %add3A_405 : i32
        %dma_start3A_407 = arith.constant 1 : i32
        %dma_start3A_408 = arith.constant 1 : i32
        %dma_start3A_409 = arith.constant 0 : i32
        %dma_start3A_410 = arith.constant 0 : i32
        %dma_start3A_411 = tpu.memref_slice %arg7[%dma_start3A_407, %dma_start3A_409, %dma_start3A_410] : memref<5x80x32xf32, #tpu.memory_space<vmem>> -> memref<1x80x32xf32, #tpu.memory_space<vmem>>
        %dma_start3A_412 = tpu.memref_squeeze %dma_start3A_411 : memref<1x80x32xf32, #tpu.memory_space<vmem>> -> memref<80x32xf32, #tpu.memory_space<vmem>>
        %dma_start3A_413 = arith.constant 0 : i32
        %dma_start3A_414 = tpu.memref_slice %arg5[%add3A_406, %dma_start3A_413] : memref<125x80xi32, #tpu.memory_space<vmem>> -> memref<1x80xi32, #tpu.memory_space<vmem>>
        %dma_start3A_415 = tpu.memref_squeeze %dma_start3A_414 : memref<1x80xi32, #tpu.memory_space<vmem>> -> memref<80xi32, #tpu.memory_space<vmem>>
        %dma_start3A_416 = arith.constant 0 : i32
        %dma_start3A_417 = arith.constant 0 : i32
        %dma_start3A_418 = tpu.memref_slice %arg2[%dma_start3A_416, %dma_start3A_417] : memref<10000x32xf32, #tpu.memory_space<hbm>> -> memref<10000x32xf32, #tpu.memory_space<hbm>>
        %dma_start3A_419 = tpu.memref_slice %arg10[%dma_start3A_408] : memref<5x!tpu.dma_semaphore, #tpu.memory_space<semaphore_mem>> -> memref<1x!tpu.dma_semaphore, #tpu.memory_space<semaphore_mem>>
        %dma_start3A_420 = tpu.memref_squeeze %dma_start3A_419 : memref<1x!tpu.dma_semaphore, #tpu.memory_space<semaphore_mem>> -> memref<!tpu.dma_semaphore, #tpu.memory_space<semaphore_mem>>
        tpu.enqueue_indirect_dma source(%dma_start3A_418 : memref<10000x32xf32, #tpu.memory_space<hbm>>) target(%dma_start3A_412 : memref<80x32xf32, #tpu.memory_space<vmem>>) offsets(%dma_start3A_415 : memref<80xi32, #tpu.memory_space<vmem>>) semaphore(%dma_start3A_420 : memref<!tpu.dma_semaphore, #tpu.memory_space<semaphore_mem>>)
      } else {
      }
      %dma_wait3A_326 = arith.constant 2 : i32
      %dma_wait3A_327 = arith.constant 2 : i32
      %dma_wait3A_328 = arith.constant 0 : i32
      %dma_wait3A_329 = arith.constant 0 : i32
      %dma_wait3A_330 = tpu.memref_slice %arg7[%dma_wait3A_326, %dma_wait3A_328, %dma_wait3A_329] : memref<5x80x32xf32, #tpu.memory_space<vmem>> -> memref<1x80x32xf32, #tpu.memory_space<vmem>>
      %dma_wait3A_331 = tpu.memref_squeeze %dma_wait3A_330 : memref<1x80x32xf32, #tpu.memory_space<vmem>> -> memref<80x32xf32, #tpu.memory_space<vmem>>
      %dma_wait3A_332 = arith.constant 0 : i32
      %dma_wait3A_333 = arith.constant 0 : i32
      %dma_wait3A_334 = tpu.memref_slice %arg2[%dma_wait3A_332, %dma_wait3A_333] : memref<10000x32xf32, #tpu.memory_space<hbm>> -> memref<80x32xf32, #tpu.memory_space<hbm>>
      %dma_wait3A_335 = tpu.memref_slice %arg11[%dma_wait3A_327] : memref<5x!tpu.dma_semaphore, #tpu.memory_space<semaphore_mem>> -> memref<1x!tpu.dma_semaphore, #tpu.memory_space<semaphore_mem>>
      %dma_wait3A_336 = tpu.memref_squeeze %dma_wait3A_335 : memref<1x!tpu.dma_semaphore, #tpu.memory_space<semaphore_mem>> -> memref<!tpu.dma_semaphore, #tpu.memory_space<semaphore_mem>>
      %dma_wait3A_337 = arith.constant 0 : i32
      %dma_wait3A_338 = arith.constant 0 : i32
      %dma_wait3A_339 = tpu.memref_slice %arg7[%dma_wait3A_326, %dma_wait3A_337, %dma_wait3A_338] : memref<5x80x32xf32, #tpu.memory_space<vmem>> -> memref<1x80x32xf32, #tpu.memory_space<vmem>>
      %dma_wait3A_340 = tpu.memref_squeeze %dma_wait3A_339 : memref<1x80x32xf32, #tpu.memory_space<vmem>> -> memref<80x32xf32, #tpu.memory_space<vmem>>
      %dma_wait3A_341 = arith.constant 0 : i32
      %dma_wait3A_342 = arith.constant 0 : i32
      %dma_wait3A_343 = tpu.memref_slice %arg2[%dma_wait3A_341, %dma_wait3A_342] : memref<10000x32xf32, #tpu.memory_space<hbm>> -> memref<80x32xf32, #tpu.memory_space<hbm>>
      tpu.wait_dma2 semaphore(%dma_wait3A_336 : memref<!tpu.dma_semaphore, #tpu.memory_space<semaphore_mem>>) src(%dma_wait3A_343 : memref<80x32xf32, #tpu.memory_space<hbm>>) dst(%dma_wait3A_340 : memref<80x32xf32, #tpu.memory_space<vmem>>)
      %add3A_344 = arith.constant 1 : i32
      %add3A_345 = arith.addi %scan3A_97, %add3A_344 : i32
      %lt3A_346 = arith.constant 25 : i32
      %lt3A_347 = arith.cmpi slt, %add3A_345, %lt3A_346 : i32
      %convert_element_type3A_348 = arith.extui %lt3A_347 : i1 to i32
      %cond3A_349 = arith.constant 0 : i32
      %cond3A_350 = arith.cmpi ne, %convert_element_type3A_348, %cond3A_349 : i32
      scf.if %cond3A_350 {
        %add3A_401 = arith.constant 1 : i32
        %add3A_402 = arith.addi %scan3A_97, %add3A_401 : i32
        %mul3A_403 = arith.constant 5 : i32
        %mul3A_404 = arith.muli %add3A_402, %mul3A_403 : i32
        %add3A_405 = arith.constant 2 : i32
        %add3A_406 = arith.addi %mul3A_404, %add3A_405 : i32
        %dma_start3A_407 = arith.constant 2 : i32
        %dma_start3A_408 = arith.constant 2 : i32
        %dma_start3A_409 = arith.constant 0 : i32
        %dma_start3A_410 = arith.constant 0 : i32
        %dma_start3A_411 = tpu.memref_slice %arg7[%dma_start3A_407, %dma_start3A_409, %dma_start3A_410] : memref<5x80x32xf32, #tpu.memory_space<vmem>> -> memref<1x80x32xf32, #tpu.memory_space<vmem>>
        %dma_start3A_412 = tpu.memref_squeeze %dma_start3A_411 : memref<1x80x32xf32, #tpu.memory_space<vmem>> -> memref<80x32xf32, #tpu.memory_space<vmem>>
        %dma_start3A_413 = arith.constant 0 : i32
        %dma_start3A_414 = tpu.memref_slice %arg5[%add3A_406, %dma_start3A_413] : memref<125x80xi32, #tpu.memory_space<vmem>> -> memref<1x80xi32, #tpu.memory_space<vmem>>
        %dma_start3A_415 = tpu.memref_squeeze %dma_start3A_414 : memref<1x80xi32, #tpu.memory_space<vmem>> -> memref<80xi32, #tpu.memory_space<vmem>>
        %dma_start3A_416 = arith.constant 0 : i32
        %dma_start3A_417 = arith.constant 0 : i32
        %dma_start3A_418 = tpu.memref_slice %arg2[%dma_start3A_416, %dma_start3A_417] : memref<10000x32xf32, #tpu.memory_space<hbm>> -> memref<10000x32xf32, #tpu.memory_space<hbm>>
        %dma_start3A_419 = tpu.memref_slice %arg10[%dma_start3A_408] : memref<5x!tpu.dma_semaphore, #tpu.memory_space<semaphore_mem>> -> memref<1x!tpu.dma_semaphore, #tpu.memory_space<semaphore_mem>>
        %dma_start3A_420 = tpu.memref_squeeze %dma_start3A_419 : memref<1x!tpu.dma_semaphore, #tpu.memory_space<semaphore_mem>> -> memref<!tpu.dma_semaphore, #tpu.memory_space<semaphore_mem>>
        tpu.enqueue_indirect_dma source(%dma_start3A_418 : memref<10000x32xf32, #tpu.memory_space<hbm>>) target(%dma_start3A_412 : memref<80x32xf32, #tpu.memory_space<vmem>>) offsets(%dma_start3A_415 : memref<80xi32, #tpu.memory_space<vmem>>) semaphore(%dma_start3A_420 : memref<!tpu.dma_semaphore, #tpu.memory_space<semaphore_mem>>)
      } else {
      }
      %dma_wait3A_351 = arith.constant 3 : i32
      %dma_wait3A_352 = arith.constant 3 : i32
      %dma_wait3A_353 = arith.constant 0 : i32
      %dma_wait3A_354 = arith.constant 0 : i32
      %dma_wait3A_355 = tpu.memref_slice %arg7[%dma_wait3A_351, %dma_wait3A_353, %dma_wait3A_354] : memref<5x80x32xf32, #tpu.memory_space<vmem>> -> memref<1x80x32xf32, #tpu.memory_space<vmem>>
      %dma_wait3A_356 = tpu.memref_squeeze %dma_wait3A_355 : memref<1x80x32xf32, #tpu.memory_space<vmem>> -> memref<80x32xf32, #tpu.memory_space<vmem>>
      %dma_wait3A_357 = arith.constant 0 : i32
      %dma_wait3A_358 = arith.constant 0 : i32
      %dma_wait3A_359 = tpu.memref_slice %arg2[%dma_wait3A_357, %dma_wait3A_358] : memref<10000x32xf32, #tpu.memory_space<hbm>> -> memref<80x32xf32, #tpu.memory_space<hbm>>
      %dma_wait3A_360 = tpu.memref_slice %arg11[%dma_wait3A_352] : memref<5x!tpu.dma_semaphore, #tpu.memory_space<semaphore_mem>> -> memref<1x!tpu.dma_semaphore, #tpu.memory_space<semaphore_mem>>
      %dma_wait3A_361 = tpu.memref_squeeze %dma_wait3A_360 : memref<1x!tpu.dma_semaphore, #tpu.memory_space<semaphore_mem>> -> memref<!tpu.dma_semaphore, #tpu.memory_space<semaphore_mem>>
      %dma_wait3A_362 = arith.constant 0 : i32
      %dma_wait3A_363 = arith.constant 0 : i32
      %dma_wait3A_364 = tpu.memref_slice %arg7[%dma_wait3A_351, %dma_wait3A_362, %dma_wait3A_363] : memref<5x80x32xf32, #tpu.memory_space<vmem>> -> memref<1x80x32xf32, #tpu.memory_space<vmem>>
      %dma_wait3A_365 = tpu.memref_squeeze %dma_wait3A_364 : memref<1x80x32xf32, #tpu.memory_space<vmem>> -> memref<80x32xf32, #tpu.memory_space<vmem>>
      %dma_wait3A_366 = arith.constant 0 : i32
      %dma_wait3A_367 = arith.constant 0 : i32
      %dma_wait3A_368 = tpu.memref_slice %arg2[%dma_wait3A_366, %dma_wait3A_367] : memref<10000x32xf32, #tpu.memory_space<hbm>> -> memref<80x32xf32, #tpu.memory_space<hbm>>
      tpu.wait_dma2 semaphore(%dma_wait3A_361 : memref<!tpu.dma_semaphore, #tpu.memory_space<semaphore_mem>>) src(%dma_wait3A_368 : memref<80x32xf32, #tpu.memory_space<hbm>>) dst(%dma_wait3A_365 : memref<80x32xf32, #tpu.memory_space<vmem>>)
      %add3A_369 = arith.constant 1 : i32
      %add3A_370 = arith.addi %scan3A_97, %add3A_369 : i32
      %lt3A_371 = arith.constant 25 : i32
      %lt3A_372 = arith.cmpi slt, %add3A_370, %lt3A_371 : i32
      %convert_element_type3A_373 = arith.extui %lt3A_372 : i1 to i32
      %cond3A_374 = arith.constant 0 : i32
      %cond3A_375 = arith.cmpi ne, %convert_element_type3A_373, %cond3A_374 : i32
      scf.if %cond3A_375 {
        %add3A_401 = arith.constant 1 : i32
        %add3A_402 = arith.addi %scan3A_97, %add3A_401 : i32
        %mul3A_403 = arith.constant 5 : i32
        %mul3A_404 = arith.muli %add3A_402, %mul3A_403 : i32
        %add3A_405 = arith.constant 3 : i32
        %add3A_406 = arith.addi %mul3A_404, %add3A_405 : i32
        %dma_start3A_407 = arith.constant 3 : i32
        %dma_start3A_408 = arith.constant 3 : i32
        %dma_start3A_409 = arith.constant 0 : i32
        %dma_start3A_410 = arith.constant 0 : i32
        %dma_start3A_411 = tpu.memref_slice %arg7[%dma_start3A_407, %dma_start3A_409, %dma_start3A_410] : memref<5x80x32xf32, #tpu.memory_space<vmem>> -> memref<1x80x32xf32, #tpu.memory_space<vmem>>
        %dma_start3A_412 = tpu.memref_squeeze %dma_start3A_411 : memref<1x80x32xf32, #tpu.memory_space<vmem>> -> memref<80x32xf32, #tpu.memory_space<vmem>>
        %dma_start3A_413 = arith.constant 0 : i32
        %dma_start3A_414 = tpu.memref_slice %arg5[%add3A_406, %dma_start3A_413] : memref<125x80xi32, #tpu.memory_space<vmem>> -> memref<1x80xi32, #tpu.memory_space<vmem>>
        %dma_start3A_415 = tpu.memref_squeeze %dma_start3A_414 : memref<1x80xi32, #tpu.memory_space<vmem>> -> memref<80xi32, #tpu.memory_space<vmem>>
        %dma_start3A_416 = arith.constant 0 : i32
        %dma_start3A_417 = arith.constant 0 : i32
        %dma_start3A_418 = tpu.memref_slice %arg2[%dma_start3A_416, %dma_start3A_417] : memref<10000x32xf32, #tpu.memory_space<hbm>> -> memref<10000x32xf32, #tpu.memory_space<hbm>>
        %dma_start3A_419 = tpu.memref_slice %arg10[%dma_start3A_408] : memref<5x!tpu.dma_semaphore, #tpu.memory_space<semaphore_mem>> -> memref<1x!tpu.dma_semaphore, #tpu.memory_space<semaphore_mem>>
        %dma_start3A_420 = tpu.memref_squeeze %dma_start3A_419 : memref<1x!tpu.dma_semaphore, #tpu.memory_space<semaphore_mem>> -> memref<!tpu.dma_semaphore, #tpu.memory_space<semaphore_mem>>
        tpu.enqueue_indirect_dma source(%dma_start3A_418 : memref<10000x32xf32, #tpu.memory_space<hbm>>) target(%dma_start3A_412 : memref<80x32xf32, #tpu.memory_space<vmem>>) offsets(%dma_start3A_415 : memref<80xi32, #tpu.memory_space<vmem>>) semaphore(%dma_start3A_420 : memref<!tpu.dma_semaphore, #tpu.memory_space<semaphore_mem>>)
      } else {
      }
      %dma_wait3A_376 = arith.constant 4 : i32
      %dma_wait3A_377 = arith.constant 4 : i32
      %dma_wait3A_378 = arith.constant 0 : i32
      %dma_wait3A_379 = arith.constant 0 : i32
      %dma_wait3A_380 = tpu.memref_slice %arg7[%dma_wait3A_376, %dma_wait3A_378, %dma_wait3A_379] : memref<5x80x32xf32, #tpu.memory_space<vmem>> -> memref<1x80x32xf32, #tpu.memory_space<vmem>>
      %dma_wait3A_381 = tpu.memref_squeeze %dma_wait3A_380 : memref<1x80x32xf32, #tpu.memory_space<vmem>> -> memref<80x32xf32, #tpu.memory_space<vmem>>
      %dma_wait3A_382 = arith.constant 0 : i32
      %dma_wait3A_383 = arith.constant 0 : i32
      %dma_wait3A_384 = tpu.memref_slice %arg2[%dma_wait3A_382, %dma_wait3A_383] : memref<10000x32xf32, #tpu.memory_space<hbm>> -> memref<80x32xf32, #tpu.memory_space<hbm>>
      %dma_wait3A_385 = tpu.memref_slice %arg11[%dma_wait3A_377] : memref<5x!tpu.dma_semaphore, #tpu.memory_space<semaphore_mem>> -> memref<1x!tpu.dma_semaphore, #tpu.memory_space<semaphore_mem>>
      %dma_wait3A_386 = tpu.memref_squeeze %dma_wait3A_385 : memref<1x!tpu.dma_semaphore, #tpu.memory_space<semaphore_mem>> -> memref<!tpu.dma_semaphore, #tpu.memory_space<semaphore_mem>>
      %dma_wait3A_387 = arith.constant 0 : i32
      %dma_wait3A_388 = arith.constant 0 : i32
      %dma_wait3A_389 = tpu.memref_slice %arg7[%dma_wait3A_376, %dma_wait3A_387, %dma_wait3A_388] : memref<5x80x32xf32, #tpu.memory_space<vmem>> -> memref<1x80x32xf32, #tpu.memory_space<vmem>>
      %dma_wait3A_390 = tpu.memref_squeeze %dma_wait3A_389 : memref<1x80x32xf32, #tpu.memory_space<vmem>> -> memref<80x32xf32, #tpu.memory_space<vmem>>
      %dma_wait3A_391 = arith.constant 0 : i32
      %dma_wait3A_392 = arith.constant 0 : i32
      %dma_wait3A_393 = tpu.memref_slice %arg2[%dma_wait3A_391, %dma_wait3A_392] : memref<10000x32xf32, #tpu.memory_space<hbm>> -> memref<80x32xf32, #tpu.memory_space<hbm>>
      tpu.wait_dma2 semaphore(%dma_wait3A_386 : memref<!tpu.dma_semaphore, #tpu.memory_space<semaphore_mem>>) src(%dma_wait3A_393 : memref<80x32xf32, #tpu.memory_space<hbm>>) dst(%dma_wait3A_390 : memref<80x32xf32, #tpu.memory_space<vmem>>)
      %add3A_394 = arith.constant 1 : i32
      %add3A_395 = arith.addi %scan3A_97, %add3A_394 : i32
      %lt3A_396 = arith.constant 25 : i32
      %lt3A_397 = arith.cmpi slt, %add3A_395, %lt3A_396 : i32
      %convert_element_type3A_398 = arith.extui %lt3A_397 : i1 to i32
      %cond3A_399 = arith.constant 0 : i32
      %cond3A_400 = arith.cmpi ne, %convert_element_type3A_398, %cond3A_399 : i32
      scf.if %cond3A_400 {
        %add3A_401 = arith.constant 1 : i32
        %add3A_402 = arith.addi %scan3A_97, %add3A_401 : i32
        %mul3A_403 = arith.constant 5 : i32
        %mul3A_404 = arith.muli %add3A_402, %mul3A_403 : i32
        %add3A_405 = arith.constant 4 : i32
        %add3A_406 = arith.addi %mul3A_404, %add3A_405 : i32
        %dma_start3A_407 = arith.constant 4 : i32
        %dma_start3A_408 = arith.constant 4 : i32
        %dma_start3A_409 = arith.constant 0 : i32
        %dma_start3A_410 = arith.constant 0 : i32
        %dma_start3A_411 = tpu.memref_slice %arg7[%dma_start3A_407, %dma_start3A_409, %dma_start3A_410] : memref<5x80x32xf32, #tpu.memory_space<vmem>> -> memref<1x80x32xf32, #tpu.memory_space<vmem>>
        %dma_start3A_412 = tpu.memref_squeeze %dma_start3A_411 : memref<1x80x32xf32, #tpu.memory_space<vmem>> -> memref<80x32xf32, #tpu.memory_space<vmem>>
        %dma_start3A_413 = arith.constant 0 : i32
        %dma_start3A_414 = tpu.memref_slice %arg5[%add3A_406, %dma_start3A_413] : memref<125x80xi32, #tpu.memory_space<vmem>> -> memref<1x80xi32, #tpu.memory_space<vmem>>
        %dma_start3A_415 = tpu.memref_squeeze %dma_start3A_414 : memref<1x80xi32, #tpu.memory_space<vmem>> -> memref<80xi32, #tpu.memory_space<vmem>>
        %dma_start3A_416 = arith.constant 0 : i32
        %dma_start3A_417 = arith.constant 0 : i32
        %dma_start3A_418 = tpu.memref_slice %arg2[%dma_start3A_416, %dma_start3A_417] : memref<10000x32xf32, #tpu.memory_space<hbm>> -> memref<10000x32xf32, #tpu.memory_space<hbm>>
        %dma_start3A_419 = tpu.memref_slice %arg10[%dma_start3A_408] : memref<5x!tpu.dma_semaphore, #tpu.memory_space<semaphore_mem>> -> memref<1x!tpu.dma_semaphore, #tpu.memory_space<semaphore_mem>>
        %dma_start3A_420 = tpu.memref_squeeze %dma_start3A_419 : memref<1x!tpu.dma_semaphore, #tpu.memory_space<semaphore_mem>> -> memref<!tpu.dma_semaphore, #tpu.memory_space<semaphore_mem>>
        tpu.enqueue_indirect_dma source(%dma_start3A_418 : memref<10000x32xf32, #tpu.memory_space<hbm>>) target(%dma_start3A_412 : memref<80x32xf32, #tpu.memory_space<vmem>>) offsets(%dma_start3A_415 : memref<80xi32, #tpu.memory_space<vmem>>) semaphore(%dma_start3A_420 : memref<!tpu.dma_semaphore, #tpu.memory_space<semaphore_mem>>)
      } else {
      }
    }
    %scan3A_88 = arith.constant 25 : i32
    %barrier3A_89 = arith.constant 0 : index
    tpu.barrier barrier_id(%barrier3A_89)
    %mul3A_90 = arith.constant 32 : i32
    %mul3A_91 = arith.muli %arg0, %mul3A_90 : i32
    "tpu.region"() ({
      %run_scoped3A_97 = tpu.sem_alloc : memref<!tpu.dma_semaphore, #tpu.memory_space<semaphore_mem>>
      %dma_start3A_98 = arith.constant 0 : i32
      %dma_start3A_99 = arith.constant 0 : i32
      %dma_start3A_100 = tpu.memref_slice %arg8[%dma_start3A_98, %dma_start3A_99] : memref<640x32xf32, #tpu.memory_space<vmem>> -> memref<624x32xf32, #tpu.memory_space<vmem>>
      %dma_start3A_101 = arith.constant 0 : i32
      %dma_start3A_102 = tpu.memref_slice %arg9[%mul3A_81, %dma_start3A_101] : memref<10000x32xf32, #tpu.memory_space<vmem_shared>> -> memref<624x32xf32, #tpu.memory_space<vmem_shared>>
      %dma_start3A_103 = arith.constant 0 : i32
      %dma_start3A_104 = arith.constant 0 : i32
      %dma_start3A_105 = tpu.memref_slice %arg8[%dma_start3A_103, %dma_start3A_104] : memref<640x32xf32, #tpu.memory_space<vmem>> -> memref<624x32xf32, #tpu.memory_space<vmem>>
      %dma_start3A_106 = arith.constant 0 : i32
      %dma_start3A_107 = tpu.memref_slice %arg9[%mul3A_81, %dma_start3A_106] : memref<10000x32xf32, #tpu.memory_space<vmem_shared>> -> memref<624x32xf32, #tpu.memory_space<vmem_shared>>
      tpu.enqueue_dma source(%dma_start3A_107 : memref<624x32xf32, #tpu.memory_space<vmem_shared>>) target(%dma_start3A_105 : memref<624x32xf32, #tpu.memory_space<vmem>>) target_semaphore(%run_scoped3A_97 : memref<!tpu.dma_semaphore, #tpu.memory_space<semaphore_mem>>)
      %dma_wait3A = arith.constant 0 : i32
      %dma_wait3A_108 = arith.constant 0 : i32
      %dma_wait3A_109 = tpu.memref_slice %arg8[%dma_wait3A, %dma_wait3A_108] : memref<640x32xf32, #tpu.memory_space<vmem>> -> memref<624x32xf32, #tpu.memory_space<vmem>>
      %dma_wait3A_110 = arith.constant 0 : i32
      %dma_wait3A_111 = tpu.memref_slice %arg9[%mul3A_81, %dma_wait3A_110] : memref<10000x32xf32, #tpu.memory_space<vmem_shared>> -> memref<624x32xf32, #tpu.memory_space<vmem_shared>>
      %dma_wait3A_112 = arith.constant 0 : i32
      %dma_wait3A_113 = arith.constant 0 : i32
      %dma_wait3A_114 = tpu.memref_slice %arg8[%dma_wait3A_112, %dma_wait3A_113] : memref<640x32xf32, #tpu.memory_space<vmem>> -> memref<624x32xf32, #tpu.memory_space<vmem>>
      %dma_wait3A_115 = arith.constant 0 : i32
      %dma_wait3A_116 = tpu.memref_slice %arg9[%mul3A_81, %dma_wait3A_115] : memref<10000x32xf32, #tpu.memory_space<vmem_shared>> -> memref<624x32xf32, #tpu.memory_space<vmem_shared>>
      tpu.wait_dma2 semaphore(%run_scoped3A_97 : memref<!tpu.dma_semaphore, #tpu.memory_space<semaphore_mem>>) src(%dma_wait3A_116 : memref<624x32xf32, #tpu.memory_space<vmem_shared>>) dst(%dma_wait3A_114 : memref<624x32xf32, #tpu.memory_space<vmem>>)
      tpu.yield
    }) : () -> ()
    "tpu.region"() ({
      %run_scoped3A_97 = tpu.sem_alloc : memref<!tpu.dma_semaphore, #tpu.memory_space<semaphore_mem>>
      %dma_start3A_98 = arith.constant 0 : i32
      %dma_start3A_99 = arith.constant 0 : i32
      %dma_start3A_100 = tpu.memref_slice %arg8[%dma_start3A_98, %dma_start3A_99] : memref<640x32xf32, #tpu.memory_space<vmem>> -> memref<624x32xf32, #tpu.memory_space<vmem>>
      %dma_start3A_101 = tpu.memref_slice %arg4[%mul3A_81, %mul3A_91] : memref<10000x128xf32, #tpu.memory_space<hbm>> -> memref<624x32xf32, #tpu.memory_space<hbm>>
      %dma_start3A_102 = tpu.memref_slice %arg4[%mul3A_81, %mul3A_91] : memref<10000x128xf32, #tpu.memory_space<hbm>> -> memref<624x32xf32, #tpu.memory_space<hbm>>
      %dma_start3A_103 = arith.constant 0 : i32
      %dma_start3A_104 = arith.constant 0 : i32
      %dma_start3A_105 = tpu.memref_slice %arg8[%dma_start3A_103, %dma_start3A_104] : memref<640x32xf32, #tpu.memory_space<vmem>> -> memref<624x32xf32, #tpu.memory_space<vmem>>
      tpu.enqueue_dma source(%dma_start3A_105 : memref<624x32xf32, #tpu.memory_space<vmem>>) target(%dma_start3A_102 : memref<624x32xf32, #tpu.memory_space<hbm>>) target_semaphore(%run_scoped3A_97 : memref<!tpu.dma_semaphore, #tpu.memory_space<semaphore_mem>>)
      %dma_wait3A = arith.constant 0 : i32
      %dma_wait3A_106 = arith.constant 0 : i32
      %dma_wait3A_107 = tpu.memref_slice %arg8[%dma_wait3A, %dma_wait3A_106] : memref<640x32xf32, #tpu.memory_space<vmem>> -> memref<624x32xf32, #tpu.memory_space<vmem>>
      %dma_wait3A_108 = tpu.memref_slice %arg4[%mul3A_81, %mul3A_91] : memref<10000x128xf32, #tpu.memory_space<hbm>> -> memref<624x32xf32, #tpu.memory_space<hbm>>
      %dma_wait3A_109 = tpu.memref_slice %arg4[%mul3A_81, %mul3A_91] : memref<10000x128xf32, #tpu.memory_space<hbm>> -> memref<624x32xf32, #tpu.memory_space<hbm>>
      %dma_wait3A_110 = arith.constant 0 : i32
      %dma_wait3A_111 = arith.constant 0 : i32
      %dma_wait3A_112 = tpu.memref_slice %arg8[%dma_wait3A_110, %dma_wait3A_111] : memref<640x32xf32, #tpu.memory_space<vmem>> -> memref<624x32xf32, #tpu.memory_space<vmem>>
      tpu.wait_dma2 semaphore(%run_scoped3A_97 : memref<!tpu.dma_semaphore, #tpu.memory_space<semaphore_mem>>) src(%dma_wait3A_112 : memref<624x32xf32, #tpu.memory_space<vmem>>) dst(%dma_wait3A_109 : memref<624x32xf32, #tpu.memory_space<hbm>>)
      tpu.yield
    }) : () -> ()
    %eq3A_92 = arith.constant 15 : i32
    %eq3A_93 = arith.cmpi eq, %arg1, %eq3A_92 : i32
    %convert_element_type3A_94 = arith.extui %eq3A_93 : i1 to i32
    %cond3A_95 = arith.constant 0 : i32
    %cond3A_96 = arith.cmpi ne, %convert_element_type3A_94, %cond3A_95 : i32
    scf.if %cond3A_96 {
      "tpu.region"() ({
        %run_scoped3A_97 = tpu.sem_alloc : memref<!tpu.dma_semaphore, #tpu.memory_space<semaphore_mem>>
        %dma_start3A_98 = arith.constant 624 : i32
        %dma_start3A_99 = arith.constant 0 : i32
        %dma_start3A_100 = tpu.memref_slice %arg8[%dma_start3A_98, %dma_start3A_99] : memref<640x32xf32, #tpu.memory_space<vmem>> -> memref<16x32xf32, #tpu.memory_space<vmem>>
        %dma_start3A_101 = arith.constant 9984 : i32
        %dma_start3A_102 = arith.constant 0 : i32
        %dma_start3A_103 = tpu.memref_slice %arg9[%dma_start3A_101, %dma_start3A_102] : memref<10000x32xf32, #tpu.memory_space<vmem_shared>> -> memref<16x32xf32, #tpu.memory_space<vmem_shared>>
        %dma_start3A_104 = arith.constant 624 : i32
        %dma_start3A_105 = arith.constant 0 : i32
        %dma_start3A_106 = tpu.memref_slice %arg8[%dma_start3A_104, %dma_start3A_105] : memref<640x32xf32, #tpu.memory_space<vmem>> -> memref<16x32xf32, #tpu.memory_space<vmem>>
        %dma_start3A_107 = arith.constant 9984 : i32
        %dma_start3A_108 = arith.constant 0 : i32
        %dma_start3A_109 = tpu.memref_slice %arg9[%dma_start3A_107, %dma_start3A_108] : memref<10000x32xf32, #tpu.memory_space<vmem_shared>> -> memref<16x32xf32, #tpu.memory_space<vmem_shared>>
        tpu.enqueue_dma source(%dma_start3A_109 : memref<16x32xf32, #tpu.memory_space<vmem_shared>>) target(%dma_start3A_106 : memref<16x32xf32, #tpu.memory_space<vmem>>) target_semaphore(%run_scoped3A_97 : memref<!tpu.dma_semaphore, #tpu.memory_space<semaphore_mem>>)
        %dma_wait3A = arith.constant 624 : i32
        %dma_wait3A_110 = arith.constant 0 : i32
        %dma_wait3A_111 = tpu.memref_slice %arg8[%dma_wait3A, %dma_wait3A_110] : memref<640x32xf32, #tpu.memory_space<vmem>> -> memref<16x32xf32, #tpu.memory_space<vmem>>
        %dma_wait3A_112 = arith.constant 9984 : i32
        %dma_wait3A_113 = arith.constant 0 : i32
        %dma_wait3A_114 = tpu.memref_slice %arg9[%dma_wait3A_112, %dma_wait3A_113] : memref<10000x32xf32, #tpu.memory_space<vmem_shared>> -> memref<16x32xf32, #tpu.memory_space<vmem_shared>>
        %dma_wait3A_115 = arith.constant 624 : i32
        %dma_wait3A_116 = arith.constant 0 : i32
        %dma_wait3A_117 = tpu.memref_slice %arg8[%dma_wait3A_115, %dma_wait3A_116] : memref<640x32xf32, #tpu.memory_space<vmem>> -> memref<16x32xf32, #tpu.memory_space<vmem>>
        %dma_wait3A_118 = arith.constant 9984 : i32
        %dma_wait3A_119 = arith.constant 0 : i32
        %dma_wait3A_120 = tpu.memref_slice %arg9[%dma_wait3A_118, %dma_wait3A_119] : memref<10000x32xf32, #tpu.memory_space<vmem_shared>> -> memref<16x32xf32, #tpu.memory_space<vmem_shared>>
        tpu.wait_dma2 semaphore(%run_scoped3A_97 : memref<!tpu.dma_semaphore, #tpu.memory_space<semaphore_mem>>) src(%dma_wait3A_120 : memref<16x32xf32, #tpu.memory_space<vmem_shared>>) dst(%dma_wait3A_117 : memref<16x32xf32, #tpu.memory_space<vmem>>)
        tpu.yield
      }) : () -> ()
      "tpu.region"() ({
        %run_scoped3A_97 = tpu.sem_alloc : memref<!tpu.dma_semaphore, #tpu.memory_space<semaphore_mem>>
        %dma_start3A_98 = arith.constant 624 : i32
        %dma_start3A_99 = arith.constant 0 : i32
        %dma_start3A_100 = tpu.memref_slice %arg8[%dma_start3A_98, %dma_start3A_99] : memref<640x32xf32, #tpu.memory_space<vmem>> -> memref<16x32xf32, #tpu.memory_space<vmem>>
        %dma_start3A_101 = arith.constant 9984 : i32
        %dma_start3A_102 = tpu.memref_slice %arg4[%dma_start3A_101, %mul3A_91] : memref<10000x128xf32, #tpu.memory_space<hbm>> -> memref<16x32xf32, #tpu.memory_space<hbm>>
        %dma_start3A_103 = arith.constant 9984 : i32
        %dma_start3A_104 = tpu.memref_slice %arg4[%dma_start3A_103, %mul3A_91] : memref<10000x128xf32, #tpu.memory_space<hbm>> -> memref<16x32xf32, #tpu.memory_space<hbm>>
        %dma_start3A_105 = arith.constant 624 : i32
        %dma_start3A_106 = arith.constant 0 : i32
        %dma_start3A_107 = tpu.memref_slice %arg8[%dma_start3A_105, %dma_start3A_106] : memref<640x32xf32, #tpu.memory_space<vmem>> -> memref<16x32xf32, #tpu.memory_space<vmem>>
        tpu.enqueue_dma source(%dma_start3A_107 : memref<16x32xf32, #tpu.memory_space<vmem>>) target(%dma_start3A_104 : memref<16x32xf32, #tpu.memory_space<hbm>>) target_semaphore(%run_scoped3A_97 : memref<!tpu.dma_semaphore, #tpu.memory_space<semaphore_mem>>)
        %dma_wait3A = arith.constant 624 : i32
        %dma_wait3A_108 = arith.constant 0 : i32
        %dma_wait3A_109 = tpu.memref_slice %arg8[%dma_wait3A, %dma_wait3A_108] : memref<640x32xf32, #tpu.memory_space<vmem>> -> memref<16x32xf32, #tpu.memory_space<vmem>>
        %dma_wait3A_110 = arith.constant 9984 : i32
        %dma_wait3A_111 = tpu.memref_slice %arg4[%dma_wait3A_110, %mul3A_91] : memref<10000x128xf32, #tpu.memory_space<hbm>> -> memref<16x32xf32, #tpu.memory_space<hbm>>
        %dma_wait3A_112 = arith.constant 9984 : i32
        %dma_wait3A_113 = tpu.memref_slice %arg4[%dma_wait3A_112, %mul3A_91] : memref<10000x128xf32, #tpu.memory_space<hbm>> -> memref<16x32xf32, #tpu.memory_space<hbm>>
        %dma_wait3A_114 = arith.constant 624 : i32
        %dma_wait3A_115 = arith.constant 0 : i32
        %dma_wait3A_116 = tpu.memref_slice %arg8[%dma_wait3A_114, %dma_wait3A_115] : memref<640x32xf32, #tpu.memory_space<vmem>> -> memref<16x32xf32, #tpu.memory_space<vmem>>
        tpu.wait_dma2 semaphore(%run_scoped3A_97 : memref<!tpu.dma_semaphore, #tpu.memory_space<semaphore_mem>>) src(%dma_wait3A_116 : memref<16x32xf32, #tpu.memory_space<vmem>>) dst(%dma_wait3A_113 : memref<16x32xf32, #tpu.memory_space<hbm>>)
        tpu.yield
      }) : () -> ()
    } else {
    }
    return
  }
}

#map = affine_map<(d0, d1) -> (0, 0, 0)>
#map1 = affine_map<(d0, d1) -> (0)>
module attributes {stable_mosaic.version = 14 : i64} {
  func.func @_deg_kernel(%arg0: i32, %arg1: i32, %arg2: memref<2x4000x80xi32, #tpu.memory_space<hbm>>, %arg3: memref<20000xf32, #tpu.memory_space<hbm>>, %arg4: memref<125x80xi32, #tpu.memory_space<vmem>>, %arg5: memref<80xf32, #tpu.memory_space<vmem>>, %arg6: memref<640xf32, #tpu.memory_space<vmem>>, %arg7: memref<10000xf32, #tpu.memory_space<vmem_shared>>, %arg8: memref<!tpu.dma_semaphore, #tpu.memory_space<semaphore_mem>>) attributes {dimension_semantics = [#tpu.dimension_semantics<core_parallel>, #tpu.dimension_semantics<subcore_parallel>], iteration_bounds = array<i64: 2, 16>, scalar_prefetch = 0 : i64, scratch_operands = 5 : i64, tpu.core_type = #tpu.core_type<sc_vector_subcore>, window_params = [{transform_indices = #map}, {transform_indices = #map1}]} {
    %mul3A = arith.constant 2 : i32
    %mul3A_0 = arith.muli %arg1, %mul3A : i32
    %add3A = arith.addi %mul3A_0, %arg0 : i32
    %broadcast_in_dim3A = arith.constant 1.000000e+00 : f32
    %broadcast_in_dim3A_1 = vector.broadcast %broadcast_in_dim3A : f32 to vector<16xf32>
    %broadcast_in_dim3A_2 = arith.constant 0.000000e+00 : f32
    %broadcast_in_dim3A_3 = vector.broadcast %broadcast_in_dim3A_2 : f32 to vector<16xf32>
    %swap3A = arith.constant 0 : index
    %swap3A_4 = tpu.vector_load %arg5[%swap3A] {strides = array<i32>} : memref<80xf32, #tpu.memory_space<vmem>>, vector<16xf32>,
    %swap3A_5 = vector.shape_cast %swap3A_4 : vector<16xf32> to vector<16xf32>
    %swap3A_6 = vector.shape_cast %broadcast_in_dim3A_1 : vector<16xf32> to vector<16xf32>
    tpu.vector_store %arg5[%swap3A], %swap3A_6 {strides = array<i32>} : memref<80xf32, #tpu.memory_space<vmem>>, vector<16xf32>,
    %swap3A_7 = arith.constant 16 : index
    %swap3A_8 = tpu.vector_load %arg5[%swap3A_7] {strides = array<i32>} : memref<80xf32, #tpu.memory_space<vmem>>, vector<16xf32>,
    %swap3A_9 = vector.shape_cast %swap3A_8 : vector<16xf32> to vector<16xf32>
    %swap3A_10 = vector.shape_cast %broadcast_in_dim3A_1 : vector<16xf32> to vector<16xf32>
    tpu.vector_store %arg5[%swap3A_7], %swap3A_10 {strides = array<i32>} : memref<80xf32, #tpu.memory_space<vmem>>, vector<16xf32>,
    %swap3A_11 = arith.constant 32 : index
    %swap3A_12 = tpu.vector_load %arg5[%swap3A_11] {strides = array<i32>} : memref<80xf32, #tpu.memory_space<vmem>>, vector<16xf32>,
    %swap3A_13 = vector.shape_cast %swap3A_12 : vector<16xf32> to vector<16xf32>
    %swap3A_14 = vector.shape_cast %broadcast_in_dim3A_1 : vector<16xf32> to vector<16xf32>
    tpu.vector_store %arg5[%swap3A_11], %swap3A_14 {strides = array<i32>} : memref<80xf32, #tpu.memory_space<vmem>>, vector<16xf32>,
    %swap3A_15 = arith.constant 48 : index
    %swap3A_16 = tpu.vector_load %arg5[%swap3A_15] {strides = array<i32>} : memref<80xf32, #tpu.memory_space<vmem>>, vector<16xf32>,
    %swap3A_17 = vector.shape_cast %swap3A_16 : vector<16xf32> to vector<16xf32>
    %swap3A_18 = vector.shape_cast %broadcast_in_dim3A_1 : vector<16xf32> to vector<16xf32>
    tpu.vector_store %arg5[%swap3A_15], %swap3A_18 {strides = array<i32>} : memref<80xf32, #tpu.memory_space<vmem>>, vector<16xf32>,
    %swap3A_19 = arith.constant 64 : index
    %swap3A_20 = tpu.vector_load %arg5[%swap3A_19] {strides = array<i32>} : memref<80xf32, #tpu.memory_space<vmem>>, vector<16xf32>,
    %swap3A_21 = vector.shape_cast %swap3A_20 : vector<16xf32> to vector<16xf32>
    %swap3A_22 = vector.shape_cast %broadcast_in_dim3A_1 : vector<16xf32> to vector<16xf32>
    tpu.vector_store %arg5[%swap3A_19], %swap3A_22 {strides = array<i32>} : memref<80xf32, #tpu.memory_space<vmem>>, vector<16xf32>,
    %swap3A_23 = arith.constant 0 : index
    %swap3A_24 = tpu.vector_load %arg6[%swap3A_23] {strides = array<i32>} : memref<640xf32, #tpu.memory_space<vmem>>, vector<16xf32>,
    %swap3A_25 = vector.shape_cast %swap3A_24 : vector<16xf32> to vector<16xf32>
    %swap3A_26 = vector.shape_cast %broadcast_in_dim3A_3 : vector<16xf32> to vector<16xf32>
    tpu.vector_store %arg6[%swap3A_23], %swap3A_26 {strides = array<i32>} : memref<640xf32, #tpu.memory_space<vmem>>, vector<16xf32>,
    %swap3A_27 = arith.constant 16 : index
    %swap3A_28 = tpu.vector_load %arg6[%swap3A_27] {strides = array<i32>} : memref<640xf32, #tpu.memory_space<vmem>>, vector<16xf32>,
    %swap3A_29 = vector.shape_cast %swap3A_28 : vector<16xf32> to vector<16xf32>
    %swap3A_30 = vector.shape_cast %broadcast_in_dim3A_3 : vector<16xf32> to vector<16xf32>
    tpu.vector_store %arg6[%swap3A_27], %swap3A_30 {strides = array<i32>} : memref<640xf32, #tpu.memory_space<vmem>>, vector<16xf32>,
    %swap3A_31 = arith.constant 32 : index
    %swap3A_32 = tpu.vector_load %arg6[%swap3A_31] {strides = array<i32>} : memref<640xf32, #tpu.memory_space<vmem>>, vector<16xf32>,
    %swap3A_33 = vector.shape_cast %swap3A_32 : vector<16xf32> to vector<16xf32>
    %swap3A_34 = vector.shape_cast %broadcast_in_dim3A_3 : vector<16xf32> to vector<16xf32>
    tpu.vector_store %arg6[%swap3A_31], %swap3A_34 {strides = array<i32>} : memref<640xf32, #tpu.memory_space<vmem>>, vector<16xf32>,
    %swap3A_35 = arith.constant 48 : index
    %swap3A_36 = tpu.vector_load %arg6[%swap3A_35] {strides = array<i32>} : memref<640xf32, #tpu.memory_space<vmem>>, vector<16xf32>,
    %swap3A_37 = vector.shape_cast %swap3A_36 : vector<16xf32> to vector<16xf32>
    %swap3A_38 = vector.shape_cast %broadcast_in_dim3A_3 : vector<16xf32> to vector<16xf32>
    tpu.vector_store %arg6[%swap3A_35], %swap3A_38 {strides = array<i32>} : memref<640xf32, #tpu.memory_space<vmem>>, vector<16xf32>,
    %swap3A_39 = arith.constant 64 : index
    %swap3A_40 = tpu.vector_load %arg6[%swap3A_39] {strides = array<i32>} : memref<640xf32, #tpu.memory_space<vmem>>, vector<16xf32>,
    %swap3A_41 = vector.shape_cast %swap3A_40 : vector<16xf32> to vector<16xf32>
    %swap3A_42 = vector.shape_cast %broadcast_in_dim3A_3 : vector<16xf32> to vector<16xf32>
    tpu.vector_store %arg6[%swap3A_39], %swap3A_42 {strides = array<i32>} : memref<640xf32, #tpu.memory_space<vmem>>, vector<16xf32>,
    %swap3A_43 = arith.constant 80 : index
    %swap3A_44 = tpu.vector_load %arg6[%swap3A_43] {strides = array<i32>} : memref<640xf32, #tpu.memory_space<vmem>>, vector<16xf32>,
    %swap3A_45 = vector.shape_cast %swap3A_44 : vector<16xf32> to vector<16xf32>
    %swap3A_46 = vector.shape_cast %broadcast_in_dim3A_3 : vector<16xf32> to vector<16xf32>
    tpu.vector_store %arg6[%swap3A_43], %swap3A_46 {strides = array<i32>} : memref<640xf32, #tpu.memory_space<vmem>>, vector<16xf32>,
    %swap3A_47 = arith.constant 96 : index
    %swap3A_48 = tpu.vector_load %arg6[%swap3A_47] {strides = array<i32>} : memref<640xf32, #tpu.memory_space<vmem>>, vector<16xf32>,
    %swap3A_49 = vector.shape_cast %swap3A_48 : vector<16xf32> to vector<16xf32>
    %swap3A_50 = vector.shape_cast %broadcast_in_dim3A_3 : vector<16xf32> to vector<16xf32>
    tpu.vector_store %arg6[%swap3A_47], %swap3A_50 {strides = array<i32>} : memref<640xf32, #tpu.memory_space<vmem>>, vector<16xf32>,
    %swap3A_51 = arith.constant 112 : index
    %swap3A_52 = tpu.vector_load %arg6[%swap3A_51] {strides = array<i32>} : memref<640xf32, #tpu.memory_space<vmem>>, vector<16xf32>,
    %swap3A_53 = vector.shape_cast %swap3A_52 : vector<16xf32> to vector<16xf32>
    %swap3A_54 = vector.shape_cast %broadcast_in_dim3A_3 : vector<16xf32> to vector<16xf32>
    tpu.vector_store %arg6[%swap3A_51], %swap3A_54 {strides = array<i32>} : memref<640xf32, #tpu.memory_space<vmem>>, vector<16xf32>,
    %swap3A_55 = arith.constant 128 : index
    %swap3A_56 = tpu.vector_load %arg6[%swap3A_55] {strides = array<i32>} : memref<640xf32, #tpu.memory_space<vmem>>, vector<16xf32>,
    %swap3A_57 = vector.shape_cast %swap3A_56 : vector<16xf32> to vector<16xf32>
    %swap3A_58 = vector.shape_cast %broadcast_in_dim3A_3 : vector<16xf32> to vector<16xf32>
    tpu.vector_store %arg6[%swap3A_55], %swap3A_58 {strides = array<i32>} : memref<640xf32, #tpu.memory_space<vmem>>, vector<16xf32>,
    %swap3A_59 = arith.constant 144 : index
    %swap3A_60 = tpu.vector_load %arg6[%swap3A_59] {strides = array<i32>} : memref<640xf32, #tpu.memory_space<vmem>>, vector<16xf32>,
    %swap3A_61 = vector.shape_cast %swap3A_60 : vector<16xf32> to vector<16xf32>
    %swap3A_62 = vector.shape_cast %broadcast_in_dim3A_3 : vector<16xf32> to vector<16xf32>
    tpu.vector_store %arg6[%swap3A_59], %swap3A_62 {strides = array<i32>} : memref<640xf32, #tpu.memory_space<vmem>>, vector<16xf32>,
    %swap3A_63 = arith.constant 160 : index
    %swap3A_64 = tpu.vector_load %arg6[%swap3A_63] {strides = array<i32>} : memref<640xf32, #tpu.memory_space<vmem>>, vector<16xf32>,
    %swap3A_65 = vector.shape_cast %swap3A_64 : vector<16xf32> to vector<16xf32>
    %swap3A_66 = vector.shape_cast %broadcast_in_dim3A_3 : vector<16xf32> to vector<16xf32>
    tpu.vector_store %arg6[%swap3A_63], %swap3A_66 {strides = array<i32>} : memref<640xf32, #tpu.memory_space<vmem>>, vector<16xf32>,
    %swap3A_67 = arith.constant 176 : index
    %swap3A_68 = tpu.vector_load %arg6[%swap3A_67] {strides = array<i32>} : memref<640xf32, #tpu.memory_space<vmem>>, vector<16xf32>,
    %swap3A_69 = vector.shape_cast %swap3A_68 : vector<16xf32> to vector<16xf32>
    %swap3A_70 = vector.shape_cast %broadcast_in_dim3A_3 : vector<16xf32> to vector<16xf32>
    tpu.vector_store %arg6[%swap3A_67], %swap3A_70 {strides = array<i32>} : memref<640xf32, #tpu.memory_space<vmem>>, vector<16xf32>,
    %swap3A_71 = arith.constant 192 : index
    %swap3A_72 = tpu.vector_load %arg6[%swap3A_71] {strides = array<i32>} : memref<640xf32, #tpu.memory_space<vmem>>, vector<16xf32>,
    %swap3A_73 = vector.shape_cast %swap3A_72 : vector<16xf32> to vector<16xf32>
    %swap3A_74 = vector.shape_cast %broadcast_in_dim3A_3 : vector<16xf32> to vector<16xf32>
    tpu.vector_store %arg6[%swap3A_71], %swap3A_74 {strides = array<i32>} : memref<640xf32, #tpu.memory_space<vmem>>, vector<16xf32>,
    %swap3A_75 = arith.constant 208 : index
    %swap3A_76 = tpu.vector_load %arg6[%swap3A_75] {strides = array<i32>} : memref<640xf32, #tpu.memory_space<vmem>>, vector<16xf32>,
    %swap3A_77 = vector.shape_cast %swap3A_76 : vector<16xf32> to vector<16xf32>
    %swap3A_78 = vector.shape_cast %broadcast_in_dim3A_3 : vector<16xf32> to vector<16xf32>
    tpu.vector_store %arg6[%swap3A_75], %swap3A_78 {strides = array<i32>} : memref<640xf32, #tpu.memory_space<vmem>>, vector<16xf32>,
    %swap3A_79 = arith.constant 224 : index
    %swap3A_80 = tpu.vector_load %arg6[%swap3A_79] {strides = array<i32>} : memref<640xf32, #tpu.memory_space<vmem>>, vector<16xf32>,
    %swap3A_81 = vector.shape_cast %swap3A_80 : vector<16xf32> to vector<16xf32>
    %swap3A_82 = vector.shape_cast %broadcast_in_dim3A_3 : vector<16xf32> to vector<16xf32>
    tpu.vector_store %arg6[%swap3A_79], %swap3A_82 {strides = array<i32>} : memref<640xf32, #tpu.memory_space<vmem>>, vector<16xf32>,
    %swap3A_83 = arith.constant 240 : index
    %swap3A_84 = tpu.vector_load %arg6[%swap3A_83] {strides = array<i32>} : memref<640xf32, #tpu.memory_space<vmem>>, vector<16xf32>,
    %swap3A_85 = vector.shape_cast %swap3A_84 : vector<16xf32> to vector<16xf32>
    %swap3A_86 = vector.shape_cast %broadcast_in_dim3A_3 : vector<16xf32> to vector<16xf32>
    tpu.vector_store %arg6[%swap3A_83], %swap3A_86 {strides = array<i32>} : memref<640xf32, #tpu.memory_space<vmem>>, vector<16xf32>,
    %swap3A_87 = arith.constant 256 : index
    %swap3A_88 = tpu.vector_load %arg6[%swap3A_87] {strides = array<i32>} : memref<640xf32, #tpu.memory_space<vmem>>, vector<16xf32>,
    %swap3A_89 = vector.shape_cast %swap3A_88 : vector<16xf32> to vector<16xf32>
    %swap3A_90 = vector.shape_cast %broadcast_in_dim3A_3 : vector<16xf32> to vector<16xf32>
    tpu.vector_store %arg6[%swap3A_87], %swap3A_90 {strides = array<i32>} : memref<640xf32, #tpu.memory_space<vmem>>, vector<16xf32>,
    %swap3A_91 = arith.constant 272 : index
    %swap3A_92 = tpu.vector_load %arg6[%swap3A_91] {strides = array<i32>} : memref<640xf32, #tpu.memory_space<vmem>>, vector<16xf32>,
    %swap3A_93 = vector.shape_cast %swap3A_92 : vector<16xf32> to vector<16xf32>
    %swap3A_94 = vector.shape_cast %broadcast_in_dim3A_3 : vector<16xf32> to vector<16xf32>
    tpu.vector_store %arg6[%swap3A_91], %swap3A_94 {strides = array<i32>} : memref<640xf32, #tpu.memory_space<vmem>>, vector<16xf32>,
    %swap3A_95 = arith.constant 288 : index
    %swap3A_96 = tpu.vector_load %arg6[%swap3A_95] {strides = array<i32>} : memref<640xf32, #tpu.memory_space<vmem>>, vector<16xf32>,
    %swap3A_97 = vector.shape_cast %swap3A_96 : vector<16xf32> to vector<16xf32>
    %swap3A_98 = vector.shape_cast %broadcast_in_dim3A_3 : vector<16xf32> to vector<16xf32>
    tpu.vector_store %arg6[%swap3A_95], %swap3A_98 {strides = array<i32>} : memref<640xf32, #tpu.memory_space<vmem>>, vector<16xf32>,
    %swap3A_99 = arith.constant 304 : index
    %swap3A_100 = tpu.vector_load %arg6[%swap3A_99] {strides = array<i32>} : memref<640xf32, #tpu.memory_space<vmem>>, vector<16xf32>,
    %swap3A_101 = vector.shape_cast %swap3A_100 : vector<16xf32> to vector<16xf32>
    %swap3A_102 = vector.shape_cast %broadcast_in_dim3A_3 : vector<16xf32> to vector<16xf32>
    tpu.vector_store %arg6[%swap3A_99], %swap3A_102 {strides = array<i32>} : memref<640xf32, #tpu.memory_space<vmem>>, vector<16xf32>,
    %swap3A_103 = arith.constant 320 : index
    %swap3A_104 = tpu.vector_load %arg6[%swap3A_103] {strides = array<i32>} : memref<640xf32, #tpu.memory_space<vmem>>, vector<16xf32>,
    %swap3A_105 = vector.shape_cast %swap3A_104 : vector<16xf32> to vector<16xf32>
    %swap3A_106 = vector.shape_cast %broadcast_in_dim3A_3 : vector<16xf32> to vector<16xf32>
    tpu.vector_store %arg6[%swap3A_103], %swap3A_106 {strides = array<i32>} : memref<640xf32, #tpu.memory_space<vmem>>, vector<16xf32>,
    %swap3A_107 = arith.constant 336 : index
    %swap3A_108 = tpu.vector_load %arg6[%swap3A_107] {strides = array<i32>} : memref<640xf32, #tpu.memory_space<vmem>>, vector<16xf32>,
    %swap3A_109 = vector.shape_cast %swap3A_108 : vector<16xf32> to vector<16xf32>
    %swap3A_110 = vector.shape_cast %broadcast_in_dim3A_3 : vector<16xf32> to vector<16xf32>
    tpu.vector_store %arg6[%swap3A_107], %swap3A_110 {strides = array<i32>} : memref<640xf32, #tpu.memory_space<vmem>>, vector<16xf32>,
    %swap3A_111 = arith.constant 352 : index
    %swap3A_112 = tpu.vector_load %arg6[%swap3A_111] {strides = array<i32>} : memref<640xf32, #tpu.memory_space<vmem>>, vector<16xf32>,
    %swap3A_113 = vector.shape_cast %swap3A_112 : vector<16xf32> to vector<16xf32>
    %swap3A_114 = vector.shape_cast %broadcast_in_dim3A_3 : vector<16xf32> to vector<16xf32>
    tpu.vector_store %arg6[%swap3A_111], %swap3A_114 {strides = array<i32>} : memref<640xf32, #tpu.memory_space<vmem>>, vector<16xf32>,
    %swap3A_115 = arith.constant 368 : index
    %swap3A_116 = tpu.vector_load %arg6[%swap3A_115] {strides = array<i32>} : memref<640xf32, #tpu.memory_space<vmem>>, vector<16xf32>,
    %swap3A_117 = vector.shape_cast %swap3A_116 : vector<16xf32> to vector<16xf32>
    %swap3A_118 = vector.shape_cast %broadcast_in_dim3A_3 : vector<16xf32> to vector<16xf32>
    tpu.vector_store %arg6[%swap3A_115], %swap3A_118 {strides = array<i32>} : memref<640xf32, #tpu.memory_space<vmem>>, vector<16xf32>,
    %swap3A_119 = arith.constant 384 : index
    %swap3A_120 = tpu.vector_load %arg6[%swap3A_119] {strides = array<i32>} : memref<640xf32, #tpu.memory_space<vmem>>, vector<16xf32>,
    %swap3A_121 = vector.shape_cast %swap3A_120 : vector<16xf32> to vector<16xf32>
    %swap3A_122 = vector.shape_cast %broadcast_in_dim3A_3 : vector<16xf32> to vector<16xf32>
    tpu.vector_store %arg6[%swap3A_119], %swap3A_122 {strides = array<i32>} : memref<640xf32, #tpu.memory_space<vmem>>, vector<16xf32>,
    %swap3A_123 = arith.constant 400 : index
    %swap3A_124 = tpu.vector_load %arg6[%swap3A_123] {strides = array<i32>} : memref<640xf32, #tpu.memory_space<vmem>>, vector<16xf32>,
    %swap3A_125 = vector.shape_cast %swap3A_124 : vector<16xf32> to vector<16xf32>
    %swap3A_126 = vector.shape_cast %broadcast_in_dim3A_3 : vector<16xf32> to vector<16xf32>
    tpu.vector_store %arg6[%swap3A_123], %swap3A_126 {strides = array<i32>} : memref<640xf32, #tpu.memory_space<vmem>>, vector<16xf32>,
    %swap3A_127 = arith.constant 416 : index
    %swap3A_128 = tpu.vector_load %arg6[%swap3A_127] {strides = array<i32>} : memref<640xf32, #tpu.memory_space<vmem>>, vector<16xf32>,
    %swap3A_129 = vector.shape_cast %swap3A_128 : vector<16xf32> to vector<16xf32>
    %swap3A_130 = vector.shape_cast %broadcast_in_dim3A_3 : vector<16xf32> to vector<16xf32>
    tpu.vector_store %arg6[%swap3A_127], %swap3A_130 {strides = array<i32>} : memref<640xf32, #tpu.memory_space<vmem>>, vector<16xf32>,
    %swap3A_131 = arith.constant 432 : index
    %swap3A_132 = tpu.vector_load %arg6[%swap3A_131] {strides = array<i32>} : memref<640xf32, #tpu.memory_space<vmem>>, vector<16xf32>,
    %swap3A_133 = vector.shape_cast %swap3A_132 : vector<16xf32> to vector<16xf32>
    %swap3A_134 = vector.shape_cast %broadcast_in_dim3A_3 : vector<16xf32> to vector<16xf32>
    tpu.vector_store %arg6[%swap3A_131], %swap3A_134 {strides = array<i32>} : memref<640xf32, #tpu.memory_space<vmem>>, vector<16xf32>,
    %swap3A_135 = arith.constant 448 : index
    %swap3A_136 = tpu.vector_load %arg6[%swap3A_135] {strides = array<i32>} : memref<640xf32, #tpu.memory_space<vmem>>, vector<16xf32>,
    %swap3A_137 = vector.shape_cast %swap3A_136 : vector<16xf32> to vector<16xf32>
    %swap3A_138 = vector.shape_cast %broadcast_in_dim3A_3 : vector<16xf32> to vector<16xf32>
    tpu.vector_store %arg6[%swap3A_135], %swap3A_138 {strides = array<i32>} : memref<640xf32, #tpu.memory_space<vmem>>, vector<16xf32>,
    %swap3A_139 = arith.constant 464 : index
    %swap3A_140 = tpu.vector_load %arg6[%swap3A_139] {strides = array<i32>} : memref<640xf32, #tpu.memory_space<vmem>>, vector<16xf32>,
    %swap3A_141 = vector.shape_cast %swap3A_140 : vector<16xf32> to vector<16xf32>
    %swap3A_142 = vector.shape_cast %broadcast_in_dim3A_3 : vector<16xf32> to vector<16xf32>
    tpu.vector_store %arg6[%swap3A_139], %swap3A_142 {strides = array<i32>} : memref<640xf32, #tpu.memory_space<vmem>>, vector<16xf32>,
    %swap3A_143 = arith.constant 480 : index
    %swap3A_144 = tpu.vector_load %arg6[%swap3A_143] {strides = array<i32>} : memref<640xf32, #tpu.memory_space<vmem>>, vector<16xf32>,
    %swap3A_145 = vector.shape_cast %swap3A_144 : vector<16xf32> to vector<16xf32>
    %swap3A_146 = vector.shape_cast %broadcast_in_dim3A_3 : vector<16xf32> to vector<16xf32>
    tpu.vector_store %arg6[%swap3A_143], %swap3A_146 {strides = array<i32>} : memref<640xf32, #tpu.memory_space<vmem>>, vector<16xf32>,
    %swap3A_147 = arith.constant 496 : index
    %swap3A_148 = tpu.vector_load %arg6[%swap3A_147] {strides = array<i32>} : memref<640xf32, #tpu.memory_space<vmem>>, vector<16xf32>,
    %swap3A_149 = vector.shape_cast %swap3A_148 : vector<16xf32> to vector<16xf32>
    %swap3A_150 = vector.shape_cast %broadcast_in_dim3A_3 : vector<16xf32> to vector<16xf32>
    tpu.vector_store %arg6[%swap3A_147], %swap3A_150 {strides = array<i32>} : memref<640xf32, #tpu.memory_space<vmem>>, vector<16xf32>,
    %swap3A_151 = arith.constant 512 : index
    %swap3A_152 = tpu.vector_load %arg6[%swap3A_151] {strides = array<i32>} : memref<640xf32, #tpu.memory_space<vmem>>, vector<16xf32>,
    %swap3A_153 = vector.shape_cast %swap3A_152 : vector<16xf32> to vector<16xf32>
    %swap3A_154 = vector.shape_cast %broadcast_in_dim3A_3 : vector<16xf32> to vector<16xf32>
    tpu.vector_store %arg6[%swap3A_151], %swap3A_154 {strides = array<i32>} : memref<640xf32, #tpu.memory_space<vmem>>, vector<16xf32>,
    %swap3A_155 = arith.constant 528 : index
    %swap3A_156 = tpu.vector_load %arg6[%swap3A_155] {strides = array<i32>} : memref<640xf32, #tpu.memory_space<vmem>>, vector<16xf32>,
    %swap3A_157 = vector.shape_cast %swap3A_156 : vector<16xf32> to vector<16xf32>
    %swap3A_158 = vector.shape_cast %broadcast_in_dim3A_3 : vector<16xf32> to vector<16xf32>
    tpu.vector_store %arg6[%swap3A_155], %swap3A_158 {strides = array<i32>} : memref<640xf32, #tpu.memory_space<vmem>>, vector<16xf32>,
    %swap3A_159 = arith.constant 544 : index
    %swap3A_160 = tpu.vector_load %arg6[%swap3A_159] {strides = array<i32>} : memref<640xf32, #tpu.memory_space<vmem>>, vector<16xf32>,
    %swap3A_161 = vector.shape_cast %swap3A_160 : vector<16xf32> to vector<16xf32>
    %swap3A_162 = vector.shape_cast %broadcast_in_dim3A_3 : vector<16xf32> to vector<16xf32>
    tpu.vector_store %arg6[%swap3A_159], %swap3A_162 {strides = array<i32>} : memref<640xf32, #tpu.memory_space<vmem>>, vector<16xf32>,
    %swap3A_163 = arith.constant 560 : index
    %swap3A_164 = tpu.vector_load %arg6[%swap3A_163] {strides = array<i32>} : memref<640xf32, #tpu.memory_space<vmem>>, vector<16xf32>,
    %swap3A_165 = vector.shape_cast %swap3A_164 : vector<16xf32> to vector<16xf32>
    %swap3A_166 = vector.shape_cast %broadcast_in_dim3A_3 : vector<16xf32> to vector<16xf32>
    tpu.vector_store %arg6[%swap3A_163], %swap3A_166 {strides = array<i32>} : memref<640xf32, #tpu.memory_space<vmem>>, vector<16xf32>,
    %swap3A_167 = arith.constant 576 : index
    %swap3A_168 = tpu.vector_load %arg6[%swap3A_167] {strides = array<i32>} : memref<640xf32, #tpu.memory_space<vmem>>, vector<16xf32>,
    %swap3A_169 = vector.shape_cast %swap3A_168 : vector<16xf32> to vector<16xf32>
    %swap3A_170 = vector.shape_cast %broadcast_in_dim3A_3 : vector<16xf32> to vector<16xf32>
    tpu.vector_store %arg6[%swap3A_167], %swap3A_170 {strides = array<i32>} : memref<640xf32, #tpu.memory_space<vmem>>, vector<16xf32>,
    %swap3A_171 = arith.constant 592 : index
    %swap3A_172 = tpu.vector_load %arg6[%swap3A_171] {strides = array<i32>} : memref<640xf32, #tpu.memory_space<vmem>>, vector<16xf32>,
    %swap3A_173 = vector.shape_cast %swap3A_172 : vector<16xf32> to vector<16xf32>
    %swap3A_174 = vector.shape_cast %broadcast_in_dim3A_3 : vector<16xf32> to vector<16xf32>
    tpu.vector_store %arg6[%swap3A_171], %swap3A_174 {strides = array<i32>} : memref<640xf32, #tpu.memory_space<vmem>>, vector<16xf32>,
    %swap3A_175 = arith.constant 608 : index
    %swap3A_176 = tpu.vector_load %arg6[%swap3A_175] {strides = array<i32>} : memref<640xf32, #tpu.memory_space<vmem>>, vector<16xf32>,
    %swap3A_177 = vector.shape_cast %swap3A_176 : vector<16xf32> to vector<16xf32>
    %swap3A_178 = vector.shape_cast %broadcast_in_dim3A_3 : vector<16xf32> to vector<16xf32>
    tpu.vector_store %arg6[%swap3A_175], %swap3A_178 {strides = array<i32>} : memref<640xf32, #tpu.memory_space<vmem>>, vector<16xf32>,
    %swap3A_179 = arith.constant 624 : index
    %swap3A_180 = tpu.vector_load %arg6[%swap3A_179] {strides = array<i32>} : memref<640xf32, #tpu.memory_space<vmem>>, vector<16xf32>,
    %swap3A_181 = vector.shape_cast %swap3A_180 : vector<16xf32> to vector<16xf32>
    %swap3A_182 = vector.shape_cast %broadcast_in_dim3A_3 : vector<16xf32> to vector<16xf32>
    tpu.vector_store %arg6[%swap3A_179], %swap3A_182 {strides = array<i32>} : memref<640xf32, #tpu.memory_space<vmem>>, vector<16xf32>,
    %mul3A_183 = arith.constant 125 : i32
    %mul3A_184 = arith.muli %add3A, %mul3A_183 : i32
    %run_scoped3A = arith.constant 1 : i32
    "tpu.region"() ({
      %run_scoped3A_213 = tpu.sem_alloc : memref<!tpu.dma_semaphore, #tpu.memory_space<semaphore_mem>>
      %dma_start3A = arith.constant 0 : i32
      %dma_start3A_214 = tpu.memref_slice %arg2[%run_scoped3A, %mul3A_184, %dma_start3A] : memref<2x4000x80xi32, #tpu.memory_space<hbm>> -> memref<1x125x80xi32, #tpu.memory_space<hbm>>
      %dma_start3A_215 = tpu.memref_squeeze %dma_start3A_214 : memref<1x125x80xi32, #tpu.memory_space<hbm>> -> memref<125x80xi32, #tpu.memory_space<hbm>>
      %dma_start3A_216 = arith.constant 0 : i32
      %dma_start3A_217 = tpu.memref_slice %arg2[%run_scoped3A, %mul3A_184, %dma_start3A_216] : memref<2x4000x80xi32, #tpu.memory_space<hbm>> -> memref<1x125x80xi32, #tpu.memory_space<hbm>>
      %dma_start3A_218 = tpu.memref_squeeze %dma_start3A_217 : memref<1x125x80xi32, #tpu.memory_space<hbm>> -> memref<125x80xi32, #tpu.memory_space<hbm>>
      tpu.enqueue_dma source(%dma_start3A_218 : memref<125x80xi32, #tpu.memory_space<hbm>>) target(%arg4 : memref<125x80xi32, #tpu.memory_space<vmem>>) target_semaphore(%run_scoped3A_213 : memref<!tpu.dma_semaphore, #tpu.memory_space<semaphore_mem>>)
      %dma_wait3A = arith.constant 0 : i32
      %dma_wait3A_219 = tpu.memref_slice %arg2[%run_scoped3A, %mul3A_184, %dma_wait3A] : memref<2x4000x80xi32, #tpu.memory_space<hbm>> -> memref<1x125x80xi32, #tpu.memory_space<hbm>>
      %dma_wait3A_220 = tpu.memref_squeeze %dma_wait3A_219 : memref<1x125x80xi32, #tpu.memory_space<hbm>> -> memref<125x80xi32, #tpu.memory_space<hbm>>
      %dma_wait3A_221 = arith.constant 0 : i32
      %dma_wait3A_222 = tpu.memref_slice %arg2[%run_scoped3A, %mul3A_184, %dma_wait3A_221] : memref<2x4000x80xi32, #tpu.memory_space<hbm>> -> memref<1x125x80xi32, #tpu.memory_space<hbm>>
      %dma_wait3A_223 = tpu.memref_squeeze %dma_wait3A_222 : memref<1x125x80xi32, #tpu.memory_space<hbm>> -> memref<125x80xi32, #tpu.memory_space<hbm>>
      tpu.wait_dma2 semaphore(%run_scoped3A_213 : memref<!tpu.dma_semaphore, #tpu.memory_space<semaphore_mem>>) src(%dma_wait3A_223 : memref<125x80xi32, #tpu.memory_space<hbm>>) dst(%arg4 : memref<125x80xi32, #tpu.memory_space<vmem>>)
      tpu.yield
    }) : () -> ()
    %mul3A_185 = arith.constant 624 : i32
    %mul3A_186 = arith.muli %arg1, %mul3A_185 : i32
    "tpu.region"() ({
      %run_scoped3A_213 = tpu.sem_alloc : memref<!tpu.dma_semaphore, #tpu.memory_space<semaphore_mem>>
      %dma_start3A = arith.constant 0 : i32
      %dma_start3A_214 = tpu.memref_slice %arg6[%dma_start3A] : memref<640xf32, #tpu.memory_space<vmem>> -> memref<624xf32, #tpu.memory_space<vmem>>
      %dma_start3A_215 = tpu.memref_slice %arg7[%mul3A_186] : memref<10000xf32, #tpu.memory_space<vmem_shared>> -> memref<624xf32, #tpu.memory_space<vmem_shared>>
      %dma_start3A_216 = tpu.memref_slice %arg7[%mul3A_186] : memref<10000xf32, #tpu.memory_space<vmem_shared>> -> memref<624xf32, #tpu.memory_space<vmem_shared>>
      %dma_start3A_217 = arith.constant 0 : i32
      %dma_start3A_218 = tpu.memref_slice %arg6[%dma_start3A_217] : memref<640xf32, #tpu.memory_space<vmem>> -> memref<624xf32, #tpu.memory_space<vmem>>
      tpu.enqueue_dma source(%dma_start3A_218 : memref<624xf32, #tpu.memory_space<vmem>>) target(%dma_start3A_216 : memref<624xf32, #tpu.memory_space<vmem_shared>>) target_semaphore(%run_scoped3A_213 : memref<!tpu.dma_semaphore, #tpu.memory_space<semaphore_mem>>)
      %dma_wait3A = arith.constant 0 : i32
      %dma_wait3A_219 = tpu.memref_slice %arg6[%dma_wait3A] : memref<640xf32, #tpu.memory_space<vmem>> -> memref<624xf32, #tpu.memory_space<vmem>>
      %dma_wait3A_220 = tpu.memref_slice %arg7[%mul3A_186] : memref<10000xf32, #tpu.memory_space<vmem_shared>> -> memref<624xf32, #tpu.memory_space<vmem_shared>>
      %dma_wait3A_221 = tpu.memref_slice %arg7[%mul3A_186] : memref<10000xf32, #tpu.memory_space<vmem_shared>> -> memref<624xf32, #tpu.memory_space<vmem_shared>>
      %dma_wait3A_222 = arith.constant 0 : i32
      %dma_wait3A_223 = tpu.memref_slice %arg6[%dma_wait3A_222] : memref<640xf32, #tpu.memory_space<vmem>> -> memref<624xf32, #tpu.memory_space<vmem>>
      tpu.wait_dma2 semaphore(%run_scoped3A_213 : memref<!tpu.dma_semaphore, #tpu.memory_space<semaphore_mem>>) src(%dma_wait3A_223 : memref<624xf32, #tpu.memory_space<vmem>>) dst(%dma_wait3A_221 : memref<624xf32, #tpu.memory_space<vmem_shared>>)
      tpu.yield
    }) : () -> ()
    %eq3A = arith.constant 15 : i32
    %eq3A_187 = arith.cmpi eq, %arg1, %eq3A : i32
    %convert_element_type3A = arith.extui %eq3A_187 : i1 to i32
    %cond3A = arith.constant 0 : i32
    %cond3A_188 = arith.cmpi ne, %convert_element_type3A, %cond3A : i32
    scf.if %cond3A_188 {
      "tpu.region"() ({
        %run_scoped3A_213 = tpu.sem_alloc : memref<!tpu.dma_semaphore, #tpu.memory_space<semaphore_mem>>
        %dma_start3A = arith.constant 624 : i32
        %dma_start3A_214 = tpu.memref_slice %arg6[%dma_start3A] : memref<640xf32, #tpu.memory_space<vmem>> -> memref<16xf32, #tpu.memory_space<vmem>>
        %dma_start3A_215 = arith.constant 9984 : i32
        %dma_start3A_216 = tpu.memref_slice %arg7[%dma_start3A_215] : memref<10000xf32, #tpu.memory_space<vmem_shared>> -> memref<16xf32, #tpu.memory_space<vmem_shared>>
        %dma_start3A_217 = arith.constant 9984 : i32
        %dma_start3A_218 = tpu.memref_slice %arg7[%dma_start3A_217] : memref<10000xf32, #tpu.memory_space<vmem_shared>> -> memref<16xf32, #tpu.memory_space<vmem_shared>>
        %dma_start3A_219 = arith.constant 624 : i32
        %dma_start3A_220 = tpu.memref_slice %arg6[%dma_start3A_219] : memref<640xf32, #tpu.memory_space<vmem>> -> memref<16xf32, #tpu.memory_space<vmem>>
        tpu.enqueue_dma source(%dma_start3A_220 : memref<16xf32, #tpu.memory_space<vmem>>) target(%dma_start3A_218 : memref<16xf32, #tpu.memory_space<vmem_shared>>) target_semaphore(%run_scoped3A_213 : memref<!tpu.dma_semaphore, #tpu.memory_space<semaphore_mem>>)
        %dma_wait3A = arith.constant 624 : i32
        %dma_wait3A_221 = tpu.memref_slice %arg6[%dma_wait3A] : memref<640xf32, #tpu.memory_space<vmem>> -> memref<16xf32, #tpu.memory_space<vmem>>
        %dma_wait3A_222 = arith.constant 9984 : i32
        %dma_wait3A_223 = tpu.memref_slice %arg7[%dma_wait3A_222] : memref<10000xf32, #tpu.memory_space<vmem_shared>> -> memref<16xf32, #tpu.memory_space<vmem_shared>>
        %dma_wait3A_224 = arith.constant 9984 : i32
        %dma_wait3A_225 = tpu.memref_slice %arg7[%dma_wait3A_224] : memref<10000xf32, #tpu.memory_space<vmem_shared>> -> memref<16xf32, #tpu.memory_space<vmem_shared>>
        %dma_wait3A_226 = arith.constant 624 : i32
        %dma_wait3A_227 = tpu.memref_slice %arg6[%dma_wait3A_226] : memref<640xf32, #tpu.memory_space<vmem>> -> memref<16xf32, #tpu.memory_space<vmem>>
        tpu.wait_dma2 semaphore(%run_scoped3A_213 : memref<!tpu.dma_semaphore, #tpu.memory_space<semaphore_mem>>) src(%dma_wait3A_227 : memref<16xf32, #tpu.memory_space<vmem>>) dst(%dma_wait3A_225 : memref<16xf32, #tpu.memory_space<vmem_shared>>)
        tpu.yield
      }) : () -> ()
    } else {
    }
    %barrier3A = arith.constant 0 : index
    tpu.barrier barrier_id(%barrier3A)
    %scan3A = arith.constant 0 : i32
    %scan3A_189 = arith.constant 0 : i32
    %scan3A_190 = arith.constant 125 : i32
    %scan3A_191 = arith.addi %scan3A_189, %scan3A_190 : i32
    %scan3A_192 = arith.constant 1 : i32
    scf.for %scan3A_213 = %scan3A_189 to %scan3A_191 step %scan3A_192  : i32 {
      %dma_start3A = arith.constant 0 : i32
      %dma_start3A_214 = tpu.memref_slice %arg4[%scan3A_213, %dma_start3A] : memref<125x80xi32, #tpu.memory_space<vmem>> -> memref<1x80xi32, #tpu.memory_space<vmem>>
      %dma_start3A_215 = tpu.memref_squeeze %dma_start3A_214 : memref<1x80xi32, #tpu.memory_space<vmem>> -> memref<80xi32, #tpu.memory_space<vmem>>
      %dma_start3A_216 = arith.constant 0 : i32
      %dma_start3A_217 = tpu.memref_slice %arg7[%dma_start3A_216] : memref<10000xf32, #tpu.memory_space<vmem_shared>> -> memref<10000xf32, #tpu.memory_space<vmem_shared>>
      tpu.enqueue_indirect_dma source(%arg5 : memref<80xf32, #tpu.memory_space<vmem>>) target(%dma_start3A_217 : memref<10000xf32, #tpu.memory_space<vmem_shared>>) offsets(%dma_start3A_215 : memref<80xi32, #tpu.memory_space<vmem>>) semaphore(%arg8 : memref<!tpu.dma_semaphore, #tpu.memory_space<semaphore_mem>>) {add = true}
    }
    %scan3A_193 = arith.constant 125 : i32
    %scan3A_194 = arith.constant 0 : i32
    %scan3A_195 = arith.constant 0 : i32
    %scan3A_196 = arith.constant 125 : i32
    %scan3A_197 = arith.addi %scan3A_195, %scan3A_196 : i32
    %scan3A_198 = arith.constant 1 : i32
    scf.for %scan3A_213 = %scan3A_195 to %scan3A_197 step %scan3A_198  : i32 {
      %dma_wait3A = arith.constant 0 : i32
      %dma_wait3A_214 = tpu.memref_slice %arg3[%dma_wait3A] : memref<20000xf32, #tpu.memory_space<hbm>> -> memref<80xf32, #tpu.memory_space<hbm>>
      %dma_wait3A_215 = arith.constant 0 : i32
      %dma_wait3A_216 = tpu.memref_slice %arg3[%dma_wait3A_215] : memref<20000xf32, #tpu.memory_space<hbm>> -> memref<80xf32, #tpu.memory_space<hbm>>
      tpu.wait_dma2 semaphore(%arg8 : memref<!tpu.dma_semaphore, #tpu.memory_space<semaphore_mem>>) src(%dma_wait3A_216 : memref<80xf32, #tpu.memory_space<hbm>>) dst(%arg5 : memref<80xf32, #tpu.memory_space<vmem>>)
    }
    %scan3A_199 = arith.constant 125 : i32
    %barrier3A_200 = arith.constant 0 : index
    tpu.barrier barrier_id(%barrier3A_200)
    %mul3A_201 = arith.constant 10000 : i32
    %mul3A_202 = arith.muli %arg0, %mul3A_201 : i32
    %mul3A_203 = arith.constant 624 : i32
    %mul3A_204 = arith.muli %arg1, %mul3A_203 : i32
    "tpu.region"() ({
      %run_scoped3A_213 = tpu.sem_alloc : memref<!tpu.dma_semaphore, #tpu.memory_space<semaphore_mem>>
      %dma_start3A = arith.constant 0 : i32
      %dma_start3A_214 = tpu.memref_slice %arg6[%dma_start3A] : memref<640xf32, #tpu.memory_space<vmem>> -> memref<624xf32, #tpu.memory_space<vmem>>
      %dma_start3A_215 = tpu.memref_slice %arg7[%mul3A_204] : memref<10000xf32, #tpu.memory_space<vmem_shared>> -> memref<624xf32, #tpu.memory_space<vmem_shared>>
      %dma_start3A_216 = arith.constant 0 : i32
      %dma_start3A_217 = tpu.memref_slice %arg6[%dma_start3A_216] : memref<640xf32, #tpu.memory_space<vmem>> -> memref<624xf32, #tpu.memory_space<vmem>>
      %dma_start3A_218 = tpu.memref_slice %arg7[%mul3A_204] : memref<10000xf32, #tpu.memory_space<vmem_shared>> -> memref<624xf32, #tpu.memory_space<vmem_shared>>
      tpu.enqueue_dma source(%dma_start3A_218 : memref<624xf32, #tpu.memory_space<vmem_shared>>) target(%dma_start3A_217 : memref<624xf32, #tpu.memory_space<vmem>>) target_semaphore(%run_scoped3A_213 : memref<!tpu.dma_semaphore, #tpu.memory_space<semaphore_mem>>)
      %dma_wait3A = arith.constant 0 : i32
      %dma_wait3A_219 = tpu.memref_slice %arg6[%dma_wait3A] : memref<640xf32, #tpu.memory_space<vmem>> -> memref<624xf32, #tpu.memory_space<vmem>>
      %dma_wait3A_220 = tpu.memref_slice %arg7[%mul3A_204] : memref<10000xf32, #tpu.memory_space<vmem_shared>> -> memref<624xf32, #tpu.memory_space<vmem_shared>>
      %dma_wait3A_221 = arith.constant 0 : i32
      %dma_wait3A_222 = tpu.memref_slice %arg6[%dma_wait3A_221] : memref<640xf32, #tpu.memory_space<vmem>> -> memref<624xf32, #tpu.memory_space<vmem>>
      %dma_wait3A_223 = tpu.memref_slice %arg7[%mul3A_204] : memref<10000xf32, #tpu.memory_space<vmem_shared>> -> memref<624xf32, #tpu.memory_space<vmem_shared>>
      tpu.wait_dma2 semaphore(%run_scoped3A_213 : memref<!tpu.dma_semaphore, #tpu.memory_space<semaphore_mem>>) src(%dma_wait3A_223 : memref<624xf32, #tpu.memory_space<vmem_shared>>) dst(%dma_wait3A_222 : memref<624xf32, #tpu.memory_space<vmem>>)
      tpu.yield
    }) : () -> ()
    %mul3A_205 = arith.constant 624 : i32
    %mul3A_206 = arith.muli %arg1, %mul3A_205 : i32
    %add3A_207 = arith.addi %mul3A_202, %mul3A_206 : i32
    "tpu.region"() ({
      %run_scoped3A_213 = tpu.sem_alloc : memref<!tpu.dma_semaphore, #tpu.memory_space<semaphore_mem>>
      %dma_start3A = arith.constant 0 : i32
      %dma_start3A_214 = tpu.memref_slice %arg6[%dma_start3A] : memref<640xf32, #tpu.memory_space<vmem>> -> memref<624xf32, #tpu.memory_space<vmem>>
      %dma_start3A_215 = tpu.memref_slice %arg3[%add3A_207] : memref<20000xf32, #tpu.memory_space<hbm>> -> memref<624xf32, #tpu.memory_space<hbm>>
      %dma_start3A_216 = tpu.memref_slice %arg3[%add3A_207] : memref<20000xf32, #tpu.memory_space<hbm>> -> memref<624xf32, #tpu.memory_space<hbm>>
      %dma_start3A_217 = arith.constant 0 : i32
      %dma_start3A_218 = tpu.memref_slice %arg6[%dma_start3A_217] : memref<640xf32, #tpu.memory_space<vmem>> -> memref<624xf32, #tpu.memory_space<vmem>>
      tpu.enqueue_dma source(%dma_start3A_218 : memref<624xf32, #tpu.memory_space<vmem>>) target(%dma_start3A_216 : memref<624xf32, #tpu.memory_space<hbm>>) target_semaphore(%run_scoped3A_213 : memref<!tpu.dma_semaphore, #tpu.memory_space<semaphore_mem>>)
      %dma_wait3A = arith.constant 0 : i32
      %dma_wait3A_219 = tpu.memref_slice %arg6[%dma_wait3A] : memref<640xf32, #tpu.memory_space<vmem>> -> memref<624xf32, #tpu.memory_space<vmem>>
      %dma_wait3A_220 = tpu.memref_slice %arg3[%add3A_207] : memref<20000xf32, #tpu.memory_space<hbm>> -> memref<624xf32, #tpu.memory_space<hbm>>
      %dma_wait3A_221 = tpu.memref_slice %arg3[%add3A_207] : memref<20000xf32, #tpu.memory_space<hbm>> -> memref<624xf32, #tpu.memory_space<hbm>>
      %dma_wait3A_222 = arith.constant 0 : i32
      %dma_wait3A_223 = tpu.memref_slice %arg6[%dma_wait3A_222] : memref<640xf32, #tpu.memory_space<vmem>> -> memref<624xf32, #tpu.memory_space<vmem>>
      tpu.wait_dma2 semaphore(%run_scoped3A_213 : memref<!tpu.dma_semaphore, #tpu.memory_space<semaphore_mem>>) src(%dma_wait3A_223 : memref<624xf32, #tpu.memory_space<vmem>>) dst(%dma_wait3A_221 : memref<624xf32, #tpu.memory_space<hbm>>)
      tpu.yield
    }) : () -> ()
    %eq3A_208 = arith.constant 15 : i32
    %eq3A_209 = arith.cmpi eq, %arg1, %eq3A_208 : i32
    %convert_element_type3A_210 = arith.extui %eq3A_209 : i1 to i32
    %cond3A_211 = arith.constant 0 : i32
    %cond3A_212 = arith.cmpi ne, %convert_element_type3A_210, %cond3A_211 : i32
    scf.if %cond3A_212 {
      "tpu.region"() ({
        %run_scoped3A_215 = tpu.sem_alloc : memref<!tpu.dma_semaphore, #tpu.memory_space<semaphore_mem>>
        %dma_start3A = arith.constant 624 : i32
        %dma_start3A_216 = tpu.memref_slice %arg6[%dma_start3A] : memref<640xf32, #tpu.memory_space<vmem>> -> memref<16xf32, #tpu.memory_space<vmem>>
        %dma_start3A_217 = arith.constant 9984 : i32
        %dma_start3A_218 = tpu.memref_slice %arg7[%dma_start3A_217] : memref<10000xf32, #tpu.memory_space<vmem_shared>> -> memref<16xf32, #tpu.memory_space<vmem_shared>>
        %dma_start3A_219 = arith.constant 624 : i32
        %dma_start3A_220 = tpu.memref_slice %arg6[%dma_start3A_219] : memref<640xf32, #tpu.memory_space<vmem>> -> memref<16xf32, #tpu.memory_space<vmem>>
        %dma_start3A_221 = arith.constant 9984 : i32
        %dma_start3A_222 = tpu.memref_slice %arg7[%dma_start3A_221] : memref<10000xf32, #tpu.memory_space<vmem_shared>> -> memref<16xf32, #tpu.memory_space<vmem_shared>>
        tpu.enqueue_dma source(%dma_start3A_222 : memref<16xf32, #tpu.memory_space<vmem_shared>>) target(%dma_start3A_220 : memref<16xf32, #tpu.memory_space<vmem>>) target_semaphore(%run_scoped3A_215 : memref<!tpu.dma_semaphore, #tpu.memory_space<semaphore_mem>>)
        %dma_wait3A = arith.constant 624 : i32
        %dma_wait3A_223 = tpu.memref_slice %arg6[%dma_wait3A] : memref<640xf32, #tpu.memory_space<vmem>> -> memref<16xf32, #tpu.memory_space<vmem>>
        %dma_wait3A_224 = arith.constant 9984 : i32
        %dma_wait3A_225 = tpu.memref_slice %arg7[%dma_wait3A_224] : memref<10000xf32, #tpu.memory_space<vmem_shared>> -> memref<16xf32, #tpu.memory_space<vmem_shared>>
        %dma_wait3A_226 = arith.constant 624 : i32
        %dma_wait3A_227 = tpu.memref_slice %arg6[%dma_wait3A_226] : memref<640xf32, #tpu.memory_space<vmem>> -> memref<16xf32, #tpu.memory_space<vmem>>
        %dma_wait3A_228 = arith.constant 9984 : i32
        %dma_wait3A_229 = tpu.memref_slice %arg7[%dma_wait3A_228] : memref<10000xf32, #tpu.memory_space<vmem_shared>> -> memref<16xf32, #tpu.memory_space<vmem_shared>>
        tpu.wait_dma2 semaphore(%run_scoped3A_215 : memref<!tpu.dma_semaphore, #tpu.memory_space<semaphore_mem>>) src(%dma_wait3A_229 : memref<16xf32, #tpu.memory_space<vmem_shared>>) dst(%dma_wait3A_227 : memref<16xf32, #tpu.memory_space<vmem>>)
        tpu.yield
      }) : () -> ()
      %add3A_213 = arith.constant 9984 : i32
      %add3A_214 = arith.addi %mul3A_202, %add3A_213 : i32
      "tpu.region"() ({
        %run_scoped3A_215 = tpu.sem_alloc : memref<!tpu.dma_semaphore, #tpu.memory_space<semaphore_mem>>
        %dma_start3A = arith.constant 624 : i32
        %dma_start3A_216 = tpu.memref_slice %arg6[%dma_start3A] : memref<640xf32, #tpu.memory_space<vmem>> -> memref<16xf32, #tpu.memory_space<vmem>>
        %dma_start3A_217 = tpu.memref_slice %arg3[%add3A_214] : memref<20000xf32, #tpu.memory_space<hbm>> -> memref<16xf32, #tpu.memory_space<hbm>>
        %dma_start3A_218 = tpu.memref_slice %arg3[%add3A_214] : memref<20000xf32, #tpu.memory_space<hbm>> -> memref<16xf32, #tpu.memory_space<hbm>>
        %dma_start3A_219 = arith.constant 624 : i32
        %dma_start3A_220 = tpu.memref_slice %arg6[%dma_start3A_219] : memref<640xf32, #tpu.memory_space<vmem>> -> memref<16xf32, #tpu.memory_space<vmem>>
        tpu.enqueue_dma source(%dma_start3A_220 : memref<16xf32, #tpu.memory_space<vmem>>) target(%dma_start3A_218 : memref<16xf32, #tpu.memory_space<hbm>>) target_semaphore(%run_scoped3A_215 : memref<!tpu.dma_semaphore, #tpu.memory_space<semaphore_mem>>)
        %dma_wait3A = arith.constant 624 : i32
        %dma_wait3A_221 = tpu.memref_slice %arg6[%dma_wait3A] : memref<640xf32, #tpu.memory_space<vmem>> -> memref<16xf32, #tpu.memory_space<vmem>>
        %dma_wait3A_222 = tpu.memref_slice %arg3[%add3A_214] : memref<20000xf32, #tpu.memory_space<hbm>> -> memref<16xf32, #tpu.memory_space<hbm>>
        %dma_wait3A_223 = tpu.memref_slice %arg3[%add3A_214] : memref<20000xf32, #tpu.memory_space<hbm>> -> memref<16xf32, #tpu.memory_space<hbm>>
        %dma_wait3A_224 = arith.constant 624 : i32
        %dma_wait3A_225 = tpu.memref_slice %arg6[%dma_wait3A_224] : memref<640xf32, #tpu.memory_space<vmem>> -> memref<16xf32, #tpu.memory_space<vmem>>
        tpu.wait_dma2 semaphore(%run_scoped3A_215 : memref<!tpu.dma_semaphore, #tpu.memory_space<semaphore_mem>>) src(%dma_wait3A_225 : memref<16xf32, #tpu.memory_space<vmem>>) dst(%dma_wait3A_223 : memref<16xf32, #tpu.memory_space<hbm>>)
        tpu.yield
      }) : () -> ()
    } else {
    }
    return
  }
}

#map = affine_map<(d0, d1) -> (0, 0)>
#map1 = affine_map<(d0, d1) -> (0, 0, 0)>
module attributes {stable_mosaic.version = 14 : i64} {
  func.func @_scatter_kernel(%arg0: i32, %arg1: i32, %arg2: memref<10000x16xf32, #tpu.memory_space<hbm>>, %arg3: memref<2x4000x80xi32, #tpu.memory_space<hbm>>, %arg4: memref<10000x128xf32, #tpu.memory_space<hbm>>, %arg5: memref<125x80xi32, #tpu.memory_space<vmem>>, %arg6: memref<125x80xi32, #tpu.memory_space<vmem>>, %arg7: memref<5x80x16xf32, #tpu.memory_space<vmem>>, %arg8: memref<640x16xf32, #tpu.memory_space<vmem>>, %arg9: memref<10000x16xf32, #tpu.memory_space<vmem_shared>>, %arg10: memref<5x!tpu.dma_semaphore, #tpu.memory_space<semaphore_mem>>, %arg11: memref<5x!tpu.dma_semaphore, #tpu.memory_space<semaphore_mem>>) attributes {dimension_semantics = [#tpu.dimension_semantics<core_parallel>, #tpu.dimension_semantics<subcore_parallel>], iteration_bounds = array<i64: 2, 16>, scalar_prefetch = 0 : i64, scratch_operands = 7 : i64, tpu.core_type = #tpu.core_type<sc_vector_subcore>, window_params = [{transform_indices = #map}, {transform_indices = #map1}, {transform_indices = #map}]} {
    %mul3A = arith.constant 2 : i32
    %mul3A_0 = arith.muli %arg1, %mul3A : i32
    %add3A = arith.addi %mul3A_0, %arg0 : i32
    %mul3A_1 = arith.constant 125 : i32
    %mul3A_2 = arith.muli %add3A, %mul3A_1 : i32
    %run_scoped3A = arith.constant 0 : i32
    "tpu.region"() ({
      %run_scoped3A_97 = tpu.sem_alloc : memref<!tpu.dma_semaphore, #tpu.memory_space<semaphore_mem>>
      %dma_start3A_98 = arith.constant 0 : i32
      %dma_start3A_99 = tpu.memref_slice %arg3[%run_scoped3A, %mul3A_2, %dma_start3A_98] : memref<2x4000x80xi32, #tpu.memory_space<hbm>> -> memref<1x125x80xi32, #tpu.memory_space<hbm>>
      %dma_start3A_100 = tpu.memref_squeeze %dma_start3A_99 : memref<1x125x80xi32, #tpu.memory_space<hbm>> -> memref<125x80xi32, #tpu.memory_space<hbm>>
      %dma_start3A_101 = arith.constant 0 : i32
      %dma_start3A_102 = tpu.memref_slice %arg3[%run_scoped3A, %mul3A_2, %dma_start3A_101] : memref<2x4000x80xi32, #tpu.memory_space<hbm>> -> memref<1x125x80xi32, #tpu.memory_space<hbm>>
      %dma_start3A_103 = tpu.memref_squeeze %dma_start3A_102 : memref<1x125x80xi32, #tpu.memory_space<hbm>> -> memref<125x80xi32, #tpu.memory_space<hbm>>
      tpu.enqueue_dma source(%dma_start3A_103 : memref<125x80xi32, #tpu.memory_space<hbm>>) target(%arg5 : memref<125x80xi32, #tpu.memory_space<vmem>>) target_semaphore(%run_scoped3A_97 : memref<!tpu.dma_semaphore, #tpu.memory_space<semaphore_mem>>)
      %dma_wait3A = arith.constant 0 : i32
      %dma_wait3A_104 = tpu.memref_slice %arg3[%run_scoped3A, %mul3A_2, %dma_wait3A] : memref<2x4000x80xi32, #tpu.memory_space<hbm>> -> memref<1x125x80xi32, #tpu.memory_space<hbm>>
      %dma_wait3A_105 = tpu.memref_squeeze %dma_wait3A_104 : memref<1x125x80xi32, #tpu.memory_space<hbm>> -> memref<125x80xi32, #tpu.memory_space<hbm>>
      %dma_wait3A_106 = arith.constant 0 : i32
      %dma_wait3A_107 = tpu.memref_slice %arg3[%run_scoped3A, %mul3A_2, %dma_wait3A_106] : memref<2x4000x80xi32, #tpu.memory_space<hbm>> -> memref<1x125x80xi32, #tpu.memory_space<hbm>>
      %dma_wait3A_108 = tpu.memref_squeeze %dma_wait3A_107 : memref<1x125x80xi32, #tpu.memory_space<hbm>> -> memref<125x80xi32, #tpu.memory_space<hbm>>
      tpu.wait_dma2 semaphore(%run_scoped3A_97 : memref<!tpu.dma_semaphore, #tpu.memory_space<semaphore_mem>>) src(%dma_wait3A_108 : memref<125x80xi32, #tpu.memory_space<hbm>>) dst(%arg5 : memref<125x80xi32, #tpu.memory_space<vmem>>)
      tpu.yield
    }) : () -> ()
    %mul3A_3 = arith.constant 125 : i32
    %mul3A_4 = arith.muli %add3A, %mul3A_3 : i32
    %run_scoped3A_5 = arith.constant 1 : i32
    "tpu.region"() ({
      %run_scoped3A_97 = tpu.sem_alloc : memref<!tpu.dma_semaphore, #tpu.memory_space<semaphore_mem>>
      %dma_start3A_98 = arith.constant 0 : i32
      %dma_start3A_99 = tpu.memref_slice %arg3[%run_scoped3A_5, %mul3A_4, %dma_start3A_98] : memref<2x4000x80xi32, #tpu.memory_space<hbm>> -> memref<1x125x80xi32, #tpu.memory_space<hbm>>
      %dma_start3A_100 = tpu.memref_squeeze %dma_start3A_99 : memref<1x125x80xi32, #tpu.memory_space<hbm>> -> memref<125x80xi32, #tpu.memory_space<hbm>>
      %dma_start3A_101 = arith.constant 0 : i32
      %dma_start3A_102 = tpu.memref_slice %arg3[%run_scoped3A_5, %mul3A_4, %dma_start3A_101] : memref<2x4000x80xi32, #tpu.memory_space<hbm>> -> memref<1x125x80xi32, #tpu.memory_space<hbm>>
      %dma_start3A_103 = tpu.memref_squeeze %dma_start3A_102 : memref<1x125x80xi32, #tpu.memory_space<hbm>> -> memref<125x80xi32, #tpu.memory_space<hbm>>
      tpu.enqueue_dma source(%dma_start3A_103 : memref<125x80xi32, #tpu.memory_space<hbm>>) target(%arg6 : memref<125x80xi32, #tpu.memory_space<vmem>>) target_semaphore(%run_scoped3A_97 : memref<!tpu.dma_semaphore, #tpu.memory_space<semaphore_mem>>)
      %dma_wait3A = arith.constant 0 : i32
      %dma_wait3A_104 = tpu.memref_slice %arg3[%run_scoped3A_5, %mul3A_4, %dma_wait3A] : memref<2x4000x80xi32, #tpu.memory_space<hbm>> -> memref<1x125x80xi32, #tpu.memory_space<hbm>>
      %dma_wait3A_105 = tpu.memref_squeeze %dma_wait3A_104 : memref<1x125x80xi32, #tpu.memory_space<hbm>> -> memref<125x80xi32, #tpu.memory_space<hbm>>
      %dma_wait3A_106 = arith.constant 0 : i32
      %dma_wait3A_107 = tpu.memref_slice %arg3[%run_scoped3A_5, %mul3A_4, %dma_wait3A_106] : memref<2x4000x80xi32, #tpu.memory_space<hbm>> -> memref<1x125x80xi32, #tpu.memory_space<hbm>>
      %dma_wait3A_108 = tpu.memref_squeeze %dma_wait3A_107 : memref<1x125x80xi32, #tpu.memory_space<hbm>> -> memref<125x80xi32, #tpu.memory_space<hbm>>
      tpu.wait_dma2 semaphore(%run_scoped3A_97 : memref<!tpu.dma_semaphore, #tpu.memory_space<semaphore_mem>>) src(%dma_wait3A_108 : memref<125x80xi32, #tpu.memory_space<hbm>>) dst(%arg6 : memref<125x80xi32, #tpu.memory_space<vmem>>)
      tpu.yield
    }) : () -> ()
    %dma_start3A = arith.constant 0 : i32
    %dma_start3A_6 = arith.constant 0 : i32
    %dma_start3A_7 = arith.constant 0 : i32
    %dma_start3A_8 = arith.constant 0 : i32
    %dma_start3A_9 = arith.constant 0 : i32
    %dma_start3A_10 = tpu.memref_slice %arg7[%dma_start3A_6, %dma_start3A_8, %dma_start3A_9] : memref<5x80x16xf32, #tpu.memory_space<vmem>> -> memref<1x80x16xf32, #tpu.memory_space<vmem>>
    %dma_start3A_11 = tpu.memref_squeeze %dma_start3A_10 : memref<1x80x16xf32, #tpu.memory_space<vmem>> -> memref<80x16xf32, #tpu.memory_space<vmem>>
    %dma_start3A_12 = arith.constant 0 : i32
    %dma_start3A_13 = tpu.memref_slice %arg5[%dma_start3A, %dma_start3A_12] : memref<125x80xi32, #tpu.memory_space<vmem>> -> memref<1x80xi32, #tpu.memory_space<vmem>>
    %dma_start3A_14 = tpu.memref_squeeze %dma_start3A_13 : memref<1x80xi32, #tpu.memory_space<vmem>> -> memref<80xi32, #tpu.memory_space<vmem>>
    %dma_start3A_15 = arith.constant 0 : i32
    %dma_start3A_16 = arith.constant 0 : i32
    %dma_start3A_17 = tpu.memref_slice %arg2[%dma_start3A_15, %dma_start3A_16] : memref<10000x16xf32, #tpu.memory_space<hbm>> -> memref<10000x16xf32, #tpu.memory_space<hbm>>
    %dma_start3A_18 = tpu.memref_slice %arg10[%dma_start3A_7] : memref<5x!tpu.dma_semaphore, #tpu.memory_space<semaphore_mem>> -> memref<1x!tpu.dma_semaphore, #tpu.memory_space<semaphore_mem>>
    %dma_start3A_19 = tpu.memref_squeeze %dma_start3A_18 : memref<1x!tpu.dma_semaphore, #tpu.memory_space<semaphore_mem>> -> memref<!tpu.dma_semaphore, #tpu.memory_space<semaphore_mem>>
    tpu.enqueue_indirect_dma source(%dma_start3A_17 : memref<10000x16xf32, #tpu.memory_space<hbm>>) target(%dma_start3A_11 : memref<80x16xf32, #tpu.memory_space<vmem>>) offsets(%dma_start3A_14 : memref<80xi32, #tpu.memory_space<vmem>>) semaphore(%dma_start3A_19 : memref<!tpu.dma_semaphore, #tpu.memory_space<semaphore_mem>>)
    %dma_start3A_20 = arith.constant 1 : i32
    %dma_start3A_21 = arith.constant 1 : i32
    %dma_start3A_22 = arith.constant 1 : i32
    %dma_start3A_23 = arith.constant 0 : i32
    %dma_start3A_24 = arith.constant 0 : i32
    %dma_start3A_25 = tpu.memref_slice %arg7[%dma_start3A_21, %dma_start3A_23, %dma_start3A_24] : memref<5x80x16xf32, #tpu.memory_space<vmem>> -> memref<1x80x16xf32, #tpu.memory_space<vmem>>
    %dma_start3A_26 = tpu.memref_squeeze %dma_start3A_25 : memref<1x80x16xf32, #tpu.memory_space<vmem>> -> memref<80x16xf32, #tpu.memory_space<vmem>>
    %dma_start3A_27 = arith.constant 0 : i32
    %dma_start3A_28 = tpu.memref_slice %arg5[%dma_start3A_20, %dma_start3A_27] : memref<125x80xi32, #tpu.memory_space<vmem>> -> memref<1x80xi32, #tpu.memory_space<vmem>>
    %dma_start3A_29 = tpu.memref_squeeze %dma_start3A_28 : memref<1x80xi32, #tpu.memory_space<vmem>> -> memref<80xi32, #tpu.memory_space<vmem>>
    %dma_start3A_30 = arith.constant 0 : i32
    %dma_start3A_31 = arith.constant 0 : i32
    %dma_start3A_32 = tpu.memref_slice %arg2[%dma_start3A_30, %dma_start3A_31] : memref<10000x16xf32, #tpu.memory_space<hbm>> -> memref<10000x16xf32, #tpu.memory_space<hbm>>
    %dma_start3A_33 = tpu.memref_slice %arg10[%dma_start3A_22] : memref<5x!tpu.dma_semaphore, #tpu.memory_space<semaphore_mem>> -> memref<1x!tpu.dma_semaphore, #tpu.memory_space<semaphore_mem>>
    %dma_start3A_34 = tpu.memref_squeeze %dma_start3A_33 : memref<1x!tpu.dma_semaphore, #tpu.memory_space<semaphore_mem>> -> memref<!tpu.dma_semaphore, #tpu.memory_space<semaphore_mem>>
    tpu.enqueue_indirect_dma source(%dma_start3A_32 : memref<10000x16xf32, #tpu.memory_space<hbm>>) target(%dma_start3A_26 : memref<80x16xf32, #tpu.memory_space<vmem>>) offsets(%dma_start3A_29 : memref<80xi32, #tpu.memory_space<vmem>>) semaphore(%dma_start3A_34 : memref<!tpu.dma_semaphore, #tpu.memory_space<semaphore_mem>>)
    %dma_start3A_35 = arith.constant 2 : i32
    %dma_start3A_36 = arith.constant 2 : i32
    %dma_start3A_37 = arith.constant 2 : i32
    %dma_start3A_38 = arith.constant 0 : i32
    %dma_start3A_39 = arith.constant 0 : i32
    %dma_start3A_40 = tpu.memref_slice %arg7[%dma_start3A_36, %dma_start3A_38, %dma_start3A_39] : memref<5x80x16xf32, #tpu.memory_space<vmem>> -> memref<1x80x16xf32, #tpu.memory_space<vmem>>
    %dma_start3A_41 = tpu.memref_squeeze %dma_start3A_40 : memref<1x80x16xf32, #tpu.memory_space<vmem>> -> memref<80x16xf32, #tpu.memory_space<vmem>>
    %dma_start3A_42 = arith.constant 0 : i32
    %dma_start3A_43 = tpu.memref_slice %arg5[%dma_start3A_35, %dma_start3A_42] : memref<125x80xi32, #tpu.memory_space<vmem>> -> memref<1x80xi32, #tpu.memory_space<vmem>>
    %dma_start3A_44 = tpu.memref_squeeze %dma_start3A_43 : memref<1x80xi32, #tpu.memory_space<vmem>> -> memref<80xi32, #tpu.memory_space<vmem>>
    %dma_start3A_45 = arith.constant 0 : i32
    %dma_start3A_46 = arith.constant 0 : i32
    %dma_start3A_47 = tpu.memref_slice %arg2[%dma_start3A_45, %dma_start3A_46] : memref<10000x16xf32, #tpu.memory_space<hbm>> -> memref<10000x16xf32, #tpu.memory_space<hbm>>
    %dma_start3A_48 = tpu.memref_slice %arg10[%dma_start3A_37] : memref<5x!tpu.dma_semaphore, #tpu.memory_space<semaphore_mem>> -> memref<1x!tpu.dma_semaphore, #tpu.memory_space<semaphore_mem>>
    %dma_start3A_49 = tpu.memref_squeeze %dma_start3A_48 : memref<1x!tpu.dma_semaphore, #tpu.memory_space<semaphore_mem>> -> memref<!tpu.dma_semaphore, #tpu.memory_space<semaphore_mem>>
    tpu.enqueue_indirect_dma source(%dma_start3A_47 : memref<10000x16xf32, #tpu.memory_space<hbm>>) target(%dma_start3A_41 : memref<80x16xf32, #tpu.memory_space<vmem>>) offsets(%dma_start3A_44 : memref<80xi32, #tpu.memory_space<vmem>>) semaphore(%dma_start3A_49 : memref<!tpu.dma_semaphore, #tpu.memory_space<semaphore_mem>>)
    %dma_start3A_50 = arith.constant 3 : i32
    %dma_start3A_51 = arith.constant 3 : i32
    %dma_start3A_52 = arith.constant 3 : i32
    %dma_start3A_53 = arith.constant 0 : i32
    %dma_start3A_54 = arith.constant 0 : i32
    %dma_start3A_55 = tpu.memref_slice %arg7[%dma_start3A_51, %dma_start3A_53, %dma_start3A_54] : memref<5x80x16xf32, #tpu.memory_space<vmem>> -> memref<1x80x16xf32, #tpu.memory_space<vmem>>
    %dma_start3A_56 = tpu.memref_squeeze %dma_start3A_55 : memref<1x80x16xf32, #tpu.memory_space<vmem>> -> memref<80x16xf32, #tpu.memory_space<vmem>>
    %dma_start3A_57 = arith.constant 0 : i32
    %dma_start3A_58 = tpu.memref_slice %arg5[%dma_start3A_50, %dma_start3A_57] : memref<125x80xi32, #tpu.memory_space<vmem>> -> memref<1x80xi32, #tpu.memory_space<vmem>>
    %dma_start3A_59 = tpu.memref_squeeze %dma_start3A_58 : memref<1x80xi32, #tpu.memory_space<vmem>> -> memref<80xi32, #tpu.memory_space<vmem>>
    %dma_start3A_60 = arith.constant 0 : i32
    %dma_start3A_61 = arith.constant 0 : i32
    %dma_start3A_62 = tpu.memref_slice %arg2[%dma_start3A_60, %dma_start3A_61] : memref<10000x16xf32, #tpu.memory_space<hbm>> -> memref<10000x16xf32, #tpu.memory_space<hbm>>
    %dma_start3A_63 = tpu.memref_slice %arg10[%dma_start3A_52] : memref<5x!tpu.dma_semaphore, #tpu.memory_space<semaphore_mem>> -> memref<1x!tpu.dma_semaphore, #tpu.memory_space<semaphore_mem>>
    %dma_start3A_64 = tpu.memref_squeeze %dma_start3A_63 : memref<1x!tpu.dma_semaphore, #tpu.memory_space<semaphore_mem>> -> memref<!tpu.dma_semaphore, #tpu.memory_space<semaphore_mem>>
    tpu.enqueue_indirect_dma source(%dma_start3A_62 : memref<10000x16xf32, #tpu.memory_space<hbm>>) target(%dma_start3A_56 : memref<80x16xf32, #tpu.memory_space<vmem>>) offsets(%dma_start3A_59 : memref<80xi32, #tpu.memory_space<vmem>>) semaphore(%dma_start3A_64 : memref<!tpu.dma_semaphore, #tpu.memory_space<semaphore_mem>>)
    %dma_start3A_65 = arith.constant 4 : i32
    %dma_start3A_66 = arith.constant 4 : i32
    %dma_start3A_67 = arith.constant 4 : i32
    %dma_start3A_68 = arith.constant 0 : i32
    %dma_start3A_69 = arith.constant 0 : i32
    %dma_start3A_70 = tpu.memref_slice %arg7[%dma_start3A_66, %dma_start3A_68, %dma_start3A_69] : memref<5x80x16xf32, #tpu.memory_space<vmem>> -> memref<1x80x16xf32, #tpu.memory_space<vmem>>
    %dma_start3A_71 = tpu.memref_squeeze %dma_start3A_70 : memref<1x80x16xf32, #tpu.memory_space<vmem>> -> memref<80x16xf32, #tpu.memory_space<vmem>>
    %dma_start3A_72 = arith.constant 0 : i32
    %dma_start3A_73 = tpu.memref_slice %arg5[%dma_start3A_65, %dma_start3A_72] : memref<125x80xi32, #tpu.memory_space<vmem>> -> memref<1x80xi32, #tpu.memory_space<vmem>>
    %dma_start3A_74 = tpu.memref_squeeze %dma_start3A_73 : memref<1x80xi32, #tpu.memory_space<vmem>> -> memref<80xi32, #tpu.memory_space<vmem>>
    %dma_start3A_75 = arith.constant 0 : i32
    %dma_start3A_76 = arith.constant 0 : i32
    %dma_start3A_77 = tpu.memref_slice %arg2[%dma_start3A_75, %dma_start3A_76] : memref<10000x16xf32, #tpu.memory_space<hbm>> -> memref<10000x16xf32, #tpu.memory_space<hbm>>
    %dma_start3A_78 = tpu.memref_slice %arg10[%dma_start3A_67] : memref<5x!tpu.dma_semaphore, #tpu.memory_space<semaphore_mem>> -> memref<1x!tpu.dma_semaphore, #tpu.memory_space<semaphore_mem>>
    %dma_start3A_79 = tpu.memref_squeeze %dma_start3A_78 : memref<1x!tpu.dma_semaphore, #tpu.memory_space<semaphore_mem>> -> memref<!tpu.dma_semaphore, #tpu.memory_space<semaphore_mem>>
    tpu.enqueue_indirect_dma source(%dma_start3A_77 : memref<10000x16xf32, #tpu.memory_space<hbm>>) target(%dma_start3A_71 : memref<80x16xf32, #tpu.memory_space<vmem>>) offsets(%dma_start3A_74 : memref<80xi32, #tpu.memory_space<vmem>>) semaphore(%dma_start3A_79 : memref<!tpu.dma_semaphore, #tpu.memory_space<semaphore_mem>>)
    %mul3A_80 = arith.constant 624 : i32
    %mul3A_81 = arith.muli %arg1, %mul3A_80 : i32
    "tpu.region"() ({
      %run_scoped3A_97 = tpu.sem_alloc : memref<!tpu.dma_semaphore, #tpu.memory_space<semaphore_mem>>
      %dma_start3A_98 = arith.constant 0 : i32
      %dma_start3A_99 = arith.constant 0 : i32
      %dma_start3A_100 = tpu.memref_slice %arg8[%dma_start3A_98, %dma_start3A_99] : memref<640x16xf32, #tpu.memory_space<vmem>> -> memref<624x16xf32, #tpu.memory_space<vmem>>
      %dma_start3A_101 = arith.constant 0 : i32
      %dma_start3A_102 = tpu.memref_slice %arg2[%mul3A_81, %dma_start3A_101] : memref<10000x16xf32, #tpu.memory_space<hbm>> -> memref<624x16xf32, #tpu.memory_space<hbm>>
      %dma_start3A_103 = arith.constant 0 : i32
      %dma_start3A_104 = arith.constant 0 : i32
      %dma_start3A_105 = tpu.memref_slice %arg8[%dma_start3A_103, %dma_start3A_104] : memref<640x16xf32, #tpu.memory_space<vmem>> -> memref<624x16xf32, #tpu.memory_space<vmem>>
      %dma_start3A_106 = arith.constant 0 : i32
      %dma_start3A_107 = tpu.memref_slice %arg2[%mul3A_81, %dma_start3A_106] : memref<10000x16xf32, #tpu.memory_space<hbm>> -> memref<624x16xf32, #tpu.memory_space<hbm>>
      tpu.enqueue_dma source(%dma_start3A_107 : memref<624x16xf32, #tpu.memory_space<hbm>>) target(%dma_start3A_105 : memref<624x16xf32, #tpu.memory_space<vmem>>) target_semaphore(%run_scoped3A_97 : memref<!tpu.dma_semaphore, #tpu.memory_space<semaphore_mem>>)
      %dma_wait3A = arith.constant 0 : i32
      %dma_wait3A_108 = arith.constant 0 : i32
      %dma_wait3A_109 = tpu.memref_slice %arg8[%dma_wait3A, %dma_wait3A_108] : memref<640x16xf32, #tpu.memory_space<vmem>> -> memref<624x16xf32, #tpu.memory_space<vmem>>
      %dma_wait3A_110 = arith.constant 0 : i32
      %dma_wait3A_111 = tpu.memref_slice %arg2[%mul3A_81, %dma_wait3A_110] : memref<10000x16xf32, #tpu.memory_space<hbm>> -> memref<624x16xf32, #tpu.memory_space<hbm>>
      %dma_wait3A_112 = arith.constant 0 : i32
      %dma_wait3A_113 = arith.constant 0 : i32
      %dma_wait3A_114 = tpu.memref_slice %arg8[%dma_wait3A_112, %dma_wait3A_113] : memref<640x16xf32, #tpu.memory_space<vmem>> -> memref<624x16xf32, #tpu.memory_space<vmem>>
      %dma_wait3A_115 = arith.constant 0 : i32
      %dma_wait3A_116 = tpu.memref_slice %arg2[%mul3A_81, %dma_wait3A_115] : memref<10000x16xf32, #tpu.memory_space<hbm>> -> memref<624x16xf32, #tpu.memory_space<hbm>>
      tpu.wait_dma2 semaphore(%run_scoped3A_97 : memref<!tpu.dma_semaphore, #tpu.memory_space<semaphore_mem>>) src(%dma_wait3A_116 : memref<624x16xf32, #tpu.memory_space<hbm>>) dst(%dma_wait3A_114 : memref<624x16xf32, #tpu.memory_space<vmem>>)
      tpu.yield
    }) : () -> ()
    "tpu.region"() ({
      %run_scoped3A_97 = tpu.sem_alloc : memref<!tpu.dma_semaphore, #tpu.memory_space<semaphore_mem>>
      %dma_start3A_98 = arith.constant 0 : i32
      %dma_start3A_99 = arith.constant 0 : i32
      %dma_start3A_100 = tpu.memref_slice %arg8[%dma_start3A_98, %dma_start3A_99] : memref<640x16xf32, #tpu.memory_space<vmem>> -> memref<624x16xf32, #tpu.memory_space<vmem>>
      %dma_start3A_101 = arith.constant 0 : i32
      %dma_start3A_102 = tpu.memref_slice %arg9[%mul3A_81, %dma_start3A_101] : memref<10000x16xf32, #tpu.memory_space<vmem_shared>> -> memref<624x16xf32, #tpu.memory_space<vmem_shared>>
      %dma_start3A_103 = arith.constant 0 : i32
      %dma_start3A_104 = tpu.memref_slice %arg9[%mul3A_81, %dma_start3A_103] : memref<10000x16xf32, #tpu.memory_space<vmem_shared>> -> memref<624x16xf32, #tpu.memory_space<vmem_shared>>
      %dma_start3A_105 = arith.constant 0 : i32
      %dma_start3A_106 = arith.constant 0 : i32
      %dma_start3A_107 = tpu.memref_slice %arg8[%dma_start3A_105, %dma_start3A_106] : memref<640x16xf32, #tpu.memory_space<vmem>> -> memref<624x16xf32, #tpu.memory_space<vmem>>
      tpu.enqueue_dma source(%dma_start3A_107 : memref<624x16xf32, #tpu.memory_space<vmem>>) target(%dma_start3A_104 : memref<624x16xf32, #tpu.memory_space<vmem_shared>>) target_semaphore(%run_scoped3A_97 : memref<!tpu.dma_semaphore, #tpu.memory_space<semaphore_mem>>)
      %dma_wait3A = arith.constant 0 : i32
      %dma_wait3A_108 = arith.constant 0 : i32
      %dma_wait3A_109 = tpu.memref_slice %arg8[%dma_wait3A, %dma_wait3A_108] : memref<640x16xf32, #tpu.memory_space<vmem>> -> memref<624x16xf32, #tpu.memory_space<vmem>>
      %dma_wait3A_110 = arith.constant 0 : i32
      %dma_wait3A_111 = tpu.memref_slice %arg9[%mul3A_81, %dma_wait3A_110] : memref<10000x16xf32, #tpu.memory_space<vmem_shared>> -> memref<624x16xf32, #tpu.memory_space<vmem_shared>>
      %dma_wait3A_112 = arith.constant 0 : i32
      %dma_wait3A_113 = tpu.memref_slice %arg9[%mul3A_81, %dma_wait3A_112] : memref<10000x16xf32, #tpu.memory_space<vmem_shared>> -> memref<624x16xf32, #tpu.memory_space<vmem_shared>>
      %dma_wait3A_114 = arith.constant 0 : i32
      %dma_wait3A_115 = arith.constant 0 : i32
      %dma_wait3A_116 = tpu.memref_slice %arg8[%dma_wait3A_114, %dma_wait3A_115] : memref<640x16xf32, #tpu.memory_space<vmem>> -> memref<624x16xf32, #tpu.memory_space<vmem>>
      tpu.wait_dma2 semaphore(%run_scoped3A_97 : memref<!tpu.dma_semaphore, #tpu.memory_space<semaphore_mem>>) src(%dma_wait3A_116 : memref<624x16xf32, #tpu.memory_space<vmem>>) dst(%dma_wait3A_113 : memref<624x16xf32, #tpu.memory_space<vmem_shared>>)
      tpu.yield
    }) : () -> ()
    %eq3A = arith.constant 15 : i32
    %eq3A_82 = arith.cmpi eq, %arg1, %eq3A : i32
    %convert_element_type3A = arith.extui %eq3A_82 : i1 to i32
    %cond3A = arith.constant 0 : i32
    %cond3A_83 = arith.cmpi ne, %convert_element_type3A, %cond3A : i32
    scf.if %cond3A_83 {
      "tpu.region"() ({
        %run_scoped3A_97 = tpu.sem_alloc : memref<!tpu.dma_semaphore, #tpu.memory_space<semaphore_mem>>
        %dma_start3A_98 = arith.constant 624 : i32
        %dma_start3A_99 = arith.constant 0 : i32
        %dma_start3A_100 = tpu.memref_slice %arg8[%dma_start3A_98, %dma_start3A_99] : memref<640x16xf32, #tpu.memory_space<vmem>> -> memref<16x16xf32, #tpu.memory_space<vmem>>
        %dma_start3A_101 = arith.constant 9984 : i32
        %dma_start3A_102 = arith.constant 0 : i32
        %dma_start3A_103 = tpu.memref_slice %arg2[%dma_start3A_101, %dma_start3A_102] : memref<10000x16xf32, #tpu.memory_space<hbm>> -> memref<16x16xf32, #tpu.memory_space<hbm>>
        %dma_start3A_104 = arith.constant 624 : i32
        %dma_start3A_105 = arith.constant 0 : i32
        %dma_start3A_106 = tpu.memref_slice %arg8[%dma_start3A_104, %dma_start3A_105] : memref<640x16xf32, #tpu.memory_space<vmem>> -> memref<16x16xf32, #tpu.memory_space<vmem>>
        %dma_start3A_107 = arith.constant 9984 : i32
        %dma_start3A_108 = arith.constant 0 : i32
        %dma_start3A_109 = tpu.memref_slice %arg2[%dma_start3A_107, %dma_start3A_108] : memref<10000x16xf32, #tpu.memory_space<hbm>> -> memref<16x16xf32, #tpu.memory_space<hbm>>
        tpu.enqueue_dma source(%dma_start3A_109 : memref<16x16xf32, #tpu.memory_space<hbm>>) target(%dma_start3A_106 : memref<16x16xf32, #tpu.memory_space<vmem>>) target_semaphore(%run_scoped3A_97 : memref<!tpu.dma_semaphore, #tpu.memory_space<semaphore_mem>>)
        %dma_wait3A = arith.constant 624 : i32
        %dma_wait3A_110 = arith.constant 0 : i32
        %dma_wait3A_111 = tpu.memref_slice %arg8[%dma_wait3A, %dma_wait3A_110] : memref<640x16xf32, #tpu.memory_space<vmem>> -> memref<16x16xf32, #tpu.memory_space<vmem>>
        %dma_wait3A_112 = arith.constant 9984 : i32
        %dma_wait3A_113 = arith.constant 0 : i32
        %dma_wait3A_114 = tpu.memref_slice %arg2[%dma_wait3A_112, %dma_wait3A_113] : memref<10000x16xf32, #tpu.memory_space<hbm>> -> memref<16x16xf32, #tpu.memory_space<hbm>>
        %dma_wait3A_115 = arith.constant 624 : i32
        %dma_wait3A_116 = arith.constant 0 : i32
        %dma_wait3A_117 = tpu.memref_slice %arg8[%dma_wait3A_115, %dma_wait3A_116] : memref<640x16xf32, #tpu.memory_space<vmem>> -> memref<16x16xf32, #tpu.memory_space<vmem>>
        %dma_wait3A_118 = arith.constant 9984 : i32
        %dma_wait3A_119 = arith.constant 0 : i32
        %dma_wait3A_120 = tpu.memref_slice %arg2[%dma_wait3A_118, %dma_wait3A_119] : memref<10000x16xf32, #tpu.memory_space<hbm>> -> memref<16x16xf32, #tpu.memory_space<hbm>>
        tpu.wait_dma2 semaphore(%run_scoped3A_97 : memref<!tpu.dma_semaphore, #tpu.memory_space<semaphore_mem>>) src(%dma_wait3A_120 : memref<16x16xf32, #tpu.memory_space<hbm>>) dst(%dma_wait3A_117 : memref<16x16xf32, #tpu.memory_space<vmem>>)
        tpu.yield
      }) : () -> ()
      "tpu.region"() ({
        %run_scoped3A_97 = tpu.sem_alloc : memref<!tpu.dma_semaphore, #tpu.memory_space<semaphore_mem>>
        %dma_start3A_98 = arith.constant 624 : i32
        %dma_start3A_99 = arith.constant 0 : i32
        %dma_start3A_100 = tpu.memref_slice %arg8[%dma_start3A_98, %dma_start3A_99] : memref<640x16xf32, #tpu.memory_space<vmem>> -> memref<16x16xf32, #tpu.memory_space<vmem>>
        %dma_start3A_101 = arith.constant 9984 : i32
        %dma_start3A_102 = arith.constant 0 : i32
        %dma_start3A_103 = tpu.memref_slice %arg9[%dma_start3A_101, %dma_start3A_102] : memref<10000x16xf32, #tpu.memory_space<vmem_shared>> -> memref<16x16xf32, #tpu.memory_space<vmem_shared>>
        %dma_start3A_104 = arith.constant 9984 : i32
        %dma_start3A_105 = arith.constant 0 : i32
        %dma_start3A_106 = tpu.memref_slice %arg9[%dma_start3A_104, %dma_start3A_105] : memref<10000x16xf32, #tpu.memory_space<vmem_shared>> -> memref<16x16xf32, #tpu.memory_space<vmem_shared>>
        %dma_start3A_107 = arith.constant 624 : i32
        %dma_start3A_108 = arith.constant 0 : i32
        %dma_start3A_109 = tpu.memref_slice %arg8[%dma_start3A_107, %dma_start3A_108] : memref<640x16xf32, #tpu.memory_space<vmem>> -> memref<16x16xf32, #tpu.memory_space<vmem>>
        tpu.enqueue_dma source(%dma_start3A_109 : memref<16x16xf32, #tpu.memory_space<vmem>>) target(%dma_start3A_106 : memref<16x16xf32, #tpu.memory_space<vmem_shared>>) target_semaphore(%run_scoped3A_97 : memref<!tpu.dma_semaphore, #tpu.memory_space<semaphore_mem>>)
        %dma_wait3A = arith.constant 624 : i32
        %dma_wait3A_110 = arith.constant 0 : i32
        %dma_wait3A_111 = tpu.memref_slice %arg8[%dma_wait3A, %dma_wait3A_110] : memref<640x16xf32, #tpu.memory_space<vmem>> -> memref<16x16xf32, #tpu.memory_space<vmem>>
        %dma_wait3A_112 = arith.constant 9984 : i32
        %dma_wait3A_113 = arith.constant 0 : i32
        %dma_wait3A_114 = tpu.memref_slice %arg9[%dma_wait3A_112, %dma_wait3A_113] : memref<10000x16xf32, #tpu.memory_space<vmem_shared>> -> memref<16x16xf32, #tpu.memory_space<vmem_shared>>
        %dma_wait3A_115 = arith.constant 9984 : i32
        %dma_wait3A_116 = arith.constant 0 : i32
        %dma_wait3A_117 = tpu.memref_slice %arg9[%dma_wait3A_115, %dma_wait3A_116] : memref<10000x16xf32, #tpu.memory_space<vmem_shared>> -> memref<16x16xf32, #tpu.memory_space<vmem_shared>>
        %dma_wait3A_118 = arith.constant 624 : i32
        %dma_wait3A_119 = arith.constant 0 : i32
        %dma_wait3A_120 = tpu.memref_slice %arg8[%dma_wait3A_118, %dma_wait3A_119] : memref<640x16xf32, #tpu.memory_space<vmem>> -> memref<16x16xf32, #tpu.memory_space<vmem>>
        tpu.wait_dma2 semaphore(%run_scoped3A_97 : memref<!tpu.dma_semaphore, #tpu.memory_space<semaphore_mem>>) src(%dma_wait3A_120 : memref<16x16xf32, #tpu.memory_space<vmem>>) dst(%dma_wait3A_117 : memref<16x16xf32, #tpu.memory_space<vmem_shared>>)
        tpu.yield
      }) : () -> ()
    } else {
    }
    %barrier3A = arith.constant 0 : index
    tpu.barrier barrier_id(%barrier3A)
    %scan3A = arith.constant 0 : i32
    %scan3A_84 = arith.constant 0 : i32
    %scan3A_85 = arith.constant 25 : i32
    %scan3A_86 = arith.addi %scan3A_84, %scan3A_85 : i32
    %scan3A_87 = arith.constant 1 : i32
    scf.for %scan3A_97 = %scan3A_84 to %scan3A_86 step %scan3A_87  : i32 {
      %dma_wait3A = arith.constant 0 : i32
      %dma_wait3A_98 = arith.constant 0 : i32
      %dma_wait3A_99 = arith.constant 0 : i32
      %dma_wait3A_100 = arith.constant 0 : i32
      %dma_wait3A_101 = tpu.memref_slice %arg7[%dma_wait3A, %dma_wait3A_99, %dma_wait3A_100] : memref<5x80x16xf32, #tpu.memory_space<vmem>> -> memref<1x80x16xf32, #tpu.memory_space<vmem>>
      %dma_wait3A_102 = tpu.memref_squeeze %dma_wait3A_101 : memref<1x80x16xf32, #tpu.memory_space<vmem>> -> memref<80x16xf32, #tpu.memory_space<vmem>>
      %dma_wait3A_103 = arith.constant 0 : i32
      %dma_wait3A_104 = arith.constant 0 : i32
      %dma_wait3A_105 = tpu.memref_slice %arg2[%dma_wait3A_103, %dma_wait3A_104] : memref<10000x16xf32, #tpu.memory_space<hbm>> -> memref<80x16xf32, #tpu.memory_space<hbm>>
      %dma_wait3A_106 = tpu.memref_slice %arg10[%dma_wait3A_98] : memref<5x!tpu.dma_semaphore, #tpu.memory_space<semaphore_mem>> -> memref<1x!tpu.dma_semaphore, #tpu.memory_space<semaphore_mem>>
      %dma_wait3A_107 = tpu.memref_squeeze %dma_wait3A_106 : memref<1x!tpu.dma_semaphore, #tpu.memory_space<semaphore_mem>> -> memref<!tpu.dma_semaphore, #tpu.memory_space<semaphore_mem>>
      %dma_wait3A_108 = arith.constant 0 : i32
      %dma_wait3A_109 = arith.constant 0 : i32
      %dma_wait3A_110 = tpu.memref_slice %arg7[%dma_wait3A, %dma_wait3A_108, %dma_wait3A_109] : memref<5x80x16xf32, #tpu.memory_space<vmem>> -> memref<1x80x16xf32, #tpu.memory_space<vmem>>
      %dma_wait3A_111 = tpu.memref_squeeze %dma_wait3A_110 : memref<1x80x16xf32, #tpu.memory_space<vmem>> -> memref<80x16xf32, #tpu.memory_space<vmem>>
      %dma_wait3A_112 = arith.constant 0 : i32
      %dma_wait3A_113 = arith.constant 0 : i32
      %dma_wait3A_114 = tpu.memref_slice %arg2[%dma_wait3A_112, %dma_wait3A_113] : memref<10000x16xf32, #tpu.memory_space<hbm>> -> memref<80x16xf32, #tpu.memory_space<hbm>>
      tpu.wait_dma2 semaphore(%dma_wait3A_107 : memref<!tpu.dma_semaphore, #tpu.memory_space<semaphore_mem>>) src(%dma_wait3A_114 : memref<80x16xf32, #tpu.memory_space<hbm>>) dst(%dma_wait3A_111 : memref<80x16xf32, #tpu.memory_space<vmem>>)
      %mul3A_115 = arith.constant 5 : i32
      %mul3A_116 = arith.muli %scan3A_97, %mul3A_115 : i32
      %add3A_117 = arith.constant 0 : i32
      %add3A_118 = arith.addi %mul3A_116, %add3A_117 : i32
      %dma_start3A_119 = arith.constant 0 : i32
      %dma_start3A_120 = arith.constant 0 : i32
      %dma_start3A_121 = arith.constant 0 : i32
      %dma_start3A_122 = arith.constant 0 : i32
      %dma_start3A_123 = tpu.memref_slice %arg7[%dma_start3A_119, %dma_start3A_121, %dma_start3A_122] : memref<5x80x16xf32, #tpu.memory_space<vmem>> -> memref<1x80x16xf32, #tpu.memory_space<vmem>>
      %dma_start3A_124 = tpu.memref_squeeze %dma_start3A_123 : memref<1x80x16xf32, #tpu.memory_space<vmem>> -> memref<80x16xf32, #tpu.memory_space<vmem>>
      %dma_start3A_125 = arith.constant 0 : i32
      %dma_start3A_126 = tpu.memref_slice %arg6[%add3A_118, %dma_start3A_125] : memref<125x80xi32, #tpu.memory_space<vmem>> -> memref<1x80xi32, #tpu.memory_space<vmem>>
      %dma_start3A_127 = tpu.memref_squeeze %dma_start3A_126 : memref<1x80xi32, #tpu.memory_space<vmem>> -> memref<80xi32, #tpu.memory_space<vmem>>
      %dma_start3A_128 = arith.constant 0 : i32
      %dma_start3A_129 = arith.constant 0 : i32
      %dma_start3A_130 = tpu.memref_slice %arg9[%dma_start3A_128, %dma_start3A_129] : memref<10000x16xf32, #tpu.memory_space<vmem_shared>> -> memref<10000x16xf32, #tpu.memory_space<vmem_shared>>
      %dma_start3A_131 = tpu.memref_slice %arg11[%dma_start3A_120] : memref<5x!tpu.dma_semaphore, #tpu.memory_space<semaphore_mem>> -> memref<1x!tpu.dma_semaphore, #tpu.memory_space<semaphore_mem>>
      %dma_start3A_132 = tpu.memref_squeeze %dma_start3A_131 : memref<1x!tpu.dma_semaphore, #tpu.memory_space<semaphore_mem>> -> memref<!tpu.dma_semaphore, #tpu.memory_space<semaphore_mem>>
      tpu.enqueue_indirect_dma source(%dma_start3A_124 : memref<80x16xf32, #tpu.memory_space<vmem>>) target(%dma_start3A_130 : memref<10000x16xf32, #tpu.memory_space<vmem_shared>>) offsets(%dma_start3A_127 : memref<80xi32, #tpu.memory_space<vmem>>) semaphore(%dma_start3A_132 : memref<!tpu.dma_semaphore, #tpu.memory_space<semaphore_mem>>) {add = true}
      %dma_wait3A_133 = arith.constant 1 : i32
      %dma_wait3A_134 = arith.constant 1 : i32
      %dma_wait3A_135 = arith.constant 0 : i32
      %dma_wait3A_136 = arith.constant 0 : i32
      %dma_wait3A_137 = tpu.memref_slice %arg7[%dma_wait3A_133, %dma_wait3A_135, %dma_wait3A_136] : memref<5x80x16xf32, #tpu.memory_space<vmem>> -> memref<1x80x16xf32, #tpu.memory_space<vmem>>
      %dma_wait3A_138 = tpu.memref_squeeze %dma_wait3A_137 : memref<1x80x16xf32, #tpu.memory_space<vmem>> -> memref<80x16xf32, #tpu.memory_space<vmem>>
      %dma_wait3A_139 = arith.constant 0 : i32
      %dma_wait3A_140 = arith.constant 0 : i32
      %dma_wait3A_141 = tpu.memref_slice %arg2[%dma_wait3A_139, %dma_wait3A_140] : memref<10000x16xf32, #tpu.memory_space<hbm>> -> memref<80x16xf32, #tpu.memory_space<hbm>>
      %dma_wait3A_142 = tpu.memref_slice %arg10[%dma_wait3A_134] : memref<5x!tpu.dma_semaphore, #tpu.memory_space<semaphore_mem>> -> memref<1x!tpu.dma_semaphore, #tpu.memory_space<semaphore_mem>>
      %dma_wait3A_143 = tpu.memref_squeeze %dma_wait3A_142 : memref<1x!tpu.dma_semaphore, #tpu.memory_space<semaphore_mem>> -> memref<!tpu.dma_semaphore, #tpu.memory_space<semaphore_mem>>
      %dma_wait3A_144 = arith.constant 0 : i32
      %dma_wait3A_145 = arith.constant 0 : i32
      %dma_wait3A_146 = tpu.memref_slice %arg7[%dma_wait3A_133, %dma_wait3A_144, %dma_wait3A_145] : memref<5x80x16xf32, #tpu.memory_space<vmem>> -> memref<1x80x16xf32, #tpu.memory_space<vmem>>
      %dma_wait3A_147 = tpu.memref_squeeze %dma_wait3A_146 : memref<1x80x16xf32, #tpu.memory_space<vmem>> -> memref<80x16xf32, #tpu.memory_space<vmem>>
      %dma_wait3A_148 = arith.constant 0 : i32
      %dma_wait3A_149 = arith.constant 0 : i32
      %dma_wait3A_150 = tpu.memref_slice %arg2[%dma_wait3A_148, %dma_wait3A_149] : memref<10000x16xf32, #tpu.memory_space<hbm>> -> memref<80x16xf32, #tpu.memory_space<hbm>>
      tpu.wait_dma2 semaphore(%dma_wait3A_143 : memref<!tpu.dma_semaphore, #tpu.memory_space<semaphore_mem>>) src(%dma_wait3A_150 : memref<80x16xf32, #tpu.memory_space<hbm>>) dst(%dma_wait3A_147 : memref<80x16xf32, #tpu.memory_space<vmem>>)
      %mul3A_151 = arith.constant 5 : i32
      %mul3A_152 = arith.muli %scan3A_97, %mul3A_151 : i32
      %add3A_153 = arith.constant 1 : i32
      %add3A_154 = arith.addi %mul3A_152, %add3A_153 : i32
      %dma_start3A_155 = arith.constant 1 : i32
      %dma_start3A_156 = arith.constant 1 : i32
      %dma_start3A_157 = arith.constant 0 : i32
      %dma_start3A_158 = arith.constant 0 : i32
      %dma_start3A_159 = tpu.memref_slice %arg7[%dma_start3A_155, %dma_start3A_157, %dma_start3A_158] : memref<5x80x16xf32, #tpu.memory_space<vmem>> -> memref<1x80x16xf32, #tpu.memory_space<vmem>>
      %dma_start3A_160 = tpu.memref_squeeze %dma_start3A_159 : memref<1x80x16xf32, #tpu.memory_space<vmem>> -> memref<80x16xf32, #tpu.memory_space<vmem>>
      %dma_start3A_161 = arith.constant 0 : i32
      %dma_start3A_162 = tpu.memref_slice %arg6[%add3A_154, %dma_start3A_161] : memref<125x80xi32, #tpu.memory_space<vmem>> -> memref<1x80xi32, #tpu.memory_space<vmem>>
      %dma_start3A_163 = tpu.memref_squeeze %dma_start3A_162 : memref<1x80xi32, #tpu.memory_space<vmem>> -> memref<80xi32, #tpu.memory_space<vmem>>
      %dma_start3A_164 = arith.constant 0 : i32
      %dma_start3A_165 = arith.constant 0 : i32
      %dma_start3A_166 = tpu.memref_slice %arg9[%dma_start3A_164, %dma_start3A_165] : memref<10000x16xf32, #tpu.memory_space<vmem_shared>> -> memref<10000x16xf32, #tpu.memory_space<vmem_shared>>
      %dma_start3A_167 = tpu.memref_slice %arg11[%dma_start3A_156] : memref<5x!tpu.dma_semaphore, #tpu.memory_space<semaphore_mem>> -> memref<1x!tpu.dma_semaphore, #tpu.memory_space<semaphore_mem>>
      %dma_start3A_168 = tpu.memref_squeeze %dma_start3A_167 : memref<1x!tpu.dma_semaphore, #tpu.memory_space<semaphore_mem>> -> memref<!tpu.dma_semaphore, #tpu.memory_space<semaphore_mem>>
      tpu.enqueue_indirect_dma source(%dma_start3A_160 : memref<80x16xf32, #tpu.memory_space<vmem>>) target(%dma_start3A_166 : memref<10000x16xf32, #tpu.memory_space<vmem_shared>>) offsets(%dma_start3A_163 : memref<80xi32, #tpu.memory_space<vmem>>) semaphore(%dma_start3A_168 : memref<!tpu.dma_semaphore, #tpu.memory_space<semaphore_mem>>) {add = true}
      %dma_wait3A_169 = arith.constant 2 : i32
      %dma_wait3A_170 = arith.constant 2 : i32
      %dma_wait3A_171 = arith.constant 0 : i32
      %dma_wait3A_172 = arith.constant 0 : i32
      %dma_wait3A_173 = tpu.memref_slice %arg7[%dma_wait3A_169, %dma_wait3A_171, %dma_wait3A_172] : memref<5x80x16xf32, #tpu.memory_space<vmem>> -> memref<1x80x16xf32, #tpu.memory_space<vmem>>
      %dma_wait3A_174 = tpu.memref_squeeze %dma_wait3A_173 : memref<1x80x16xf32, #tpu.memory_space<vmem>> -> memref<80x16xf32, #tpu.memory_space<vmem>>
      %dma_wait3A_175 = arith.constant 0 : i32
      %dma_wait3A_176 = arith.constant 0 : i32
      %dma_wait3A_177 = tpu.memref_slice %arg2[%dma_wait3A_175, %dma_wait3A_176] : memref<10000x16xf32, #tpu.memory_space<hbm>> -> memref<80x16xf32, #tpu.memory_space<hbm>>
      %dma_wait3A_178 = tpu.memref_slice %arg10[%dma_wait3A_170] : memref<5x!tpu.dma_semaphore, #tpu.memory_space<semaphore_mem>> -> memref<1x!tpu.dma_semaphore, #tpu.memory_space<semaphore_mem>>
      %dma_wait3A_179 = tpu.memref_squeeze %dma_wait3A_178 : memref<1x!tpu.dma_semaphore, #tpu.memory_space<semaphore_mem>> -> memref<!tpu.dma_semaphore, #tpu.memory_space<semaphore_mem>>
      %dma_wait3A_180 = arith.constant 0 : i32
      %dma_wait3A_181 = arith.constant 0 : i32
      %dma_wait3A_182 = tpu.memref_slice %arg7[%dma_wait3A_169, %dma_wait3A_180, %dma_wait3A_181] : memref<5x80x16xf32, #tpu.memory_space<vmem>> -> memref<1x80x16xf32, #tpu.memory_space<vmem>>
      %dma_wait3A_183 = tpu.memref_squeeze %dma_wait3A_182 : memref<1x80x16xf32, #tpu.memory_space<vmem>> -> memref<80x16xf32, #tpu.memory_space<vmem>>
      %dma_wait3A_184 = arith.constant 0 : i32
      %dma_wait3A_185 = arith.constant 0 : i32
      %dma_wait3A_186 = tpu.memref_slice %arg2[%dma_wait3A_184, %dma_wait3A_185] : memref<10000x16xf32, #tpu.memory_space<hbm>> -> memref<80x16xf32, #tpu.memory_space<hbm>>
      tpu.wait_dma2 semaphore(%dma_wait3A_179 : memref<!tpu.dma_semaphore, #tpu.memory_space<semaphore_mem>>) src(%dma_wait3A_186 : memref<80x16xf32, #tpu.memory_space<hbm>>) dst(%dma_wait3A_183 : memref<80x16xf32, #tpu.memory_space<vmem>>)
      %mul3A_187 = arith.constant 5 : i32
      %mul3A_188 = arith.muli %scan3A_97, %mul3A_187 : i32
      %add3A_189 = arith.constant 2 : i32
      %add3A_190 = arith.addi %mul3A_188, %add3A_189 : i32
      %dma_start3A_191 = arith.constant 2 : i32
      %dma_start3A_192 = arith.constant 2 : i32
      %dma_start3A_193 = arith.constant 0 : i32
      %dma_start3A_194 = arith.constant 0 : i32
      %dma_start3A_195 = tpu.memref_slice %arg7[%dma_start3A_191, %dma_start3A_193, %dma_start3A_194] : memref<5x80x16xf32, #tpu.memory_space<vmem>> -> memref<1x80x16xf32, #tpu.memory_space<vmem>>
      %dma_start3A_196 = tpu.memref_squeeze %dma_start3A_195 : memref<1x80x16xf32, #tpu.memory_space<vmem>> -> memref<80x16xf32, #tpu.memory_space<vmem>>
      %dma_start3A_197 = arith.constant 0 : i32
      %dma_start3A_198 = tpu.memref_slice %arg6[%add3A_190, %dma_start3A_197] : memref<125x80xi32, #tpu.memory_space<vmem>> -> memref<1x80xi32, #tpu.memory_space<vmem>>
      %dma_start3A_199 = tpu.memref_squeeze %dma_start3A_198 : memref<1x80xi32, #tpu.memory_space<vmem>> -> memref<80xi32, #tpu.memory_space<vmem>>
      %dma_start3A_200 = arith.constant 0 : i32
      %dma_start3A_201 = arith.constant 0 : i32
      %dma_start3A_202 = tpu.memref_slice %arg9[%dma_start3A_200, %dma_start3A_201] : memref<10000x16xf32, #tpu.memory_space<vmem_shared>> -> memref<10000x16xf32, #tpu.memory_space<vmem_shared>>
      %dma_start3A_203 = tpu.memref_slice %arg11[%dma_start3A_192] : memref<5x!tpu.dma_semaphore, #tpu.memory_space<semaphore_mem>> -> memref<1x!tpu.dma_semaphore, #tpu.memory_space<semaphore_mem>>
      %dma_start3A_204 = tpu.memref_squeeze %dma_start3A_203 : memref<1x!tpu.dma_semaphore, #tpu.memory_space<semaphore_mem>> -> memref<!tpu.dma_semaphore, #tpu.memory_space<semaphore_mem>>
      tpu.enqueue_indirect_dma source(%dma_start3A_196 : memref<80x16xf32, #tpu.memory_space<vmem>>) target(%dma_start3A_202 : memref<10000x16xf32, #tpu.memory_space<vmem_shared>>) offsets(%dma_start3A_199 : memref<80xi32, #tpu.memory_space<vmem>>) semaphore(%dma_start3A_204 : memref<!tpu.dma_semaphore, #tpu.memory_space<semaphore_mem>>) {add = true}
      %dma_wait3A_205 = arith.constant 3 : i32
      %dma_wait3A_206 = arith.constant 3 : i32
      %dma_wait3A_207 = arith.constant 0 : i32
      %dma_wait3A_208 = arith.constant 0 : i32
      %dma_wait3A_209 = tpu.memref_slice %arg7[%dma_wait3A_205, %dma_wait3A_207, %dma_wait3A_208] : memref<5x80x16xf32, #tpu.memory_space<vmem>> -> memref<1x80x16xf32, #tpu.memory_space<vmem>>
      %dma_wait3A_210 = tpu.memref_squeeze %dma_wait3A_209 : memref<1x80x16xf32, #tpu.memory_space<vmem>> -> memref<80x16xf32, #tpu.memory_space<vmem>>
      %dma_wait3A_211 = arith.constant 0 : i32
      %dma_wait3A_212 = arith.constant 0 : i32
      %dma_wait3A_213 = tpu.memref_slice %arg2[%dma_wait3A_211, %dma_wait3A_212] : memref<10000x16xf32, #tpu.memory_space<hbm>> -> memref<80x16xf32, #tpu.memory_space<hbm>>
      %dma_wait3A_214 = tpu.memref_slice %arg10[%dma_wait3A_206] : memref<5x!tpu.dma_semaphore, #tpu.memory_space<semaphore_mem>> -> memref<1x!tpu.dma_semaphore, #tpu.memory_space<semaphore_mem>>
      %dma_wait3A_215 = tpu.memref_squeeze %dma_wait3A_214 : memref<1x!tpu.dma_semaphore, #tpu.memory_space<semaphore_mem>> -> memref<!tpu.dma_semaphore, #tpu.memory_space<semaphore_mem>>
      %dma_wait3A_216 = arith.constant 0 : i32
      %dma_wait3A_217 = arith.constant 0 : i32
      %dma_wait3A_218 = tpu.memref_slice %arg7[%dma_wait3A_205, %dma_wait3A_216, %dma_wait3A_217] : memref<5x80x16xf32, #tpu.memory_space<vmem>> -> memref<1x80x16xf32, #tpu.memory_space<vmem>>
      %dma_wait3A_219 = tpu.memref_squeeze %dma_wait3A_218 : memref<1x80x16xf32, #tpu.memory_space<vmem>> -> memref<80x16xf32, #tpu.memory_space<vmem>>
      %dma_wait3A_220 = arith.constant 0 : i32
      %dma_wait3A_221 = arith.constant 0 : i32
      %dma_wait3A_222 = tpu.memref_slice %arg2[%dma_wait3A_220, %dma_wait3A_221] : memref<10000x16xf32, #tpu.memory_space<hbm>> -> memref<80x16xf32, #tpu.memory_space<hbm>>
      tpu.wait_dma2 semaphore(%dma_wait3A_215 : memref<!tpu.dma_semaphore, #tpu.memory_space<semaphore_mem>>) src(%dma_wait3A_222 : memref<80x16xf32, #tpu.memory_space<hbm>>) dst(%dma_wait3A_219 : memref<80x16xf32, #tpu.memory_space<vmem>>)
      %mul3A_223 = arith.constant 5 : i32
      %mul3A_224 = arith.muli %scan3A_97, %mul3A_223 : i32
      %add3A_225 = arith.constant 3 : i32
      %add3A_226 = arith.addi %mul3A_224, %add3A_225 : i32
      %dma_start3A_227 = arith.constant 3 : i32
      %dma_start3A_228 = arith.constant 3 : i32
      %dma_start3A_229 = arith.constant 0 : i32
      %dma_start3A_230 = arith.constant 0 : i32
      %dma_start3A_231 = tpu.memref_slice %arg7[%dma_start3A_227, %dma_start3A_229, %dma_start3A_230] : memref<5x80x16xf32, #tpu.memory_space<vmem>> -> memref<1x80x16xf32, #tpu.memory_space<vmem>>
      %dma_start3A_232 = tpu.memref_squeeze %dma_start3A_231 : memref<1x80x16xf32, #tpu.memory_space<vmem>> -> memref<80x16xf32, #tpu.memory_space<vmem>>
      %dma_start3A_233 = arith.constant 0 : i32
      %dma_start3A_234 = tpu.memref_slice %arg6[%add3A_226, %dma_start3A_233] : memref<125x80xi32, #tpu.memory_space<vmem>> -> memref<1x80xi32, #tpu.memory_space<vmem>>
      %dma_start3A_235 = tpu.memref_squeeze %dma_start3A_234 : memref<1x80xi32, #tpu.memory_space<vmem>> -> memref<80xi32, #tpu.memory_space<vmem>>
      %dma_start3A_236 = arith.constant 0 : i32
      %dma_start3A_237 = arith.constant 0 : i32
      %dma_start3A_238 = tpu.memref_slice %arg9[%dma_start3A_236, %dma_start3A_237] : memref<10000x16xf32, #tpu.memory_space<vmem_shared>> -> memref<10000x16xf32, #tpu.memory_space<vmem_shared>>
      %dma_start3A_239 = tpu.memref_slice %arg11[%dma_start3A_228] : memref<5x!tpu.dma_semaphore, #tpu.memory_space<semaphore_mem>> -> memref<1x!tpu.dma_semaphore, #tpu.memory_space<semaphore_mem>>
      %dma_start3A_240 = tpu.memref_squeeze %dma_start3A_239 : memref<1x!tpu.dma_semaphore, #tpu.memory_space<semaphore_mem>> -> memref<!tpu.dma_semaphore, #tpu.memory_space<semaphore_mem>>
      tpu.enqueue_indirect_dma source(%dma_start3A_232 : memref<80x16xf32, #tpu.memory_space<vmem>>) target(%dma_start3A_238 : memref<10000x16xf32, #tpu.memory_space<vmem_shared>>) offsets(%dma_start3A_235 : memref<80xi32, #tpu.memory_space<vmem>>) semaphore(%dma_start3A_240 : memref<!tpu.dma_semaphore, #tpu.memory_space<semaphore_mem>>) {add = true}
      %dma_wait3A_241 = arith.constant 4 : i32
      %dma_wait3A_242 = arith.constant 4 : i32
      %dma_wait3A_243 = arith.constant 0 : i32
      %dma_wait3A_244 = arith.constant 0 : i32
      %dma_wait3A_245 = tpu.memref_slice %arg7[%dma_wait3A_241, %dma_wait3A_243, %dma_wait3A_244] : memref<5x80x16xf32, #tpu.memory_space<vmem>> -> memref<1x80x16xf32, #tpu.memory_space<vmem>>
      %dma_wait3A_246 = tpu.memref_squeeze %dma_wait3A_245 : memref<1x80x16xf32, #tpu.memory_space<vmem>> -> memref<80x16xf32, #tpu.memory_space<vmem>>
      %dma_wait3A_247 = arith.constant 0 : i32
      %dma_wait3A_248 = arith.constant 0 : i32
      %dma_wait3A_249 = tpu.memref_slice %arg2[%dma_wait3A_247, %dma_wait3A_248] : memref<10000x16xf32, #tpu.memory_space<hbm>> -> memref<80x16xf32, #tpu.memory_space<hbm>>
      %dma_wait3A_250 = tpu.memref_slice %arg10[%dma_wait3A_242] : memref<5x!tpu.dma_semaphore, #tpu.memory_space<semaphore_mem>> -> memref<1x!tpu.dma_semaphore, #tpu.memory_space<semaphore_mem>>
      %dma_wait3A_251 = tpu.memref_squeeze %dma_wait3A_250 : memref<1x!tpu.dma_semaphore, #tpu.memory_space<semaphore_mem>> -> memref<!tpu.dma_semaphore, #tpu.memory_space<semaphore_mem>>
      %dma_wait3A_252 = arith.constant 0 : i32
      %dma_wait3A_253 = arith.constant 0 : i32
      %dma_wait3A_254 = tpu.memref_slice %arg7[%dma_wait3A_241, %dma_wait3A_252, %dma_wait3A_253] : memref<5x80x16xf32, #tpu.memory_space<vmem>> -> memref<1x80x16xf32, #tpu.memory_space<vmem>>
      %dma_wait3A_255 = tpu.memref_squeeze %dma_wait3A_254 : memref<1x80x16xf32, #tpu.memory_space<vmem>> -> memref<80x16xf32, #tpu.memory_space<vmem>>
      %dma_wait3A_256 = arith.constant 0 : i32
      %dma_wait3A_257 = arith.constant 0 : i32
      %dma_wait3A_258 = tpu.memref_slice %arg2[%dma_wait3A_256, %dma_wait3A_257] : memref<10000x16xf32, #tpu.memory_space<hbm>> -> memref<80x16xf32, #tpu.memory_space<hbm>>
      tpu.wait_dma2 semaphore(%dma_wait3A_251 : memref<!tpu.dma_semaphore, #tpu.memory_space<semaphore_mem>>) src(%dma_wait3A_258 : memref<80x16xf32, #tpu.memory_space<hbm>>) dst(%dma_wait3A_255 : memref<80x16xf32, #tpu.memory_space<vmem>>)
      %mul3A_259 = arith.constant 5 : i32
      %mul3A_260 = arith.muli %scan3A_97, %mul3A_259 : i32
      %add3A_261 = arith.constant 4 : i32
      %add3A_262 = arith.addi %mul3A_260, %add3A_261 : i32
      %dma_start3A_263 = arith.constant 4 : i32
      %dma_start3A_264 = arith.constant 4 : i32
      %dma_start3A_265 = arith.constant 0 : i32
      %dma_start3A_266 = arith.constant 0 : i32
      %dma_start3A_267 = tpu.memref_slice %arg7[%dma_start3A_263, %dma_start3A_265, %dma_start3A_266] : memref<5x80x16xf32, #tpu.memory_space<vmem>> -> memref<1x80x16xf32, #tpu.memory_space<vmem>>
      %dma_start3A_268 = tpu.memref_squeeze %dma_start3A_267 : memref<1x80x16xf32, #tpu.memory_space<vmem>> -> memref<80x16xf32, #tpu.memory_space<vmem>>
      %dma_start3A_269 = arith.constant 0 : i32
      %dma_start3A_270 = tpu.memref_slice %arg6[%add3A_262, %dma_start3A_269] : memref<125x80xi32, #tpu.memory_space<vmem>> -> memref<1x80xi32, #tpu.memory_space<vmem>>
      %dma_start3A_271 = tpu.memref_squeeze %dma_start3A_270 : memref<1x80xi32, #tpu.memory_space<vmem>> -> memref<80xi32, #tpu.memory_space<vmem>>
      %dma_start3A_272 = arith.constant 0 : i32
      %dma_start3A_273 = arith.constant 0 : i32
      %dma_start3A_274 = tpu.memref_slice %arg9[%dma_start3A_272, %dma_start3A_273] : memref<10000x16xf32, #tpu.memory_space<vmem_shared>> -> memref<10000x16xf32, #tpu.memory_space<vmem_shared>>
      %dma_start3A_275 = tpu.memref_slice %arg11[%dma_start3A_264] : memref<5x!tpu.dma_semaphore, #tpu.memory_space<semaphore_mem>> -> memref<1x!tpu.dma_semaphore, #tpu.memory_space<semaphore_mem>>
      %dma_start3A_276 = tpu.memref_squeeze %dma_start3A_275 : memref<1x!tpu.dma_semaphore, #tpu.memory_space<semaphore_mem>> -> memref<!tpu.dma_semaphore, #tpu.memory_space<semaphore_mem>>
      tpu.enqueue_indirect_dma source(%dma_start3A_268 : memref<80x16xf32, #tpu.memory_space<vmem>>) target(%dma_start3A_274 : memref<10000x16xf32, #tpu.memory_space<vmem_shared>>) offsets(%dma_start3A_271 : memref<80xi32, #tpu.memory_space<vmem>>) semaphore(%dma_start3A_276 : memref<!tpu.dma_semaphore, #tpu.memory_space<semaphore_mem>>) {add = true}
      %dma_wait3A_277 = arith.constant 0 : i32
      %dma_wait3A_278 = arith.constant 0 : i32
      %dma_wait3A_279 = arith.constant 0 : i32
      %dma_wait3A_280 = arith.constant 0 : i32
      %dma_wait3A_281 = tpu.memref_slice %arg7[%dma_wait3A_277, %dma_wait3A_279, %dma_wait3A_280] : memref<5x80x16xf32, #tpu.memory_space<vmem>> -> memref<1x80x16xf32, #tpu.memory_space<vmem>>
      %dma_wait3A_282 = tpu.memref_squeeze %dma_wait3A_281 : memref<1x80x16xf32, #tpu.memory_space<vmem>> -> memref<80x16xf32, #tpu.memory_space<vmem>>
      %dma_wait3A_283 = arith.constant 0 : i32
      %dma_wait3A_284 = arith.constant 0 : i32
      %dma_wait3A_285 = tpu.memref_slice %arg2[%dma_wait3A_283, %dma_wait3A_284] : memref<10000x16xf32, #tpu.memory_space<hbm>> -> memref<80x16xf32, #tpu.memory_space<hbm>>
      %dma_wait3A_286 = tpu.memref_slice %arg11[%dma_wait3A_278] : memref<5x!tpu.dma_semaphore, #tpu.memory_space<semaphore_mem>> -> memref<1x!tpu.dma_semaphore, #tpu.memory_space<semaphore_mem>>
      %dma_wait3A_287 = tpu.memref_squeeze %dma_wait3A_286 : memref<1x!tpu.dma_semaphore, #tpu.memory_space<semaphore_mem>> -> memref<!tpu.dma_semaphore, #tpu.memory_space<semaphore_mem>>
      %dma_wait3A_288 = arith.constant 0 : i32
      %dma_wait3A_289 = arith.constant 0 : i32
      %dma_wait3A_290 = tpu.memref_slice %arg7[%dma_wait3A_277, %dma_wait3A_288, %dma_wait3A_289] : memref<5x80x16xf32, #tpu.memory_space<vmem>> -> memref<1x80x16xf32, #tpu.memory_space<vmem>>
      %dma_wait3A_291 = tpu.memref_squeeze %dma_wait3A_290 : memref<1x80x16xf32, #tpu.memory_space<vmem>> -> memref<80x16xf32, #tpu.memory_space<vmem>>
      %dma_wait3A_292 = arith.constant 0 : i32
      %dma_wait3A_293 = arith.constant 0 : i32
      %dma_wait3A_294 = tpu.memref_slice %arg2[%dma_wait3A_292, %dma_wait3A_293] : memref<10000x16xf32, #tpu.memory_space<hbm>> -> memref<80x16xf32, #tpu.memory_space<hbm>>
      tpu.wait_dma2 semaphore(%dma_wait3A_287 : memref<!tpu.dma_semaphore, #tpu.memory_space<semaphore_mem>>) src(%dma_wait3A_294 : memref<80x16xf32, #tpu.memory_space<hbm>>) dst(%dma_wait3A_291 : memref<80x16xf32, #tpu.memory_space<vmem>>)
      %add3A_295 = arith.constant 1 : i32
      %add3A_296 = arith.addi %scan3A_97, %add3A_295 : i32
      %lt3A = arith.constant 25 : i32
      %lt3A_297 = arith.cmpi slt, %add3A_296, %lt3A : i32
      %convert_element_type3A_298 = arith.extui %lt3A_297 : i1 to i32
      %cond3A_299 = arith.constant 0 : i32
      %cond3A_300 = arith.cmpi ne, %convert_element_type3A_298, %cond3A_299 : i32
      scf.if %cond3A_300 {
        %add3A_401 = arith.constant 1 : i32
        %add3A_402 = arith.addi %scan3A_97, %add3A_401 : i32
        %mul3A_403 = arith.constant 5 : i32
        %mul3A_404 = arith.muli %add3A_402, %mul3A_403 : i32
        %add3A_405 = arith.constant 0 : i32
        %add3A_406 = arith.addi %mul3A_404, %add3A_405 : i32
        %dma_start3A_407 = arith.constant 0 : i32
        %dma_start3A_408 = arith.constant 0 : i32
        %dma_start3A_409 = arith.constant 0 : i32
        %dma_start3A_410 = arith.constant 0 : i32
        %dma_start3A_411 = tpu.memref_slice %arg7[%dma_start3A_407, %dma_start3A_409, %dma_start3A_410] : memref<5x80x16xf32, #tpu.memory_space<vmem>> -> memref<1x80x16xf32, #tpu.memory_space<vmem>>
        %dma_start3A_412 = tpu.memref_squeeze %dma_start3A_411 : memref<1x80x16xf32, #tpu.memory_space<vmem>> -> memref<80x16xf32, #tpu.memory_space<vmem>>
        %dma_start3A_413 = arith.constant 0 : i32
        %dma_start3A_414 = tpu.memref_slice %arg5[%add3A_406, %dma_start3A_413] : memref<125x80xi32, #tpu.memory_space<vmem>> -> memref<1x80xi32, #tpu.memory_space<vmem>>
        %dma_start3A_415 = tpu.memref_squeeze %dma_start3A_414 : memref<1x80xi32, #tpu.memory_space<vmem>> -> memref<80xi32, #tpu.memory_space<vmem>>
        %dma_start3A_416 = arith.constant 0 : i32
        %dma_start3A_417 = arith.constant 0 : i32
        %dma_start3A_418 = tpu.memref_slice %arg2[%dma_start3A_416, %dma_start3A_417] : memref<10000x16xf32, #tpu.memory_space<hbm>> -> memref<10000x16xf32, #tpu.memory_space<hbm>>
        %dma_start3A_419 = tpu.memref_slice %arg10[%dma_start3A_408] : memref<5x!tpu.dma_semaphore, #tpu.memory_space<semaphore_mem>> -> memref<1x!tpu.dma_semaphore, #tpu.memory_space<semaphore_mem>>
        %dma_start3A_420 = tpu.memref_squeeze %dma_start3A_419 : memref<1x!tpu.dma_semaphore, #tpu.memory_space<semaphore_mem>> -> memref<!tpu.dma_semaphore, #tpu.memory_space<semaphore_mem>>
        tpu.enqueue_indirect_dma source(%dma_start3A_418 : memref<10000x16xf32, #tpu.memory_space<hbm>>) target(%dma_start3A_412 : memref<80x16xf32, #tpu.memory_space<vmem>>) offsets(%dma_start3A_415 : memref<80xi32, #tpu.memory_space<vmem>>) semaphore(%dma_start3A_420 : memref<!tpu.dma_semaphore, #tpu.memory_space<semaphore_mem>>)
      } else {
      }
      %dma_wait3A_301 = arith.constant 1 : i32
      %dma_wait3A_302 = arith.constant 1 : i32
      %dma_wait3A_303 = arith.constant 0 : i32
      %dma_wait3A_304 = arith.constant 0 : i32
      %dma_wait3A_305 = tpu.memref_slice %arg7[%dma_wait3A_301, %dma_wait3A_303, %dma_wait3A_304] : memref<5x80x16xf32, #tpu.memory_space<vmem>> -> memref<1x80x16xf32, #tpu.memory_space<vmem>>
      %dma_wait3A_306 = tpu.memref_squeeze %dma_wait3A_305 : memref<1x80x16xf32, #tpu.memory_space<vmem>> -> memref<80x16xf32, #tpu.memory_space<vmem>>
      %dma_wait3A_307 = arith.constant 0 : i32
      %dma_wait3A_308 = arith.constant 0 : i32
      %dma_wait3A_309 = tpu.memref_slice %arg2[%dma_wait3A_307, %dma_wait3A_308] : memref<10000x16xf32, #tpu.memory_space<hbm>> -> memref<80x16xf32, #tpu.memory_space<hbm>>
      %dma_wait3A_310 = tpu.memref_slice %arg11[%dma_wait3A_302] : memref<5x!tpu.dma_semaphore, #tpu.memory_space<semaphore_mem>> -> memref<1x!tpu.dma_semaphore, #tpu.memory_space<semaphore_mem>>
      %dma_wait3A_311 = tpu.memref_squeeze %dma_wait3A_310 : memref<1x!tpu.dma_semaphore, #tpu.memory_space<semaphore_mem>> -> memref<!tpu.dma_semaphore, #tpu.memory_space<semaphore_mem>>
      %dma_wait3A_312 = arith.constant 0 : i32
      %dma_wait3A_313 = arith.constant 0 : i32
      %dma_wait3A_314 = tpu.memref_slice %arg7[%dma_wait3A_301, %dma_wait3A_312, %dma_wait3A_313] : memref<5x80x16xf32, #tpu.memory_space<vmem>> -> memref<1x80x16xf32, #tpu.memory_space<vmem>>
      %dma_wait3A_315 = tpu.memref_squeeze %dma_wait3A_314 : memref<1x80x16xf32, #tpu.memory_space<vmem>> -> memref<80x16xf32, #tpu.memory_space<vmem>>
      %dma_wait3A_316 = arith.constant 0 : i32
      %dma_wait3A_317 = arith.constant 0 : i32
      %dma_wait3A_318 = tpu.memref_slice %arg2[%dma_wait3A_316, %dma_wait3A_317] : memref<10000x16xf32, #tpu.memory_space<hbm>> -> memref<80x16xf32, #tpu.memory_space<hbm>>
      tpu.wait_dma2 semaphore(%dma_wait3A_311 : memref<!tpu.dma_semaphore, #tpu.memory_space<semaphore_mem>>) src(%dma_wait3A_318 : memref<80x16xf32, #tpu.memory_space<hbm>>) dst(%dma_wait3A_315 : memref<80x16xf32, #tpu.memory_space<vmem>>)
      %add3A_319 = arith.constant 1 : i32
      %add3A_320 = arith.addi %scan3A_97, %add3A_319 : i32
      %lt3A_321 = arith.constant 25 : i32
      %lt3A_322 = arith.cmpi slt, %add3A_320, %lt3A_321 : i32
      %convert_element_type3A_323 = arith.extui %lt3A_322 : i1 to i32
      %cond3A_324 = arith.constant 0 : i32
      %cond3A_325 = arith.cmpi ne, %convert_element_type3A_323, %cond3A_324 : i32
      scf.if %cond3A_325 {
        %add3A_401 = arith.constant 1 : i32
        %add3A_402 = arith.addi %scan3A_97, %add3A_401 : i32
        %mul3A_403 = arith.constant 5 : i32
        %mul3A_404 = arith.muli %add3A_402, %mul3A_403 : i32
        %add3A_405 = arith.constant 1 : i32
        %add3A_406 = arith.addi %mul3A_404, %add3A_405 : i32
        %dma_start3A_407 = arith.constant 1 : i32
        %dma_start3A_408 = arith.constant 1 : i32
        %dma_start3A_409 = arith.constant 0 : i32
        %dma_start3A_410 = arith.constant 0 : i32
        %dma_start3A_411 = tpu.memref_slice %arg7[%dma_start3A_407, %dma_start3A_409, %dma_start3A_410] : memref<5x80x16xf32, #tpu.memory_space<vmem>> -> memref<1x80x16xf32, #tpu.memory_space<vmem>>
        %dma_start3A_412 = tpu.memref_squeeze %dma_start3A_411 : memref<1x80x16xf32, #tpu.memory_space<vmem>> -> memref<80x16xf32, #tpu.memory_space<vmem>>
        %dma_start3A_413 = arith.constant 0 : i32
        %dma_start3A_414 = tpu.memref_slice %arg5[%add3A_406, %dma_start3A_413] : memref<125x80xi32, #tpu.memory_space<vmem>> -> memref<1x80xi32, #tpu.memory_space<vmem>>
        %dma_start3A_415 = tpu.memref_squeeze %dma_start3A_414 : memref<1x80xi32, #tpu.memory_space<vmem>> -> memref<80xi32, #tpu.memory_space<vmem>>
        %dma_start3A_416 = arith.constant 0 : i32
        %dma_start3A_417 = arith.constant 0 : i32
        %dma_start3A_418 = tpu.memref_slice %arg2[%dma_start3A_416, %dma_start3A_417] : memref<10000x16xf32, #tpu.memory_space<hbm>> -> memref<10000x16xf32, #tpu.memory_space<hbm>>
        %dma_start3A_419 = tpu.memref_slice %arg10[%dma_start3A_408] : memref<5x!tpu.dma_semaphore, #tpu.memory_space<semaphore_mem>> -> memref<1x!tpu.dma_semaphore, #tpu.memory_space<semaphore_mem>>
        %dma_start3A_420 = tpu.memref_squeeze %dma_start3A_419 : memref<1x!tpu.dma_semaphore, #tpu.memory_space<semaphore_mem>> -> memref<!tpu.dma_semaphore, #tpu.memory_space<semaphore_mem>>
        tpu.enqueue_indirect_dma source(%dma_start3A_418 : memref<10000x16xf32, #tpu.memory_space<hbm>>) target(%dma_start3A_412 : memref<80x16xf32, #tpu.memory_space<vmem>>) offsets(%dma_start3A_415 : memref<80xi32, #tpu.memory_space<vmem>>) semaphore(%dma_start3A_420 : memref<!tpu.dma_semaphore, #tpu.memory_space<semaphore_mem>>)
      } else {
      }
      %dma_wait3A_326 = arith.constant 2 : i32
      %dma_wait3A_327 = arith.constant 2 : i32
      %dma_wait3A_328 = arith.constant 0 : i32
      %dma_wait3A_329 = arith.constant 0 : i32
      %dma_wait3A_330 = tpu.memref_slice %arg7[%dma_wait3A_326, %dma_wait3A_328, %dma_wait3A_329] : memref<5x80x16xf32, #tpu.memory_space<vmem>> -> memref<1x80x16xf32, #tpu.memory_space<vmem>>
      %dma_wait3A_331 = tpu.memref_squeeze %dma_wait3A_330 : memref<1x80x16xf32, #tpu.memory_space<vmem>> -> memref<80x16xf32, #tpu.memory_space<vmem>>
      %dma_wait3A_332 = arith.constant 0 : i32
      %dma_wait3A_333 = arith.constant 0 : i32
      %dma_wait3A_334 = tpu.memref_slice %arg2[%dma_wait3A_332, %dma_wait3A_333] : memref<10000x16xf32, #tpu.memory_space<hbm>> -> memref<80x16xf32, #tpu.memory_space<hbm>>
      %dma_wait3A_335 = tpu.memref_slice %arg11[%dma_wait3A_327] : memref<5x!tpu.dma_semaphore, #tpu.memory_space<semaphore_mem>> -> memref<1x!tpu.dma_semaphore, #tpu.memory_space<semaphore_mem>>
      %dma_wait3A_336 = tpu.memref_squeeze %dma_wait3A_335 : memref<1x!tpu.dma_semaphore, #tpu.memory_space<semaphore_mem>> -> memref<!tpu.dma_semaphore, #tpu.memory_space<semaphore_mem>>
      %dma_wait3A_337 = arith.constant 0 : i32
      %dma_wait3A_338 = arith.constant 0 : i32
      %dma_wait3A_339 = tpu.memref_slice %arg7[%dma_wait3A_326, %dma_wait3A_337, %dma_wait3A_338] : memref<5x80x16xf32, #tpu.memory_space<vmem>> -> memref<1x80x16xf32, #tpu.memory_space<vmem>>
      %dma_wait3A_340 = tpu.memref_squeeze %dma_wait3A_339 : memref<1x80x16xf32, #tpu.memory_space<vmem>> -> memref<80x16xf32, #tpu.memory_space<vmem>>
      %dma_wait3A_341 = arith.constant 0 : i32
      %dma_wait3A_342 = arith.constant 0 : i32
      %dma_wait3A_343 = tpu.memref_slice %arg2[%dma_wait3A_341, %dma_wait3A_342] : memref<10000x16xf32, #tpu.memory_space<hbm>> -> memref<80x16xf32, #tpu.memory_space<hbm>>
      tpu.wait_dma2 semaphore(%dma_wait3A_336 : memref<!tpu.dma_semaphore, #tpu.memory_space<semaphore_mem>>) src(%dma_wait3A_343 : memref<80x16xf32, #tpu.memory_space<hbm>>) dst(%dma_wait3A_340 : memref<80x16xf32, #tpu.memory_space<vmem>>)
      %add3A_344 = arith.constant 1 : i32
      %add3A_345 = arith.addi %scan3A_97, %add3A_344 : i32
      %lt3A_346 = arith.constant 25 : i32
      %lt3A_347 = arith.cmpi slt, %add3A_345, %lt3A_346 : i32
      %convert_element_type3A_348 = arith.extui %lt3A_347 : i1 to i32
      %cond3A_349 = arith.constant 0 : i32
      %cond3A_350 = arith.cmpi ne, %convert_element_type3A_348, %cond3A_349 : i32
      scf.if %cond3A_350 {
        %add3A_401 = arith.constant 1 : i32
        %add3A_402 = arith.addi %scan3A_97, %add3A_401 : i32
        %mul3A_403 = arith.constant 5 : i32
        %mul3A_404 = arith.muli %add3A_402, %mul3A_403 : i32
        %add3A_405 = arith.constant 2 : i32
        %add3A_406 = arith.addi %mul3A_404, %add3A_405 : i32
        %dma_start3A_407 = arith.constant 2 : i32
        %dma_start3A_408 = arith.constant 2 : i32
        %dma_start3A_409 = arith.constant 0 : i32
        %dma_start3A_410 = arith.constant 0 : i32
        %dma_start3A_411 = tpu.memref_slice %arg7[%dma_start3A_407, %dma_start3A_409, %dma_start3A_410] : memref<5x80x16xf32, #tpu.memory_space<vmem>> -> memref<1x80x16xf32, #tpu.memory_space<vmem>>
        %dma_start3A_412 = tpu.memref_squeeze %dma_start3A_411 : memref<1x80x16xf32, #tpu.memory_space<vmem>> -> memref<80x16xf32, #tpu.memory_space<vmem>>
        %dma_start3A_413 = arith.constant 0 : i32
        %dma_start3A_414 = tpu.memref_slice %arg5[%add3A_406, %dma_start3A_413] : memref<125x80xi32, #tpu.memory_space<vmem>> -> memref<1x80xi32, #tpu.memory_space<vmem>>
        %dma_start3A_415 = tpu.memref_squeeze %dma_start3A_414 : memref<1x80xi32, #tpu.memory_space<vmem>> -> memref<80xi32, #tpu.memory_space<vmem>>
        %dma_start3A_416 = arith.constant 0 : i32
        %dma_start3A_417 = arith.constant 0 : i32
        %dma_start3A_418 = tpu.memref_slice %arg2[%dma_start3A_416, %dma_start3A_417] : memref<10000x16xf32, #tpu.memory_space<hbm>> -> memref<10000x16xf32, #tpu.memory_space<hbm>>
        %dma_start3A_419 = tpu.memref_slice %arg10[%dma_start3A_408] : memref<5x!tpu.dma_semaphore, #tpu.memory_space<semaphore_mem>> -> memref<1x!tpu.dma_semaphore, #tpu.memory_space<semaphore_mem>>
        %dma_start3A_420 = tpu.memref_squeeze %dma_start3A_419 : memref<1x!tpu.dma_semaphore, #tpu.memory_space<semaphore_mem>> -> memref<!tpu.dma_semaphore, #tpu.memory_space<semaphore_mem>>
        tpu.enqueue_indirect_dma source(%dma_start3A_418 : memref<10000x16xf32, #tpu.memory_space<hbm>>) target(%dma_start3A_412 : memref<80x16xf32, #tpu.memory_space<vmem>>) offsets(%dma_start3A_415 : memref<80xi32, #tpu.memory_space<vmem>>) semaphore(%dma_start3A_420 : memref<!tpu.dma_semaphore, #tpu.memory_space<semaphore_mem>>)
      } else {
      }
      %dma_wait3A_351 = arith.constant 3 : i32
      %dma_wait3A_352 = arith.constant 3 : i32
      %dma_wait3A_353 = arith.constant 0 : i32
      %dma_wait3A_354 = arith.constant 0 : i32
      %dma_wait3A_355 = tpu.memref_slice %arg7[%dma_wait3A_351, %dma_wait3A_353, %dma_wait3A_354] : memref<5x80x16xf32, #tpu.memory_space<vmem>> -> memref<1x80x16xf32, #tpu.memory_space<vmem>>
      %dma_wait3A_356 = tpu.memref_squeeze %dma_wait3A_355 : memref<1x80x16xf32, #tpu.memory_space<vmem>> -> memref<80x16xf32, #tpu.memory_space<vmem>>
      %dma_wait3A_357 = arith.constant 0 : i32
      %dma_wait3A_358 = arith.constant 0 : i32
      %dma_wait3A_359 = tpu.memref_slice %arg2[%dma_wait3A_357, %dma_wait3A_358] : memref<10000x16xf32, #tpu.memory_space<hbm>> -> memref<80x16xf32, #tpu.memory_space<hbm>>
      %dma_wait3A_360 = tpu.memref_slice %arg11[%dma_wait3A_352] : memref<5x!tpu.dma_semaphore, #tpu.memory_space<semaphore_mem>> -> memref<1x!tpu.dma_semaphore, #tpu.memory_space<semaphore_mem>>
      %dma_wait3A_361 = tpu.memref_squeeze %dma_wait3A_360 : memref<1x!tpu.dma_semaphore, #tpu.memory_space<semaphore_mem>> -> memref<!tpu.dma_semaphore, #tpu.memory_space<semaphore_mem>>
      %dma_wait3A_362 = arith.constant 0 : i32
      %dma_wait3A_363 = arith.constant 0 : i32
      %dma_wait3A_364 = tpu.memref_slice %arg7[%dma_wait3A_351, %dma_wait3A_362, %dma_wait3A_363] : memref<5x80x16xf32, #tpu.memory_space<vmem>> -> memref<1x80x16xf32, #tpu.memory_space<vmem>>
      %dma_wait3A_365 = tpu.memref_squeeze %dma_wait3A_364 : memref<1x80x16xf32, #tpu.memory_space<vmem>> -> memref<80x16xf32, #tpu.memory_space<vmem>>
      %dma_wait3A_366 = arith.constant 0 : i32
      %dma_wait3A_367 = arith.constant 0 : i32
      %dma_wait3A_368 = tpu.memref_slice %arg2[%dma_wait3A_366, %dma_wait3A_367] : memref<10000x16xf32, #tpu.memory_space<hbm>> -> memref<80x16xf32, #tpu.memory_space<hbm>>
      tpu.wait_dma2 semaphore(%dma_wait3A_361 : memref<!tpu.dma_semaphore, #tpu.memory_space<semaphore_mem>>) src(%dma_wait3A_368 : memref<80x16xf32, #tpu.memory_space<hbm>>) dst(%dma_wait3A_365 : memref<80x16xf32, #tpu.memory_space<vmem>>)
      %add3A_369 = arith.constant 1 : i32
      %add3A_370 = arith.addi %scan3A_97, %add3A_369 : i32
      %lt3A_371 = arith.constant 25 : i32
      %lt3A_372 = arith.cmpi slt, %add3A_370, %lt3A_371 : i32
      %convert_element_type3A_373 = arith.extui %lt3A_372 : i1 to i32
      %cond3A_374 = arith.constant 0 : i32
      %cond3A_375 = arith.cmpi ne, %convert_element_type3A_373, %cond3A_374 : i32
      scf.if %cond3A_375 {
        %add3A_401 = arith.constant 1 : i32
        %add3A_402 = arith.addi %scan3A_97, %add3A_401 : i32
        %mul3A_403 = arith.constant 5 : i32
        %mul3A_404 = arith.muli %add3A_402, %mul3A_403 : i32
        %add3A_405 = arith.constant 3 : i32
        %add3A_406 = arith.addi %mul3A_404, %add3A_405 : i32
        %dma_start3A_407 = arith.constant 3 : i32
        %dma_start3A_408 = arith.constant 3 : i32
        %dma_start3A_409 = arith.constant 0 : i32
        %dma_start3A_410 = arith.constant 0 : i32
        %dma_start3A_411 = tpu.memref_slice %arg7[%dma_start3A_407, %dma_start3A_409, %dma_start3A_410] : memref<5x80x16xf32, #tpu.memory_space<vmem>> -> memref<1x80x16xf32, #tpu.memory_space<vmem>>
        %dma_start3A_412 = tpu.memref_squeeze %dma_start3A_411 : memref<1x80x16xf32, #tpu.memory_space<vmem>> -> memref<80x16xf32, #tpu.memory_space<vmem>>
        %dma_start3A_413 = arith.constant 0 : i32
        %dma_start3A_414 = tpu.memref_slice %arg5[%add3A_406, %dma_start3A_413] : memref<125x80xi32, #tpu.memory_space<vmem>> -> memref<1x80xi32, #tpu.memory_space<vmem>>
        %dma_start3A_415 = tpu.memref_squeeze %dma_start3A_414 : memref<1x80xi32, #tpu.memory_space<vmem>> -> memref<80xi32, #tpu.memory_space<vmem>>
        %dma_start3A_416 = arith.constant 0 : i32
        %dma_start3A_417 = arith.constant 0 : i32
        %dma_start3A_418 = tpu.memref_slice %arg2[%dma_start3A_416, %dma_start3A_417] : memref<10000x16xf32, #tpu.memory_space<hbm>> -> memref<10000x16xf32, #tpu.memory_space<hbm>>
        %dma_start3A_419 = tpu.memref_slice %arg10[%dma_start3A_408] : memref<5x!tpu.dma_semaphore, #tpu.memory_space<semaphore_mem>> -> memref<1x!tpu.dma_semaphore, #tpu.memory_space<semaphore_mem>>
        %dma_start3A_420 = tpu.memref_squeeze %dma_start3A_419 : memref<1x!tpu.dma_semaphore, #tpu.memory_space<semaphore_mem>> -> memref<!tpu.dma_semaphore, #tpu.memory_space<semaphore_mem>>
        tpu.enqueue_indirect_dma source(%dma_start3A_418 : memref<10000x16xf32, #tpu.memory_space<hbm>>) target(%dma_start3A_412 : memref<80x16xf32, #tpu.memory_space<vmem>>) offsets(%dma_start3A_415 : memref<80xi32, #tpu.memory_space<vmem>>) semaphore(%dma_start3A_420 : memref<!tpu.dma_semaphore, #tpu.memory_space<semaphore_mem>>)
      } else {
      }
      %dma_wait3A_376 = arith.constant 4 : i32
      %dma_wait3A_377 = arith.constant 4 : i32
      %dma_wait3A_378 = arith.constant 0 : i32
      %dma_wait3A_379 = arith.constant 0 : i32
      %dma_wait3A_380 = tpu.memref_slice %arg7[%dma_wait3A_376, %dma_wait3A_378, %dma_wait3A_379] : memref<5x80x16xf32, #tpu.memory_space<vmem>> -> memref<1x80x16xf32, #tpu.memory_space<vmem>>
      %dma_wait3A_381 = tpu.memref_squeeze %dma_wait3A_380 : memref<1x80x16xf32, #tpu.memory_space<vmem>> -> memref<80x16xf32, #tpu.memory_space<vmem>>
      %dma_wait3A_382 = arith.constant 0 : i32
      %dma_wait3A_383 = arith.constant 0 : i32
      %dma_wait3A_384 = tpu.memref_slice %arg2[%dma_wait3A_382, %dma_wait3A_383] : memref<10000x16xf32, #tpu.memory_space<hbm>> -> memref<80x16xf32, #tpu.memory_space<hbm>>
      %dma_wait3A_385 = tpu.memref_slice %arg11[%dma_wait3A_377] : memref<5x!tpu.dma_semaphore, #tpu.memory_space<semaphore_mem>> -> memref<1x!tpu.dma_semaphore, #tpu.memory_space<semaphore_mem>>
      %dma_wait3A_386 = tpu.memref_squeeze %dma_wait3A_385 : memref<1x!tpu.dma_semaphore, #tpu.memory_space<semaphore_mem>> -> memref<!tpu.dma_semaphore, #tpu.memory_space<semaphore_mem>>
      %dma_wait3A_387 = arith.constant 0 : i32
      %dma_wait3A_388 = arith.constant 0 : i32
      %dma_wait3A_389 = tpu.memref_slice %arg7[%dma_wait3A_376, %dma_wait3A_387, %dma_wait3A_388] : memref<5x80x16xf32, #tpu.memory_space<vmem>> -> memref<1x80x16xf32, #tpu.memory_space<vmem>>
      %dma_wait3A_390 = tpu.memref_squeeze %dma_wait3A_389 : memref<1x80x16xf32, #tpu.memory_space<vmem>> -> memref<80x16xf32, #tpu.memory_space<vmem>>
      %dma_wait3A_391 = arith.constant 0 : i32
      %dma_wait3A_392 = arith.constant 0 : i32
      %dma_wait3A_393 = tpu.memref_slice %arg2[%dma_wait3A_391, %dma_wait3A_392] : memref<10000x16xf32, #tpu.memory_space<hbm>> -> memref<80x16xf32, #tpu.memory_space<hbm>>
      tpu.wait_dma2 semaphore(%dma_wait3A_386 : memref<!tpu.dma_semaphore, #tpu.memory_space<semaphore_mem>>) src(%dma_wait3A_393 : memref<80x16xf32, #tpu.memory_space<hbm>>) dst(%dma_wait3A_390 : memref<80x16xf32, #tpu.memory_space<vmem>>)
      %add3A_394 = arith.constant 1 : i32
      %add3A_395 = arith.addi %scan3A_97, %add3A_394 : i32
      %lt3A_396 = arith.constant 25 : i32
      %lt3A_397 = arith.cmpi slt, %add3A_395, %lt3A_396 : i32
      %convert_element_type3A_398 = arith.extui %lt3A_397 : i1 to i32
      %cond3A_399 = arith.constant 0 : i32
      %cond3A_400 = arith.cmpi ne, %convert_element_type3A_398, %cond3A_399 : i32
      scf.if %cond3A_400 {
        %add3A_401 = arith.constant 1 : i32
        %add3A_402 = arith.addi %scan3A_97, %add3A_401 : i32
        %mul3A_403 = arith.constant 5 : i32
        %mul3A_404 = arith.muli %add3A_402, %mul3A_403 : i32
        %add3A_405 = arith.constant 4 : i32
        %add3A_406 = arith.addi %mul3A_404, %add3A_405 : i32
        %dma_start3A_407 = arith.constant 4 : i32
        %dma_start3A_408 = arith.constant 4 : i32
        %dma_start3A_409 = arith.constant 0 : i32
        %dma_start3A_410 = arith.constant 0 : i32
        %dma_start3A_411 = tpu.memref_slice %arg7[%dma_start3A_407, %dma_start3A_409, %dma_start3A_410] : memref<5x80x16xf32, #tpu.memory_space<vmem>> -> memref<1x80x16xf32, #tpu.memory_space<vmem>>
        %dma_start3A_412 = tpu.memref_squeeze %dma_start3A_411 : memref<1x80x16xf32, #tpu.memory_space<vmem>> -> memref<80x16xf32, #tpu.memory_space<vmem>>
        %dma_start3A_413 = arith.constant 0 : i32
        %dma_start3A_414 = tpu.memref_slice %arg5[%add3A_406, %dma_start3A_413] : memref<125x80xi32, #tpu.memory_space<vmem>> -> memref<1x80xi32, #tpu.memory_space<vmem>>
        %dma_start3A_415 = tpu.memref_squeeze %dma_start3A_414 : memref<1x80xi32, #tpu.memory_space<vmem>> -> memref<80xi32, #tpu.memory_space<vmem>>
        %dma_start3A_416 = arith.constant 0 : i32
        %dma_start3A_417 = arith.constant 0 : i32
        %dma_start3A_418 = tpu.memref_slice %arg2[%dma_start3A_416, %dma_start3A_417] : memref<10000x16xf32, #tpu.memory_space<hbm>> -> memref<10000x16xf32, #tpu.memory_space<hbm>>
        %dma_start3A_419 = tpu.memref_slice %arg10[%dma_start3A_408] : memref<5x!tpu.dma_semaphore, #tpu.memory_space<semaphore_mem>> -> memref<1x!tpu.dma_semaphore, #tpu.memory_space<semaphore_mem>>
        %dma_start3A_420 = tpu.memref_squeeze %dma_start3A_419 : memref<1x!tpu.dma_semaphore, #tpu.memory_space<semaphore_mem>> -> memref<!tpu.dma_semaphore, #tpu.memory_space<semaphore_mem>>
        tpu.enqueue_indirect_dma source(%dma_start3A_418 : memref<10000x16xf32, #tpu.memory_space<hbm>>) target(%dma_start3A_412 : memref<80x16xf32, #tpu.memory_space<vmem>>) offsets(%dma_start3A_415 : memref<80xi32, #tpu.memory_space<vmem>>) semaphore(%dma_start3A_420 : memref<!tpu.dma_semaphore, #tpu.memory_space<semaphore_mem>>)
      } else {
      }
    }
    %scan3A_88 = arith.constant 25 : i32
    %barrier3A_89 = arith.constant 0 : index
    tpu.barrier barrier_id(%barrier3A_89)
    %mul3A_90 = arith.constant 16 : i32
    %mul3A_91 = arith.muli %arg0, %mul3A_90 : i32
    "tpu.region"() ({
      %run_scoped3A_97 = tpu.sem_alloc : memref<!tpu.dma_semaphore, #tpu.memory_space<semaphore_mem>>
      %dma_start3A_98 = arith.constant 0 : i32
      %dma_start3A_99 = arith.constant 0 : i32
      %dma_start3A_100 = tpu.memref_slice %arg8[%dma_start3A_98, %dma_start3A_99] : memref<640x16xf32, #tpu.memory_space<vmem>> -> memref<624x16xf32, #tpu.memory_space<vmem>>
      %dma_start3A_101 = arith.constant 0 : i32
      %dma_start3A_102 = tpu.memref_slice %arg9[%mul3A_81, %dma_start3A_101] : memref<10000x16xf32, #tpu.memory_space<vmem_shared>> -> memref<624x16xf32, #tpu.memory_space<vmem_shared>>
      %dma_start3A_103 = arith.constant 0 : i32
      %dma_start3A_104 = arith.constant 0 : i32
      %dma_start3A_105 = tpu.memref_slice %arg8[%dma_start3A_103, %dma_start3A_104] : memref<640x16xf32, #tpu.memory_space<vmem>> -> memref<624x16xf32, #tpu.memory_space<vmem>>
      %dma_start3A_106 = arith.constant 0 : i32
      %dma_start3A_107 = tpu.memref_slice %arg9[%mul3A_81, %dma_start3A_106] : memref<10000x16xf32, #tpu.memory_space<vmem_shared>> -> memref<624x16xf32, #tpu.memory_space<vmem_shared>>
      tpu.enqueue_dma source(%dma_start3A_107 : memref<624x16xf32, #tpu.memory_space<vmem_shared>>) target(%dma_start3A_105 : memref<624x16xf32, #tpu.memory_space<vmem>>) target_semaphore(%run_scoped3A_97 : memref<!tpu.dma_semaphore, #tpu.memory_space<semaphore_mem>>)
      %dma_wait3A = arith.constant 0 : i32
      %dma_wait3A_108 = arith.constant 0 : i32
      %dma_wait3A_109 = tpu.memref_slice %arg8[%dma_wait3A, %dma_wait3A_108] : memref<640x16xf32, #tpu.memory_space<vmem>> -> memref<624x16xf32, #tpu.memory_space<vmem>>
      %dma_wait3A_110 = arith.constant 0 : i32
      %dma_wait3A_111 = tpu.memref_slice %arg9[%mul3A_81, %dma_wait3A_110] : memref<10000x16xf32, #tpu.memory_space<vmem_shared>> -> memref<624x16xf32, #tpu.memory_space<vmem_shared>>
      %dma_wait3A_112 = arith.constant 0 : i32
      %dma_wait3A_113 = arith.constant 0 : i32
      %dma_wait3A_114 = tpu.memref_slice %arg8[%dma_wait3A_112, %dma_wait3A_113] : memref<640x16xf32, #tpu.memory_space<vmem>> -> memref<624x16xf32, #tpu.memory_space<vmem>>
      %dma_wait3A_115 = arith.constant 0 : i32
      %dma_wait3A_116 = tpu.memref_slice %arg9[%mul3A_81, %dma_wait3A_115] : memref<10000x16xf32, #tpu.memory_space<vmem_shared>> -> memref<624x16xf32, #tpu.memory_space<vmem_shared>>
      tpu.wait_dma2 semaphore(%run_scoped3A_97 : memref<!tpu.dma_semaphore, #tpu.memory_space<semaphore_mem>>) src(%dma_wait3A_116 : memref<624x16xf32, #tpu.memory_space<vmem_shared>>) dst(%dma_wait3A_114 : memref<624x16xf32, #tpu.memory_space<vmem>>)
      tpu.yield
    }) : () -> ()
    "tpu.region"() ({
      %run_scoped3A_97 = tpu.sem_alloc : memref<!tpu.dma_semaphore, #tpu.memory_space<semaphore_mem>>
      %dma_start3A_98 = arith.constant 0 : i32
      %dma_start3A_99 = arith.constant 0 : i32
      %dma_start3A_100 = tpu.memref_slice %arg8[%dma_start3A_98, %dma_start3A_99] : memref<640x16xf32, #tpu.memory_space<vmem>> -> memref<624x16xf32, #tpu.memory_space<vmem>>
      %dma_start3A_101 = tpu.memref_slice %arg4[%mul3A_81, %mul3A_91] : memref<10000x128xf32, #tpu.memory_space<hbm>> -> memref<624x16xf32, #tpu.memory_space<hbm>>
      %dma_start3A_102 = tpu.memref_slice %arg4[%mul3A_81, %mul3A_91] : memref<10000x128xf32, #tpu.memory_space<hbm>> -> memref<624x16xf32, #tpu.memory_space<hbm>>
      %dma_start3A_103 = arith.constant 0 : i32
      %dma_start3A_104 = arith.constant 0 : i32
      %dma_start3A_105 = tpu.memref_slice %arg8[%dma_start3A_103, %dma_start3A_104] : memref<640x16xf32, #tpu.memory_space<vmem>> -> memref<624x16xf32, #tpu.memory_space<vmem>>
      tpu.enqueue_dma source(%dma_start3A_105 : memref<624x16xf32, #tpu.memory_space<vmem>>) target(%dma_start3A_102 : memref<624x16xf32, #tpu.memory_space<hbm>>) target_semaphore(%run_scoped3A_97 : memref<!tpu.dma_semaphore, #tpu.memory_space<semaphore_mem>>)
      %dma_wait3A = arith.constant 0 : i32
      %dma_wait3A_106 = arith.constant 0 : i32
      %dma_wait3A_107 = tpu.memref_slice %arg8[%dma_wait3A, %dma_wait3A_106] : memref<640x16xf32, #tpu.memory_space<vmem>> -> memref<624x16xf32, #tpu.memory_space<vmem>>
      %dma_wait3A_108 = tpu.memref_slice %arg4[%mul3A_81, %mul3A_91] : memref<10000x128xf32, #tpu.memory_space<hbm>> -> memref<624x16xf32, #tpu.memory_space<hbm>>
      %dma_wait3A_109 = tpu.memref_slice %arg4[%mul3A_81, %mul3A_91] : memref<10000x128xf32, #tpu.memory_space<hbm>> -> memref<624x16xf32, #tpu.memory_space<hbm>>
      %dma_wait3A_110 = arith.constant 0 : i32
      %dma_wait3A_111 = arith.constant 0 : i32
      %dma_wait3A_112 = tpu.memref_slice %arg8[%dma_wait3A_110, %dma_wait3A_111] : memref<640x16xf32, #tpu.memory_space<vmem>> -> memref<624x16xf32, #tpu.memory_space<vmem>>
      tpu.wait_dma2 semaphore(%run_scoped3A_97 : memref<!tpu.dma_semaphore, #tpu.memory_space<semaphore_mem>>) src(%dma_wait3A_112 : memref<624x16xf32, #tpu.memory_space<vmem>>) dst(%dma_wait3A_109 : memref<624x16xf32, #tpu.memory_space<hbm>>)
      tpu.yield
    }) : () -> ()
    %eq3A_92 = arith.constant 15 : i32
    %eq3A_93 = arith.cmpi eq, %arg1, %eq3A_92 : i32
    %convert_element_type3A_94 = arith.extui %eq3A_93 : i1 to i32
    %cond3A_95 = arith.constant 0 : i32
    %cond3A_96 = arith.cmpi ne, %convert_element_type3A_94, %cond3A_95 : i32
    scf.if %cond3A_96 {
      "tpu.region"() ({
        %run_scoped3A_97 = tpu.sem_alloc : memref<!tpu.dma_semaphore, #tpu.memory_space<semaphore_mem>>
        %dma_start3A_98 = arith.constant 624 : i32
        %dma_start3A_99 = arith.constant 0 : i32
        %dma_start3A_100 = tpu.memref_slice %arg8[%dma_start3A_98, %dma_start3A_99] : memref<640x16xf32, #tpu.memory_space<vmem>> -> memref<16x16xf32, #tpu.memory_space<vmem>>
        %dma_start3A_101 = arith.constant 9984 : i32
        %dma_start3A_102 = arith.constant 0 : i32
        %dma_start3A_103 = tpu.memref_slice %arg9[%dma_start3A_101, %dma_start3A_102] : memref<10000x16xf32, #tpu.memory_space<vmem_shared>> -> memref<16x16xf32, #tpu.memory_space<vmem_shared>>
        %dma_start3A_104 = arith.constant 624 : i32
        %dma_start3A_105 = arith.constant 0 : i32
        %dma_start3A_106 = tpu.memref_slice %arg8[%dma_start3A_104, %dma_start3A_105] : memref<640x16xf32, #tpu.memory_space<vmem>> -> memref<16x16xf32, #tpu.memory_space<vmem>>
        %dma_start3A_107 = arith.constant 9984 : i32
        %dma_start3A_108 = arith.constant 0 : i32
        %dma_start3A_109 = tpu.memref_slice %arg9[%dma_start3A_107, %dma_start3A_108] : memref<10000x16xf32, #tpu.memory_space<vmem_shared>> -> memref<16x16xf32, #tpu.memory_space<vmem_shared>>
        tpu.enqueue_dma source(%dma_start3A_109 : memref<16x16xf32, #tpu.memory_space<vmem_shared>>) target(%dma_start3A_106 : memref<16x16xf32, #tpu.memory_space<vmem>>) target_semaphore(%run_scoped3A_97 : memref<!tpu.dma_semaphore, #tpu.memory_space<semaphore_mem>>)
        %dma_wait3A = arith.constant 624 : i32
        %dma_wait3A_110 = arith.constant 0 : i32
        %dma_wait3A_111 = tpu.memref_slice %arg8[%dma_wait3A, %dma_wait3A_110] : memref<640x16xf32, #tpu.memory_space<vmem>> -> memref<16x16xf32, #tpu.memory_space<vmem>>
        %dma_wait3A_112 = arith.constant 9984 : i32
        %dma_wait3A_113 = arith.constant 0 : i32
        %dma_wait3A_114 = tpu.memref_slice %arg9[%dma_wait3A_112, %dma_wait3A_113] : memref<10000x16xf32, #tpu.memory_space<vmem_shared>> -> memref<16x16xf32, #tpu.memory_space<vmem_shared>>
        %dma_wait3A_115 = arith.constant 624 : i32
        %dma_wait3A_116 = arith.constant 0 : i32
        %dma_wait3A_117 = tpu.memref_slice %arg8[%dma_wait3A_115, %dma_wait3A_116] : memref<640x16xf32, #tpu.memory_space<vmem>> -> memref<16x16xf32, #tpu.memory_space<vmem>>
        %dma_wait3A_118 = arith.constant 9984 : i32
        %dma_wait3A_119 = arith.constant 0 : i32
        %dma_wait3A_120 = tpu.memref_slice %arg9[%dma_wait3A_118, %dma_wait3A_119] : memref<10000x16xf32, #tpu.memory_space<vmem_shared>> -> memref<16x16xf32, #tpu.memory_space<vmem_shared>>
        tpu.wait_dma2 semaphore(%run_scoped3A_97 : memref<!tpu.dma_semaphore, #tpu.memory_space<semaphore_mem>>) src(%dma_wait3A_120 : memref<16x16xf32, #tpu.memory_space<vmem_shared>>) dst(%dma_wait3A_117 : memref<16x16xf32, #tpu.memory_space<vmem>>)
        tpu.yield
      }) : () -> ()
      "tpu.region"() ({
        %run_scoped3A_97 = tpu.sem_alloc : memref<!tpu.dma_semaphore, #tpu.memory_space<semaphore_mem>>
        %dma_start3A_98 = arith.constant 624 : i32
        %dma_start3A_99 = arith.constant 0 : i32
        %dma_start3A_100 = tpu.memref_slice %arg8[%dma_start3A_98, %dma_start3A_99] : memref<640x16xf32, #tpu.memory_space<vmem>> -> memref<16x16xf32, #tpu.memory_space<vmem>>
        %dma_start3A_101 = arith.constant 9984 : i32
        %dma_start3A_102 = tpu.memref_slice %arg4[%dma_start3A_101, %mul3A_91] : memref<10000x128xf32, #tpu.memory_space<hbm>> -> memref<16x16xf32, #tpu.memory_space<hbm>>
        %dma_start3A_103 = arith.constant 9984 : i32
        %dma_start3A_104 = tpu.memref_slice %arg4[%dma_start3A_103, %mul3A_91] : memref<10000x128xf32, #tpu.memory_space<hbm>> -> memref<16x16xf32, #tpu.memory_space<hbm>>
        %dma_start3A_105 = arith.constant 624 : i32
        %dma_start3A_106 = arith.constant 0 : i32
        %dma_start3A_107 = tpu.memref_slice %arg8[%dma_start3A_105, %dma_start3A_106] : memref<640x16xf32, #tpu.memory_space<vmem>> -> memref<16x16xf32, #tpu.memory_space<vmem>>
        tpu.enqueue_dma source(%dma_start3A_107 : memref<16x16xf32, #tpu.memory_space<vmem>>) target(%dma_start3A_104 : memref<16x16xf32, #tpu.memory_space<hbm>>) target_semaphore(%run_scoped3A_97 : memref<!tpu.dma_semaphore, #tpu.memory_space<semaphore_mem>>)
        %dma_wait3A = arith.constant 624 : i32
        %dma_wait3A_108 = arith.constant 0 : i32
        %dma_wait3A_109 = tpu.memref_slice %arg8[%dma_wait3A, %dma_wait3A_108] : memref<640x16xf32, #tpu.memory_space<vmem>> -> memref<16x16xf32, #tpu.memory_space<vmem>>
        %dma_wait3A_110 = arith.constant 9984 : i32
        %dma_wait3A_111 = tpu.memref_slice %arg4[%dma_wait3A_110, %mul3A_91] : memref<10000x128xf32, #tpu.memory_space<hbm>> -> memref<16x16xf32, #tpu.memory_space<hbm>>
        %dma_wait3A_112 = arith.constant 9984 : i32
        %dma_wait3A_113 = tpu.memref_slice %arg4[%dma_wait3A_112, %mul3A_91] : memref<10000x128xf32, #tpu.memory_space<hbm>> -> memref<16x16xf32, #tpu.memory_space<hbm>>
        %dma_wait3A_114 = arith.constant 624 : i32
        %dma_wait3A_115 = arith.constant 0 : i32
        %dma_wait3A_116 = tpu.memref_slice %arg8[%dma_wait3A_114, %dma_wait3A_115] : memref<640x16xf32, #tpu.memory_space<vmem>> -> memref<16x16xf32, #tpu.memory_space<vmem>>
        tpu.wait_dma2 semaphore(%run_scoped3A_97 : memref<!tpu.dma_semaphore, #tpu.memory_space<semaphore_mem>>) src(%dma_wait3A_116 : memref<16x16xf32, #tpu.memory_space<vmem>>) dst(%dma_wait3A_113 : memref<16x16xf32, #tpu.memory_space<hbm>>)
        tpu.yield
      }) : () -> ()
    } else {
    }
    return
  }
}

module attributes {stable_mosaic.version = 14 : i64} {
  func.func @_mid_body(%arg0: i32, %arg1: memref<5000x128xf32, #tpu.memory_space<vmem>>, %arg2: memref<5000x64xf32, #tpu.memory_space<vmem>>, %arg3: memref<5000x1xf32, #tpu.memory_space<vmem>>, %arg4: memref<1x64xf32, #tpu.memory_space<vmem>>, %arg5: memref<64x32xf32, #tpu.memory_space<vmem>>, %arg6: memref<5000x32xf32, #tpu.memory_space<vmem>>) attributes {dimension_semantics = [#tpu.dimension_semantics<arbitrary>], iteration_bounds = array<i64: 2>, scalar_prefetch = 0 : i64, scratch_operands = 0 : i64, tpu.core_type = #tpu.core_type<tc>, window_params = [{transform_indices = @transform_0, window_bounds = array<i64: 5000, 128>}, {transform_indices = @transform_1, window_bounds = array<i64: 5000, 64>}, {transform_indices = @transform_2, window_bounds = array<i64: 5000, 1>}, {pipeline_mode = #tpu.pipeline_mode<synchronous>, transform_indices = @transform_3, window_bounds = array<i64: 1, 64>}, {pipeline_mode = #tpu.pipeline_mode<synchronous>, transform_indices = @transform_4, window_bounds = array<i64: 64, 32>}, {transform_indices = @transform_5, window_bounds = array<i64: 5000, 32>}]} {
    %get3A = arith.constant 0 : index
    %get3A_0 = arith.constant 0 : index
    %get3A_1 = vector.load %arg3[%get3A, %get3A_0] : memref<5000x1xf32, #tpu.memory_space<vmem>>, vector<5000x1xf32>
    %get3A_2 = arith.constant 0 : index
    %get3A_3 = arith.constant 0 : index
    %get3A_4 = vector.load %arg1[%get3A_2, %get3A_3] : memref<5000x128xf32, #tpu.memory_space<vmem>>, vector<5000x64xf32>
    %get3A_5 = arith.constant 0 : index
    %get3A_6 = arith.constant 64 : index
    %get3A_7 = vector.load %arg1[%get3A_5, %get3A_6] : memref<5000x128xf32, #tpu.memory_space<vmem>>, vector<5000x64xf32>
    %add3A = arith.addf %get3A_4, %get3A_7 : vector<5000x64xf32>
    %get3A_8 = arith.constant 0 : index
    %get3A_9 = arith.constant 0 : index
    %get3A_10 = vector.load %arg2[%get3A_8, %get3A_9] : memref<5000x64xf32, #tpu.memory_space<vmem>>, vector<5000x64xf32>
    %sub3A = arith.subf %add3A, %get3A_10 : vector<5000x64xf32>
    %mul3A = vector.broadcast %get3A_1 : vector<5000x1xf32> to vector<5000x64xf32>
    %mul3A_11 = arith.mulf %sub3A, %mul3A : vector<5000x64xf32>
    %get3A_12 = arith.constant 0 : index
    %get3A_13 = arith.constant 0 : index
    %get3A_14 = vector.load %arg4[%get3A_12, %get3A_13] : memref<1x64xf32, #tpu.memory_space<vmem>>, vector<1x64xf32>
    %add3A_15 = vector.broadcast %get3A_14 : vector<1x64xf32> to vector<5000x64xf32>
    %add3A_16 = arith.addf %mul3A_11, %add3A_15 : vector<5000x64xf32>
    %max3A = arith.constant 0.000000e+00 : f32
    %max3A_17 = vector.broadcast %max3A : f32 to vector<5000x64xf32>
    %max3A_18 = arith.maximumf %add3A_16, %max3A_17 : vector<5000x64xf32>
    %get3A_19 = arith.constant 0 : index
    %get3A_20 = arith.constant 0 : index
    %get3A_21 = vector.load %arg5[%get3A_19, %get3A_20] : memref<64x32xf32, #tpu.memory_space<vmem>>, vector<64x32xf32>
    %dot_general3A = arith.constant dense<0.000000e+00> : vector<5000x32xf32>
    %dot_general3A_22 = tpu.matmul %max3A_18, %get3A_21, %dot_general3A {dimension_numbers = #tpu.dot_dimension_numbers<[1], [0], [0], [1], [0, 0, 1, 1], [], []>, transpose_lhs_hint = false} : vector<5000x64xf32>, vector<64x32xf32>, vector<5000x32xf32> -> vector<5000x32xf32>
    %mul3A_23 = vector.broadcast %get3A_1 : vector<5000x1xf32> to vector<5000x32xf32>
    %mul3A_24 = arith.mulf %dot_general3A_22, %mul3A_23 : vector<5000x32xf32>
    %swap3A = arith.constant 0 : index
    %swap3A_25 = arith.constant 0 : index
    %swap3A_26 = vector.load %arg6[%swap3A, %swap3A_25] : memref<5000x32xf32, #tpu.memory_space<vmem>>, vector<5000x32xf32>
    tpu.vector_store %arg6[%swap3A, %swap3A_25], %mul3A_24 {strides = array<i32>} : memref<5000x32xf32, #tpu.memory_space<vmem>>, vector<5000x32xf32>,
    return
  }
  func.func @transform_0(%arg0: i32) -> (i32, i32) {
    %c0_i32 = arith.constant 0 : i32
    %c0_i32_0 = arith.constant 0 : i32
    return %arg0, %c0_i32 : i32, i32
  }
  func.func @transform_1(%arg0: i32) -> (i32, i32) {
    %c0_i32 = arith.constant 0 : i32
    %c0_i32_0 = arith.constant 0 : i32
    return %arg0, %c0_i32 : i32, i32
  }
  func.func @transform_2(%arg0: i32) -> (i32, i32) {
    %c0_i32 = arith.constant 0 : i32
    %c0_i32_0 = arith.constant 0 : i32
    return %arg0, %c0_i32 : i32, i32
  }
  func.func @transform_3(%arg0: i32) -> (i32, i32) {
    %c0_i32 = arith.constant 0 : i32
    %c0_i32_0 = arith.constant 0 : i32
    %c0_i32_1 = arith.constant 0 : i32
    return %c0_i32, %c0_i32_0 : i32, i32
  }
  func.func @transform_4(%arg0: i32) -> (i32, i32) {
    %c0_i32 = arith.constant 0 : i32
    %c0_i32_0 = arith.constant 0 : i32
    %c0_i32_1 = arith.constant 0 : i32
    return %c0_i32, %c0_i32_0 : i32, i32
  }
  func.func @transform_5(%arg0: i32) -> (i32, i32) {
    %c0_i32 = arith.constant 0 : i32
    %c0_i32_0 = arith.constant 0 : i32
    return %arg0, %c0_i32 : i32, i32
  }
}

module attributes {stable_mosaic.version = 14 : i64} {
  func.func @_k1_body(%arg0: i32, %arg1: memref<5000x128xf32, #tpu.memory_space<vmem>>, %arg2: memref<128x64xf32, #tpu.memory_space<vmem>>, %arg3: memref<5000x2xf32, #tpu.memory_space<vmem>>, %arg4: memref<5000x64xf32, #tpu.memory_space<vmem>>, %arg5: memref<5000x1xf32, #tpu.memory_space<vmem>>) attributes {dimension_semantics = [#tpu.dimension_semantics<arbitrary>], iteration_bounds = array<i64: 2>, scalar_prefetch = 0 : i64, scratch_operands = 0 : i64, tpu.core_type = #tpu.core_type<tc>, window_params = [{transform_indices = @transform_0, window_bounds = array<i64: 5000, 128>}, {pipeline_mode = #tpu.pipeline_mode<synchronous>, transform_indices = @transform_1, window_bounds = array<i64: 128, 64>}, {transform_indices = @transform_2, window_bounds = array<i64: 5000, 2>}, {transform_indices = @transform_3, window_bounds = array<i64: 5000, 64>}, {transform_indices = @transform_4, window_bounds = array<i64: 5000, 1>}]} {
    %get3A = arith.constant 0 : index
    %get3A_0 = arith.constant 0 : index
    %get3A_1 = vector.load %arg3[%get3A, %get3A_0] : memref<5000x2xf32, #tpu.memory_space<vmem>>, vector<5000x1xf32>
    %get3A_2 = arith.constant 0 : index
    %get3A_3 = arith.constant 1 : index
    %get3A_4 = vector.load %arg3[%get3A_2, %get3A_3] : memref<5000x2xf32, #tpu.memory_space<vmem>>, vector<5000x1xf32>
    %add3A = arith.addf %get3A_1, %get3A_4 : vector<5000x1xf32>
    %add3A_5 = arith.constant 1.000000e+00 : f32
    %add3A_6 = vector.broadcast %add3A_5 : f32 to vector<5000x1xf32>
    %add3A_7 = arith.addf %add3A, %add3A_6 : vector<5000x1xf32>
    %rsqrt3A = math.rsqrt %add3A_7 : vector<5000x1xf32>
    %get3A_8 = arith.constant 0 : index
    %get3A_9 = arith.constant 0 : index
    %get3A_10 = vector.load %arg1[%get3A_8, %get3A_9] : memref<5000x128xf32, #tpu.memory_space<vmem>>, vector<5000x128xf32>
    %get3A_11 = arith.constant 0 : index
    %get3A_12 = arith.constant 0 : index
    %get3A_13 = vector.load %arg2[%get3A_11, %get3A_12] : memref<128x64xf32, #tpu.memory_space<vmem>>, vector<128x64xf32>
    %dot_general3A = arith.constant dense<0.000000e+00> : vector<5000x64xf32>
    %dot_general3A_14 = tpu.matmul %get3A_10, %get3A_13, %dot_general3A {dimension_numbers = #tpu.dot_dimension_numbers<[1], [0], [0], [1], [0, 0, 1, 1], [], []>, transpose_lhs_hint = false} : vector<5000x128xf32>, vector<128x64xf32>, vector<5000x64xf32> -> vector<5000x64xf32>
    %mul3A = vector.broadcast %rsqrt3A : vector<5000x1xf32> to vector<5000x64xf32>
    %mul3A_15 = arith.mulf %dot_general3A_14, %mul3A : vector<5000x64xf32>
    %swap3A = arith.constant 0 : index
    %swap3A_16 = arith.constant 0 : index
    %swap3A_17 = vector.load %arg4[%swap3A, %swap3A_16] : memref<5000x64xf32, #tpu.memory_space<vmem>>, vector<5000x64xf32>
    tpu.vector_store %arg4[%swap3A, %swap3A_16], %mul3A_15 {strides = array<i32>} : memref<5000x64xf32, #tpu.memory_space<vmem>>, vector<5000x64xf32>,
    %swap3A_18 = arith.constant 0 : index
    %swap3A_19 = arith.constant 0 : index
    %swap3A_20 = vector.load %arg5[%swap3A_18, %swap3A_19] : memref<5000x1xf32, #tpu.memory_space<vmem>>, vector<5000x1xf32>
    tpu.vector_store %arg5[%swap3A_18, %swap3A_19], %rsqrt3A {strides = array<i32>} : memref<5000x1xf32, #tpu.memory_space<vmem>>, vector<5000x1xf32>,
    return
  }
  func.func @transform_0(%arg0: i32) -> (i32, i32) {
    %c0_i32 = arith.constant 0 : i32
    %c0_i32_0 = arith.constant 0 : i32
    return %arg0, %c0_i32 : i32, i32
  }
  func.func @transform_1(%arg0: i32) -> (i32, i32) {
    %c0_i32 = arith.constant 0 : i32
    %c0_i32_0 = arith.constant 0 : i32
    %c0_i32_1 = arith.constant 0 : i32
    return %c0_i32, %c0_i32_0 : i32, i32
  }
  func.func @transform_2(%arg0: i32) -> (i32, i32) {
    %c0_i32 = arith.constant 0 : i32
    %c0_i32_0 = arith.constant 0 : i32
    return %arg0, %c0_i32 : i32, i32
  }
  func.func @transform_3(%arg0: i32) -> (i32, i32) {
    %c0_i32 = arith.constant 0 : i32
    %c0_i32_0 = arith.constant 0 : i32
    return %arg0, %c0_i32 : i32, i32
  }
  func.func @transform_4(%arg0: i32) -> (i32, i32) {
    %c0_i32 = arith.constant 0 : i32
    %c0_i32_0 = arith.constant 0 : i32
    return %arg0, %c0_i32 : i32, i32
  }
}

module attributes {stable_mosaic.version = 14 : i64} {
  func.func @_mid_body(%arg0: i32, %arg1: memref<5000x128xf32, #tpu.memory_space<vmem>>, %arg2: memref<5000x32xf32, #tpu.memory_space<vmem>>, %arg3: memref<5000x1xf32, #tpu.memory_space<vmem>>, %arg4: memref<1x32xf32, #tpu.memory_space<vmem>>, %arg5: memref<32x16xf32, #tpu.memory_space<vmem>>, %arg6: memref<5000x16xf32, #tpu.memory_space<vmem>>) attributes {dimension_semantics = [#tpu.dimension_semantics<arbitrary>], iteration_bounds = array<i64: 2>, scalar_prefetch = 0 : i64, scratch_operands = 0 : i64, tpu.core_type = #tpu.core_type<tc>, window_params = [{transform_indices = @transform_0, window_bounds = array<i64: 5000, 128>}, {transform_indices = @transform_1, window_bounds = array<i64: 5000, 32>}, {transform_indices = @transform_2, window_bounds = array<i64: 5000, 1>}, {pipeline_mode = #tpu.pipeline_mode<synchronous>, transform_indices = @transform_3, window_bounds = array<i64: 1, 32>}, {pipeline_mode = #tpu.pipeline_mode<synchronous>, transform_indices = @transform_4, window_bounds = array<i64: 32, 16>}, {transform_indices = @transform_5, window_bounds = array<i64: 5000, 16>}]} {
    %get3A = arith.constant 0 : index
    %get3A_0 = arith.constant 0 : index
    %get3A_1 = vector.load %arg3[%get3A, %get3A_0] : memref<5000x1xf32, #tpu.memory_space<vmem>>, vector<5000x1xf32>
    %get3A_2 = arith.constant 0 : index
    %get3A_3 = arith.constant 0 : index
    %get3A_4 = vector.load %arg1[%get3A_2, %get3A_3] : memref<5000x128xf32, #tpu.memory_space<vmem>>, vector<5000x32xf32>
    %get3A_5 = arith.constant 0 : index
    %get3A_6 = arith.constant 32 : index
    %get3A_7 = vector.load %arg1[%get3A_5, %get3A_6] : memref<5000x128xf32, #tpu.memory_space<vmem>>, vector<5000x32xf32>
    %add3A = arith.addf %get3A_4, %get3A_7 : vector<5000x32xf32>
    %get3A_8 = arith.constant 0 : index
    %get3A_9 = arith.constant 0 : index
    %get3A_10 = vector.load %arg2[%get3A_8, %get3A_9] : memref<5000x32xf32, #tpu.memory_space<vmem>>, vector<5000x32xf32>
    %sub3A = arith.subf %add3A, %get3A_10 : vector<5000x32xf32>
    %mul3A = vector.broadcast %get3A_1 : vector<5000x1xf32> to vector<5000x32xf32>
    %mul3A_11 = arith.mulf %sub3A, %mul3A : vector<5000x32xf32>
    %get3A_12 = arith.constant 0 : index
    %get3A_13 = arith.constant 0 : index
    %get3A_14 = vector.load %arg4[%get3A_12, %get3A_13] : memref<1x32xf32, #tpu.memory_space<vmem>>, vector<1x32xf32>
    %add3A_15 = vector.broadcast %get3A_14 : vector<1x32xf32> to vector<5000x32xf32>
    %add3A_16 = arith.addf %mul3A_11, %add3A_15 : vector<5000x32xf32>
    %max3A = arith.constant 0.000000e+00 : f32
    %max3A_17 = vector.broadcast %max3A : f32 to vector<5000x32xf32>
    %max3A_18 = arith.maximumf %add3A_16, %max3A_17 : vector<5000x32xf32>
    %get3A_19 = arith.constant 0 : index
    %get3A_20 = arith.constant 0 : index
    %get3A_21 = vector.load %arg5[%get3A_19, %get3A_20] : memref<32x16xf32, #tpu.memory_space<vmem>>, vector<32x16xf32>
    %dot_general3A = arith.constant dense<0.000000e+00> : vector<5000x16xf32>
    %dot_general3A_22 = tpu.matmul %max3A_18, %get3A_21, %dot_general3A {dimension_numbers = #tpu.dot_dimension_numbers<[1], [0], [0], [1], [0, 0, 1, 1], [], []>, transpose_lhs_hint = false} : vector<5000x32xf32>, vector<32x16xf32>, vector<5000x16xf32> -> vector<5000x16xf32>
    %mul3A_23 = vector.broadcast %get3A_1 : vector<5000x1xf32> to vector<5000x16xf32>
    %mul3A_24 = arith.mulf %dot_general3A_22, %mul3A_23 : vector<5000x16xf32>
    %swap3A = arith.constant 0 : index
    %swap3A_25 = arith.constant 0 : index
    %swap3A_26 = vector.load %arg6[%swap3A, %swap3A_25] : memref<5000x16xf32, #tpu.memory_space<vmem>>, vector<5000x16xf32>
    tpu.vector_store %arg6[%swap3A, %swap3A_25], %mul3A_24 {strides = array<i32>} : memref<5000x16xf32, #tpu.memory_space<vmem>>, vector<5000x16xf32>,
    return
  }
  func.func @transform_0(%arg0: i32) -> (i32, i32) {
    %c0_i32 = arith.constant 0 : i32
    %c0_i32_0 = arith.constant 0 : i32
    return %arg0, %c0_i32 : i32, i32
  }
  func.func @transform_1(%arg0: i32) -> (i32, i32) {
    %c0_i32 = arith.constant 0 : i32
    %c0_i32_0 = arith.constant 0 : i32
    return %arg0, %c0_i32 : i32, i32
  }
  func.func @transform_2(%arg0: i32) -> (i32, i32) {
    %c0_i32 = arith.constant 0 : i32
    %c0_i32_0 = arith.constant 0 : i32
    return %arg0, %c0_i32 : i32, i32
  }
  func.func @transform_3(%arg0: i32) -> (i32, i32) {
    %c0_i32 = arith.constant 0 : i32
    %c0_i32_0 = arith.constant 0 : i32
    %c0_i32_1 = arith.constant 0 : i32
    return %c0_i32, %c0_i32_0 : i32, i32
  }
  func.func @transform_4(%arg0: i32) -> (i32, i32) {
    %c0_i32 = arith.constant 0 : i32
    %c0_i32_0 = arith.constant 0 : i32
    %c0_i32_1 = arith.constant 0 : i32
    return %c0_i32, %c0_i32_0 : i32, i32
  }
  func.func @transform_5(%arg0: i32) -> (i32, i32) {
    %c0_i32 = arith.constant 0 : i32
    %c0_i32_0 = arith.constant 0 : i32
    return %arg0, %c0_i32 : i32, i32
  }
}

module attributes {stable_mosaic.version = 14 : i64} {
  func.func @_final_body(%arg0: i32, %arg1: memref<5000x128xf32, #tpu.memory_space<vmem>>, %arg2: memref<5000x16xf32, #tpu.memory_space<vmem>>, %arg3: memref<5000x1xf32, #tpu.memory_space<vmem>>, %arg4: memref<1x16xf32, #tpu.memory_space<vmem>>, %arg5: memref<16x1xf32, #tpu.memory_space<vmem>>, %arg6: memref<1x1xf32, #tpu.memory_space<vmem>>, %arg7: memref<5000x1xf32, #tpu.memory_space<vmem>>) attributes {dimension_semantics = [#tpu.dimension_semantics<arbitrary>], iteration_bounds = array<i64: 2>, scalar_prefetch = 0 : i64, scratch_operands = 0 : i64, tpu.core_type = #tpu.core_type<tc>, window_params = [{transform_indices = @transform_0, window_bounds = array<i64: 5000, 128>}, {transform_indices = @transform_1, window_bounds = array<i64: 5000, 16>}, {transform_indices = @transform_2, window_bounds = array<i64: 5000, 1>}, {pipeline_mode = #tpu.pipeline_mode<synchronous>, transform_indices = @transform_3, window_bounds = array<i64: 1, 16>}, {pipeline_mode = #tpu.pipeline_mode<synchronous>, transform_indices = @transform_4, window_bounds = array<i64: 16, 1>}, {pipeline_mode = #tpu.pipeline_mode<synchronous>, transform_indices = @transform_5, window_bounds = array<i64: 1, 1>}, {transform_indices = @transform_6, window_bounds = array<i64: 5000, 1>}]} {
    %get3A = arith.constant 0 : index
    %get3A_0 = arith.constant 0 : index
    %get3A_1 = vector.load %arg3[%get3A, %get3A_0] : memref<5000x1xf32, #tpu.memory_space<vmem>>, vector<5000x1xf32>
    %get3A_2 = arith.constant 0 : index
    %get3A_3 = arith.constant 0 : index
    %get3A_4 = vector.load %arg1[%get3A_2, %get3A_3] : memref<5000x128xf32, #tpu.memory_space<vmem>>, vector<5000x16xf32>
    %get3A_5 = arith.constant 0 : index
    %get3A_6 = arith.constant 16 : index
    %get3A_7 = vector.load %arg1[%get3A_5, %get3A_6] : memref<5000x128xf32, #tpu.memory_space<vmem>>, vector<5000x16xf32>
    %add3A = arith.addf %get3A_4, %get3A_7 : vector<5000x16xf32>
    %get3A_8 = arith.constant 0 : index
    %get3A_9 = arith.constant 0 : index
    %get3A_10 = vector.load %arg2[%get3A_8, %get3A_9] : memref<5000x16xf32, #tpu.memory_space<vmem>>, vector<5000x16xf32>
    %sub3A = arith.subf %add3A, %get3A_10 : vector<5000x16xf32>
    %mul3A = vector.broadcast %get3A_1 : vector<5000x1xf32> to vector<5000x16xf32>
    %mul3A_11 = arith.mulf %sub3A, %mul3A : vector<5000x16xf32>
    %get3A_12 = arith.constant 0 : index
    %get3A_13 = arith.constant 0 : index
    %get3A_14 = vector.load %arg4[%get3A_12, %get3A_13] : memref<1x16xf32, #tpu.memory_space<vmem>>, vector<1x16xf32>
    %add3A_15 = vector.broadcast %get3A_14 : vector<1x16xf32> to vector<5000x16xf32>
    %add3A_16 = arith.addf %mul3A_11, %add3A_15 : vector<5000x16xf32>
    %max3A = arith.constant 0.000000e+00 : f32
    %max3A_17 = vector.broadcast %max3A : f32 to vector<5000x16xf32>
    %max3A_18 = arith.maximumf %add3A_16, %max3A_17 : vector<5000x16xf32>
    %get3A_19 = arith.constant 0 : index
    %get3A_20 = arith.constant 0 : index
    %get3A_21 = vector.load %arg5[%get3A_19, %get3A_20] : memref<16x1xf32, #tpu.memory_space<vmem>>, vector<16x1xf32>
    %dot_general3A = arith.constant dense<0.000000e+00> : vector<5000x1xf32>
    %dot_general3A_22 = tpu.matmul %max3A_18, %get3A_21, %dot_general3A {dimension_numbers = #tpu.dot_dimension_numbers<[1], [0], [0], [1], [0, 0, 1, 1], [], []>, transpose_lhs_hint = false} : vector<5000x16xf32>, vector<16x1xf32>, vector<5000x1xf32> -> vector<5000x1xf32>
    %get3A_23 = arith.constant 0 : index
    %get3A_24 = arith.constant 0 : index
    %get3A_25 = vector.load %arg6[%get3A_23, %get3A_24] : memref<1x1xf32, #tpu.memory_space<vmem>>, vector<1x1xf32>
    %add3A_26 = vector.broadcast %get3A_25 : vector<1x1xf32> to vector<5000x1xf32>
    %add3A_27 = arith.addf %dot_general3A_22, %add3A_26 : vector<5000x1xf32>
    %swap3A = arith.constant 0 : index
    %swap3A_28 = arith.constant 0 : index
    %swap3A_29 = vector.load %arg7[%swap3A, %swap3A_28] : memref<5000x1xf32, #tpu.memory_space<vmem>>, vector<5000x1xf32>
    tpu.vector_store %arg7[%swap3A, %swap3A_28], %add3A_27 {strides = array<i32>} : memref<5000x1xf32, #tpu.memory_space<vmem>>, vector<5000x1xf32>,
    return
  }
  func.func @transform_0(%arg0: i32) -> (i32, i32) {
    %c0_i32 = arith.constant 0 : i32
    %c0_i32_0 = arith.constant 0 : i32
    return %arg0, %c0_i32 : i32, i32
  }
  func.func @transform_1(%arg0: i32) -> (i32, i32) {
    %c0_i32 = arith.constant 0 : i32
    %c0_i32_0 = arith.constant 0 : i32
    return %arg0, %c0_i32 : i32, i32
  }
  func.func @transform_2(%arg0: i32) -> (i32, i32) {
    %c0_i32 = arith.constant 0 : i32
    %c0_i32_0 = arith.constant 0 : i32
    return %arg0, %c0_i32 : i32, i32
  }
  func.func @transform_3(%arg0: i32) -> (i32, i32) {
    %c0_i32 = arith.constant 0 : i32
    %c0_i32_0 = arith.constant 0 : i32
    %c0_i32_1 = arith.constant 0 : i32
    return %c0_i32, %c0_i32_0 : i32, i32
  }
  func.func @transform_4(%arg0: i32) -> (i32, i32) {
    %c0_i32 = arith.constant 0 : i32
    %c0_i32_0 = arith.constant 0 : i32
    %c0_i32_1 = arith.constant 0 : i32
    return %c0_i32, %c0_i32_0 : i32, i32
  }
  func.func @transform_5(%arg0: i32) -> (i32, i32) {
    %c0_i32 = arith.constant 0 : i32
    %c0_i32_0 = arith.constant 0 : i32
    %c0_i32_1 = arith.constant 0 : i32
    return %c0_i32, %c0_i32_0 : i32, i32
  }
  func.func @transform_6(%arg0: i32) -> (i32, i32) {
    %c0_i32 = arith.constant 0 : i32
    %c0_i32_0 = arith.constant 0 : i32
    return %arg0, %c0_i32 : i32, i32
  }
}

</mosaic_0001>

<sc_bundles>
// kernel: kernel.10.cloned.1.call-start
scs
__scs_entry_jumppad:
0x0: {  	(pc) =	sbr.rel $0x88, $3  }
0x1: {  	(tag) =	ssettag $0x0;
	lr =	simm.s32 $0x1  }
0x2: {  	[smem:$0x3F97] =	sst lr;
	_ =	strace $0xD0000000  }
0x3: {  	_ = 	snop  }
0x4: {  	_ = 	snop  }
0x5: {  	_ = 	snop  }
0x6: {  	_ = 	snop  }
0x7: {  	_ = 	snop  }
__scs_overlays_trampoline_lowered:
0x8: {  	[smem:$0x3FA6] =	sst s0  }
0x9: {  	[smem:$0x3FA7] =	sst s1  }
0xa: {  	[smem:$0x3FA8] =	sst s2  }
0xb: {  	[smem:$0x3FA9] =	sst s3  }
0xc: {  	[smem:$0x3FAA] =	sst s4  }
0xd: {  	[smem:$0x3FAB] =	sst s5  }
0xe: {  	[smem:$0x3FAC] =	sst s6  }
0xf: {  	[smem:$0x3FAD] =	sst s7  }
0x10: {  	[smem:$0x3FAE] =	sst s8  }
0x11: {  	[smem:$0x3FAF] =	sst s9;
	s0 =	simm.s32 @!p0 $0x0  }
0x12: {  	s1 =	sld [smem:$0x3F95];
	s0 =	simm.s32 @p0 $0x1  }
0x13: {  	[smem:$0x3FB0] =	sst s0;
	s0 =	simm.s32 @!p1 $0x0  }
0x14: {  	s2 =	sld [smem:$0x3F94];
	s0 =	simm.s32 @p1 $0x1  }
0x15: {  	[smem:$0x3FB1] =	sst s0;
	s0 =	simm.s32 @!p2 $0x0  }
0x16: {  	s3 =	sld [smem:$0x3FDB];
	s0 =	simm.s32 @p2 $0x1  }
0x17: {  	s4 =	simm.s32 $0x1BF5;
	[smem:$0x3FB3] =	sst s0  }
0x18: {  	s0 =	sld [smem:$0x3F96];
	_ =	swait.ge [sflag:s4], $0x0  }
0x19: {  	s7 =	sld [smem:$0x3F97]  }
0x1a: {  	s8 =	sadd.s32 $0xFFFFE003, lr  }
0x1b: {  	s9 =	sadd.s32 $0xFFFFFEF7, lr;
	s5 =	simm.s32 $0xFFFFFFFF;
	p2 =	slt.u32 s8, $0xFFFFF086  }
0x1c: {  	p1 =	slt.u32 s9, $0xF7A;
	s5 =	simm.s32 @!p2 $0x0  }
0x1d: {  	s5 =	simm.s32 @p1 $0x1;
	p0 =	seq.s32 s7, s2  }
0x1e: {  	s7 =	smul.u32 @!p0 $0xF7A, s2;
	p2 =	seq.s32 @!p0 s5, $0x0  }
0x1f: {  	s9 =	smul.u32 $0xF7A, s1;
	s8 =	simm.s32 @!p0 $0x1BF5;
	p2 =	por !p2, p0  }
0x20: {  	[sflag:s8] =	ssyncset.s32 @!p0 $0xFFFFF086;
	s6 =	sadd.s32 @!p0 s3, s7;
	s7 =	simm.s32 @!p0 $0x108  }
0x21: {  	s3 =	sadd.s32 s3, s9;
	s6 =	sadd.s32 @!p0 $0x88, s6;
	s7 =	simm.s32 @p2 $0x1082  }
0x22: {  	[simem:s7], [sflag:s8] =	dma.local @!p0 [hbm:s6], $0xF7A  }
0x23: {  	s9 =	sor.u32 $0xD0000000, s2;
	s6 =	simm.s32 $0x108;
	_ =	swait.ge @!p0 [sflag:s8], $0x0  }
0x24: {  	s3 =	sadd.s32 $0x88, s3;
	s6 =	simm.s32 @!p1 $0x1082;
	[sflag:s4] =	ssyncset.s32 $0xFFFFF086  }
0x25: {  	[simem:s6], [sflag:s4] =	dma.local [hbm:s3], $0xF7A  }
0x26: {  	[smem:$0x3F97] =	sst s1;
	(tag) =	ssettag s2;
	_ =	strace s9  }
0x27: {  	s1 =	sld [smem:$0x3FA7]  }
0x28: {  	s2 =	sld [smem:$0x3FA8]  }
0x29: {  	s4 =	sld [smem:$0x3FAA]  }
0x2a: {  	p0 =	seq.s32 s5, $0x0;
	s5 =	sld [smem:$0x3FAB]  }
0x2b: {  	s6 =	sld [smem:$0x3FAC]  }
0x2c: {  	s7 =	sld [smem:$0x3FAD]  }
0x2d: {  	s3 =	simm.s32 $0x108;
	s8 =	sld [smem:$0x3FAE]  }
0x2e: {  	s3 =	simm.s32 @!p0 $0x1082;
	s9 =	sld [smem:$0x3FAF]  }
0x2f: {  	lr =	sadd.s32 s0, s3;
	s0 =	sld [smem:$0x3FA6]  }
0x30: {  	s3 =	sld [smem:$0x3FA9]  }
0x31: {  	[smem:$0x3FB2] =	sst s10  }
0x32: {  	s10 =	sld [smem:$0x3FB0];
	_ =	sdelay $0x3  }
0x33: {  	p0 =	seq.s32 s10, $0x1;
	s10 =	sld [smem:$0x3FB2];
	_ =	sdelay $0x3  }
0x34: {  	[smem:$0x3FB2] =	sst s10  }
0x35: {  	s10 =	sld [smem:$0x3FB1];
	_ =	sdelay $0x3  }
0x36: {  	p1 =	seq.s32 s10, $0x1;
	s10 =	sld [smem:$0x3FB2];
	_ =	sdelay $0x3  }
0x37: {  	[smem:$0x3FB2] =	sst s10  }
0x38: {  	s10 =	sld [smem:$0x3FB3]  }
0x39: {  	_ = 	snop;
	(pc) =	sbr.ind lr, $3  }
0x3a: {  	_ = 	snop  }
0x3b: {  	_ = 	snop  }
0x3c: {  	p2 =	seq.s32 s10, $0x1;
	s10 =	sld [smem:$0x3FB2]  }
0x3d: {  	_ =	shalt  }
0x3e: {  	_ =	shalt  }
0x3f: {  	_ =	shalt  }
0x40: {  	_ =	shalt  }
0x41: {  	_ =	shalt  }
0x42: {  	_ =	shalt  }
0x43: {  	_ =	shalt  }
0x44: {  	_ =	shalt  }
0x45: {  	_ =	shalt  }
0x46: {  	_ =	shalt  }
0x47: {  	_ =	shalt  }
0x48: {  	_ =	shalt  }
0x49: {  	_ =	shalt  }
0x4a: {  	_ =	shalt  }
0x4b: {  	_ =	shalt  }
0x4c: {  	_ =	shalt  }
0x4d: {  	_ =	shalt  }
0x4e: {  	_ =	shalt  }
0x4f: {  	_ =	shalt  }
0x50: {  	_ =	shalt  }
0x51: {  	_ =	shalt  }
0x52: {  	_ =	shalt  }
0x53: {  	_ =	shalt  }
0x54: {  	_ =	shalt  }
0x55: {  	_ =	shalt  }
0x56: {  	_ =	shalt  }
0x57: {  	_ =	shalt  }
0x58: {  	_ =	shalt  }
0x59: {  	_ =	shalt  }
0x5a: {  	_ =	shalt  }
0x5b: {  	_ =	shalt  }
0x5c: {  	_ =	shalt  }
0x5d: {  	_ =	shalt  }
0x5e: {  	_ =	shalt  }
0x5f: {  	_ =	shalt  }
0x60: {  	_ =	shalt  }
0x61: {  	_ =	shalt  }
0x62: {  	_ =	shalt  }
0x63: {  	_ =	shalt  }
0x64: {  	_ =	shalt  }
0x65: {  	_ =	shalt  }
0x66: {  	_ =	shalt  }
0x67: {  	_ =	shalt  }
0x68: {  	_ =	shalt  }
0x69: {  	_ =	shalt  }
0x6a: {  	_ =	shalt  }
0x6b: {  	_ =	shalt  }
0x6c: {  	_ =	shalt  }
0x6d: {  	_ =	shalt  }
0x6e: {  	_ =	shalt  }
0x6f: {  	_ =	shalt  }
0x70: {  	_ =	shalt  }
0x71: {  	_ =	shalt  }
0x72: {  	_ =	shalt  }
0x73: {  	_ =	shalt  }
0x74: {  	_ =	shalt  }
0x75: {  	_ =	shalt  }
0x76: {  	_ =	shalt  }
0x77: {  	_ =	shalt  }
0x78: {  	_ =	shalt  }
0x79: {  	_ =	shalt  }
0x7a: {  	_ =	shalt  }
0x7b: {  	_ =	shalt  }
0x7c: {  	_ =	shalt  }
0x7d: {  	_ =	shalt  }
0x7e: {  	_ =	shalt  }
0x7f: {  	_ =	shalt  }
0x80: {  	_ =	shalt  }
0x81: {  	_ =	shalt  }
0x82: {  	_ =	shalt  }
0x83: {  	_ =	shalt  }
0x84: {  	_ =	shalt  }
0x85: {  	_ =	shalt  }
0x86: {  	_ =	shalt  }
0x87: {  	_ =	shalt  }
.Lfunc_end0:
.L_simem_size_0:
called_computation_lowered:
.L_overlay_start_0:
0x88: {  	s2 =	sld [smem:$0x3FD9]  }
0x89: {  	s3 =	sld [smem:$0x3FFE];
	_ =	sdelay $0x1  }
0x8a: {  	s1 =	srdreg.scid  }
0x8b: {  	s0 =	sand.u32 $0x1, s1  }
0x8c: {  	s16 =	sshll.u32 s0, $0xA;
	s2 =	sadd.s32 s3, s2  }
0x8d: {  	s2 =	sadd.s32 s2, s16  }
0x8e: {  	[smem:$0x3FBE] =	sst s2  }
0x8f: {  	_ = 	snop  }
0x90: {  	(tm) =	ssettm $0x1  }
0x91: {  	s17 =	sld [smem:$0x3FFB];
	_ =	sdelay $0x3  }
0x92: {  	_ =	strace s17  }
0x93: {  	s2 =	sld [smem:$0x3FFC];
	_ =	sdelay $0x3  }
0x94: {  	_ =	strace s2  }
0x95: {  	s2 =	sld [smem:$0x3FFD];
	_ =	sdelay $0x3  }
0x96: {  	_ =	strace s2  }
0x97: {  	_ =	strace $0x8FFFFFFF  }
0x98: {  	s18 =	sld [smem:$0x3FDB];
	_ =	sdelay $0x1  }
0x99: {  	s19 =	simm.s32 $_scs_section_size  }
0x9a: {  	s4 =	simm.s32 $_size__tile_overlayer_lowered;
	s5 =	simm.s32 $_tile_overlayer_lowered  }
0x9b: {  	s22 =	simm.s32 $0x1BFF;
	s21 =	sshll.u32 s5, $0x1;
	s2 =	sadd.s32 s19, s18  }
0x9c: {  	s6 =	simm.s32 $0x0;
	s20 =	sshll.u32 s4, $0x1;
	s4 =	sadd.s32 s21, s2  }
0x9d: {  	[timem:s6], [sflag:s22] =	dma.local [hbm:s4], s20  }
0x9e: {  	_ =	swait.ge [sflag:s22], s20  }
0x9f: {  	s3 =	ssub.s32 $0x0, s20;
	[sflag:s22] =	ssyncset.done $0x0  }
0xa0: {  	[sflag:s22] =	ssyncadd.s32 s3;
	_ =	sdelay $0x1  }
0xa1: {  	s23 =	simm.s32 $0x1B8B  }
0xa2: {  	_ =	swait.ge [sflag:s23], $0x1  }
0xa3: {  	[sflag:s23] =	ssyncset.done $0x0  }
0xa4: {  	s25 =	simm.s32 $0x1B8E;
	s24 =	sld [smem:$0x3FFE];
	[sflag:s23] =	ssyncadd.s32 $0xFFFFFFFF  }
0xa5: {  	s26 =	simm.s32 $execute0_lowered;
	[smem:$0x3FD2] =	sst s25  }
0xa6: {  	s4 =	sshll.u32 s26, $0x1;
	_ =	strace $0x80000046;
	[dreg:$0x1] =	wrdreg $0xFFFFFFFF  }
0xa7: {  	s28 =	simm.s32 $_size_execute0_lowered;
	s2 =	sadd.s32 s2, s4;
	[dreg:$0x0] =	wrdreg $0x0  }
0xa8: {  	s4 =	sshll.u32 s28, $0x1;
	[dreg:$0x2] =	wrdreg s2  }
0xa9: {  	[dreg:$0x3] =	wrdreg s4  }
0xaa: {  	[dreg:$0x4] =	wrdreg $0xC0  }
0xab: {  	_ =	task [dreg:s6], $0x5FFFF  }
0xac: {  	[dreg:$0x1] =	wrdreg $0xFFFFFFFF  }
0xad: {  	[dreg:$0x0] =	wrdreg $0x60  }
0xae: {  	[dreg:$0x2] =	wrdreg s24  }
0xaf: {  	[dreg:$0x3] =	wrdreg $0x29E00  }
0xb0: {  	[dreg:$0x4] =	wrdreg $0x9  }
0xb1: {  	_ =	task.clear_ibuf [dreg:s6], $0x5FFFF;
	_ =	strace $0x90000046  }
0xb2: {  	s29 =	simm.s32 $0x9;
	_ =	strace $0x80000048  }
0xb3: {  	_ =	swait.ge [sflag:s29], $0x1  }
0xb4: {  	[sflag:s29] =	ssyncadd.s32 $0xFFFFFFFF  }
0xb5: {  	_ =	strace $0x90000048  }
0xb6: {  	_ =	sfence  }
0xb7: {  	s30 =	sld [smem:$0x0];
	_ =	sdelay $0x2  }
0xb8: {  	s31 =	sshll.u32 s1, $0xD;
	s1 =	sshrl.u32 s1, $0x2  }
0xb9: {  	s3 =	sand.u32 $0x4000, s31;
	s1 =	sadd.s32 s1, s30  }
0xba: {  	s0 =	sor.u32 s3, s0;
	s1 =	sshll.u32 s1, $0x11  }
0xbb: {  	s0 =	sor.u32 s1, s0  }
0xbc: {  	s0 =	sadd.s32 $0x8F2B, s0  }
0xbd: {  	[sflag:s0] =	ssyncadd.remote.s32 $0x1  }
0xbe: {  	_ =	sfence.sel $0xFFFF  }
0xbf: {  	[dreg:$0x0] =	wrdreg $0xFFFFFFFF;
	(pc) =	sbr.abs _section_cstart, $3  }
0xc0: {  	[dreg:$0x1] =	wrdreg $0xFFFFFFFF  }
0xc1: {  	_ =	task.clear_ibuf [dreg:s6], $0x2FFFF;
	_ =	strace $0x9FFFFFFF  }
0xc2: {  	(tm) =	ssettm $0x7FFFFFFF  }
0xc3: {  	_ =	shalt  }
tec
execute0_lowered:
.L_overlay_start_1:
0x0: {  	(tag) =	ssettag $0x1  }
0x1: {  	s4 =	rddreg [dreg:$0x0];
	s1 =	srdreg.scid  }
0x2: {  	s0 =	stileid.u32;
	s2 =	rddreg [dreg:$0x1]  }
0x3: {  	s3 =	simm.s32 $0x0;
	s12 =	simm.s32 $0x50;
	s13 =	simm.s32 $0x2710  }
0x4: {  	s14 =	simm.s32 $0x1;
	s5 =	sand.u32 $0x1, s1;
	s1 =	rddreg [dreg:$0x2]  }
0x5: {  	s15 =	simm.s32 $0x0;
	s6 =	sshll.u32 s0, $0x1;
	[smem:$0x7FF] =	sst s3  }
0x6: {  	s7 =	smul.u32 $0x270, s0;
	s10 =	sadd.s32 $0x16800, s4;
	p0 =	sne.s32 s0, $0xF  }
0x7: {  	s6 =	sor.u32 s5, s6;
	s8 =	ssub.s32 $0x2, s5;
	s9 =	smul.u32 $0x2710, s5  }
0x8: {  	_ =	strace $0x80000047;
	s6 =	smul.u32 $0x2710, s6;
	s28 =	sshrl.u32 s8, $0x1  }
0x9: {  	s5 =	sadd.s32 s7, s2;
	s11 =	ssub.s32 s8, s28;
	s29 =	sadd.s32 s7, s9  }
0xa: {  	s31 =	sshrl.u32 s9, $0x3;
	s6 =	sshrl.u32 s6, $0x3;
	s30 =	sshrl.u32 s29, $0x3  }
0xb: {  	s8 =	sadd.s32 s10, s31;
	s9 =	smax.u32 s11, $0x1;
	s11 =	simm.s32 $0x2760  }
0xc: {  	s4 =	sadd.s32 s4, s6;
	s6 =	sadd.s32 $0x2700, s2;
	s7 =	sadd.s32 s10, s30  }
0xd: {  	v0 =	vimm.f32 $1.000000000e+00;
	v1 =	vimm.f32 $0.0e+00;
	s8 =	sadd.s32 $0x4E0, s8;
	s10 =	simm.s32 $0x2;
	s4 =	sadd.s32 $0xCA40, s4  }
.LBB2_1:
0xe: {  	[tilespmem:$0x2710] =	vst v0  }
0xf: {  	[tilespmem:$0x2720] =	vst v0  }
0x10: {  	[tilespmem:$0x2730] =	vst v0  }
0x11: {  	[tilespmem:$0x2740] =	vst v0  }
0x12: {  	[tilespmem:$0x2750] =	vst v0  }
0x13: {  	[tilespmem:$0x2760] =	vst v1  }
0x14: {  	[tilespmem:$0x2770] =	vst v1  }
0x15: {  	[tilespmem:$0x2780] =	vst v1  }
0x16: {  	[tilespmem:$0x2790] =	vst v1  }
0x17: {  	[tilespmem:$0x27A0] =	vst v1  }
0x18: {  	[tilespmem:$0x27B0] =	vst v1  }
0x19: {  	[tilespmem:$0x27C0] =	vst v1  }
0x1a: {  	[tilespmem:$0x27D0] =	vst v1  }
0x1b: {  	[tilespmem:$0x27E0] =	vst v1  }
0x1c: {  	[tilespmem:$0x27F0] =	vst v1  }
0x1d: {  	[tilespmem:$0x2800] =	vst v1  }
0x1e: {  	[tilespmem:$0x2810] =	vst v1  }
0x1f: {  	[tilespmem:$0x2820] =	vst v1  }
0x20: {  	[tilespmem:$0x2830] =	vst v1  }
0x21: {  	[tilespmem:$0x2840] =	vst v1  }
0x22: {  	[tilespmem:$0x2850] =	vst v1  }
0x23: {  	[tilespmem:$0x2860] =	vst v1  }
0x24: {  	[tilespmem:$0x2870] =	vst v1  }
0x25: {  	[tilespmem:$0x2880] =	vst v1  }
0x26: {  	[tilespmem:$0x2890] =	vst v1  }
0x27: {  	[tilespmem:$0x28A0] =	vst v1  }
0x28: {  	[tilespmem:$0x28B0] =	vst v1  }
0x29: {  	[tilespmem:$0x28C0] =	vst v1  }
0x2a: {  	[tilespmem:$0x28D0] =	vst v1  }
0x2b: {  	[tilespmem:$0x28E0] =	vst v1  }
0x2c: {  	[tilespmem:$0x28F0] =	vst v1  }
0x2d: {  	[tilespmem:$0x2900] =	vst v1  }
0x2e: {  	[tilespmem:$0x2910] =	vst v1  }
0x2f: {  	[tilespmem:$0x2920] =	vst v1  }
0x30: {  	[tilespmem:$0x2930] =	vst v1  }
0x31: {  	[tilespmem:$0x2940] =	vst v1  }
0x32: {  	[tilespmem:$0x2950] =	vst v1  }
0x33: {  	[tilespmem:$0x2960] =	vst v1  }
0x34: {  	[tilespmem:$0x2970] =	vst v1  }
0x35: {  	[tilespmem:$0x2980] =	vst v1  }
0x36: {  	[tilespmem:$0x2990] =	vst v1  }
0x37: {  	[tilespmem:$0x29A0] =	vst v1  }
0x38: {  	[tilespmem:$0x29B0] =	vst v1  }
0x39: {  	[tilespmem:$0x29C0] =	vst v1  }
0x3a: {  	[tilespmem:$0x29D0] =	vst v1  }
0x3b: {  	[tilespmem:s3], [sflag:$0x2] =	stream.linear.gather [hbm4b:s4+s3], $0x2710, $0x38;
	[tilespmem:$0x2C58] =	vst v63  }
0x3c: {  	_ =	swait.ge [sflag:s10], $0x2710  }
0x3d: {  	[sflag:s10] =	ssyncset.done $0x0  }
0x3e: {  	[sflag:s10] =	ssyncadd.s32 $0xFFFFD8F0  }
0x3f: {  	[spmem:s5] =	stream.linear.scatter [tilespmem:s11], [sflag:$0x2], $0x270, $0x38;
	[tilespmem:$0x2C58] =	vst v63  }
0x40: {  	_ =	swait.ge [sflag:s10], $0x270  }
0x41: {  	[sflag:s10] =	ssyncset.done $0x0  }
0x42: {  	s16 =	simm.s32 @!p0 $0x29D0;
	[sflag:s10] =	ssyncadd.s32 $0xFFFFFD90  }
0x43: {  	[spmem:s6] =	stream.linear.scatter @!p0 [tilespmem:s16], [sflag:$0x2], $0x10, $0x38;
	[tilespmem:$0x2C58] =	vst v63  }
0x44: {  	s16 =	simm.s32 @!p0 $0x2  }
0x45: {  	_ =	swait.ge @!p0 [sflag:s16], $0x10  }
0x46: {  	[sflag:s16] =	ssyncset.done @!p0 $0x0  }
0x47: {  	[sflag:s16] =	ssyncadd.s32 @!p0 $0xFFFFFFF0  }
0x48: {  	s16 =	simm.s32 $0x0;
	[bflag:$0x0] =	sbarrier.arrive $0xFFFF  }
.LBB2_2:
0x49: {  	p1 =	sne.s32 s16, $0x9B00  }
.Ltmp0:
0x4a: {  	_ = 	snop;
	(pc) =	sbr.rel @p1 .LBB2_2-.Ltmp0, $3  }
0x4b: {  	_ =	sdelay $0x1  }
0x4c: {  	s17 =	sshra.s32 s16, $0x2;
	s16 =	sadd.s32 $0x140, s16  }
0x4d: {  	[spmem:s2] =	stream.indirect.scatter.add.f32 [tilespmem:s13], [sflag:$0x1], $0x1, s17, s12, $0xb8;
	[tilespmem:$0x2C58] =	vst v63  }
0x4e: {  	_ =	swait.ge [sflag:s14], $0x50  }
0x4f: {  	s16 =	simm.s32 $0x7C;
	[sflag:s14] =	ssyncset.done $0x0  }
.LBB2_4:
0x50: {  	p1 =	sne.s32 s16, $0x1;
	s16 =	sadd.s32 $0xFFFFFFFF, s16;
	[sflag:s14] =	ssyncadd.s32 $0xFFFFFFB0  }
.Ltmp1:
0x51: {  	(pc) =	sbr.rel @p1 .LBB2_4-.Ltmp1, $3  }
0x52: {  	_ =	sdelay $0x1  }
0x53: {  	_ =	swait.ge [sflag:s14], $0x50  }
0x54: {  	[sflag:s14] =	ssyncset.done $0x0  }
0x55: {  	[sflag:s14] =	ssyncadd.s32 $0xFFFFFFB0  }
0x56: {  	[bflag:$0x0] =	sbarrier.arrive $0xFFFF  }
0x57: {  	[tilespmem:s11], [sflag:$0x2] =	stream.linear.gather [spmem:s5], $0x270, $0x38;
	[tilespmem:$0x2C58] =	vst v63  }
0x58: {  	_ =	swait.ge [sflag:s10], $0x270  }
0x59: {  	[sflag:s10] =	ssyncset.done $0x0  }
0x5a: {  	[sflag:s10] =	ssyncadd.s32 $0xFFFFFD90  }
0x5b: {  	[hbm4b:s7+s3] =	stream.linear.scatter [tilespmem:s11], [sflag:$0x2], $0x270, $0x38;
	[tilespmem:$0x2C58] =	vst v63  }
0x5c: {  	_ =	swait.ge [sflag:s10], $0x270  }
0x5d: {  	[sflag:s10] =	ssyncset.done $0x0  }
0x5e: {  	s16 =	simm.s32 @!p0 $0x29D0;
	s17 =	simm.s32 @!p0 $0x2;
	[sflag:s10] =	ssyncadd.s32 $0xFFFFFD90  }
0x5f: {  	[tilespmem:s16], [sflag:$0x2] =	stream.linear.gather @!p0 [spmem:s6], $0x10, $0x38;
	[tilespmem:$0x2C58] =	vst v63  }
0x60: {  	s15 =	sadd.s32 $0x1, s15;
	_ =	swait.ge @!p0 [sflag:s17], $0x10  }
0x61: {  	p1 =	sne.s32 s15, s9;
	[sflag:s17] =	ssyncset.done @!p0 $0x0  }
.Ltmp2:
0x62: {  	s18 =	simm.s32 @!p0 $0x0;
	[sflag:s17] =	ssyncadd.s32 @!p0 $0xFFFFFFF0;
	(pc) =	sbr.rel @p1 .LBB2_1-.Ltmp2, $4  }
0x63: {  	[hbm4b:s8+s18] =	stream.linear.scatter @!p0 [tilespmem:s16], [sflag:$0x2], $0x10, $0x38;
	[tilespmem:$0x2C58] =	vst v63  }
0x64: {  	_ =	swait.ge @!p0 [sflag:s17], $0x10  }
0x65: {  	[sflag:s17] =	ssyncset.done @!p0 $0x0  }
0x66: {  	[sflag:s17] =	ssyncadd.s32 @!p0 $0xFFFFFFF0  }
0x67: {  	_ =	sfence.sel $0x180000  }
0x68: {  	[bflag:$0x0] =	sbarrier.arrive $0xFFFF  }
0x69: {  	p0 =	sne.s32 s0, $0x0;
	_ =	strace $0x90000047  }
0x6a: {  	s0 =	sadd.s32 @!p0 $0x100000, s1;
	[bflag:$0x2] =	sbarrier.arrive $0xFFFF  }
0x6b: {  	[sflag:s0] =	ssyncadd.tile.s32 @!p0 $0x1;
	_ =	shalt  }
.Lfunc_end2:
_tile_overlayer_lowered:
.L_overlay_start_2:
0x6c: {  	(tag) =	ssettag $0x2  }
0x6d: {  	s0 =	rddreg [dreg:$0x0];
	s2 =	stileid.u32  }
0x6e: {  	s1 =	rddreg [dreg:$0x1];
	p0 =	sne.s32 s2, $0x0  }
0x6f: {  	s3 =	rddreg [dreg:$0x2];
	[bflag:$0x3] =	sbarrier.arrive $0xFFFF;
	s2 =	simm.s32 @!p0 $0x1C02  }
0x70: {  	[timem:s3], [sflag:s2] =	dma.local @!p0 [hbm:s0], s1  }
0x71: {  	s0 =	simm.s32 @!p0 $0x2  }
0x72: {  	_ =	swait.ge @!p0 [sflag:s0], s1  }
0x73: {  	s1 =	ssub.s32 @!p0 $0x0, s1;
	[sflag:s0] =	ssyncset.done @!p0 $0x0  }
0x74: {  	[sflag:s0] =	ssyncadd.s32 @!p0 s1  }
0x75: {  	[bflag:$0x3] =	sbarrier.arrive $0xFFFF  }
0x76: {  	_ =	shalt  }

// kernel: kernel.13.cloned.1.call-start
scs
__scs_entry_jumppad:
0x0: {  	(pc) =	sbr.rel $0x88, $3  }
0x1: {  	(tag) =	ssettag $0x0;
	lr =	simm.s32 $0x1  }
0x2: {  	[smem:$0x3F97] =	sst lr;
	_ =	strace $0xD0000000  }
0x3: {  	_ = 	snop  }
0x4: {  	_ = 	snop  }
0x5: {  	_ = 	snop  }
0x6: {  	_ = 	snop  }
0x7: {  	_ = 	snop  }
__scs_overlays_trampoline_lowered:
0x8: {  	[smem:$0x3FA6] =	sst s0  }
0x9: {  	[smem:$0x3FA7] =	sst s1  }
0xa: {  	[smem:$0x3FA8] =	sst s2  }
0xb: {  	[smem:$0x3FA9] =	sst s3  }
0xc: {  	[smem:$0x3FAA] =	sst s4  }
0xd: {  	[smem:$0x3FAB] =	sst s5  }
0xe: {  	[smem:$0x3FAC] =	sst s6  }
0xf: {  	[smem:$0x3FAD] =	sst s7  }
0x10: {  	[smem:$0x3FAE] =	sst s8  }
0x11: {  	[smem:$0x3FAF] =	sst s9;
	s0 =	simm.s32 @!p0 $0x0  }
0x12: {  	s1 =	sld [smem:$0x3F95];
	s0 =	simm.s32 @p0 $0x1  }
0x13: {  	[smem:$0x3FB0] =	sst s0;
	s0 =	simm.s32 @!p1 $0x0  }
0x14: {  	s2 =	sld [smem:$0x3F94];
	s0 =	simm.s32 @p1 $0x1  }
0x15: {  	[smem:$0x3FB1] =	sst s0;
	s0 =	simm.s32 @!p2 $0x0  }
0x16: {  	s3 =	sld [smem:$0x3FDB];
	s0 =	simm.s32 @p2 $0x1  }
0x17: {  	s4 =	simm.s32 $0x1BF5;
	[smem:$0x3FB3] =	sst s0  }
0x18: {  	s0 =	sld [smem:$0x3F96];
	_ =	swait.ge [sflag:s4], $0x0  }
0x19: {  	s7 =	sld [smem:$0x3F97]  }
0x1a: {  	s8 =	sadd.s32 $0xFFFFE003, lr  }
0x1b: {  	s9 =	sadd.s32 $0xFFFFFEF7, lr;
	s5 =	simm.s32 $0xFFFFFFFF;
	p2 =	slt.u32 s8, $0xFFFFF086  }
0x1c: {  	p1 =	slt.u32 s9, $0xF7A;
	s5 =	simm.s32 @!p2 $0x0  }
0x1d: {  	s5 =	simm.s32 @p1 $0x1;
	p0 =	seq.s32 s7, s2  }
0x1e: {  	s7 =	smul.u32 @!p0 $0xF7A, s2;
	p2 =	seq.s32 @!p0 s5, $0x0  }
0x1f: {  	s9 =	smul.u32 $0xF7A, s1;
	s8 =	simm.s32 @!p0 $0x1BF5;
	p2 =	por !p2, p0  }
0x20: {  	[sflag:s8] =	ssyncset.s32 @!p0 $0xFFFFF086;
	s6 =	sadd.s32 @!p0 s3, s7;
	s7 =	simm.s32 @!p0 $0x108  }
0x21: {  	s3 =	sadd.s32 s3, s9;
	s6 =	sadd.s32 @!p0 $0x88, s6;
	s7 =	simm.s32 @p2 $0x1082  }
0x22: {  	[simem:s7], [sflag:s8] =	dma.local @!p0 [hbm:s6], $0xF7A  }
0x23: {  	s9 =	sor.u32 $0xD0000000, s2;
	s6 =	simm.s32 $0x108;
	_ =	swait.ge @!p0 [sflag:s8], $0x0  }
0x24: {  	s3 =	sadd.s32 $0x88, s3;
	s6 =	simm.s32 @!p1 $0x1082;
	[sflag:s4] =	ssyncset.s32 $0xFFFFF086  }
0x25: {  	[simem:s6], [sflag:s4] =	dma.local [hbm:s3], $0xF7A  }
0x26: {  	[smem:$0x3F97] =	sst s1;
	(tag) =	ssettag s2;
	_ =	strace s9  }
0x27: {  	s1 =	sld [smem:$0x3FA7]  }
0x28: {  	s2 =	sld [smem:$0x3FA8]  }
0x29: {  	s4 =	sld [smem:$0x3FAA]  }
0x2a: {  	p0 =	seq.s32 s5, $0x0;
	s5 =	sld [smem:$0x3FAB]  }
0x2b: {  	s6 =	sld [smem:$0x3FAC]  }
0x2c: {  	s7 =	sld [smem:$0x3FAD]  }
0x2d: {  	s3 =	simm.s32 $0x108;
	s8 =	sld [smem:$0x3FAE]  }
0x2e: {  	s3 =	simm.s32 @!p0 $0x1082;
	s9 =	sld [smem:$0x3FAF]  }
0x2f: {  	lr =	sadd.s32 s0, s3;
	s0 =	sld [smem:$0x3FA6]  }
0x30: {  	s3 =	sld [smem:$0x3FA9]  }
0x31: {  	[smem:$0x3FB2] =	sst s10  }
0x32: {  	s10 =	sld [smem:$0x3FB0];
	_ =	sdelay $0x3  }
0x33: {  	p0 =	seq.s32 s10, $0x1;
	s10 =	sld [smem:$0x3FB2];
	_ =	sdelay $0x3  }
0x34: {  	[smem:$0x3FB2] =	sst s10  }
0x35: {  	s10 =	sld [smem:$0x3FB1];
	_ =	sdelay $0x3  }
0x36: {  	p1 =	seq.s32 s10, $0x1;
	s10 =	sld [smem:$0x3FB2];
	_ =	sdelay $0x3  }
0x37: {  	[smem:$0x3FB2] =	sst s10  }
0x38: {  	s10 =	sld [smem:$0x3FB3]  }
0x39: {  	_ = 	snop;
	(pc) =	sbr.ind lr, $3  }
0x3a: {  	_ = 	snop  }
0x3b: {  	_ = 	snop  }
0x3c: {  	p2 =	seq.s32 s10, $0x1;
	s10 =	sld [smem:$0x3FB2]  }
0x3d: {  	_ =	shalt  }
0x3e: {  	_ =	shalt  }
0x3f: {  	_ =	shalt  }
0x40: {  	_ =	shalt  }
0x41: {  	_ =	shalt  }
0x42: {  	_ =	shalt  }
0x43: {  	_ =	shalt  }
0x44: {  	_ =	shalt  }
0x45: {  	_ =	shalt  }
0x46: {  	_ =	shalt  }
0x47: {  	_ =	shalt  }
0x48: {  	_ =	shalt  }
0x49: {  	_ =	shalt  }
0x4a: {  	_ =	shalt  }
0x4b: {  	_ =	shalt  }
0x4c: {  	_ =	shalt  }
0x4d: {  	_ =	shalt  }
0x4e: {  	_ =	shalt  }
0x4f: {  	_ =	shalt  }
0x50: {  	_ =	shalt  }
0x51: {  	_ =	shalt  }
0x52: {  	_ =	shalt  }
0x53: {  	_ =	shalt  }
0x54: {  	_ =	shalt  }
0x55: {  	_ =	shalt  }
0x56: {  	_ =	shalt  }
0x57: {  	_ =	shalt  }
0x58: {  	_ =	shalt  }
0x59: {  	_ =	shalt  }
0x5a: {  	_ =	shalt  }
0x5b: {  	_ =	shalt  }
0x5c: {  	_ =	shalt  }
0x5d: {  	_ =	shalt  }
0x5e: {  	_ =	shalt  }
0x5f: {  	_ =	shalt  }
0x60: {  	_ =	shalt  }
0x61: {  	_ =	shalt  }
0x62: {  	_ =	shalt  }
0x63: {  	_ =	shalt  }
0x64: {  	_ =	shalt  }
0x65: {  	_ =	shalt  }
0x66: {  	_ =	shalt  }
0x67: {  	_ =	shalt  }
0x68: {  	_ =	shalt  }
0x69: {  	_ =	shalt  }
0x6a: {  	_ =	shalt  }
0x6b: {  	_ =	shalt  }
0x6c: {  	_ =	shalt  }
0x6d: {  	_ =	shalt  }
0x6e: {  	_ =	shalt  }
0x6f: {  	_ =	shalt  }
0x70: {  	_ =	shalt  }
0x71: {  	_ =	shalt  }
0x72: {  	_ =	shalt  }
0x73: {  	_ =	shalt  }
0x74: {  	_ =	shalt  }
0x75: {  	_ =	shalt  }
0x76: {  	_ =	shalt  }
0x77: {  	_ =	shalt  }
0x78: {  	_ =	shalt  }
0x79: {  	_ =	shalt  }
0x7a: {  	_ =	shalt  }
0x7b: {  	_ =	shalt  }
0x7c: {  	_ =	shalt  }
0x7d: {  	_ =	shalt  }
0x7e: {  	_ =	shalt  }
0x7f: {  	_ =	shalt  }
0x80: {  	_ =	shalt  }
0x81: {  	_ =	shalt  }
0x82: {  	_ =	shalt  }
0x83: {  	_ =	shalt  }
0x84: {  	_ =	shalt  }
0x85: {  	_ =	shalt  }
0x86: {  	_ =	shalt  }
0x87: {  	_ =	shalt  }
.Lfunc_end0:
.L_simem_size_0:
called_computation.1_lowered:
.L_overlay_start_0:
0x88: {  	s2 =	sld [smem:$0x3FD9]  }
0x89: {  	s3 =	sld [smem:$0x3FFE];
	_ =	sdelay $0x1  }
0x8a: {  	s1 =	srdreg.scid  }
0x8b: {  	s0 =	sand.u32 $0x1, s1  }
0x8c: {  	s16 =	sshll.u32 s0, $0xA;
	s2 =	sadd.s32 s3, s2  }
0x8d: {  	s2 =	sadd.s32 s2, s16  }
0x8e: {  	[smem:$0x3FBE] =	sst s2  }
0x8f: {  	_ = 	snop  }
0x90: {  	(tm) =	ssettm $0x1  }
0x91: {  	s17 =	sld [smem:$0x3FFB];
	_ =	sdelay $0x3  }
0x92: {  	_ =	strace s17  }
0x93: {  	s2 =	sld [smem:$0x3FFC];
	_ =	sdelay $0x3  }
0x94: {  	_ =	strace s2  }
0x95: {  	s2 =	sld [smem:$0x3FFD];
	_ =	sdelay $0x3  }
0x96: {  	_ =	strace s2  }
0x97: {  	_ =	strace $0x8FFFFFFF  }
0x98: {  	s18 =	sld [smem:$0x3FDB];
	_ =	sdelay $0x1  }
0x99: {  	s19 =	simm.s32 $_scs_section_size  }
0x9a: {  	s4 =	simm.s32 $_size__tile_overlayer_lowered;
	s5 =	simm.s32 $_tile_overlayer_lowered  }
0x9b: {  	s22 =	simm.s32 $0x1BFF;
	s21 =	sshll.u32 s5, $0x1;
	s2 =	sadd.s32 s19, s18  }
0x9c: {  	s6 =	simm.s32 $0x0;
	s20 =	sshll.u32 s4, $0x1;
	s4 =	sadd.s32 s21, s2  }
0x9d: {  	[timem:s6], [sflag:s22] =	dma.local [hbm:s4], s20  }
0x9e: {  	_ =	swait.ge [sflag:s22], s20  }
0x9f: {  	s3 =	ssub.s32 $0x0, s20;
	[sflag:s22] =	ssyncset.done $0x0  }
0xa0: {  	[sflag:s22] =	ssyncadd.s32 s3;
	_ =	sdelay $0x1  }
0xa1: {  	s23 =	simm.s32 $0x1B8B  }
0xa2: {  	_ =	swait.ge [sflag:s23], $0x1  }
0xa3: {  	[sflag:s23] =	ssyncset.done $0x0  }
0xa4: {  	s25 =	simm.s32 $0x1B8E;
	s24 =	sld [smem:$0x3FFE];
	[sflag:s23] =	ssyncadd.s32 $0xFFFFFFFF  }
0xa5: {  	s26 =	simm.s32 $execute0_lowered;
	[smem:$0x3FD2] =	sst s25  }
0xa6: {  	s4 =	sshll.u32 s26, $0x1;
	_ =	strace $0x80000049;
	[dreg:$0x1] =	wrdreg $0xFFFFFFFF  }
0xa7: {  	s28 =	simm.s32 $_size_execute0_lowered;
	s2 =	sadd.s32 s2, s4;
	[dreg:$0x0] =	wrdreg $0x0  }
0xa8: {  	s4 =	sshll.u32 s28, $0x1;
	[dreg:$0x2] =	wrdreg s2  }
0xa9: {  	[dreg:$0x3] =	wrdreg s4  }
0xaa: {  	[dreg:$0x4] =	wrdreg $0xC0  }
0xab: {  	_ =	task [dreg:s6], $0x5FFFF  }
0xac: {  	[dreg:$0x1] =	wrdreg $0xFFFFFFFF  }
0xad: {  	[dreg:$0x0] =	wrdreg $0x60  }
0xae: {  	[dreg:$0x2] =	wrdreg s24  }
0xaf: {  	[dreg:$0x3] =	wrdreg $0x152200  }
0xb0: {  	[dreg:$0x4] =	wrdreg $0x9  }
0xb1: {  	_ =	task.clear_ibuf [dreg:s6], $0x5FFFF;
	_ =	strace $0x90000049  }
0xb2: {  	s29 =	simm.s32 $0x9;
	_ =	strace $0x8000004B  }
0xb3: {  	_ =	swait.ge [sflag:s29], $0x1  }
0xb4: {  	[sflag:s29] =	ssyncadd.s32 $0xFFFFFFFF  }
0xb5: {  	_ =	strace $0x9000004B  }
0xb6: {  	_ =	sfence  }
0xb7: {  	s30 =	sld [smem:$0x0];
	_ =	sdelay $0x2  }
0xb8: {  	s31 =	sshll.u32 s1, $0xD;
	s1 =	sshrl.u32 s1, $0x2  }
0xb9: {  	s3 =	sand.u32 $0x4000, s31;
	s1 =	sadd.s32 s1, s30  }
0xba: {  	s0 =	sor.u32 s3, s0;
	s1 =	sshll.u32 s1, $0x11  }
0xbb: {  	s0 =	sor.u32 s1, s0  }
0xbc: {  	s0 =	sadd.s32 $0x8F2B, s0  }
0xbd: {  	[sflag:s0] =	ssyncadd.remote.s32 $0x1  }
0xbe: {  	_ =	sfence.sel $0xFFFF  }
0xbf: {  	[dreg:$0x0] =	wrdreg $0xFFFFFFFF;
	(pc) =	sbr.abs _section_cstart, $3  }
0xc0: {  	[dreg:$0x1] =	wrdreg $0xFFFFFFFF  }
0xc1: {  	_ =	task.clear_ibuf [dreg:s6], $0x2FFFF;
	_ =	strace $0x9FFFFFFF  }
0xc2: {  	(tm) =	ssettm $0x7FFFFFFF  }
0xc3: {  	_ =	shalt  }
tec
execute0_lowered:
.L_overlay_start_1:
0x0: {  	(tag) =	ssettag $0x1  }
0x1: {  	s0 =	srdreg.scid;
	s1 =	rddreg [dreg:$0x0]  }
0x2: {  	s14 =	stileid.u32;
	s2 =	rddreg [dreg:$0x1];
	s16 =	simm.s32 $0x50  }
0x3: {  	s17 =	simm.s32 $0x4E20;
	s18 =	simm.s32 $0x6220;
	s20 =	simm.s32 $0x7620  }
0x4: {  	s22 =	simm.s32 $0x8A20;
	s28 =	simm.s32 $0x2;
	s29 =	simm.s32 $0x3  }
0x5: {  	s30 =	simm.s32 $0x4;
	s31 =	simm.s32 $0x5;
	s15 =	simm.s32 $0x8  }
0x6: {  	s19 =	simm.s32 $0x9;
	s21 =	simm.s32 $0xA;
	s0 =	sand.u32 $0x1, s0  }
0x7: {  	s3 =	sshll.u32 s14, $0x1;
	s12 =	sadd.s32 $0x2A200, s1;
	s8 =	smul.u32 $0x9C00, s14  }
0x8: {  	s9 =	smul.u32 $0x13800, s14;
	p0 =	sne.s32 s14, $0xF;
	s14 =	simm.s32 $0xB  }
0x9: {  	s4 =	sor.u32 s0, s3;
	s3 =	simm.s32 $0x0;
	s6 =	ssub.s32 $0x2, s0  }
0xa: {  	s10 =	sshll.u32 s0, $0x6;
	s0 =	sshll.u32 s0, $0x3;
	s4 =	smul.u32 $0x2710, s4  }
0xb: {  	[smem:$0x7FF] =	sst s3;
	s7 =	sshrl.u32 s6, $0x1;
	s24 =	sshrl.u32 s8, $0x3  }
0xc: {  	s8 =	sadd.s32 s8, s2;
	s25 =	sor.u32 s10, s9;
	s10 =	sadd.s32 $0x9C000, s2  }
0xd: {  	s0 =	sadd.s32 s0, s12;
	_ =	strace $0x8000004A;
	s6 =	ssub.s32 s6, s7  }
0xe: {  	s26 =	sshrl.u32 s25, $0x3;
	s25 =	simm.s32 $0xB220;
	s5 =	sshrl.u32 s4, $0x3  }
0xf: {  	s4 =	sadd.s32 $0x16800, s1;
	s11 =	sadd.s32 s12, s26;
	s12 =	sadd.s32 $0x27000, s0  }
0x10: {  	s13 =	smax.u32 s6, $0x1;
	s5 =	sadd.s32 s5, s1;
	s1 =	sadd.s32 $0x2A000, s1  }
0x11: {  	s26 =	simm.s32 $0x1;
	s23 =	sadd.s32 $0x2E00, s5;
	[dreg:$0x6] =	wrdreg s1  }
0x12: {  	s0 =	simm.s32 $0x7;
	s5 =	sadd.s32 $0xCA40, s5;
	[dreg:$0x3] =	wrdreg s23  }
0x13: {  	s1 =	simm.s32 $0x6;
	[dreg:$0x4] =	wrdreg s5;
	s5 =	sadd.s32 s4, s24  }
0x14: {  	s24 =	simm.s32 $0x9E20;
	s23 =	simm.s32 $0x0;
	[dreg:$0x5] =	wrdreg s5  }
.LBB2_1:
0x15: {  	s5 =	rddreg [dreg:$0x3]  }
0x16: {  	[tilespmem:s3], [sflag:$0xB] =	stream.linear.gather [hbm4b:s5+s3], $0x2710, $0x38;
	[tilespmem:$0x1EE60] =	vst v63  }
0x17: {  	_ =	swait.ge [sflag:s14], $0x2710  }
0x18: {  	[sflag:s14] =	ssyncset.done $0x0  }
0x19: {  	s6 =	simm.s32 $0x2710;
	s7 =	rddreg [dreg:$0x4];
	[sflag:s14] =	ssyncadd.s32 $0xFFFFD8F0  }
0x1a: {  	[tilespmem:s6], [sflag:$0xB] =	stream.linear.gather [hbm4b:s7+s3], $0x2710, $0x38;
	[tilespmem:$0x1EE60] =	vst v63  }
0x1b: {  	_ =	swait.ge [sflag:s14], $0x2710  }
0x1c: {  	[sflag:s14] =	ssyncset.done $0x0  }
0x1d: {  	[sflag:s14] =	ssyncadd.s32 $0xFFFFD8F0  }
0x1e: {  	[tilespmem:s17], [sflag:$0x1] =	stream.indirect.gather [hbm4b:s4+s16], $0x40, s3, s16, $0xb8;
	[tilespmem:$0x1EE60] =	vst v63  }
0x1f: {  	_ = 	snop  }
0x20: {  	[tilespmem:s18], [sflag:$0x2] =	stream.indirect.gather [hbm4b:s4+s16], $0x40, s16, s16, $0xb8;
	[tilespmem:$0x1EE60] =	vst v63  }
0x21: {  	s9 =	simm.s32 $0xA0  }
0x22: {  	[tilespmem:s20], [sflag:$0x3] =	stream.indirect.gather [hbm4b:s4+s16], $0x40, s9, s16, $0xb8;
	[tilespmem:$0x1EE60] =	vst v63  }
0x23: {  	s6 =	simm.s32 $0xF0  }
0x24: {  	[tilespmem:s22], [sflag:$0x4] =	stream.indirect.gather [hbm4b:s4+s16], $0x40, s6, s16, $0xb8;
	[tilespmem:$0x1EE60] =	vst v63  }
0x25: {  	s7 =	simm.s32 $0x140  }
0x26: {  	[tilespmem:s24], [sflag:$0x5] =	stream.indirect.gather [hbm4b:s4+s16], $0x40, s7, s16, $0xb8;
	[tilespmem:$0x1EE60] =	vst v63  }
0x27: {  	s9 =	rddreg [dreg:$0x5]  }
0x28: {  	[tilespmem:s25], [sflag:$0xB] =	stream.linear.gather [hbm4b:s9+s3], $0x9C00, $0x38;
	[tilespmem:$0x1EE60] =	vst v63  }
0x29: {  	_ =	swait.ge [sflag:s14], $0x9C00  }
0x2a: {  	[sflag:s14] =	ssyncset.done $0x0  }
0x2b: {  	[sflag:s14] =	ssyncadd.s32 $0xFFFF6400  }
0x2c: {  	[spmem:s8] =	stream.linear.scatter [tilespmem:s25], [sflag:$0xB], $0x9C00, $0x38;
	[tilespmem:$0x1EE60] =	vst v63  }
0x2d: {  	_ =	swait.ge [sflag:s14], $0x9C00  }
0x2e: {  	s5 =	simm.s32 @!p0 $0x0;
	[sflag:s14] =	ssyncset.done $0x0  }
0x2f: {  	s6 =	simm.s32 @!p0 $0x14E20;
	s7 =	rddreg [dreg:$0x6];
	[sflag:s14] =	ssyncadd.s32 $0xFFFF6400  }
0x30: {  	[tilespmem:s6], [sflag:$0xB] =	stream.linear.gather @!p0 [hbm4b:s7+s5], $0x400, $0x38;
	[tilespmem:$0x1EE60] =	vst v63  }
0x31: {  	s5 =	simm.s32 @!p0 $0xB  }
0x32: {  	_ =	swait.ge @!p0 [sflag:s5], $0x400  }
0x33: {  	[sflag:s5] =	ssyncset.done @!p0 $0x0  }
0x34: {  	[sflag:s5] =	ssyncadd.s32 @!p0 $0xFFFFFC00  }
0x35: {  	[spmem:s10] =	stream.linear.scatter @!p0 [tilespmem:s6], [sflag:$0xB], $0x400, $0x38;
	[tilespmem:$0x1EE60] =	vst v63  }
0x36: {  	_ =	swait.ge @!p0 [sflag:s5], $0x400  }
0x37: {  	[sflag:s5] =	ssyncset.done @!p0 $0x0  }
0x38: {  	[sflag:s5] =	ssyncadd.s32 @!p0 $0xFFFFFC00  }
0x39: {  	[bflag:$0x0] =	sbarrier.arrive $0xFFFF  }
0x3a: {  	_ =	swait.ge [sflag:s26], $0x1400  }
0x3b: {  	[sflag:s26] =	ssyncset.done $0x0  }
0x3c: {  	s6 =	simm.s32 $0x2710;
	[sflag:s26] =	ssyncadd.s32 $0xFFFFEC00  }
0x3d: {  	[spmem:s2] =	stream.indirect.scatter.add.f32 [tilespmem:s17], [sflag:$0x6], $0x40, s6, s16, $0xb8;
	[tilespmem:$0x1EE60] =	vst v63  }
0x3e: {  	_ =	swait.ge [sflag:s28], $0x1400  }
0x3f: {  	[sflag:s28] =	ssyncset.done $0x0  }
0x40: {  	s7 =	simm.s32 $0x2760;
	[sflag:s28] =	ssyncadd.s32 $0xFFFFEC00  }
0x41: {  	[spmem:s2] =	stream.indirect.scatter.add.f32 [tilespmem:s18], [sflag:$0x7], $0x40, s7, s16, $0xb8;
	[tilespmem:$0x1EE60] =	vst v63  }
0x42: {  	_ =	swait.ge [sflag:s29], $0x1400  }
0x43: {  	[sflag:s29] =	ssyncset.done $0x0  }
0x44: {  	s9 =	simm.s32 $0x27B0;
	[sflag:s29] =	ssyncadd.s32 $0xFFFFEC00  }
0x45: {  	[spmem:s2] =	stream.indirect.scatter.add.f32 [tilespmem:s20], [sflag:$0x8], $0x40, s9, s16, $0xb8;
	[tilespmem:$0x1EE60] =	vst v63  }
0x46: {  	_ =	swait.ge [sflag:s30], $0x1400  }
0x47: {  	[sflag:s30] =	ssyncset.done $0x0  }
0x48: {  	s6 =	simm.s32 $0x2800;
	[sflag:s30] =	ssyncadd.s32 $0xFFFFEC00  }
0x49: {  	[spmem:s2] =	stream.indirect.scatter.add.f32 [tilespmem:s22], [sflag:$0x9], $0x40, s6, s16, $0xb8;
	[tilespmem:$0x1EE60] =	vst v63  }
0x4a: {  	_ =	swait.ge [sflag:s31], $0x1400  }
0x4b: {  	[sflag:s31] =	ssyncset.done $0x0  }
0x4c: {  	s7 =	simm.s32 $0x2850;
	[sflag:s31] =	ssyncadd.s32 $0xFFFFEC00  }
0x4d: {  	[spmem:s2] =	stream.indirect.scatter.add.f32 [tilespmem:s24], [sflag:$0xA], $0x40, s7, s16, $0xb8;
	[tilespmem:$0x1EE60] =	vst v63  }
0x4e: {  	_ =	swait.ge [sflag:s1], $0x1400  }
0x4f: {  	[sflag:s1] =	ssyncset.done $0x0  }
0x50: {  	s9 =	simm.s32 $0x190;
	[sflag:s1] =	ssyncadd.s32 $0xFFFFEC00  }
0x51: {  	[tilespmem:s17], [sflag:$0x1] =	stream.indirect.gather [hbm4b:s4+s16], $0x40, s9, s16, $0xb8;
	[tilespmem:$0x1EE60] =	vst v63  }
0x52: {  	_ =	swait.ge [sflag:s0], $0x1400  }
0x53: {  	[sflag:s0] =	ssyncset.done $0x0  }
0x54: {  	s6 =	simm.s32 $0x1E0;
	[sflag:s0] =	ssyncadd.s32 $0xFFFFEC00  }
0x55: {  	[tilespmem:s18], [sflag:$0x2] =	stream.indirect.gather [hbm4b:s4+s16], $0x40, s6, s16, $0xb8;
	[tilespmem:$0x1EE60] =	vst v63  }
0x56: {  	_ =	swait.ge [sflag:s15], $0x1400  }
0x57: {  	[sflag:s15] =	ssyncset.done $0x0  }
0x58: {  	s7 =	simm.s32 $0x230;
	[sflag:s15] =	ssyncadd.s32 $0xFFFFEC00  }
0x59: {  	[tilespmem:s20], [sflag:$0x3] =	stream.indirect.gather [hbm4b:s4+s16], $0x40, s7, s16, $0xb8;
	[tilespmem:$0x1EE60] =	vst v63  }
0x5a: {  	_ =	swait.ge [sflag:s19], $0x1400  }
0x5b: {  	[sflag:s19] =	ssyncset.done $0x0  }
0x5c: {  	s9 =	simm.s32 $0x280;
	[sflag:s19] =	ssyncadd.s32 $0xFFFFEC00  }
0x5d: {  	[tilespmem:s22], [sflag:$0x4] =	stream.indirect.gather [hbm4b:s4+s16], $0x40, s9, s16, $0xb8;
	[tilespmem:$0x1EE60] =	vst v63  }
0x5e: {  	_ =	swait.ge [sflag:s21], $0x1400  }
0x5f: {  	[sflag:s21] =	ssyncset.done $0x0  }
0x60: {  	s5 =	simm.s32 $0x640;
	s6 =	simm.s32 $0x2D0;
	[sflag:s21] =	ssyncadd.s32 $0xFFFFEC00  }
.LBB2_2:
0x61: {  	[tilespmem:s24], [sflag:$0x5] =	stream.indirect.gather [hbm4b:s4+s16], $0x40, s6, s16, $0xb8;
	[tilespmem:$0x1EE60] =	vst v63  }
0x62: {  	s6 =	smov.u32 s5  }
0x63: {  	p1 =	sne.s32 s5, $0x8FC0;
	s5 =	sadd.s32 $0x640, s5;
	_ =	swait.ge [sflag:s26], $0x1400  }
0x64: {  	s6 =	sshra.s32 s6, $0x2;
	[sflag:s26] =	ssyncset.done $0x0  }
0x65: {  	s7 =	sadd.s32 $0x2710, s6;
	[sflag:s26] =	ssyncadd.s32 $0xFFFFEC00  }
0x66: {  	[spmem:s2] =	stream.indirect.scatter.add.f32 [tilespmem:s17], [sflag:$0x6], $0x40, s7, s16, $0xb8;
	[tilespmem:$0x1EE60] =	vst v63  }
0x67: {  	_ =	swait.ge [sflag:s28], $0x1400  }
0x68: {  	[sflag:s28] =	ssyncset.done $0x0  }
0x69: {  	s7 =	sadd.s32 $0x2760, s6;
	[sflag:s28] =	ssyncadd.s32 $0xFFFFEC00  }
0x6a: {  	[spmem:s2] =	stream.indirect.scatter.add.f32 [tilespmem:s18], [sflag:$0x7], $0x40, s7, s16, $0xb8;
	[tilespmem:$0x1EE60] =	vst v63  }
0x6b: {  	_ =	swait.ge [sflag:s29], $0x1400  }
0x6c: {  	[sflag:s29] =	ssyncset.done $0x0  }
0x6d: {  	s7 =	sadd.s32 $0x27B0, s6;
	[sflag:s29] =	ssyncadd.s32 $0xFFFFEC00  }
0x6e: {  	[spmem:s2] =	stream.indirect.scatter.add.f32 [tilespmem:s20], [sflag:$0x8], $0x40, s7, s16, $0xb8;
	[tilespmem:$0x1EE60] =	vst v63  }
0x6f: {  	_ =	swait.ge [sflag:s30], $0x1400  }
0x70: {  	[sflag:s30] =	ssyncset.done $0x0  }
0x71: {  	s7 =	sadd.s32 $0x2800, s6;
	[sflag:s30] =	ssyncadd.s32 $0xFFFFEC00  }
0x72: {  	[spmem:s2] =	stream.indirect.scatter.add.f32 [tilespmem:s22], [sflag:$0x9], $0x40, s7, s16, $0xb8;
	[tilespmem:$0x1EE60] =	vst v63  }
0x73: {  	_ =	swait.ge [sflag:s31], $0x1400  }
0x74: {  	[sflag:s31] =	ssyncset.done $0x0  }
0x75: {  	s7 =	sadd.s32 $0x2850, s6;
	[sflag:s31] =	ssyncadd.s32 $0xFFFFEC00  }
0x76: {  	[spmem:s2] =	stream.indirect.scatter.add.f32 [tilespmem:s24], [sflag:$0xA], $0x40, s7, s16, $0xb8;
	[tilespmem:$0x1EE60] =	vst v63  }
0x77: {  	_ =	swait.ge [sflag:s1], $0x1400  }
0x78: {  	[sflag:s1] =	ssyncset.done $0x0  }
0x79: {  	s7 =	sadd.s32 $0x190, s6;
	[sflag:s1] =	ssyncadd.s32 $0xFFFFEC00  }
0x7a: {  	[tilespmem:s17], [sflag:$0x1] =	stream.indirect.gather [hbm4b:s4+s16], $0x40, s7, s16, $0xb8;
	[tilespmem:$0x1EE60] =	vst v63  }
0x7b: {  	_ =	swait.ge [sflag:s0], $0x1400  }
0x7c: {  	[sflag:s0] =	ssyncset.done $0x0  }
0x7d: {  	s7 =	sadd.s32 $0x1E0, s6;
	[sflag:s0] =	ssyncadd.s32 $0xFFFFEC00  }
0x7e: {  	[tilespmem:s18], [sflag:$0x2] =	stream.indirect.gather [hbm4b:s4+s16], $0x40, s7, s16, $0xb8;
	[tilespmem:$0x1EE60] =	vst v63  }
0x7f: {  	_ =	swait.ge [sflag:s15], $0x1400  }
0x80: {  	[sflag:s15] =	ssyncset.done $0x0  }
0x81: {  	s7 =	sadd.s32 $0x230, s6;
	[sflag:s15] =	ssyncadd.s32 $0xFFFFEC00  }
0x82: {  	[tilespmem:s20], [sflag:$0x3] =	stream.indirect.gather [hbm4b:s4+s16], $0x40, s7, s16, $0xb8;
	[tilespmem:$0x1EE60] =	vst v63  }
0x83: {  	_ =	swait.ge [sflag:s19], $0x1400  }
0x84: {  	[sflag:s19] =	ssyncset.done $0x0  }
.Ltmp0:
0x85: {  	s7 =	sadd.s32 $0x280, s6;
	[sflag:s19] =	ssyncadd.s32 $0xFFFFEC00;
	(pc) =	sbr.rel @p1 .LBB2_2-.Ltmp0, $4  }
0x86: {  	[tilespmem:s22], [sflag:$0x4] =	stream.indirect.gather [hbm4b:s4+s16], $0x40, s7, s16, $0xb8;
	[tilespmem:$0x1EE60] =	vst v63  }
0x87: {  	_ =	swait.ge [sflag:s21], $0x1400  }
0x88: {  	[sflag:s21] =	ssyncset.done $0x0  }
0x89: {  	s6 =	sadd.s32 $0x2D0, s6;
	[sflag:s21] =	ssyncadd.s32 $0xFFFFEC00  }
0x8a: {  	[tilespmem:s24], [sflag:$0x5] =	stream.indirect.gather [hbm4b:s4+s16], $0x40, s6, s16, $0xb8;
	[tilespmem:$0x1EE60] =	vst v63  }
0x8b: {  	_ =	swait.ge [sflag:s26], $0x1400  }
0x8c: {  	[sflag:s26] =	ssyncset.done $0x0  }
0x8d: {  	s5 =	simm.s32 $0x4C90;
	[sflag:s26] =	ssyncadd.s32 $0xFFFFEC00  }
0x8e: {  	[spmem:s2] =	stream.indirect.scatter.add.f32 [tilespmem:s17], [sflag:$0x6], $0x40, s5, s16, $0xb8;
	[tilespmem:$0x1EE60] =	vst v63  }
0x8f: {  	_ =	swait.ge [sflag:s28], $0x1400  }
0x90: {  	[sflag:s28] =	ssyncset.done $0x0  }
0x91: {  	s6 =	simm.s32 $0x4CE0;
	[sflag:s28] =	ssyncadd.s32 $0xFFFFEC00  }
0x92: {  	[spmem:s2] =	stream.indirect.scatter.add.f32 [tilespmem:s18], [sflag:$0x7], $0x40, s6, s16, $0xb8;
	[tilespmem:$0x1EE60] =	vst v63  }
0x93: {  	_ =	swait.ge [sflag:s29], $0x1400  }
0x94: {  	[sflag:s29] =	ssyncset.done $0x0  }
0x95: {  	s7 =	simm.s32 $0x4D30;
	[sflag:s29] =	ssyncadd.s32 $0xFFFFEC00  }
0x96: {  	[spmem:s2] =	stream.indirect.scatter.add.f32 [tilespmem:s20], [sflag:$0x8], $0x40, s7, s16, $0xb8;
	[tilespmem:$0x1EE60] =	vst v63  }
0x97: {  	_ =	swait.ge [sflag:s30], $0x1400  }
0x98: {  	[sflag:s30] =	ssyncset.done $0x0  }
0x99: {  	s9 =	simm.s32 $0x4D80;
	[sflag:s30] =	ssyncadd.s32 $0xFFFFEC00  }
0x9a: {  	[spmem:s2] =	stream.indirect.scatter.add.f32 [tilespmem:s22], [sflag:$0x9], $0x40, s9, s16, $0xb8;
	[tilespmem:$0x1EE60] =	vst v63  }
0x9b: {  	_ =	swait.ge [sflag:s31], $0x1400  }
0x9c: {  	[sflag:s31] =	ssyncset.done $0x0  }
0x9d: {  	s6 =	simm.s32 $0x4DD0;
	[sflag:s31] =	ssyncadd.s32 $0xFFFFEC00  }
0x9e: {  	[spmem:s2] =	stream.indirect.scatter.add.f32 [tilespmem:s24], [sflag:$0xA], $0x40, s6, s16, $0xb8;
	[tilespmem:$0x1EE60] =	vst v63  }
0x9f: {  	_ =	swait.ge [sflag:s1], $0x1400  }
0xa0: {  	[sflag:s1] =	ssyncset.done $0x0  }
0xa1: {  	[sflag:s1] =	ssyncadd.s32 $0xFFFFEC00  }
0xa2: {  	_ =	swait.ge [sflag:s0], $0x1400  }
0xa3: {  	[sflag:s0] =	ssyncset.done $0x0  }
0xa4: {  	[sflag:s0] =	ssyncadd.s32 $0xFFFFEC00  }
0xa5: {  	_ =	swait.ge [sflag:s15], $0x1400  }
0xa6: {  	[sflag:s15] =	ssyncset.done $0x0  }
0xa7: {  	[sflag:s15] =	ssyncadd.s32 $0xFFFFEC00  }
0xa8: {  	_ =	swait.ge [sflag:s19], $0x1400  }
0xa9: {  	[sflag:s19] =	ssyncset.done $0x0  }
0xaa: {  	[sflag:s19] =	ssyncadd.s32 $0xFFFFEC00  }
0xab: {  	_ =	swait.ge [sflag:s21], $0x1400  }
0xac: {  	[sflag:s21] =	ssyncset.done $0x0  }
0xad: {  	[sflag:s21] =	ssyncadd.s32 $0xFFFFEC00  }
0xae: {  	[bflag:$0x0] =	sbarrier.arrive $0xFFFF  }
0xaf: {  	[tilespmem:s25], [sflag:$0xB] =	stream.linear.gather [spmem:s8], $0x9C00, $0x38;
	[tilespmem:$0x1EE60] =	vst v63  }
0xb0: {  	_ =	swait.ge [sflag:s14], $0x9C00  }
0xb1: {  	[sflag:s14] =	ssyncset.done $0x0  }
0xb2: {  	s7 =	simm.s32 $0x40;
	s9 =	simm.s32 $0x80;
	[sflag:s14] =	ssyncadd.s32 $0xFFFF6400  }
0xb3: {  	[hbm4b:s11+s7] =	stream.strided.scatter [tilespmem:s25], [sflag:$0xB], $0x9C00, s9, s7, $0x38;
	[tilespmem:$0x1EE60] =	vst v63  }
0xb4: {  	_ =	swait.ge [sflag:s14], $0x9C00  }
0xb5: {  	[sflag:s14] =	ssyncset.done $0x0  }
0xb6: {  	s5 =	simm.s32 @!p0 $0x14E20;
	s6 =	simm.s32 @!p0 $0xB;
	[sflag:s14] =	ssyncadd.s32 $0xFFFF6400  }
0xb7: {  	[tilespmem:s5], [sflag:$0xB] =	stream.linear.gather @!p0 [spmem:s10], $0x400, $0x38;
	[tilespmem:$0x1EE60] =	vst v63  }
0xb8: {  	s23 =	sadd.s32 $0x1, s23;
	_ =	swait.ge @!p0 [sflag:s6], $0x400  }
0xb9: {  	p1 =	sne.s32 s23, s13;
	s7 =	simm.s32 @!p0 $0x40;
	[sflag:s6] =	ssyncset.done @!p0 $0x0  }
.Ltmp1:
0xba: {  	s9 =	simm.s32 @!p0 $0x80;
	[sflag:s6] =	ssyncadd.s32 @!p0 $0xFFFFFC00;
	(pc) =	sbr.rel @p1 .LBB2_1-.Ltmp1, $4  }
0xbb: {  	[hbm4b:s12+s7] =	stream.strided.scatter @!p0 [tilespmem:s5], [sflag:$0xB], $0x400, s9, s7, $0x38;
	[tilespmem:$0x1EE60] =	vst v63  }
0xbc: {  	_ =	swait.ge @!p0 [sflag:s6], $0x400  }
0xbd: {  	[sflag:s6] =	ssyncset.done @!p0 $0x0  }
0xbe: {  	[sflag:s6] =	ssyncadd.s32 @!p0 $0xFFFFFC00  }
0xbf: {  	_ =	sfence.sel $0x180000  }
0xc0: {  	[bflag:$0x0] =	sbarrier.arrive $0xFFFF  }
0xc1: {  	_ =	strace $0x9000004A  }
0xc2: {  	s0 =	stileid.u32;
	[bflag:$0x2] =	sbarrier.arrive $0xFFFF  }
0xc3: {  	p0 =	sne.s32 s0, $0x0;
	s0 =	rddreg [dreg:$0x2]  }
0xc4: {  	s0 =	sadd.s32 @!p0 $0x100000, s0  }
0xc5: {  	[sflag:s0] =	ssyncadd.tile.s32 @!p0 $0x1;
	_ =	shalt  }
.Lfunc_end2:
_tile_overlayer_lowered:
.L_overlay_start_2:
0xc6: {  	(tag) =	ssettag $0x2  }
0xc7: {  	s0 =	rddreg [dreg:$0x0];
	s2 =	stileid.u32  }
0xc8: {  	s1 =	rddreg [dreg:$0x1];
	p0 =	sne.s32 s2, $0x0  }
0xc9: {  	s3 =	rddreg [dreg:$0x2];
	[bflag:$0x3] =	sbarrier.arrive $0xFFFF;
	s2 =	simm.s32 @!p0 $0x1C0B  }
0xca: {  	[timem:s3], [sflag:s2] =	dma.local @!p0 [hbm:s0], s1  }
0xcb: {  	s0 =	simm.s32 @!p0 $0xB  }
0xcc: {  	_ =	swait.ge @!p0 [sflag:s0], s1  }
0xcd: {  	s1 =	ssub.s32 @!p0 $0x0, s1;
	[sflag:s0] =	ssyncset.done @!p0 $0x0  }
0xce: {  	[sflag:s0] =	ssyncadd.s32 @!p0 s1  }
0xcf: {  	[bflag:$0x3] =	sbarrier.arrive $0xFFFF  }
0xd0: {  	_ =	shalt  }

// kernel: kernel.16.cloned.1.call-start
scs
__scs_entry_jumppad:
0x0: {  	(pc) =	sbr.rel $0x88, $3  }
0x1: {  	(tag) =	ssettag $0x0;
	lr =	simm.s32 $0x1  }
0x2: {  	[smem:$0x3F97] =	sst lr;
	_ =	strace $0xD0000000  }
0x3: {  	_ = 	snop  }
0x4: {  	_ = 	snop  }
0x5: {  	_ = 	snop  }
0x6: {  	_ = 	snop  }
0x7: {  	_ = 	snop  }
__scs_overlays_trampoline_lowered:
0x8: {  	[smem:$0x3FA6] =	sst s0  }
0x9: {  	[smem:$0x3FA7] =	sst s1  }
0xa: {  	[smem:$0x3FA8] =	sst s2  }
0xb: {  	[smem:$0x3FA9] =	sst s3  }
0xc: {  	[smem:$0x3FAA] =	sst s4  }
0xd: {  	[smem:$0x3FAB] =	sst s5  }
0xe: {  	[smem:$0x3FAC] =	sst s6  }
0xf: {  	[smem:$0x3FAD] =	sst s7  }
0x10: {  	[smem:$0x3FAE] =	sst s8  }
0x11: {  	[smem:$0x3FAF] =	sst s9;
	s0 =	simm.s32 @!p0 $0x0  }
0x12: {  	s1 =	sld [smem:$0x3F95];
	s0 =	simm.s32 @p0 $0x1  }
0x13: {  	[smem:$0x3FB0] =	sst s0;
	s0 =	simm.s32 @!p1 $0x0  }
0x14: {  	s2 =	sld [smem:$0x3F94];
	s0 =	simm.s32 @p1 $0x1  }
0x15: {  	[smem:$0x3FB1] =	sst s0;
	s0 =	simm.s32 @!p2 $0x0  }
0x16: {  	s3 =	sld [smem:$0x3FDB];
	s0 =	simm.s32 @p2 $0x1  }
0x17: {  	s4 =	simm.s32 $0x1BF5;
	[smem:$0x3FB3] =	sst s0  }
0x18: {  	s0 =	sld [smem:$0x3F96];
	_ =	swait.ge [sflag:s4], $0x0  }
0x19: {  	s7 =	sld [smem:$0x3F97]  }
0x1a: {  	s8 =	sadd.s32 $0xFFFFE003, lr  }
0x1b: {  	s9 =	sadd.s32 $0xFFFFFEF7, lr;
	s5 =	simm.s32 $0xFFFFFFFF;
	p2 =	slt.u32 s8, $0xFFFFF086  }
0x1c: {  	p1 =	slt.u32 s9, $0xF7A;
	s5 =	simm.s32 @!p2 $0x0  }
0x1d: {  	s5 =	simm.s32 @p1 $0x1;
	p0 =	seq.s32 s7, s2  }
0x1e: {  	s7 =	smul.u32 @!p0 $0xF7A, s2;
	p2 =	seq.s32 @!p0 s5, $0x0  }
0x1f: {  	s9 =	smul.u32 $0xF7A, s1;
	s8 =	simm.s32 @!p0 $0x1BF5;
	p2 =	por !p2, p0  }
0x20: {  	[sflag:s8] =	ssyncset.s32 @!p0 $0xFFFFF086;
	s6 =	sadd.s32 @!p0 s3, s7;
	s7 =	simm.s32 @!p0 $0x108  }
0x21: {  	s3 =	sadd.s32 s3, s9;
	s6 =	sadd.s32 @!p0 $0x88, s6;
	s7 =	simm.s32 @p2 $0x1082  }
0x22: {  	[simem:s7], [sflag:s8] =	dma.local @!p0 [hbm:s6], $0xF7A  }
0x23: {  	s9 =	sor.u32 $0xD0000000, s2;
	s6 =	simm.s32 $0x108;
	_ =	swait.ge @!p0 [sflag:s8], $0x0  }
0x24: {  	s3 =	sadd.s32 $0x88, s3;
	s6 =	simm.s32 @!p1 $0x1082;
	[sflag:s4] =	ssyncset.s32 $0xFFFFF086  }
0x25: {  	[simem:s6], [sflag:s4] =	dma.local [hbm:s3], $0xF7A  }
0x26: {  	[smem:$0x3F97] =	sst s1;
	(tag) =	ssettag s2;
	_ =	strace s9  }
0x27: {  	s1 =	sld [smem:$0x3FA7]  }
0x28: {  	s2 =	sld [smem:$0x3FA8]  }
0x29: {  	s4 =	sld [smem:$0x3FAA]  }
0x2a: {  	p0 =	seq.s32 s5, $0x0;
	s5 =	sld [smem:$0x3FAB]  }
0x2b: {  	s6 =	sld [smem:$0x3FAC]  }
0x2c: {  	s7 =	sld [smem:$0x3FAD]  }
0x2d: {  	s3 =	simm.s32 $0x108;
	s8 =	sld [smem:$0x3FAE]  }
0x2e: {  	s3 =	simm.s32 @!p0 $0x1082;
	s9 =	sld [smem:$0x3FAF]  }
0x2f: {  	lr =	sadd.s32 s0, s3;
	s0 =	sld [smem:$0x3FA6]  }
0x30: {  	s3 =	sld [smem:$0x3FA9]  }
0x31: {  	[smem:$0x3FB2] =	sst s10  }
0x32: {  	s10 =	sld [smem:$0x3FB0];
	_ =	sdelay $0x3  }
0x33: {  	p0 =	seq.s32 s10, $0x1;
	s10 =	sld [smem:$0x3FB2];
	_ =	sdelay $0x3  }
0x34: {  	[smem:$0x3FB2] =	sst s10  }
0x35: {  	s10 =	sld [smem:$0x3FB1];
	_ =	sdelay $0x3  }
0x36: {  	p1 =	seq.s32 s10, $0x1;
	s10 =	sld [smem:$0x3FB2];
	_ =	sdelay $0x3  }
0x37: {  	[smem:$0x3FB2] =	sst s10  }
0x38: {  	s10 =	sld [smem:$0x3FB3]  }
0x39: {  	_ = 	snop;
	(pc) =	sbr.ind lr, $3  }
0x3a: {  	_ = 	snop  }
0x3b: {  	_ = 	snop  }
0x3c: {  	p2 =	seq.s32 s10, $0x1;
	s10 =	sld [smem:$0x3FB2]  }
0x3d: {  	_ =	shalt  }
0x3e: {  	_ =	shalt  }
0x3f: {  	_ =	shalt  }
0x40: {  	_ =	shalt  }
0x41: {  	_ =	shalt  }
0x42: {  	_ =	shalt  }
0x43: {  	_ =	shalt  }
0x44: {  	_ =	shalt  }
0x45: {  	_ =	shalt  }
0x46: {  	_ =	shalt  }
0x47: {  	_ =	shalt  }
0x48: {  	_ =	shalt  }
0x49: {  	_ =	shalt  }
0x4a: {  	_ =	shalt  }
0x4b: {  	_ =	shalt  }
0x4c: {  	_ =	shalt  }
0x4d: {  	_ =	shalt  }
0x4e: {  	_ =	shalt  }
0x4f: {  	_ =	shalt  }
0x50: {  	_ =	shalt  }
0x51: {  	_ =	shalt  }
0x52: {  	_ =	shalt  }
0x53: {  	_ =	shalt  }
0x54: {  	_ =	shalt  }
0x55: {  	_ =	shalt  }
0x56: {  	_ =	shalt  }
0x57: {  	_ =	shalt  }
0x58: {  	_ =	shalt  }
0x59: {  	_ =	shalt  }
0x5a: {  	_ =	shalt  }
0x5b: {  	_ =	shalt  }
0x5c: {  	_ =	shalt  }
0x5d: {  	_ =	shalt  }
0x5e: {  	_ =	shalt  }
0x5f: {  	_ =	shalt  }
0x60: {  	_ =	shalt  }
0x61: {  	_ =	shalt  }
0x62: {  	_ =	shalt  }
0x63: {  	_ =	shalt  }
0x64: {  	_ =	shalt  }
0x65: {  	_ =	shalt  }
0x66: {  	_ =	shalt  }
0x67: {  	_ =	shalt  }
0x68: {  	_ =	shalt  }
0x69: {  	_ =	shalt  }
0x6a: {  	_ =	shalt  }
0x6b: {  	_ =	shalt  }
0x6c: {  	_ =	shalt  }
0x6d: {  	_ =	shalt  }
0x6e: {  	_ =	shalt  }
0x6f: {  	_ =	shalt  }
0x70: {  	_ =	shalt  }
0x71: {  	_ =	shalt  }
0x72: {  	_ =	shalt  }
0x73: {  	_ =	shalt  }
0x74: {  	_ =	shalt  }
0x75: {  	_ =	shalt  }
0x76: {  	_ =	shalt  }
0x77: {  	_ =	shalt  }
0x78: {  	_ =	shalt  }
0x79: {  	_ =	shalt  }
0x7a: {  	_ =	shalt  }
0x7b: {  	_ =	shalt  }
0x7c: {  	_ =	shalt  }
0x7d: {  	_ =	shalt  }
0x7e: {  	_ =	shalt  }
0x7f: {  	_ =	shalt  }
0x80: {  	_ =	shalt  }
0x81: {  	_ =	shalt  }
0x82: {  	_ =	shalt  }
0x83: {  	_ =	shalt  }
0x84: {  	_ =	shalt  }
0x85: {  	_ =	shalt  }
0x86: {  	_ =	shalt  }
0x87: {  	_ =	shalt  }
.Lfunc_end0:
.L_simem_size_0:
called_computation.2_lowered:
.L_overlay_start_0:
0x88: {  	s2 =	sld [smem:$0x3FD9]  }
0x89: {  	s3 =	sld [smem:$0x3FFE];
	_ =	sdelay $0x1  }
0x8a: {  	s1 =	srdreg.scid  }
0x8b: {  	s0 =	sand.u32 $0x1, s1  }
0x8c: {  	s16 =	sshll.u32 s0, $0xA;
	s2 =	sadd.s32 s3, s2  }
0x8d: {  	s2 =	sadd.s32 s2, s16  }
0x8e: {  	[smem:$0x3FBE] =	sst s2  }
0x8f: {  	_ = 	snop  }
0x90: {  	(tm) =	ssettm $0x1  }
0x91: {  	s17 =	sld [smem:$0x3FFB];
	_ =	sdelay $0x3  }
0x92: {  	_ =	strace s17  }
0x93: {  	s2 =	sld [smem:$0x3FFC];
	_ =	sdelay $0x3  }
0x94: {  	_ =	strace s2  }
0x95: {  	s2 =	sld [smem:$0x3FFD];
	_ =	sdelay $0x3  }
0x96: {  	_ =	strace s2  }
0x97: {  	_ =	strace $0x8FFFFFFF  }
0x98: {  	s18 =	sld [smem:$0x3FDB];
	_ =	sdelay $0x1  }
0x99: {  	s19 =	simm.s32 $_scs_section_size  }
0x9a: {  	s4 =	simm.s32 $_size__tile_overlayer_lowered;
	s5 =	simm.s32 $_tile_overlayer_lowered  }
0x9b: {  	s22 =	simm.s32 $0x1BFF;
	s21 =	sshll.u32 s5, $0x1;
	s2 =	sadd.s32 s19, s18  }
0x9c: {  	s6 =	simm.s32 $0x0;
	s20 =	sshll.u32 s4, $0x1;
	s4 =	sadd.s32 s21, s2  }
0x9d: {  	[timem:s6], [sflag:s22] =	dma.local [hbm:s4], s20  }
0x9e: {  	_ =	swait.ge [sflag:s22], s20  }
0x9f: {  	s3 =	ssub.s32 $0x0, s20;
	[sflag:s22] =	ssyncset.done $0x0  }
0xa0: {  	[sflag:s22] =	ssyncadd.s32 s3;
	_ =	sdelay $0x1  }
0xa1: {  	s23 =	simm.s32 $0x1B8B  }
0xa2: {  	_ =	swait.ge [sflag:s23], $0x1  }
0xa3: {  	[sflag:s23] =	ssyncset.done $0x0  }
0xa4: {  	s25 =	simm.s32 $0x1B8E;
	s24 =	sld [smem:$0x3FFE];
	[sflag:s23] =	ssyncadd.s32 $0xFFFFFFFF  }
0xa5: {  	s26 =	simm.s32 $execute0_lowered;
	[smem:$0x3FD2] =	sst s25  }
0xa6: {  	s4 =	sshll.u32 s26, $0x1;
	_ =	strace $0x8000004C;
	[dreg:$0x1] =	wrdreg $0xFFFFFFFF  }
0xa7: {  	s28 =	simm.s32 $_size_execute0_lowered;
	s2 =	sadd.s32 s2, s4;
	[dreg:$0x0] =	wrdreg $0x0  }
0xa8: {  	s4 =	sshll.u32 s28, $0x1;
	[dreg:$0x2] =	wrdreg s2  }
0xa9: {  	[dreg:$0x3] =	wrdreg s4  }
0xaa: {  	[dreg:$0x4] =	wrdreg $0xC0  }
0xab: {  	_ =	task [dreg:s6], $0x5FFFF  }
0xac: {  	[dreg:$0x1] =	wrdreg $0xFFFFFFFF  }
0xad: {  	[dreg:$0x0] =	wrdreg $0x60  }
0xae: {  	[dreg:$0x2] =	wrdreg s24  }
0xaf: {  	[dreg:$0x3] =	wrdreg $0xD0200  }
0xb0: {  	[dreg:$0x4] =	wrdreg $0x9  }
0xb1: {  	_ =	task.clear_ibuf [dreg:s6], $0x5FFFF;
	_ =	strace $0x9000004C  }
0xb2: {  	s29 =	simm.s32 $0x9;
	_ =	strace $0x8000004E  }
0xb3: {  	_ =	swait.ge [sflag:s29], $0x1  }
0xb4: {  	[sflag:s29] =	ssyncadd.s32 $0xFFFFFFFF  }
0xb5: {  	_ =	strace $0x9000004E  }
0xb6: {  	_ =	sfence  }
0xb7: {  	s30 =	sld [smem:$0x0];
	_ =	sdelay $0x2  }
0xb8: {  	s31 =	sshll.u32 s1, $0xD;
	s1 =	sshrl.u32 s1, $0x2  }
0xb9: {  	s3 =	sand.u32 $0x4000, s31;
	s1 =	sadd.s32 s1, s30  }
0xba: {  	s0 =	sor.u32 s3, s0;
	s1 =	sshll.u32 s1, $0x11  }
0xbb: {  	s0 =	sor.u32 s1, s0  }
0xbc: {  	s0 =	sadd.s32 $0x8F2B, s0  }
0xbd: {  	[sflag:s0] =	ssyncadd.remote.s32 $0x1  }
0xbe: {  	_ =	sfence.sel $0xFFFF  }
0xbf: {  	[dreg:$0x0] =	wrdreg $0xFFFFFFFF;
	(pc) =	sbr.abs _section_cstart, $3  }
0xc0: {  	[dreg:$0x1] =	wrdreg $0xFFFFFFFF  }
0xc1: {  	_ =	task.clear_ibuf [dreg:s6], $0x2FFFF;
	_ =	strace $0x9FFFFFFF  }
0xc2: {  	(tm) =	ssettm $0x7FFFFFFF  }
0xc3: {  	_ =	shalt  }
tec
execute0_lowered:
.L_overlay_start_1:
0x0: {  	(tag) =	ssettag $0x1  }
0x1: {  	s0 =	srdreg.scid;
	s1 =	rddreg [dreg:$0x0]  }
0x2: {  	s14 =	stileid.u32;
	s2 =	rddreg [dreg:$0x1];
	s16 =	simm.s32 $0x50  }
0x3: {  	s17 =	simm.s32 $0x4E20;
	s18 =	simm.s32 $0x5820;
	s20 =	simm.s32 $0x6220  }
0x4: {  	s22 =	simm.s32 $0x6C20;
	s28 =	simm.s32 $0x2;
	s29 =	simm.s32 $0x3  }
0x5: {  	s30 =	simm.s32 $0x4;
	s31 =	simm.s32 $0x5;
	s15 =	simm.s32 $0x8  }
0x6: {  	s19 =	simm.s32 $0x9;
	s21 =	simm.s32 $0xA;
	s0 =	sand.u32 $0x1, s0  }
0x7: {  	s3 =	sshll.u32 s14, $0x1;
	s12 =	sadd.s32 $0x20600, s1;
	s8 =	smul.u32 $0x4E00, s14  }
0x8: {  	s9 =	smul.u32 $0x13800, s14;
	p0 =	sne.s32 s14, $0xF;
	s14 =	simm.s32 $0xB  }
0x9: {  	s4 =	sor.u32 s0, s3;
	s3 =	simm.s32 $0x0;
	s6 =	ssub.s32 $0x2, s0  }
0xa: {  	s10 =	sshll.u32 s0, $0x5;
	s0 =	sshll.u32 s0, $0x2;
	s4 =	smul.u32 $0x2710, s4  }
0xb: {  	[smem:$0x7FF] =	sst s3;
	s7 =	sshrl.u32 s6, $0x1;
	s24 =	sshrl.u32 s8, $0x3  }
0xc: {  	s8 =	sadd.s32 s8, s2;
	s25 =	sor.u32 s10, s9;
	s10 =	sadd.s32 $0x4E000, s2  }
0xd: {  	s0 =	sadd.s32 s0, s12;
	_ =	strace $0x8000004D;
	s6 =	ssub.s32 s6, s7  }
0xe: {  	s26 =	sshrl.u32 s25, $0x3;
	s25 =	simm.s32 $0x8020;
	s5 =	sshrl.u32 s4, $0x3  }
0xf: {  	s4 =	sadd.s32 $0x16800, s1;
	s11 =	sadd.s32 s12, s26;
	s12 =	sadd.s32 $0x27000, s0  }
0x10: {  	s13 =	smax.u32 s6, $0x1;
	s5 =	sadd.s32 s5, s1;
	s1 =	sadd.s32 $0x20400, s1  }
0x11: {  	s26 =	simm.s32 $0x1;
	s23 =	sadd.s32 $0x2E00, s5;
	[dreg:$0x6] =	wrdreg s1  }
0x12: {  	s0 =	simm.s32 $0x7;
	s5 =	sadd.s32 $0xCA40, s5;
	[dreg:$0x3] =	wrdreg s23  }
0x13: {  	s1 =	simm.s32 $0x6;
	[dreg:$0x4] =	wrdreg s5;
	s5 =	sadd.s32 s4, s24  }
0x14: {  	s24 =	simm.s32 $0x7620;
	s23 =	simm.s32 $0x0;
	[dreg:$0x5] =	wrdreg s5  }
.LBB2_1:
0x15: {  	s5 =	rddreg [dreg:$0x3]  }
0x16: {  	[tilespmem:s3], [sflag:$0xB] =	stream.linear.gather [hbm4b:s5+s3], $0x2710, $0x38;
	[tilespmem:$0x11E40] =	vst v63  }
0x17: {  	_ =	swait.ge [sflag:s14], $0x2710  }
0x18: {  	[sflag:s14] =	ssyncset.done $0x0  }
0x19: {  	s6 =	simm.s32 $0x2710;
	s7 =	rddreg [dreg:$0x4];
	[sflag:s14] =	ssyncadd.s32 $0xFFFFD8F0  }
0x1a: {  	[tilespmem:s6], [sflag:$0xB] =	stream.linear.gather [hbm4b:s7+s3], $0x2710, $0x38;
	[tilespmem:$0x11E40] =	vst v63  }
0x1b: {  	_ =	swait.ge [sflag:s14], $0x2710  }
0x1c: {  	[sflag:s14] =	ssyncset.done $0x0  }
0x1d: {  	[sflag:s14] =	ssyncadd.s32 $0xFFFFD8F0  }
0x1e: {  	[tilespmem:s17], [sflag:$0x1] =	stream.indirect.gather [hbm4b:s4+s16], $0x20, s3, s16, $0xb8;
	[tilespmem:$0x11E40] =	vst v63  }
0x1f: {  	_ = 	snop  }
0x20: {  	[tilespmem:s18], [sflag:$0x2] =	stream.indirect.gather [hbm4b:s4+s16], $0x20, s16, s16, $0xb8;
	[tilespmem:$0x11E40] =	vst v63  }
0x21: {  	s9 =	simm.s32 $0xA0  }
0x22: {  	[tilespmem:s20], [sflag:$0x3] =	stream.indirect.gather [hbm4b:s4+s16], $0x20, s9, s16, $0xb8;
	[tilespmem:$0x11E40] =	vst v63  }
0x23: {  	s6 =	simm.s32 $0xF0  }
0x24: {  	[tilespmem:s22], [sflag:$0x4] =	stream.indirect.gather [hbm4b:s4+s16], $0x20, s6, s16, $0xb8;
	[tilespmem:$0x11E40] =	vst v63  }
0x25: {  	s7 =	simm.s32 $0x140  }
0x26: {  	[tilespmem:s24], [sflag:$0x5] =	stream.indirect.gather [hbm4b:s4+s16], $0x20, s7, s16, $0xb8;
	[tilespmem:$0x11E40] =	vst v63  }
0x27: {  	s9 =	rddreg [dreg:$0x5]  }
0x28: {  	[tilespmem:s25], [sflag:$0xB] =	stream.linear.gather [hbm4b:s9+s3], $0x4E00, $0x38;
	[tilespmem:$0x11E40] =	vst v63  }
0x29: {  	_ =	swait.ge [sflag:s14], $0x4E00  }
0x2a: {  	[sflag:s14] =	ssyncset.done $0x0  }
0x2b: {  	[sflag:s14] =	ssyncadd.s32 $0xFFFFB200  }
0x2c: {  	[spmem:s8] =	stream.linear.scatter [tilespmem:s25], [sflag:$0xB], $0x4E00, $0x38;
	[tilespmem:$0x11E40] =	vst v63  }
0x2d: {  	_ =	swait.ge [sflag:s14], $0x4E00  }
0x2e: {  	s5 =	simm.s32 @!p0 $0x0;
	[sflag:s14] =	ssyncset.done $0x0  }
0x2f: {  	s6 =	simm.s32 @!p0 $0xCE20;
	s7 =	rddreg [dreg:$0x6];
	[sflag:s14] =	ssyncadd.s32 $0xFFFFB200  }
0x30: {  	[tilespmem:s6], [sflag:$0xB] =	stream.linear.gather @!p0 [hbm4b:s7+s5], $0x200, $0x38;
	[tilespmem:$0x11E40] =	vst v63  }
0x31: {  	s5 =	simm.s32 @!p0 $0xB  }
0x32: {  	_ =	swait.ge @!p0 [sflag:s5], $0x200  }
0x33: {  	[sflag:s5] =	ssyncset.done @!p0 $0x0  }
0x34: {  	[sflag:s5] =	ssyncadd.s32 @!p0 $0xFFFFFE00  }
0x35: {  	[spmem:s10] =	stream.linear.scatter @!p0 [tilespmem:s6], [sflag:$0xB], $0x200, $0x38;
	[tilespmem:$0x11E40] =	vst v63  }
0x36: {  	_ =	swait.ge @!p0 [sflag:s5], $0x200  }
0x37: {  	[sflag:s5] =	ssyncset.done @!p0 $0x0  }
0x38: {  	[sflag:s5] =	ssyncadd.s32 @!p0 $0xFFFFFE00  }
0x39: {  	[bflag:$0x0] =	sbarrier.arrive $0xFFFF  }
0x3a: {  	_ =	swait.ge [sflag:s26], $0xA00  }
0x3b: {  	[sflag:s26] =	ssyncset.done $0x0  }
0x3c: {  	s6 =	simm.s32 $0x2710;
	[sflag:s26] =	ssyncadd.s32 $0xFFFFF600  }
0x3d: {  	[spmem:s2] =	stream.indirect.scatter.add.f32 [tilespmem:s17], [sflag:$0x6], $0x20, s6, s16, $0xb8;
	[tilespmem:$0x11E40] =	vst v63  }
0x3e: {  	_ =	swait.ge [sflag:s28], $0xA00  }
0x3f: {  	[sflag:s28] =	ssyncset.done $0x0  }
0x40: {  	s7 =	simm.s32 $0x2760;
	[sflag:s28] =	ssyncadd.s32 $0xFFFFF600  }
0x41: {  	[spmem:s2] =	stream.indirect.scatter.add.f32 [tilespmem:s18], [sflag:$0x7], $0x20, s7, s16, $0xb8;
	[tilespmem:$0x11E40] =	vst v63  }
0x42: {  	_ =	swait.ge [sflag:s29], $0xA00  }
0x43: {  	[sflag:s29] =	ssyncset.done $0x0  }
0x44: {  	s9 =	simm.s32 $0x27B0;
	[sflag:s29] =	ssyncadd.s32 $0xFFFFF600  }
0x45: {  	[spmem:s2] =	stream.indirect.scatter.add.f32 [tilespmem:s20], [sflag:$0x8], $0x20, s9, s16, $0xb8;
	[tilespmem:$0x11E40] =	vst v63  }
0x46: {  	_ =	swait.ge [sflag:s30], $0xA00  }
0x47: {  	[sflag:s30] =	ssyncset.done $0x0  }
0x48: {  	s6 =	simm.s32 $0x2800;
	[sflag:s30] =	ssyncadd.s32 $0xFFFFF600  }
0x49: {  	[spmem:s2] =	stream.indirect.scatter.add.f32 [tilespmem:s22], [sflag:$0x9], $0x20, s6, s16, $0xb8;
	[tilespmem:$0x11E40] =	vst v63  }
0x4a: {  	_ =	swait.ge [sflag:s31], $0xA00  }
0x4b: {  	[sflag:s31] =	ssyncset.done $0x0  }
0x4c: {  	s7 =	simm.s32 $0x2850;
	[sflag:s31] =	ssyncadd.s32 $0xFFFFF600  }
0x4d: {  	[spmem:s2] =	stream.indirect.scatter.add.f32 [tilespmem:s24], [sflag:$0xA], $0x20, s7, s16, $0xb8;
	[tilespmem:$0x11E40] =	vst v63  }
0x4e: {  	_ =	swait.ge [sflag:s1], $0xA00  }
0x4f: {  	[sflag:s1] =	ssyncset.done $0x0  }
0x50: {  	s9 =	simm.s32 $0x190;
	[sflag:s1] =	ssyncadd.s32 $0xFFFFF600  }
0x51: {  	[tilespmem:s17], [sflag:$0x1] =	stream.indirect.gather [hbm4b:s4+s16], $0x20, s9, s16, $0xb8;
	[tilespmem:$0x11E40] =	vst v63  }
0x52: {  	_ =	swait.ge [sflag:s0], $0xA00  }
0x53: {  	[sflag:s0] =	ssyncset.done $0x0  }
0x54: {  	s6 =	simm.s32 $0x1E0;
	[sflag:s0] =	ssyncadd.s32 $0xFFFFF600  }
0x55: {  	[tilespmem:s18], [sflag:$0x2] =	stream.indirect.gather [hbm4b:s4+s16], $0x20, s6, s16, $0xb8;
	[tilespmem:$0x11E40] =	vst v63  }
0x56: {  	_ =	swait.ge [sflag:s15], $0xA00  }
0x57: {  	[sflag:s15] =	ssyncset.done $0x0  }
0x58: {  	s7 =	simm.s32 $0x230;
	[sflag:s15] =	ssyncadd.s32 $0xFFFFF600  }
0x59: {  	[tilespmem:s20], [sflag:$0x3] =	stream.indirect.gather [hbm4b:s4+s16], $0x20, s7, s16, $0xb8;
	[tilespmem:$0x11E40] =	vst v63  }
0x5a: {  	_ =	swait.ge [sflag:s19], $0xA00  }
0x5b: {  	[sflag:s19] =	ssyncset.done $0x0  }
0x5c: {  	s9 =	simm.s32 $0x280;
	[sflag:s19] =	ssyncadd.s32 $0xFFFFF600  }
0x5d: {  	[tilespmem:s22], [sflag:$0x4] =	stream.indirect.gather [hbm4b:s4+s16], $0x20, s9, s16, $0xb8;
	[tilespmem:$0x11E40] =	vst v63  }
0x5e: {  	_ =	swait.ge [sflag:s21], $0xA00  }
0x5f: {  	[sflag:s21] =	ssyncset.done $0x0  }
0x60: {  	s5 =	simm.s32 $0x640;
	s6 =	simm.s32 $0x2D0;
	[sflag:s21] =	ssyncadd.s32 $0xFFFFF600  }
.LBB2_2:
0x61: {  	[tilespmem:s24], [sflag:$0x5] =	stream.indirect.gather [hbm4b:s4+s16], $0x20, s6, s16, $0xb8;
	[tilespmem:$0x11E40] =	vst v63  }
0x62: {  	s6 =	smov.u32 s5  }
0x63: {  	p1 =	sne.s32 s5, $0x8FC0;
	s5 =	sadd.s32 $0x640, s5;
	_ =	swait.ge [sflag:s26], $0xA00  }
0x64: {  	s6 =	sshra.s32 s6, $0x2;
	[sflag:s26] =	ssyncset.done $0x0  }
0x65: {  	s7 =	sadd.s32 $0x2710, s6;
	[sflag:s26] =	ssyncadd.s32 $0xFFFFF600  }
0x66: {  	[spmem:s2] =	stream.indirect.scatter.add.f32 [tilespmem:s17], [sflag:$0x6], $0x20, s7, s16, $0xb8;
	[tilespmem:$0x11E40] =	vst v63  }
0x67: {  	_ =	swait.ge [sflag:s28], $0xA00  }
0x68: {  	[sflag:s28] =	ssyncset.done $0x0  }
0x69: {  	s7 =	sadd.s32 $0x2760, s6;
	[sflag:s28] =	ssyncadd.s32 $0xFFFFF600  }
0x6a: {  	[spmem:s2] =	stream.indirect.scatter.add.f32 [tilespmem:s18], [sflag:$0x7], $0x20, s7, s16, $0xb8;
	[tilespmem:$0x11E40] =	vst v63  }
0x6b: {  	_ =	swait.ge [sflag:s29], $0xA00  }
0x6c: {  	[sflag:s29] =	ssyncset.done $0x0  }
0x6d: {  	s7 =	sadd.s32 $0x27B0, s6;
	[sflag:s29] =	ssyncadd.s32 $0xFFFFF600  }
0x6e: {  	[spmem:s2] =	stream.indirect.scatter.add.f32 [tilespmem:s20], [sflag:$0x8], $0x20, s7, s16, $0xb8;
	[tilespmem:$0x11E40] =	vst v63  }
0x6f: {  	_ =	swait.ge [sflag:s30], $0xA00  }
0x70: {  	[sflag:s30] =	ssyncset.done $0x0  }
0x71: {  	s7 =	sadd.s32 $0x2800, s6;
	[sflag:s30] =	ssyncadd.s32 $0xFFFFF600  }
0x72: {  	[spmem:s2] =	stream.indirect.scatter.add.f32 [tilespmem:s22], [sflag:$0x9], $0x20, s7, s16, $0xb8;
	[tilespmem:$0x11E40] =	vst v63  }
0x73: {  	_ =	swait.ge [sflag:s31], $0xA00  }
0x74: {  	[sflag:s31] =	ssyncset.done $0x0  }
0x75: {  	s7 =	sadd.s32 $0x2850, s6;
	[sflag:s31] =	ssyncadd.s32 $0xFFFFF600  }
0x76: {  	[spmem:s2] =	stream.indirect.scatter.add.f32 [tilespmem:s24], [sflag:$0xA], $0x20, s7, s16, $0xb8;
	[tilespmem:$0x11E40] =	vst v63  }
0x77: {  	_ =	swait.ge [sflag:s1], $0xA00  }
0x78: {  	[sflag:s1] =	ssyncset.done $0x0  }
0x79: {  	s7 =	sadd.s32 $0x190, s6;
	[sflag:s1] =	ssyncadd.s32 $0xFFFFF600  }
0x7a: {  	[tilespmem:s17], [sflag:$0x1] =	stream.indirect.gather [hbm4b:s4+s16], $0x20, s7, s16, $0xb8;
	[tilespmem:$0x11E40] =	vst v63  }
0x7b: {  	_ =	swait.ge [sflag:s0], $0xA00  }
0x7c: {  	[sflag:s0] =	ssyncset.done $0x0  }
0x7d: {  	s7 =	sadd.s32 $0x1E0, s6;
	[sflag:s0] =	ssyncadd.s32 $0xFFFFF600  }
0x7e: {  	[tilespmem:s18], [sflag:$0x2] =	stream.indirect.gather [hbm4b:s4+s16], $0x20, s7, s16, $0xb8;
	[tilespmem:$0x11E40] =	vst v63  }
0x7f: {  	_ =	swait.ge [sflag:s15], $0xA00  }
0x80: {  	[sflag:s15] =	ssyncset.done $0x0  }
0x81: {  	s7 =	sadd.s32 $0x230, s6;
	[sflag:s15] =	ssyncadd.s32 $0xFFFFF600  }
0x82: {  	[tilespmem:s20], [sflag:$0x3] =	stream.indirect.gather [hbm4b:s4+s16], $0x20, s7, s16, $0xb8;
	[tilespmem:$0x11E40] =	vst v63  }
0x83: {  	_ =	swait.ge [sflag:s19], $0xA00  }
0x84: {  	[sflag:s19] =	ssyncset.done $0x0  }
.Ltmp0:
0x85: {  	s7 =	sadd.s32 $0x280, s6;
	[sflag:s19] =	ssyncadd.s32 $0xFFFFF600;
	(pc) =	sbr.rel @p1 .LBB2_2-.Ltmp0, $4  }
0x86: {  	[tilespmem:s22], [sflag:$0x4] =	stream.indirect.gather [hbm4b:s4+s16], $0x20, s7, s16, $0xb8;
	[tilespmem:$0x11E40] =	vst v63  }
0x87: {  	_ =	swait.ge [sflag:s21], $0xA00  }
0x88: {  	[sflag:s21] =	ssyncset.done $0x0  }
0x89: {  	s6 =	sadd.s32 $0x2D0, s6;
	[sflag:s21] =	ssyncadd.s32 $0xFFFFF600  }
0x8a: {  	[tilespmem:s24], [sflag:$0x5] =	stream.indirect.gather [hbm4b:s4+s16], $0x20, s6, s16, $0xb8;
	[tilespmem:$0x11E40] =	vst v63  }
0x8b: {  	_ =	swait.ge [sflag:s26], $0xA00  }
0x8c: {  	[sflag:s26] =	ssyncset.done $0x0  }
0x8d: {  	s5 =	simm.s32 $0x4C90;
	[sflag:s26] =	ssyncadd.s32 $0xFFFFF600  }
0x8e: {  	[spmem:s2] =	stream.indirect.scatter.add.f32 [tilespmem:s17], [sflag:$0x6], $0x20, s5, s16, $0xb8;
	[tilespmem:$0x11E40] =	vst v63  }
0x8f: {  	_ =	swait.ge [sflag:s28], $0xA00  }
0x90: {  	[sflag:s28] =	ssyncset.done $0x0  }
0x91: {  	s6 =	simm.s32 $0x4CE0;
	[sflag:s28] =	ssyncadd.s32 $0xFFFFF600  }
0x92: {  	[spmem:s2] =	stream.indirect.scatter.add.f32 [tilespmem:s18], [sflag:$0x7], $0x20, s6, s16, $0xb8;
	[tilespmem:$0x11E40] =	vst v63  }
0x93: {  	_ =	swait.ge [sflag:s29], $0xA00  }
0x94: {  	[sflag:s29] =	ssyncset.done $0x0  }
0x95: {  	s7 =	simm.s32 $0x4D30;
	[sflag:s29] =	ssyncadd.s32 $0xFFFFF600  }
0x96: {  	[spmem:s2] =	stream.indirect.scatter.add.f32 [tilespmem:s20], [sflag:$0x8], $0x20, s7, s16, $0xb8;
	[tilespmem:$0x11E40] =	vst v63  }
0x97: {  	_ =	swait.ge [sflag:s30], $0xA00  }
0x98: {  	[sflag:s30] =	ssyncset.done $0x0  }
0x99: {  	s9 =	simm.s32 $0x4D80;
	[sflag:s30] =	ssyncadd.s32 $0xFFFFF600  }
0x9a: {  	[spmem:s2] =	stream.indirect.scatter.add.f32 [tilespmem:s22], [sflag:$0x9], $0x20, s9, s16, $0xb8;
	[tilespmem:$0x11E40] =	vst v63  }
0x9b: {  	_ =	swait.ge [sflag:s31], $0xA00  }
0x9c: {  	[sflag:s31] =	ssyncset.done $0x0  }
0x9d: {  	s6 =	simm.s32 $0x4DD0;
	[sflag:s31] =	ssyncadd.s32 $0xFFFFF600  }
0x9e: {  	[spmem:s2] =	stream.indirect.scatter.add.f32 [tilespmem:s24], [sflag:$0xA], $0x20, s6, s16, $0xb8;
	[tilespmem:$0x11E40] =	vst v63  }
0x9f: {  	_ =	swait.ge [sflag:s1], $0xA00  }
0xa0: {  	[sflag:s1] =	ssyncset.done $0x0  }
0xa1: {  	[sflag:s1] =	ssyncadd.s32 $0xFFFFF600  }
0xa2: {  	_ =	swait.ge [sflag:s0], $0xA00  }
0xa3: {  	[sflag:s0] =	ssyncset.done $0x0  }
0xa4: {  	[sflag:s0] =	ssyncadd.s32 $0xFFFFF600  }
0xa5: {  	_ =	swait.ge [sflag:s15], $0xA00  }
0xa6: {  	[sflag:s15] =	ssyncset.done $0x0  }
0xa7: {  	[sflag:s15] =	ssyncadd.s32 $0xFFFFF600  }
0xa8: {  	_ =	swait.ge [sflag:s19], $0xA00  }
0xa9: {  	[sflag:s19] =	ssyncset.done $0x0  }
0xaa: {  	[sflag:s19] =	ssyncadd.s32 $0xFFFFF600  }
0xab: {  	_ =	swait.ge [sflag:s21], $0xA00  }
0xac: {  	[sflag:s21] =	ssyncset.done $0x0  }
0xad: {  	[sflag:s21] =	ssyncadd.s32 $0xFFFFF600  }
0xae: {  	[bflag:$0x0] =	sbarrier.arrive $0xFFFF  }
0xaf: {  	[tilespmem:s25], [sflag:$0xB] =	stream.linear.gather [spmem:s8], $0x4E00, $0x38;
	[tilespmem:$0x11E40] =	vst v63  }
0xb0: {  	_ =	swait.ge [sflag:s14], $0x4E00  }
0xb1: {  	[sflag:s14] =	ssyncset.done $0x0  }
0xb2: {  	s7 =	simm.s32 $0x20;
	s9 =	simm.s32 $0x80;
	[sflag:s14] =	ssyncadd.s32 $0xFFFFB200  }
0xb3: {  	[hbm4b:s11+s7] =	stream.strided.scatter [tilespmem:s25], [sflag:$0xB], $0x4E00, s9, s7, $0x38;
	[tilespmem:$0x11E40] =	vst v63  }
0xb4: {  	_ =	swait.ge [sflag:s14], $0x4E00  }
0xb5: {  	[sflag:s14] =	ssyncset.done $0x0  }
0xb6: {  	s5 =	simm.s32 @!p0 $0xCE20;
	s6 =	simm.s32 @!p0 $0xB;
	[sflag:s14] =	ssyncadd.s32 $0xFFFFB200  }
0xb7: {  	[tilespmem:s5], [sflag:$0xB] =	stream.linear.gather @!p0 [spmem:s10], $0x200, $0x38;
	[tilespmem:$0x11E40] =	vst v63  }
0xb8: {  	s23 =	sadd.s32 $0x1, s23;
	_ =	swait.ge @!p0 [sflag:s6], $0x200  }
0xb9: {  	p1 =	sne.s32 s23, s13;
	s7 =	simm.s32 @!p0 $0x20;
	[sflag:s6] =	ssyncset.done @!p0 $0x0  }
.Ltmp1:
0xba: {  	s9 =	simm.s32 @!p0 $0x80;
	[sflag:s6] =	ssyncadd.s32 @!p0 $0xFFFFFE00;
	(pc) =	sbr.rel @p1 .LBB2_1-.Ltmp1, $4  }
0xbb: {  	[hbm4b:s12+s7] =	stream.strided.scatter @!p0 [tilespmem:s5], [sflag:$0xB], $0x200, s9, s7, $0x38;
	[tilespmem:$0x11E40] =	vst v63  }
0xbc: {  	_ =	swait.ge @!p0 [sflag:s6], $0x200  }
0xbd: {  	[sflag:s6] =	ssyncset.done @!p0 $0x0  }
0xbe: {  	[sflag:s6] =	ssyncadd.s32 @!p0 $0xFFFFFE00  }
0xbf: {  	_ =	sfence.sel $0x180000  }
0xc0: {  	[bflag:$0x0] =	sbarrier.arrive $0xFFFF  }
0xc1: {  	_ =	strace $0x9000004D  }
0xc2: {  	s0 =	stileid.u32;
	[bflag:$0x2] =	sbarrier.arrive $0xFFFF  }
0xc3: {  	p0 =	sne.s32 s0, $0x0;
	s0 =	rddreg [dreg:$0x2]  }
0xc4: {  	s0 =	sadd.s32 @!p0 $0x100000, s0  }
0xc5: {  	[sflag:s0] =	ssyncadd.tile.s32 @!p0 $0x1;
	_ =	shalt  }
.Lfunc_end2:
_tile_overlayer_lowered:
.L_overlay_start_2:
0xc6: {  	(tag) =	ssettag $0x2  }
0xc7: {  	s0 =	rddreg [dreg:$0x0];
	s2 =	stileid.u32  }
0xc8: {  	s1 =	rddreg [dreg:$0x1];
	p0 =	sne.s32 s2, $0x0  }
0xc9: {  	s3 =	rddreg [dreg:$0x2];
	[bflag:$0x3] =	sbarrier.arrive $0xFFFF;
	s2 =	simm.s32 @!p0 $0x1C0B  }
0xca: {  	[timem:s3], [sflag:s2] =	dma.local @!p0 [hbm:s0], s1  }
0xcb: {  	s0 =	simm.s32 @!p0 $0xB  }
0xcc: {  	_ =	swait.ge @!p0 [sflag:s0], s1  }
0xcd: {  	s1 =	ssub.s32 @!p0 $0x0, s1;
	[sflag:s0] =	ssyncset.done @!p0 $0x0  }
0xce: {  	[sflag:s0] =	ssyncadd.s32 @!p0 s1  }
0xcf: {  	[bflag:$0x3] =	sbarrier.arrive $0xFFFF  }
0xd0: {  	_ =	shalt  }

// kernel: kernel.19.cloned.1.call-start
scs
__scs_entry_jumppad:
0x0: {  	(pc) =	sbr.rel $0x88, $3  }
0x1: {  	(tag) =	ssettag $0x0;
	lr =	simm.s32 $0x1  }
0x2: {  	[smem:$0x3F97] =	sst lr;
	_ =	strace $0xD0000000  }
0x3: {  	_ = 	snop  }
0x4: {  	_ = 	snop  }
0x5: {  	_ = 	snop  }
0x6: {  	_ = 	snop  }
0x7: {  	_ = 	snop  }
__scs_overlays_trampoline_lowered:
0x8: {  	[smem:$0x3FA6] =	sst s0  }
0x9: {  	[smem:$0x3FA7] =	sst s1  }
0xa: {  	[smem:$0x3FA8] =	sst s2  }
0xb: {  	[smem:$0x3FA9] =	sst s3  }
0xc: {  	[smem:$0x3FAA] =	sst s4  }
0xd: {  	[smem:$0x3FAB] =	sst s5  }
0xe: {  	[smem:$0x3FAC] =	sst s6  }
0xf: {  	[smem:$0x3FAD] =	sst s7  }
0x10: {  	[smem:$0x3FAE] =	sst s8  }
0x11: {  	[smem:$0x3FAF] =	sst s9;
	s0 =	simm.s32 @!p0 $0x0  }
0x12: {  	s1 =	sld [smem:$0x3F95];
	s0 =	simm.s32 @p0 $0x1  }
0x13: {  	[smem:$0x3FB0] =	sst s0;
	s0 =	simm.s32 @!p1 $0x0  }
0x14: {  	s2 =	sld [smem:$0x3F94];
	s0 =	simm.s32 @p1 $0x1  }
0x15: {  	[smem:$0x3FB1] =	sst s0;
	s0 =	simm.s32 @!p2 $0x0  }
0x16: {  	s3 =	sld [smem:$0x3FDB];
	s0 =	simm.s32 @p2 $0x1  }
0x17: {  	s4 =	simm.s32 $0x1BF5;
	[smem:$0x3FB3] =	sst s0  }
0x18: {  	s0 =	sld [smem:$0x3F96];
	_ =	swait.ge [sflag:s4], $0x0  }
0x19: {  	s7 =	sld [smem:$0x3F97]  }
0x1a: {  	s8 =	sadd.s32 $0xFFFFE003, lr  }
0x1b: {  	s9 =	sadd.s32 $0xFFFFFEF7, lr;
	s5 =	simm.s32 $0xFFFFFFFF;
	p2 =	slt.u32 s8, $0xFFFFF086  }
0x1c: {  	p1 =	slt.u32 s9, $0xF7A;
	s5 =	simm.s32 @!p2 $0x0  }
0x1d: {  	s5 =	simm.s32 @p1 $0x1;
	p0 =	seq.s32 s7, s2  }
0x1e: {  	s7 =	smul.u32 @!p0 $0xF7A, s2;
	p2 =	seq.s32 @!p0 s5, $0x0  }
0x1f: {  	s9 =	smul.u32 $0xF7A, s1;
	s8 =	simm.s32 @!p0 $0x1BF5;
	p2 =	por !p2, p0  }
0x20: {  	[sflag:s8] =	ssyncset.s32 @!p0 $0xFFFFF086;
	s6 =	sadd.s32 @!p0 s3, s7;
	s7 =	simm.s32 @!p0 $0x108  }
0x21: {  	s3 =	sadd.s32 s3, s9;
	s6 =	sadd.s32 @!p0 $0x88, s6;
	s7 =	simm.s32 @p2 $0x1082  }
0x22: {  	[simem:s7], [sflag:s8] =	dma.local @!p0 [hbm:s6], $0xF7A  }
0x23: {  	s9 =	sor.u32 $0xD0000000, s2;
	s6 =	simm.s32 $0x108;
	_ =	swait.ge @!p0 [sflag:s8], $0x0  }
0x24: {  	s3 =	sadd.s32 $0x88, s3;
	s6 =	simm.s32 @!p1 $0x1082;
	[sflag:s4] =	ssyncset.s32 $0xFFFFF086  }
0x25: {  	[simem:s6], [sflag:s4] =	dma.local [hbm:s3], $0xF7A  }
0x26: {  	[smem:$0x3F97] =	sst s1;
	(tag) =	ssettag s2;
	_ =	strace s9  }
0x27: {  	s1 =	sld [smem:$0x3FA7]  }
0x28: {  	s2 =	sld [smem:$0x3FA8]  }
0x29: {  	s4 =	sld [smem:$0x3FAA]  }
0x2a: {  	p0 =	seq.s32 s5, $0x0;
	s5 =	sld [smem:$0x3FAB]  }
0x2b: {  	s6 =	sld [smem:$0x3FAC]  }
0x2c: {  	s7 =	sld [smem:$0x3FAD]  }
0x2d: {  	s3 =	simm.s32 $0x108;
	s8 =	sld [smem:$0x3FAE]  }
0x2e: {  	s3 =	simm.s32 @!p0 $0x1082;
	s9 =	sld [smem:$0x3FAF]  }
0x2f: {  	lr =	sadd.s32 s0, s3;
	s0 =	sld [smem:$0x3FA6]  }
0x30: {  	s3 =	sld [smem:$0x3FA9]  }
0x31: {  	[smem:$0x3FB2] =	sst s10  }
0x32: {  	s10 =	sld [smem:$0x3FB0];
	_ =	sdelay $0x3  }
0x33: {  	p0 =	seq.s32 s10, $0x1;
	s10 =	sld [smem:$0x3FB2];
	_ =	sdelay $0x3  }
0x34: {  	[smem:$0x3FB2] =	sst s10  }
0x35: {  	s10 =	sld [smem:$0x3FB1];
	_ =	sdelay $0x3  }
0x36: {  	p1 =	seq.s32 s10, $0x1;
	s10 =	sld [smem:$0x3FB2];
	_ =	sdelay $0x3  }
0x37: {  	[smem:$0x3FB2] =	sst s10  }
0x38: {  	s10 =	sld [smem:$0x3FB3]  }
0x39: {  	_ = 	snop;
	(pc) =	sbr.ind lr, $3  }
0x3a: {  	_ = 	snop  }
0x3b: {  	_ = 	snop  }
0x3c: {  	p2 =	seq.s32 s10, $0x1;
	s10 =	sld [smem:$0x3FB2]  }
0x3d: {  	_ =	shalt  }
0x3e: {  	_ =	shalt  }
0x3f: {  	_ =	shalt  }
0x40: {  	_ =	shalt  }
0x41: {  	_ =	shalt  }
0x42: {  	_ =	shalt  }
0x43: {  	_ =	shalt  }
0x44: {  	_ =	shalt  }
0x45: {  	_ =	shalt  }
0x46: {  	_ =	shalt  }
0x47: {  	_ =	shalt  }
0x48: {  	_ =	shalt  }
0x49: {  	_ =	shalt  }
0x4a: {  	_ =	shalt  }
0x4b: {  	_ =	shalt  }
0x4c: {  	_ =	shalt  }
0x4d: {  	_ =	shalt  }
0x4e: {  	_ =	shalt  }
0x4f: {  	_ =	shalt  }
0x50: {  	_ =	shalt  }
0x51: {  	_ =	shalt  }
0x52: {  	_ =	shalt  }
0x53: {  	_ =	shalt  }
0x54: {  	_ =	shalt  }
0x55: {  	_ =	shalt  }
0x56: {  	_ =	shalt  }
0x57: {  	_ =	shalt  }
0x58: {  	_ =	shalt  }
0x59: {  	_ =	shalt  }
0x5a: {  	_ =	shalt  }
0x5b: {  	_ =	shalt  }
0x5c: {  	_ =	shalt  }
0x5d: {  	_ =	shalt  }
0x5e: {  	_ =	shalt  }
0x5f: {  	_ =	shalt  }
0x60: {  	_ =	shalt  }
0x61: {  	_ =	shalt  }
0x62: {  	_ =	shalt  }
0x63: {  	_ =	shalt  }
0x64: {  	_ =	shalt  }
0x65: {  	_ =	shalt  }
0x66: {  	_ =	shalt  }
0x67: {  	_ =	shalt  }
0x68: {  	_ =	shalt  }
0x69: {  	_ =	shalt  }
0x6a: {  	_ =	shalt  }
0x6b: {  	_ =	shalt  }
0x6c: {  	_ =	shalt  }
0x6d: {  	_ =	shalt  }
0x6e: {  	_ =	shalt  }
0x6f: {  	_ =	shalt  }
0x70: {  	_ =	shalt  }
0x71: {  	_ =	shalt  }
0x72: {  	_ =	shalt  }
0x73: {  	_ =	shalt  }
0x74: {  	_ =	shalt  }
0x75: {  	_ =	shalt  }
0x76: {  	_ =	shalt  }
0x77: {  	_ =	shalt  }
0x78: {  	_ =	shalt  }
0x79: {  	_ =	shalt  }
0x7a: {  	_ =	shalt  }
0x7b: {  	_ =	shalt  }
0x7c: {  	_ =	shalt  }
0x7d: {  	_ =	shalt  }
0x7e: {  	_ =	shalt  }
0x7f: {  	_ =	shalt  }
0x80: {  	_ =	shalt  }
0x81: {  	_ =	shalt  }
0x82: {  	_ =	shalt  }
0x83: {  	_ =	shalt  }
0x84: {  	_ =	shalt  }
0x85: {  	_ =	shalt  }
0x86: {  	_ =	shalt  }
0x87: {  	_ =	shalt  }
.Lfunc_end0:
.L_simem_size_0:
called_computation.3_lowered:
.L_overlay_start_0:
0x88: {  	s2 =	sld [smem:$0x3FD9]  }
0x89: {  	s3 =	sld [smem:$0x3FFE];
	_ =	sdelay $0x1  }
0x8a: {  	s1 =	srdreg.scid  }
0x8b: {  	s0 =	sand.u32 $0x1, s1  }
0x8c: {  	s16 =	sshll.u32 s0, $0xA;
	s2 =	sadd.s32 s3, s2  }
0x8d: {  	s2 =	sadd.s32 s2, s16  }
0x8e: {  	[smem:$0x3FBE] =	sst s2  }
0x8f: {  	_ = 	snop  }
0x90: {  	(tm) =	ssettm $0x1  }
0x91: {  	s17 =	sld [smem:$0x3FFB];
	_ =	sdelay $0x3  }
0x92: {  	_ =	strace s17  }
0x93: {  	s2 =	sld [smem:$0x3FFC];
	_ =	sdelay $0x3  }
0x94: {  	_ =	strace s2  }
0x95: {  	s2 =	sld [smem:$0x3FFD];
	_ =	sdelay $0x3  }
0x96: {  	_ =	strace s2  }
0x97: {  	_ =	strace $0x8FFFFFFF  }
0x98: {  	s18 =	sld [smem:$0x3FDB];
	_ =	sdelay $0x1  }
0x99: {  	s19 =	simm.s32 $_scs_section_size  }
0x9a: {  	s4 =	simm.s32 $_size__tile_overlayer_lowered;
	s5 =	simm.s32 $_tile_overlayer_lowered  }
0x9b: {  	s22 =	simm.s32 $0x1BFF;
	s21 =	sshll.u32 s5, $0x1;
	s2 =	sadd.s32 s19, s18  }
0x9c: {  	s6 =	simm.s32 $0x0;
	s20 =	sshll.u32 s4, $0x1;
	s4 =	sadd.s32 s21, s2  }
0x9d: {  	[timem:s6], [sflag:s22] =	dma.local [hbm:s4], s20  }
0x9e: {  	_ =	swait.ge [sflag:s22], s20  }
0x9f: {  	s3 =	ssub.s32 $0x0, s20;
	[sflag:s22] =	ssyncset.done $0x0  }
0xa0: {  	[sflag:s22] =	ssyncadd.s32 s3;
	_ =	sdelay $0x1  }
0xa1: {  	s23 =	simm.s32 $0x1B8B  }
0xa2: {  	_ =	swait.ge [sflag:s23], $0x1  }
0xa3: {  	[sflag:s23] =	ssyncset.done $0x0  }
0xa4: {  	s25 =	simm.s32 $0x1B8E;
	s24 =	sld [smem:$0x3FFE];
	[sflag:s23] =	ssyncadd.s32 $0xFFFFFFFF  }
0xa5: {  	s26 =	simm.s32 $execute0_lowered;
	[smem:$0x3FD2] =	sst s25  }
0xa6: {  	s4 =	sshll.u32 s26, $0x1;
	_ =	strace $0x8000004F;
	[dreg:$0x1] =	wrdreg $0xFFFFFFFF  }
0xa7: {  	s28 =	simm.s32 $_size_execute0_lowered;
	s2 =	sadd.s32 s2, s4;
	[dreg:$0x0] =	wrdreg $0x0  }
0xa8: {  	s4 =	sshll.u32 s28, $0x1;
	[dreg:$0x2] =	wrdreg s2  }
0xa9: {  	[dreg:$0x3] =	wrdreg s4  }
0xaa: {  	[dreg:$0x4] =	wrdreg $0xC0  }
0xab: {  	_ =	task [dreg:s6], $0x5FFFF  }
0xac: {  	[dreg:$0x1] =	wrdreg $0xFFFFFFFF  }
0xad: {  	[dreg:$0x0] =	wrdreg $0x60  }
0xae: {  	[dreg:$0x2] =	wrdreg s24  }
0xaf: {  	[dreg:$0x3] =	wrdreg $0x8F200  }
0xb0: {  	[dreg:$0x4] =	wrdreg $0x9  }
0xb1: {  	_ =	task.clear_ibuf [dreg:s6], $0x5FFFF;
	_ =	strace $0x9000004F  }
0xb2: {  	s29 =	simm.s32 $0x9;
	_ =	strace $0x80000051  }
0xb3: {  	_ =	swait.ge [sflag:s29], $0x1  }
0xb4: {  	[sflag:s29] =	ssyncadd.s32 $0xFFFFFFFF  }
0xb5: {  	_ =	strace $0x90000051  }
0xb6: {  	_ =	sfence  }
0xb7: {  	s30 =	sld [smem:$0x0];
	_ =	sdelay $0x2  }
0xb8: {  	s31 =	sshll.u32 s1, $0xD;
	s1 =	sshrl.u32 s1, $0x2  }
0xb9: {  	s3 =	sand.u32 $0x4000, s31;
	s1 =	sadd.s32 s1, s30  }
0xba: {  	s0 =	sor.u32 s3, s0;
	s1 =	sshll.u32 s1, $0x11  }
0xbb: {  	s0 =	sor.u32 s1, s0  }
0xbc: {  	s0 =	sadd.s32 $0x8F2B, s0  }
0xbd: {  	[sflag:s0] =	ssyncadd.remote.s32 $0x1  }
0xbe: {  	_ =	sfence.sel $0xFFFF  }
0xbf: {  	[dreg:$0x0] =	wrdreg $0xFFFFFFFF;
	(pc) =	sbr.abs _section_cstart, $3  }
0xc0: {  	[dreg:$0x1] =	wrdreg $0xFFFFFFFF  }
0xc1: {  	_ =	task.clear_ibuf [dreg:s6], $0x2FFFF;
	_ =	strace $0x9FFFFFFF  }
0xc2: {  	(tm) =	ssettm $0x7FFFFFFF  }
0xc3: {  	_ =	shalt  }
tec
execute0_lowered:
.L_overlay_start_1:
0x0: {  	(tag) =	ssettag $0x1  }
0x1: {  	s0 =	srdreg.scid;
	s1 =	rddreg [dreg:$0x0]  }
0x2: {  	s14 =	stileid.u32;
	s2 =	rddreg [dreg:$0x1];
	s16 =	simm.s32 $0x50  }
0x3: {  	s17 =	simm.s32 $0x4E20;
	s18 =	simm.s32 $0x5320;
	s20 =	simm.s32 $0x5820  }
0x4: {  	s22 =	simm.s32 $0x5D20;
	s28 =	simm.s32 $0x2;
	s29 =	simm.s32 $0x3  }
0x5: {  	s30 =	simm.s32 $0x4;
	s31 =	simm.s32 $0x5;
	s15 =	simm.s32 $0x8  }
0x6: {  	s19 =	simm.s32 $0x9;
	s21 =	simm.s32 $0xA;
	s0 =	sand.u32 $0x1, s0  }
0x7: {  	s3 =	sshll.u32 s14, $0x1;
	s12 =	sadd.s32 $0x1B800, s1;
	s8 =	smul.u32 $0x2700, s14  }
0x8: {  	s9 =	smul.u32 $0x13800, s14;
	p0 =	sne.s32 s14, $0xF;
	s14 =	simm.s32 $0xB  }
0x9: {  	s4 =	sor.u32 s0, s3;
	s3 =	simm.s32 $0x0;
	s6 =	ssub.s32 $0x2, s0  }
0xa: {  	s10 =	sshll.u32 s0, $0x4;
	s0 =	sshll.u32 s0, $0x1;
	s4 =	smul.u32 $0x2710, s4  }
0xb: {  	[smem:$0x7FF] =	sst s3;
	s7 =	sshrl.u32 s6, $0x1;
	s24 =	sshrl.u32 s8, $0x3  }
0xc: {  	s8 =	sadd.s32 s8, s2;
	s25 =	sor.u32 s10, s9;
	s10 =	sadd.s32 $0x27000, s2  }
0xd: {  	s0 =	sadd.s32 s0, s12;
	_ =	strace $0x80000050;
	s6 =	ssub.s32 s6, s7  }
0xe: {  	s26 =	sshrl.u32 s25, $0x3;
	s25 =	simm.s32 $0x6720;
	s5 =	sshrl.u32 s4, $0x3  }
0xf: {  	s4 =	sadd.s32 $0x16800, s1;
	s11 =	sadd.s32 s12, s26;
	s12 =	sadd.s32 $0x27000, s0  }
0x10: {  	s13 =	smax.u32 s6, $0x1;
	s5 =	sadd.s32 s5, s1;
	s1 =	sadd.s32 $0x1B600, s1  }
0x11: {  	s26 =	simm.s32 $0x1;
	s23 =	sadd.s32 $0x2E00, s5;
	[dreg:$0x6] =	wrdreg s1  }
0x12: {  	s0 =	simm.s32 $0x7;
	s5 =	sadd.s32 $0xCA40, s5;
	[dreg:$0x3] =	wrdreg s23  }
0x13: {  	s1 =	simm.s32 $0x6;
	[dreg:$0x4] =	wrdreg s5;
	s5 =	sadd.s32 s4, s24  }
0x14: {  	s24 =	simm.s32 $0x6220;
	s23 =	simm.s32 $0x0;
	[dreg:$0x5] =	wrdreg s5  }
.LBB2_1:
0x15: {  	s5 =	rddreg [dreg:$0x3]  }
0x16: {  	[tilespmem:s3], [sflag:$0xB] =	stream.linear.gather [hbm4b:s5+s3], $0x2710, $0x38;
	[tilespmem:$0xB630] =	vst v63  }
0x17: {  	_ =	swait.ge [sflag:s14], $0x2710  }
0x18: {  	[sflag:s14] =	ssyncset.done $0x0  }
0x19: {  	s6 =	simm.s32 $0x2710;
	s7 =	rddreg [dreg:$0x4];
	[sflag:s14] =	ssyncadd.s32 $0xFFFFD8F0  }
0x1a: {  	[tilespmem:s6], [sflag:$0xB] =	stream.linear.gather [hbm4b:s7+s3], $0x2710, $0x38;
	[tilespmem:$0xB630] =	vst v63  }
0x1b: {  	_ =	swait.ge [sflag:s14], $0x2710  }
0x1c: {  	[sflag:s14] =	ssyncset.done $0x0  }
0x1d: {  	[sflag:s14] =	ssyncadd.s32 $0xFFFFD8F0  }
0x1e: {  	[tilespmem:s17], [sflag:$0x1] =	stream.indirect.gather [hbm4b:s4+s16], $0x10, s3, s16, $0xb8;
	[tilespmem:$0xB630] =	vst v63  }
0x1f: {  	_ = 	snop  }
0x20: {  	[tilespmem:s18], [sflag:$0x2] =	stream.indirect.gather [hbm4b:s4+s16], $0x10, s16, s16, $0xb8;
	[tilespmem:$0xB630] =	vst v63  }
0x21: {  	s9 =	simm.s32 $0xA0  }
0x22: {  	[tilespmem:s20], [sflag:$0x3] =	stream.indirect.gather [hbm4b:s4+s16], $0x10, s9, s16, $0xb8;
	[tilespmem:$0xB630] =	vst v63  }
0x23: {  	s6 =	simm.s32 $0xF0  }
0x24: {  	[tilespmem:s22], [sflag:$0x4] =	stream.indirect.gather [hbm4b:s4+s16], $0x10, s6, s16, $0xb8;
	[tilespmem:$0xB630] =	vst v63  }
0x25: {  	s7 =	simm.s32 $0x140  }
0x26: {  	[tilespmem:s24], [sflag:$0x5] =	stream.indirect.gather [hbm4b:s4+s16], $0x10, s7, s16, $0xb8;
	[tilespmem:$0xB630] =	vst v63  }
0x27: {  	s9 =	rddreg [dreg:$0x5]  }
0x28: {  	[tilespmem:s25], [sflag:$0xB] =	stream.linear.gather [hbm4b:s9+s3], $0x2700, $0x38;
	[tilespmem:$0xB630] =	vst v63  }
0x29: {  	_ =	swait.ge [sflag:s14], $0x2700  }
0x2a: {  	[sflag:s14] =	ssyncset.done $0x0  }
0x2b: {  	[sflag:s14] =	ssyncadd.s32 $0xFFFFD900  }
0x2c: {  	[spmem:s8] =	stream.linear.scatter [tilespmem:s25], [sflag:$0xB], $0x2700, $0x38;
	[tilespmem:$0xB630] =	vst v63  }
0x2d: {  	_ =	swait.ge [sflag:s14], $0x2700  }
0x2e: {  	s5 =	simm.s32 @!p0 $0x0;
	[sflag:s14] =	ssyncset.done $0x0  }
0x2f: {  	s6 =	simm.s32 @!p0 $0x8E20;
	s7 =	rddreg [dreg:$0x6];
	[sflag:s14] =	ssyncadd.s32 $0xFFFFD900  }
0x30: {  	[tilespmem:s6], [sflag:$0xB] =	stream.linear.gather @!p0 [hbm4b:s7+s5], $0x100, $0x38;
	[tilespmem:$0xB630] =	vst v63  }
0x31: {  	s5 =	simm.s32 @!p0 $0xB  }
0x32: {  	_ =	swait.ge @!p0 [sflag:s5], $0x100  }
0x33: {  	[sflag:s5] =	ssyncset.done @!p0 $0x0  }
0x34: {  	[sflag:s5] =	ssyncadd.s32 @!p0 $0xFFFFFF00  }
0x35: {  	[spmem:s10] =	stream.linear.scatter @!p0 [tilespmem:s6], [sflag:$0xB], $0x100, $0x38;
	[tilespmem:$0xB630] =	vst v63  }
0x36: {  	_ =	swait.ge @!p0 [sflag:s5], $0x100  }
0x37: {  	[sflag:s5] =	ssyncset.done @!p0 $0x0  }
0x38: {  	[sflag:s5] =	ssyncadd.s32 @!p0 $0xFFFFFF00  }
0x39: {  	[bflag:$0x0] =	sbarrier.arrive $0xFFFF  }
0x3a: {  	_ =	swait.ge [sflag:s26], $0x500  }
0x3b: {  	[sflag:s26] =	ssyncset.done $0x0  }
0x3c: {  	s6 =	simm.s32 $0x2710;
	[sflag:s26] =	ssyncadd.s32 $0xFFFFFB00  }
0x3d: {  	[spmem:s2] =	stream.indirect.scatter.add.f32 [tilespmem:s17], [sflag:$0x6], $0x10, s6, s16, $0xb8;
	[tilespmem:$0xB630] =	vst v63  }
0x3e: {  	_ =	swait.ge [sflag:s28], $0x500  }
0x3f: {  	[sflag:s28] =	ssyncset.done $0x0  }
0x40: {  	s7 =	simm.s32 $0x2760;
	[sflag:s28] =	ssyncadd.s32 $0xFFFFFB00  }
0x41: {  	[spmem:s2] =	stream.indirect.scatter.add.f32 [tilespmem:s18], [sflag:$0x7], $0x10, s7, s16, $0xb8;
	[tilespmem:$0xB630] =	vst v63  }
0x42: {  	_ =	swait.ge [sflag:s29], $0x500  }
0x43: {  	[sflag:s29] =	ssyncset.done $0x0  }
0x44: {  	s9 =	simm.s32 $0x27B0;
	[sflag:s29] =	ssyncadd.s32 $0xFFFFFB00  }
0x45: {  	[spmem:s2] =	stream.indirect.scatter.add.f32 [tilespmem:s20], [sflag:$0x8], $0x10, s9, s16, $0xb8;
	[tilespmem:$0xB630] =	vst v63  }
0x46: {  	_ =	swait.ge [sflag:s30], $0x500  }
0x47: {  	[sflag:s30] =	ssyncset.done $0x0  }
0x48: {  	s6 =	simm.s32 $0x2800;
	[sflag:s30] =	ssyncadd.s32 $0xFFFFFB00  }
0x49: {  	[spmem:s2] =	stream.indirect.scatter.add.f32 [tilespmem:s22], [sflag:$0x9], $0x10, s6, s16, $0xb8;
	[tilespmem:$0xB630] =	vst v63  }
0x4a: {  	_ =	swait.ge [sflag:s31], $0x500  }
0x4b: {  	[sflag:s31] =	ssyncset.done $0x0  }
0x4c: {  	s7 =	simm.s32 $0x2850;
	[sflag:s31] =	ssyncadd.s32 $0xFFFFFB00  }
0x4d: {  	[spmem:s2] =	stream.indirect.scatter.add.f32 [tilespmem:s24], [sflag:$0xA], $0x10, s7, s16, $0xb8;
	[tilespmem:$0xB630] =	vst v63  }
0x4e: {  	_ =	swait.ge [sflag:s1], $0x500  }
0x4f: {  	[sflag:s1] =	ssyncset.done $0x0  }
0x50: {  	s9 =	simm.s32 $0x190;
	[sflag:s1] =	ssyncadd.s32 $0xFFFFFB00  }
0x51: {  	[tilespmem:s17], [sflag:$0x1] =	stream.indirect.gather [hbm4b:s4+s16], $0x10, s9, s16, $0xb8;
	[tilespmem:$0xB630] =	vst v63  }
0x52: {  	_ =	swait.ge [sflag:s0], $0x500  }
0x53: {  	[sflag:s0] =	ssyncset.done $0x0  }
0x54: {  	s6 =	simm.s32 $0x1E0;
	[sflag:s0] =	ssyncadd.s32 $0xFFFFFB00  }
0x55: {  	[tilespmem:s18], [sflag:$0x2] =	stream.indirect.gather [hbm4b:s4+s16], $0x10, s6, s16, $0xb8;
	[tilespmem:$0xB630] =	vst v63  }
0x56: {  	_ =	swait.ge [sflag:s15], $0x500  }
0x57: {  	[sflag:s15] =	ssyncset.done $0x0  }
0x58: {  	s7 =	simm.s32 $0x230;
	[sflag:s15] =	ssyncadd.s32 $0xFFFFFB00  }
0x59: {  	[tilespmem:s20], [sflag:$0x3] =	stream.indirect.gather [hbm4b:s4+s16], $0x10, s7, s16, $0xb8;
	[tilespmem:$0xB630] =	vst v63  }
0x5a: {  	_ =	swait.ge [sflag:s19], $0x500  }
0x5b: {  	[sflag:s19] =	ssyncset.done $0x0  }
0x5c: {  	s9 =	simm.s32 $0x280;
	[sflag:s19] =	ssyncadd.s32 $0xFFFFFB00  }
0x5d: {  	[tilespmem:s22], [sflag:$0x4] =	stream.indirect.gather [hbm4b:s4+s16], $0x10, s9, s16, $0xb8;
	[tilespmem:$0xB630] =	vst v63  }
0x5e: {  	_ =	swait.ge [sflag:s21], $0x500  }
0x5f: {  	[sflag:s21] =	ssyncset.done $0x0  }
0x60: {  	s5 =	simm.s32 $0x640;
	s6 =	simm.s32 $0x2D0;
	[sflag:s21] =	ssyncadd.s32 $0xFFFFFB00  }
.LBB2_2:
0x61: {  	[tilespmem:s24], [sflag:$0x5] =	stream.indirect.gather [hbm4b:s4+s16], $0x10, s6, s16, $0xb8;
	[tilespmem:$0xB630] =	vst v63  }
0x62: {  	s6 =	smov.u32 s5  }
0x63: {  	p1 =	sne.s32 s5, $0x8FC0;
	s5 =	sadd.s32 $0x640, s5;
	_ =	swait.ge [sflag:s26], $0x500  }
0x64: {  	s6 =	sshra.s32 s6, $0x2;
	[sflag:s26] =	ssyncset.done $0x0  }
0x65: {  	s7 =	sadd.s32 $0x2710, s6;
	[sflag:s26] =	ssyncadd.s32 $0xFFFFFB00  }
0x66: {  	[spmem:s2] =	stream.indirect.scatter.add.f32 [tilespmem:s17], [sflag:$0x6], $0x10, s7, s16, $0xb8;
	[tilespmem:$0xB630] =	vst v63  }
0x67: {  	_ =	swait.ge [sflag:s28], $0x500  }
0x68: {  	[sflag:s28] =	ssyncset.done $0x0  }
0x69: {  	s7 =	sadd.s32 $0x2760, s6;
	[sflag:s28] =	ssyncadd.s32 $0xFFFFFB00  }
0x6a: {  	[spmem:s2] =	stream.indirect.scatter.add.f32 [tilespmem:s18], [sflag:$0x7], $0x10, s7, s16, $0xb8;
	[tilespmem:$0xB630] =	vst v63  }
0x6b: {  	_ =	swait.ge [sflag:s29], $0x500  }
0x6c: {  	[sflag:s29] =	ssyncset.done $0x0  }
0x6d: {  	s7 =	sadd.s32 $0x27B0, s6;
	[sflag:s29] =	ssyncadd.s32 $0xFFFFFB00  }
0x6e: {  	[spmem:s2] =	stream.indirect.scatter.add.f32 [tilespmem:s20], [sflag:$0x8], $0x10, s7, s16, $0xb8;
	[tilespmem:$0xB630] =	vst v63  }
0x6f: {  	_ =	swait.ge [sflag:s30], $0x500  }
0x70: {  	[sflag:s30] =	ssyncset.done $0x0  }
0x71: {  	s7 =	sadd.s32 $0x2800, s6;
	[sflag:s30] =	ssyncadd.s32 $0xFFFFFB00  }
0x72: {  	[spmem:s2] =	stream.indirect.scatter.add.f32 [tilespmem:s22], [sflag:$0x9], $0x10, s7, s16, $0xb8;
	[tilespmem:$0xB630] =	vst v63  }
0x73: {  	_ =	swait.ge [sflag:s31], $0x500  }
0x74: {  	[sflag:s31] =	ssyncset.done $0x0  }
0x75: {  	s7 =	sadd.s32 $0x2850, s6;
	[sflag:s31] =	ssyncadd.s32 $0xFFFFFB00  }
0x76: {  	[spmem:s2] =	stream.indirect.scatter.add.f32 [tilespmem:s24], [sflag:$0xA], $0x10, s7, s16, $0xb8;
	[tilespmem:$0xB630] =	vst v63  }
0x77: {  	_ =	swait.ge [sflag:s1], $0x500  }
0x78: {  	[sflag:s1] =	ssyncset.done $0x0  }
0x79: {  	s7 =	sadd.s32 $0x190, s6;
	[sflag:s1] =	ssyncadd.s32 $0xFFFFFB00  }
0x7a: {  	[tilespmem:s17], [sflag:$0x1] =	stream.indirect.gather [hbm4b:s4+s16], $0x10, s7, s16, $0xb8;
	[tilespmem:$0xB630] =	vst v63  }
0x7b: {  	_ =	swait.ge [sflag:s0], $0x500  }
0x7c: {  	[sflag:s0] =	ssyncset.done $0x0  }
0x7d: {  	s7 =	sadd.s32 $0x1E0, s6;
	[sflag:s0] =	ssyncadd.s32 $0xFFFFFB00  }
0x7e: {  	[tilespmem:s18], [sflag:$0x2] =	stream.indirect.gather [hbm4b:s4+s16], $0x10, s7, s16, $0xb8;
	[tilespmem:$0xB630] =	vst v63  }
0x7f: {  	_ =	swait.ge [sflag:s15], $0x500  }
0x80: {  	[sflag:s15] =	ssyncset.done $0x0  }
0x81: {  	s7 =	sadd.s32 $0x230, s6;
	[sflag:s15] =	ssyncadd.s32 $0xFFFFFB00  }
0x82: {  	[tilespmem:s20], [sflag:$0x3] =	stream.indirect.gather [hbm4b:s4+s16], $0x10, s7, s16, $0xb8;
	[tilespmem:$0xB630] =	vst v63  }
0x83: {  	_ =	swait.ge [sflag:s19], $0x500  }
0x84: {  	[sflag:s19] =	ssyncset.done $0x0  }
.Ltmp0:
0x85: {  	s7 =	sadd.s32 $0x280, s6;
	[sflag:s19] =	ssyncadd.s32 $0xFFFFFB00;
	(pc) =	sbr.rel @p1 .LBB2_2-.Ltmp0, $4  }
0x86: {  	[tilespmem:s22], [sflag:$0x4] =	stream.indirect.gather [hbm4b:s4+s16], $0x10, s7, s16, $0xb8;
	[tilespmem:$0xB630] =	vst v63  }
0x87: {  	_ =	swait.ge [sflag:s21], $0x500  }
0x88: {  	[sflag:s21] =	ssyncset.done $0x0  }
0x89: {  	s6 =	sadd.s32 $0x2D0, s6;
	[sflag:s21] =	ssyncadd.s32 $0xFFFFFB00  }
0x8a: {  	[tilespmem:s24], [sflag:$0x5] =	stream.indirect.gather [hbm4b:s4+s16], $0x10, s6, s16, $0xb8;
	[tilespmem:$0xB630] =	vst v63  }
0x8b: {  	_ =	swait.ge [sflag:s26], $0x500  }
0x8c: {  	[sflag:s26] =	ssyncset.done $0x0  }
0x8d: {  	s5 =	simm.s32 $0x4C90;
	[sflag:s26] =	ssyncadd.s32 $0xFFFFFB00  }
0x8e: {  	[spmem:s2] =	stream.indirect.scatter.add.f32 [tilespmem:s17], [sflag:$0x6], $0x10, s5, s16, $0xb8;
	[tilespmem:$0xB630] =	vst v63  }
0x8f: {  	_ =	swait.ge [sflag:s28], $0x500  }
0x90: {  	[sflag:s28] =	ssyncset.done $0x0  }
0x91: {  	s6 =	simm.s32 $0x4CE0;
	[sflag:s28] =	ssyncadd.s32 $0xFFFFFB00  }
0x92: {  	[spmem:s2] =	stream.indirect.scatter.add.f32 [tilespmem:s18], [sflag:$0x7], $0x10, s6, s16, $0xb8;
	[tilespmem:$0xB630] =	vst v63  }
0x93: {  	_ =	swait.ge [sflag:s29], $0x500  }
0x94: {  	[sflag:s29] =	ssyncset.done $0x0  }
0x95: {  	s7 =	simm.s32 $0x4D30;
	[sflag:s29] =	ssyncadd.s32 $0xFFFFFB00  }
0x96: {  	[spmem:s2] =	stream.indirect.scatter.add.f32 [tilespmem:s20], [sflag:$0x8], $0x10, s7, s16, $0xb8;
	[tilespmem:$0xB630] =	vst v63  }
0x97: {  	_ =	swait.ge [sflag:s30], $0x500  }
0x98: {  	[sflag:s30] =	ssyncset.done $0x0  }
0x99: {  	s9 =	simm.s32 $0x4D80;
	[sflag:s30] =	ssyncadd.s32 $0xFFFFFB00  }
0x9a: {  	[spmem:s2] =	stream.indirect.scatter.add.f32 [tilespmem:s22], [sflag:$0x9], $0x10, s9, s16, $0xb8;
	[tilespmem:$0xB630] =	vst v63  }
0x9b: {  	_ =	swait.ge [sflag:s31], $0x500  }
0x9c: {  	[sflag:s31] =	ssyncset.done $0x0  }
0x9d: {  	s6 =	simm.s32 $0x4DD0;
	[sflag:s31] =	ssyncadd.s32 $0xFFFFFB00  }
0x9e: {  	[spmem:s2] =	stream.indirect.scatter.add.f32 [tilespmem:s24], [sflag:$0xA], $0x10, s6, s16, $0xb8;
	[tilespmem:$0xB630] =	vst v63  }
0x9f: {  	_ =	swait.ge [sflag:s1], $0x500  }
0xa0: {  	[sflag:s1] =	ssyncset.done $0x0  }
0xa1: {  	[sflag:s1] =	ssyncadd.s32 $0xFFFFFB00  }
0xa2: {  	_ =	swait.ge [sflag:s0], $0x500  }
0xa3: {  	[sflag:s0] =	ssyncset.done $0x0  }
0xa4: {  	[sflag:s0] =	ssyncadd.s32 $0xFFFFFB00  }
0xa5: {  	_ =	swait.ge [sflag:s15], $0x500  }
0xa6: {  	[sflag:s15] =	ssyncset.done $0x0  }
0xa7: {  	[sflag:s15] =	ssyncadd.s32 $0xFFFFFB00  }
0xa8: {  	_ =	swait.ge [sflag:s19], $0x500  }
0xa9: {  	[sflag:s19] =	ssyncset.done $0x0  }
0xaa: {  	[sflag:s19] =	ssyncadd.s32 $0xFFFFFB00  }
0xab: {  	_ =	swait.ge [sflag:s21], $0x500  }
0xac: {  	[sflag:s21] =	ssyncset.done $0x0  }
0xad: {  	[sflag:s21] =	ssyncadd.s32 $0xFFFFFB00  }
0xae: {  	[bflag:$0x0] =	sbarrier.arrive $0xFFFF  }
0xaf: {  	[tilespmem:s25], [sflag:$0xB] =	stream.linear.gather [spmem:s8], $0x2700, $0x38;
	[tilespmem:$0xB630] =	vst v63  }
0xb0: {  	_ =	swait.ge [sflag:s14], $0x2700  }
0xb1: {  	[sflag:s14] =	ssyncset.done $0x0  }
0xb2: {  	s7 =	simm.s32 $0x10;
	s9 =	simm.s32 $0x80;
	[sflag:s14] =	ssyncadd.s32 $0xFFFFD900  }
0xb3: {  	[hbm4b:s11+s7] =	stream.strided.scatter [tilespmem:s25], [sflag:$0xB], $0x2700, s9, s7, $0x38;
	[tilespmem:$0xB630] =	vst v63  }
0xb4: {  	_ =	swait.ge [sflag:s14], $0x2700  }
0xb5: {  	[sflag:s14] =	ssyncset.done $0x0  }
0xb6: {  	s5 =	simm.s32 @!p0 $0x8E20;
	s6 =	simm.s32 @!p0 $0xB;
	[sflag:s14] =	ssyncadd.s32 $0xFFFFD900  }
0xb7: {  	[tilespmem:s5], [sflag:$0xB] =	stream.linear.gather @!p0 [spmem:s10], $0x100, $0x38;
	[tilespmem:$0xB630] =	vst v63  }
0xb8: {  	s23 =	sadd.s32 $0x1, s23;
	_ =	swait.ge @!p0 [sflag:s6], $0x100  }
0xb9: {  	p1 =	sne.s32 s23, s13;
	s7 =	simm.s32 @!p0 $0x10;
	[sflag:s6] =	ssyncset.done @!p0 $0x0  }
.Ltmp1:
0xba: {  	s9 =	simm.s32 @!p0 $0x80;
	[sflag:s6] =	ssyncadd.s32 @!p0 $0xFFFFFF00;
	(pc) =	sbr.rel @p1 .LBB2_1-.Ltmp1, $4  }
0xbb: {  	[hbm4b:s12+s7] =	stream.strided.scatter @!p0 [tilespmem:s5], [sflag:$0xB], $0x100, s9, s7, $0x38;
	[tilespmem:$0xB630] =	vst v63  }
0xbc: {  	_ =	swait.ge @!p0 [sflag:s6], $0x100  }
0xbd: {  	[sflag:s6] =	ssyncset.done @!p0 $0x0  }
0xbe: {  	[sflag:s6] =	ssyncadd.s32 @!p0 $0xFFFFFF00  }
0xbf: {  	_ =	sfence.sel $0x180000  }
0xc0: {  	[bflag:$0x0] =	sbarrier.arrive $0xFFFF  }
0xc1: {  	_ =	strace $0x90000050  }
0xc2: {  	s0 =	stileid.u32;
	[bflag:$0x2] =	sbarrier.arrive $0xFFFF  }
0xc3: {  	p0 =	sne.s32 s0, $0x0;
	s0 =	rddreg [dreg:$0x2]  }
0xc4: {  	s0 =	sadd.s32 @!p0 $0x100000, s0  }
0xc5: {  	[sflag:s0] =	ssyncadd.tile.s32 @!p0 $0x1;
	_ =	shalt  }
.Lfunc_end2:
_tile_overlayer_lowered:
.L_overlay_start_2:
0xc6: {  	(tag) =	ssettag $0x2  }
0xc7: {  	s0 =	rddreg [dreg:$0x0];
	s2 =	stileid.u32  }
0xc8: {  	s1 =	rddreg [dreg:$0x1];
	p0 =	sne.s32 s2, $0x0  }
0xc9: {  	s3 =	rddreg [dreg:$0x2];
	[bflag:$0x3] =	sbarrier.arrive $0xFFFF;
	s2 =	simm.s32 @!p0 $0x1C0B  }
0xca: {  	[timem:s3], [sflag:s2] =	dma.local @!p0 [hbm:s0], s1  }
0xcb: {  	s0 =	simm.s32 @!p0 $0xB  }
0xcc: {  	_ =	swait.ge @!p0 [sflag:s0], s1  }
0xcd: {  	s1 =	ssub.s32 @!p0 $0x0, s1;
	[sflag:s0] =	ssyncset.done @!p0 $0x0  }
0xce: {  	[sflag:s0] =	ssyncadd.s32 @!p0 s1  }
0xcf: {  	[bflag:$0x3] =	sbarrier.arrive $0xFFFF  }
0xd0: {  	_ =	shalt  }

</sc_bundles>
